<compile_context>
chip_gen: v7x
topology: tpu7x:2x2x1
jax: 0.10.2.dev20260603
libtpu: 0.0.44.dev20260713+nightly
codegen_flags: <defaults>
</compile_context>

<pallas_src>
import functools

import jax
import jax.numpy as jnp
from jax import lax
from jax.experimental import pallas as pl
from jax.experimental.pallas import tpu as pltpu
from jax.experimental.pallas import tpu_sc as plsc

N = 10000
E = 320000
D = 128
DH = D // 2

K = 125
ROWS = E // K
NC = 2
NS = 16
CPT_D = ROWS // (NC * NS)
CPT_E = ROWS // NS
DW = 16
WB = 624
TAIL = N - NS * WB
ZCH = 104
R = 8
HCH = CPT_E // 2

_MESH = plsc.VectorSubcoreMesh(core_axis_name="c", subcore_axis_name="s")


def _deg_body(dst_hbm, degw_hbm, dst_v, ones_v, zero_v, shared, sem):
    c = lax.axis_index("c")
    s = lax.axis_index("s")

    @pl.loop(0, WB)
    def _zfill(i):
        zero_v[i, :] = jnp.zeros((DW,), jnp.float32)

    @pl.loop(0, K)
    def _ofill(i):
        ones_v[i, :] = jnp.ones((DW,), jnp.float32)

    pltpu.sync_copy(zero_v, shared.at[pl.ds(s * WB, WB)])

    @pl.when(s == NS - 1)
    def _ztail():
        pltpu.sync_copy(zero_v.at[pl.ds(0, TAIL)],
                        shared.at[pl.ds(NS * WB, TAIL)])

    plsc.subcore_barrier()

    row0 = (c * NS + s) * CPT_D
    pltpu.sync_copy(dst_hbm.at[pl.ds(row0, CPT_D)], dst_v)

    @pl.loop(0, CPT_D // 4)
    def _scatter(g):
        sds = [
            pltpu.async_copy(ones_v, shared.at[dst_v.at[g * 4 + b]], sem,
                             add=True)
            for b in range(4)
        ]
        for d in sds:
            d.wait()

    plsc.subcore_barrier()
    pltpu.sync_copy(shared.at[pl.ds(s * WB, WB)],
                    degw_hbm.at[c, pl.ds(s * WB, WB)])

    @pl.when(s == NS - 1)
    def _wtail():
        pltpu.sync_copy(shared.at[pl.ds(NS * WB, TAIL)],
                        degw_hbm.at[c, pl.ds(NS * WB, TAIL)])


_deg = functools.partial(
    pl.kernel,
    out_type=jax.ShapeDtypeStruct((NC, N, DW), jnp.float32),
    mesh=_MESH,
    scratch_types=[
        pltpu.VMEM((CPT_D, K), jnp.int32),
        pltpu.VMEM((K, DW), jnp.float32),
        pltpu.VMEM((WB, DW), jnp.float32),
        pltpu.VMEM_SHARED((N, DW), jnp.float32),
        pltpu.SemaphoreType.DMA,
    ],
    compiler_params=pltpu.CompilerParams(use_tc_tiling_on_sc=False),
)(_deg_body)


def _edge_body(xws_hbm, src_hbm, dst_hbm, acc_hbm,
               src_v, dst_v, rowbuf, acc_shared, gsem, ssem):
    c = lax.axis_index("c")
    s = lax.axis_index("s")

    @pl.loop(0, ZCH)
    def _zfill(i):
        for k in range(DH // 16):
            rowbuf[i, pl.ds(k * 16, 16)] = jnp.zeros((16,), jnp.float32)

    zsrc = rowbuf.at[pl.ds(0, ZCH)]
    for i in range(WB // ZCH):
        pltpu.sync_copy(zsrc, acc_shared.at[pl.ds(s * WB + i * ZCH, ZCH)])

    @pl.when(s == NS - 1)
    def _ztail():
        pltpu.sync_copy(rowbuf.at[pl.ds(0, TAIL)],
                        acc_shared.at[pl.ds(NS * WB, TAIL)])

    plsc.subcore_barrier()

    row0 = s * CPT_E

    for h in range(2):
        pltpu.sync_copy(src_hbm.at[pl.ds(row0 + h * HCH, HCH)], src_v)
        pltpu.sync_copy(dst_hbm.at[pl.ds(row0 + h * HCH, HCH)], dst_v)

        @pl.loop(0, HCH // R)
        def _grp(g):
            j0 = g * R
            gds = [
                pltpu.async_copy(xws_hbm.at[c].at[src_v.at[j0 + b]],
                                 rowbuf.at[pl.ds(b * K, K)], gsem)
                for b in range(R)
            ]
            sds = []
            for b in range(R):
                gds[b].wait()
                sds.append(
                    pltpu.async_copy(rowbuf.at[pl.ds(b * K, K)],
                                     acc_shared.at[dst_v.at[j0 + b]], ssem,
                                     add=True))
            for d in sds:
                d.wait()

    plsc.subcore_barrier()
    pltpu.sync_copy(acc_shared.at[pl.ds(s * WB, WB)],
                    acc_hbm.at[c, pl.ds(s * WB, WB)])

    @pl.when(s == NS - 1)
    def _wtail():
        pltpu.sync_copy(acc_shared.at[pl.ds(NS * WB, TAIL)],
                        acc_hbm.at[c, pl.ds(NS * WB, TAIL)])


_edge_pass = functools.partial(
    pl.kernel,
    out_type=jax.ShapeDtypeStruct((NC, N, DH), jnp.float32),
    mesh=_MESH,
    scratch_types=[
        pltpu.VMEM((HCH, K), jnp.int32),
        pltpu.VMEM((HCH, K), jnp.int32),
        pltpu.VMEM((R * K, DH), jnp.float32),
        pltpu.VMEM_SHARED((N, DH), jnp.float32),
        pltpu.SemaphoreType.DMA,
        pltpu.SemaphoreType.DMA,
    ],
    compiler_params=pltpu.CompilerParams(use_tc_tiling_on_sc=False),
)(_edge_body)


BR = 2000


def _dis(degw_ref):
    deg = degw_ref[0, :, 0:1] + degw_ref[1, :, 0:1] + 1.0
    return lax.rsqrt(deg)


def _halves(ref):
    return jnp.concatenate([ref[0], ref[1]], axis=1)


def _mm1_body(degw_ref, x_ref, w_ref, o_ref):
    dis = _dis(degw_ref)
    xw = jnp.dot(x_ref[...], w_ref[...], preferred_element_type=jnp.float32)
    xws = xw * dis
    o_ref[0] = xws[:, :DH]
    o_ref[1] = xws[:, DH:]


def _mm2_body(degw_ref, acc_ref, xws_ref, b_ref, w_ref, o_ref):
    dis = _dis(degw_ref)
    h = (_halves(acc_ref) + _halves(xws_ref)) * dis + b_ref[...]
    h = jnp.maximum(h, 0.01 * h)
    xws = jnp.dot(h, w_ref[...], preferred_element_type=jnp.float32) * dis
    o_ref[0] = xws[:, :DH]
    o_ref[1] = xws[:, DH:]


def _fin_body(degw_ref, acc_ref, xws_ref, b_ref, o_ref):
    dis = _dis(degw_ref)
    o_ref[...] = (_halves(acc_ref) + _halves(xws_ref)) * dis + b_ref[...]


_degw_spec = pl.BlockSpec((NC, BR, DW), lambda i: (0, i, 0))
_row_spec = pl.BlockSpec((BR, D), lambda i: (i, 0))
_half_spec = pl.BlockSpec((NC, BR, DH), lambda i: (0, i, 0))
_w_spec = pl.BlockSpec((D, D), lambda i: (0, 0))
_b_spec = pl.BlockSpec((1, D), lambda i: (0, 0))

_half_shape = jax.ShapeDtypeStruct((NC, N, DH), jnp.float32)

_mm1 = pl.pallas_call(
    _mm1_body,
    grid=(N // BR,),
    in_specs=[_degw_spec, _row_spec, _w_spec],
    out_specs=_half_spec,
    out_shape=_half_shape,
)

_mm2 = pl.pallas_call(
    _mm2_body,
    grid=(N // BR,),
    in_specs=[_degw_spec, _half_spec, _half_spec, _b_spec, _w_spec],
    out_specs=_half_spec,
    out_shape=_half_shape,
)

_fin = pl.pallas_call(
    _fin_body,
    grid=(N // BR,),
    in_specs=[_degw_spec, _half_spec, _half_spec, _b_spec],
    out_specs=_row_spec,
    out_shape=jax.ShapeDtypeStruct((N, D), jnp.float32),
)


@jax.jit
def kernel(x, edge_index, W1, b1, W2, b2):
    srcr = edge_index[0].reshape(ROWS, K)
    dstr = edge_index[1].reshape(ROWS, K)
    b1r = b1.reshape(1, D)
    b2r = b2.reshape(1, D)

    degw = _deg(dstr)
    xw1s = _mm1(degw, x, W1)
    acc1 = _edge_pass(xw1s, srcr, dstr)
    xw2s = _mm2(degw, acc1, xw1s, b1r, W2)
    acc2 = _edge_pass(xw2s, srcr, dstr)
    return _fin(degw, acc2, xw2s, b2r)

# --- scband reference (transcript-rebuilt; emitter-appended) ---
"""Pipeline reference for scband-gcnlayer-1090921693858 (READ-ONLY COPY).

The authoritative reference and input builder live on the scoring server;
editing this copy changes nothing except your own understanding.
"""

import jax, jax.numpy as jnp
import numpy as np

N = 10000
E = 320000
D_IN = 128
D_HID = 128
D_OUT = 128


def gcn_conv(x, edge_index, W, b):
    # GCNConv with self-loops and symmetric normalization (PyG semantics):
    # out = D^{-1/2} (A + I) D^{-1/2} (X W) + b
    src = edge_index[0]
    dst = edge_index[1]
    loop = jnp.arange(N, dtype=src.dtype)
    src = jnp.concatenate([src, loop])
    dst = jnp.concatenate([dst, loop])
    deg = jnp.zeros((N,), dtype=x.dtype).at[dst].add(1.0)
    deg_inv_sqrt = jnp.where(deg > 0, 1.0 / jnp.sqrt(deg), 0.0)
    norm = deg_inv_sqrt[src] * deg_inv_sqrt[dst]
    xw = x @ W
    msgs = xw[src] * norm[:, None]
    out = jnp.zeros((N, W.shape[1]), dtype=x.dtype).at[dst].add(msgs)
    return out + b


def setup_inputs(seed: int = 0):
    key = jax.random.key(seed)
    k1, k2, k3, k4, k5, k6 = jax.random.split(key, 6)
    x = jax.random.normal(k1, (N, D_IN), dtype=jnp.float32)
    edge_index = jax.random.randint(k2, (2, E), 0, N, dtype=jnp.int32)
    W1 = jax.random.normal(k3, (D_IN, D_HID), dtype=jnp.float32) * (1.0 / np.sqrt(D_IN))
    b1 = jnp.zeros((D_HID,), dtype=jnp.float32)
    W2 = jax.random.normal(k4, (D_HID, D_OUT), dtype=jnp.float32) * (1.0 / np.sqrt(D_HID))
    b2 = jnp.zeros((D_OUT,), dtype=jnp.float32)
    return {"x": x, "edge_index": edge_index, "W1": W1, "b1": b1, "W2": W2, "b2": b2}


def reference(x, edge_index, W1, b1, W2, b2):
    h = gcn_conv(x, edge_index, W1, b1)
    h = jax.nn.leaky_relu(h, negative_slope=0.01)
    out = gcn_conv(h, edge_index, W2, b2)
    return out

if __name__ == "__main__":
    import jax
    _d = setup_inputs()
    print(jax.jit(kernel)(*tuple(_d.values())))

</pallas_src>

<mosaic_0001>
#map = affine_map<(d0, d1) -> (0, 0, 0)>
#map1 = affine_map<(d0, d1) -> (0, 0)>
module attributes {stable_mosaic.version = 14 : i64} {
  func.func @_edge_body(%arg0: i32, %arg1: i32, %arg2: memref<2x10000x64xf32, #tpu.memory_space<hbm>>, %arg3: memref<2560x125xi32, #tpu.memory_space<hbm>>, %arg4: memref<2560x125xi32, #tpu.memory_space<hbm>>, %arg5: memref<2x10000x64xf32, #tpu.memory_space<hbm>>, %arg6: memref<80x125xi32, #tpu.memory_space<vmem>>, %arg7: memref<80x125xi32, #tpu.memory_space<vmem>>, %arg8: memref<1000x64xf32, #tpu.memory_space<vmem>>, %arg9: memref<10000x64xf32, #tpu.memory_space<vmem_shared>>, %arg10: memref<!tpu.dma_semaphore, #tpu.memory_space<semaphore_mem>>, %arg11: memref<!tpu.dma_semaphore, #tpu.memory_space<semaphore_mem>>) attributes {dimension_semantics = [#tpu.dimension_semantics<core_parallel>, #tpu.dimension_semantics<subcore_parallel>], iteration_bounds = array<i64: 2, 16>, scalar_prefetch = 0 : i64, scratch_operands = 6 : i64, tpu.core_type = #tpu.core_type<sc_vector_subcore>, window_params = [{transform_indices = #map}, {transform_indices = #map1}, {transform_indices = #map1}, {transform_indices = #map}]} {
    %scan3A = arith.constant 0 : i32
    %scan3A_0 = arith.constant 104 : i32
    %scan3A_1 = arith.addi %scan3A, %scan3A_0 : i32
    %scan3A_2 = arith.constant 1 : i32
    scf.for %scan3A_58 = %scan3A to %scan3A_1 step %scan3A_2  : i32 {
      %mul3A_59 = arith.constant 1 : i32
      %mul3A_60 = arith.muli %scan3A_58, %mul3A_59 : i32
      %add3A_61 = arith.constant 0 : i32
      %add3A_62 = arith.addi %add3A_61, %mul3A_60 : i32
      %broadcast_in_dim3A = arith.constant 0.000000e+00 : f32
      %broadcast_in_dim3A_63 = vector.broadcast %broadcast_in_dim3A : f32 to vector<16xf32>
      %swap3A = arith.index_cast %add3A_62 : i32 to index
      %swap3A_64 = arith.constant 0 : index
      %swap3A_65 = tpu.vector_load %arg8[%swap3A, %swap3A_64] {strides = array<i32>} : memref<1000x64xf32, #tpu.memory_space<vmem>>, vector<1x16xf32>,
      %swap3A_66 = vector.shape_cast %swap3A_65 : vector<1x16xf32> to vector<16xf32>
      %swap3A_67 = vector.shape_cast %broadcast_in_dim3A_63 : vector<16xf32> to vector<1x16xf32>
      tpu.vector_store %arg8[%swap3A, %swap3A_64], %swap3A_67 {strides = array<i32>} : memref<1000x64xf32, #tpu.memory_space<vmem>>, vector<1x16xf32>,
      %broadcast_in_dim3A_68 = arith.constant 0.000000e+00 : f32
      %broadcast_in_dim3A_69 = vector.broadcast %broadcast_in_dim3A_68 : f32 to vector<16xf32>
      %swap3A_70 = arith.index_cast %add3A_62 : i32 to index
      %swap3A_71 = arith.constant 16 : index
      %swap3A_72 = tpu.vector_load %arg8[%swap3A_70, %swap3A_71] {strides = array<i32>} : memref<1000x64xf32, #tpu.memory_space<vmem>>, vector<1x16xf32>,
      %swap3A_73 = vector.shape_cast %swap3A_72 : vector<1x16xf32> to vector<16xf32>
      %swap3A_74 = vector.shape_cast %broadcast_in_dim3A_69 : vector<16xf32> to vector<1x16xf32>
      tpu.vector_store %arg8[%swap3A_70, %swap3A_71], %swap3A_74 {strides = array<i32>} : memref<1000x64xf32, #tpu.memory_space<vmem>>, vector<1x16xf32>,
      %broadcast_in_dim3A_75 = arith.constant 0.000000e+00 : f32
      %broadcast_in_dim3A_76 = vector.broadcast %broadcast_in_dim3A_75 : f32 to vector<16xf32>
      %swap3A_77 = arith.index_cast %add3A_62 : i32 to index
      %swap3A_78 = arith.constant 32 : index
      %swap3A_79 = tpu.vector_load %arg8[%swap3A_77, %swap3A_78] {strides = array<i32>} : memref<1000x64xf32, #tpu.memory_space<vmem>>, vector<1x16xf32>,
      %swap3A_80 = vector.shape_cast %swap3A_79 : vector<1x16xf32> to vector<16xf32>
      %swap3A_81 = vector.shape_cast %broadcast_in_dim3A_76 : vector<16xf32> to vector<1x16xf32>
      tpu.vector_store %arg8[%swap3A_77, %swap3A_78], %swap3A_81 {strides = array<i32>} : memref<1000x64xf32, #tpu.memory_space<vmem>>, vector<1x16xf32>,
      %broadcast_in_dim3A_82 = arith.constant 0.000000e+00 : f32
      %broadcast_in_dim3A_83 = vector.broadcast %broadcast_in_dim3A_82 : f32 to vector<16xf32>
      %swap3A_84 = arith.index_cast %add3A_62 : i32 to index
      %swap3A_85 = arith.constant 48 : index
      %swap3A_86 = tpu.vector_load %arg8[%swap3A_84, %swap3A_85] {strides = array<i32>} : memref<1000x64xf32, #tpu.memory_space<vmem>>, vector<1x16xf32>,
      %swap3A_87 = vector.shape_cast %swap3A_86 : vector<1x16xf32> to vector<16xf32>
      %swap3A_88 = vector.shape_cast %broadcast_in_dim3A_83 : vector<16xf32> to vector<1x16xf32>
      tpu.vector_store %arg8[%swap3A_84, %swap3A_85], %swap3A_88 {strides = array<i32>} : memref<1000x64xf32, #tpu.memory_space<vmem>>, vector<1x16xf32>,
    }
    %scan3A_3 = arith.constant 104 : i32
    %mul3A = arith.constant 624 : i32
    %mul3A_4 = arith.muli %arg1, %mul3A : i32
    %add3A = arith.constant 0 : i32
    %add3A_5 = arith.addi %mul3A_4, %add3A : i32
    "tpu.region"() ({
      %run_scoped3A = tpu.sem_alloc : memref<!tpu.dma_semaphore, #tpu.memory_space<semaphore_mem>>
      %dma_start3A = arith.constant 0 : i32
      %dma_start3A_58 = arith.constant 0 : i32
      %dma_start3A_59 = tpu.memref_slice %arg8[%dma_start3A, %dma_start3A_58] : memref<1000x64xf32, #tpu.memory_space<vmem>> -> memref<104x64xf32, #tpu.memory_space<vmem>>
      %dma_start3A_60 = arith.constant 0 : i32
      %dma_start3A_61 = tpu.memref_slice %arg9[%add3A_5, %dma_start3A_60] : memref<10000x64xf32, #tpu.memory_space<vmem_shared>> -> memref<104x64xf32, #tpu.memory_space<vmem_shared>>
      %dma_start3A_62 = arith.constant 0 : i32
      %dma_start3A_63 = tpu.memref_slice %arg9[%add3A_5, %dma_start3A_62] : memref<10000x64xf32, #tpu.memory_space<vmem_shared>> -> memref<104x64xf32, #tpu.memory_space<vmem_shared>>
      %dma_start3A_64 = arith.constant 0 : i32
      %dma_start3A_65 = arith.constant 0 : i32
      %dma_start3A_66 = tpu.memref_slice %arg8[%dma_start3A_64, %dma_start3A_65] : memref<1000x64xf32, #tpu.memory_space<vmem>> -> memref<104x64xf32, #tpu.memory_space<vmem>>
      tpu.enqueue_dma source(%dma_start3A_66 : memref<104x64xf32, #tpu.memory_space<vmem>>) target(%dma_start3A_63 : memref<104x64xf32, #tpu.memory_space<vmem_shared>>) target_semaphore(%run_scoped3A : memref<!tpu.dma_semaphore, #tpu.memory_space<semaphore_mem>>)
      %dma_wait3A = arith.constant 0 : i32
      %dma_wait3A_67 = arith.constant 0 : i32
      %dma_wait3A_68 = tpu.memref_slice %arg8[%dma_wait3A, %dma_wait3A_67] : memref<1000x64xf32, #tpu.memory_space<vmem>> -> memref<104x64xf32, #tpu.memory_space<vmem>>
      %dma_wait3A_69 = arith.constant 0 : i32
      %dma_wait3A_70 = tpu.memref_slice %arg9[%add3A_5, %dma_wait3A_69] : memref<10000x64xf32, #tpu.memory_space<vmem_shared>> -> memref<104x64xf32, #tpu.memory_space<vmem_shared>>
      %dma_wait3A_71 = arith.constant 0 : i32
      %dma_wait3A_72 = tpu.memref_slice %arg9[%add3A_5, %dma_wait3A_71] : memref<10000x64xf32, #tpu.memory_space<vmem_shared>> -> memref<104x64xf32, #tpu.memory_space<vmem_shared>>
      %dma_wait3A_73 = arith.constant 0 : i32
      %dma_wait3A_74 = arith.constant 0 : i32
      %dma_wait3A_75 = tpu.memref_slice %arg8[%dma_wait3A_73, %dma_wait3A_74] : memref<1000x64xf32, #tpu.memory_space<vmem>> -> memref<104x64xf32, #tpu.memory_space<vmem>>
      tpu.wait_dma2 semaphore(%run_scoped3A : memref<!tpu.dma_semaphore, #tpu.memory_space<semaphore_mem>>) src(%dma_wait3A_75 : memref<104x64xf32, #tpu.memory_space<vmem>>) dst(%dma_wait3A_72 : memref<104x64xf32, #tpu.memory_space<vmem_shared>>)
      tpu.yield
    }) : () -> ()
    %mul3A_6 = arith.constant 624 : i32
    %mul3A_7 = arith.muli %arg1, %mul3A_6 : i32
    %add3A_8 = arith.constant 104 : i32
    %add3A_9 = arith.addi %mul3A_7, %add3A_8 : i32
    "tpu.region"() ({
      %run_scoped3A = tpu.sem_alloc : memref<!tpu.dma_semaphore, #tpu.memory_space<semaphore_mem>>
      %dma_start3A = arith.constant 0 : i32
      %dma_start3A_58 = arith.constant 0 : i32
      %dma_start3A_59 = tpu.memref_slice %arg8[%dma_start3A, %dma_start3A_58] : memref<1000x64xf32, #tpu.memory_space<vmem>> -> memref<104x64xf32, #tpu.memory_space<vmem>>
      %dma_start3A_60 = arith.constant 0 : i32
      %dma_start3A_61 = tpu.memref_slice %arg9[%add3A_9, %dma_start3A_60] : memref<10000x64xf32, #tpu.memory_space<vmem_shared>> -> memref<104x64xf32, #tpu.memory_space<vmem_shared>>
      %dma_start3A_62 = arith.constant 0 : i32
      %dma_start3A_63 = tpu.memref_slice %arg9[%add3A_9, %dma_start3A_62] : memref<10000x64xf32, #tpu.memory_space<vmem_shared>> -> memref<104x64xf32, #tpu.memory_space<vmem_shared>>
      %dma_start3A_64 = arith.constant 0 : i32
      %dma_start3A_65 = arith.constant 0 : i32
      %dma_start3A_66 = tpu.memref_slice %arg8[%dma_start3A_64, %dma_start3A_65] : memref<1000x64xf32, #tpu.memory_space<vmem>> -> memref<104x64xf32, #tpu.memory_space<vmem>>
      tpu.enqueue_dma source(%dma_start3A_66 : memref<104x64xf32, #tpu.memory_space<vmem>>) target(%dma_start3A_63 : memref<104x64xf32, #tpu.memory_space<vmem_shared>>) target_semaphore(%run_scoped3A : memref<!tpu.dma_semaphore, #tpu.memory_space<semaphore_mem>>)
      %dma_wait3A = arith.constant 0 : i32
      %dma_wait3A_67 = arith.constant 0 : i32
      %dma_wait3A_68 = tpu.memref_slice %arg8[%dma_wait3A, %dma_wait3A_67] : memref<1000x64xf32, #tpu.memory_space<vmem>> -> memref<104x64xf32, #tpu.memory_space<vmem>>
      %dma_wait3A_69 = arith.constant 0 : i32
      %dma_wait3A_70 = tpu.memref_slice %arg9[%add3A_9, %dma_wait3A_69] : memref<10000x64xf32, #tpu.memory_space<vmem_shared>> -> memref<104x64xf32, #tpu.memory_space<vmem_shared>>
      %dma_wait3A_71 = arith.constant 0 : i32
      %dma_wait3A_72 = tpu.memref_slice %arg9[%add3A_9, %dma_wait3A_71] : memref<10000x64xf32, #tpu.memory_space<vmem_shared>> -> memref<104x64xf32, #tpu.memory_space<vmem_shared>>
      %dma_wait3A_73 = arith.constant 0 : i32
      %dma_wait3A_74 = arith.constant 0 : i32
      %dma_wait3A_75 = tpu.memref_slice %arg8[%dma_wait3A_73, %dma_wait3A_74] : memref<1000x64xf32, #tpu.memory_space<vmem>> -> memref<104x64xf32, #tpu.memory_space<vmem>>
      tpu.wait_dma2 semaphore(%run_scoped3A : memref<!tpu.dma_semaphore, #tpu.memory_space<semaphore_mem>>) src(%dma_wait3A_75 : memref<104x64xf32, #tpu.memory_space<vmem>>) dst(%dma_wait3A_72 : memref<104x64xf32, #tpu.memory_space<vmem_shared>>)
      tpu.yield
    }) : () -> ()
    %mul3A_10 = arith.constant 624 : i32
    %mul3A_11 = arith.muli %arg1, %mul3A_10 : i32
    %add3A_12 = arith.constant 208 : i32
    %add3A_13 = arith.addi %mul3A_11, %add3A_12 : i32
    "tpu.region"() ({
      %run_scoped3A = tpu.sem_alloc : memref<!tpu.dma_semaphore, #tpu.memory_space<semaphore_mem>>
      %dma_start3A = arith.constant 0 : i32
      %dma_start3A_58 = arith.constant 0 : i32
      %dma_start3A_59 = tpu.memref_slice %arg8[%dma_start3A, %dma_start3A_58] : memref<1000x64xf32, #tpu.memory_space<vmem>> -> memref<104x64xf32, #tpu.memory_space<vmem>>
      %dma_start3A_60 = arith.constant 0 : i32
      %dma_start3A_61 = tpu.memref_slice %arg9[%add3A_13, %dma_start3A_60] : memref<10000x64xf32, #tpu.memory_space<vmem_shared>> -> memref<104x64xf32, #tpu.memory_space<vmem_shared>>
      %dma_start3A_62 = arith.constant 0 : i32
      %dma_start3A_63 = tpu.memref_slice %arg9[%add3A_13, %dma_start3A_62] : memref<10000x64xf32, #tpu.memory_space<vmem_shared>> -> memref<104x64xf32, #tpu.memory_space<vmem_shared>>
      %dma_start3A_64 = arith.constant 0 : i32
      %dma_start3A_65 = arith.constant 0 : i32
      %dma_start3A_66 = tpu.memref_slice %arg8[%dma_start3A_64, %dma_start3A_65] : memref<1000x64xf32, #tpu.memory_space<vmem>> -> memref<104x64xf32, #tpu.memory_space<vmem>>
      tpu.enqueue_dma source(%dma_start3A_66 : memref<104x64xf32, #tpu.memory_space<vmem>>) target(%dma_start3A_63 : memref<104x64xf32, #tpu.memory_space<vmem_shared>>) target_semaphore(%run_scoped3A : memref<!tpu.dma_semaphore, #tpu.memory_space<semaphore_mem>>)
      %dma_wait3A = arith.constant 0 : i32
      %dma_wait3A_67 = arith.constant 0 : i32
      %dma_wait3A_68 = tpu.memref_slice %arg8[%dma_wait3A, %dma_wait3A_67] : memref<1000x64xf32, #tpu.memory_space<vmem>> -> memref<104x64xf32, #tpu.memory_space<vmem>>
      %dma_wait3A_69 = arith.constant 0 : i32
      %dma_wait3A_70 = tpu.memref_slice %arg9[%add3A_13, %dma_wait3A_69] : memref<10000x64xf32, #tpu.memory_space<vmem_shared>> -> memref<104x64xf32, #tpu.memory_space<vmem_shared>>
      %dma_wait3A_71 = arith.constant 0 : i32
      %dma_wait3A_72 = tpu.memref_slice %arg9[%add3A_13, %dma_wait3A_71] : memref<10000x64xf32, #tpu.memory_space<vmem_shared>> -> memref<104x64xf32, #tpu.memory_space<vmem_shared>>
      %dma_wait3A_73 = arith.constant 0 : i32
      %dma_wait3A_74 = arith.constant 0 : i32
      %dma_wait3A_75 = tpu.memref_slice %arg8[%dma_wait3A_73, %dma_wait3A_74] : memref<1000x64xf32, #tpu.memory_space<vmem>> -> memref<104x64xf32, #tpu.memory_space<vmem>>
      tpu.wait_dma2 semaphore(%run_scoped3A : memref<!tpu.dma_semaphore, #tpu.memory_space<semaphore_mem>>) src(%dma_wait3A_75 : memref<104x64xf32, #tpu.memory_space<vmem>>) dst(%dma_wait3A_72 : memref<104x64xf32, #tpu.memory_space<vmem_shared>>)
      tpu.yield
    }) : () -> ()
    %mul3A_14 = arith.constant 624 : i32
    %mul3A_15 = arith.muli %arg1, %mul3A_14 : i32
    %add3A_16 = arith.constant 312 : i32
    %add3A_17 = arith.addi %mul3A_15, %add3A_16 : i32
    "tpu.region"() ({
      %run_scoped3A = tpu.sem_alloc : memref<!tpu.dma_semaphore, #tpu.memory_space<semaphore_mem>>
      %dma_start3A = arith.constant 0 : i32
      %dma_start3A_58 = arith.constant 0 : i32
      %dma_start3A_59 = tpu.memref_slice %arg8[%dma_start3A, %dma_start3A_58] : memref<1000x64xf32, #tpu.memory_space<vmem>> -> memref<104x64xf32, #tpu.memory_space<vmem>>
      %dma_start3A_60 = arith.constant 0 : i32
      %dma_start3A_61 = tpu.memref_slice %arg9[%add3A_17, %dma_start3A_60] : memref<10000x64xf32, #tpu.memory_space<vmem_shared>> -> memref<104x64xf32, #tpu.memory_space<vmem_shared>>
      %dma_start3A_62 = arith.constant 0 : i32
      %dma_start3A_63 = tpu.memref_slice %arg9[%add3A_17, %dma_start3A_62] : memref<10000x64xf32, #tpu.memory_space<vmem_shared>> -> memref<104x64xf32, #tpu.memory_space<vmem_shared>>
      %dma_start3A_64 = arith.constant 0 : i32
      %dma_start3A_65 = arith.constant 0 : i32
      %dma_start3A_66 = tpu.memref_slice %arg8[%dma_start3A_64, %dma_start3A_65] : memref<1000x64xf32, #tpu.memory_space<vmem>> -> memref<104x64xf32, #tpu.memory_space<vmem>>
      tpu.enqueue_dma source(%dma_start3A_66 : memref<104x64xf32, #tpu.memory_space<vmem>>) target(%dma_start3A_63 : memref<104x64xf32, #tpu.memory_space<vmem_shared>>) target_semaphore(%run_scoped3A : memref<!tpu.dma_semaphore, #tpu.memory_space<semaphore_mem>>)
      %dma_wait3A = arith.constant 0 : i32
      %dma_wait3A_67 = arith.constant 0 : i32
      %dma_wait3A_68 = tpu.memref_slice %arg8[%dma_wait3A, %dma_wait3A_67] : memref<1000x64xf32, #tpu.memory_space<vmem>> -> memref<104x64xf32, #tpu.memory_space<vmem>>
      %dma_wait3A_69 = arith.constant 0 : i32
      %dma_wait3A_70 = tpu.memref_slice %arg9[%add3A_17, %dma_wait3A_69] : memref<10000x64xf32, #tpu.memory_space<vmem_shared>> -> memref<104x64xf32, #tpu.memory_space<vmem_shared>>
      %dma_wait3A_71 = arith.constant 0 : i32
      %dma_wait3A_72 = tpu.memref_slice %arg9[%add3A_17, %dma_wait3A_71] : memref<10000x64xf32, #tpu.memory_space<vmem_shared>> -> memref<104x64xf32, #tpu.memory_space<vmem_shared>>
      %dma_wait3A_73 = arith.constant 0 : i32
      %dma_wait3A_74 = arith.constant 0 : i32
      %dma_wait3A_75 = tpu.memref_slice %arg8[%dma_wait3A_73, %dma_wait3A_74] : memref<1000x64xf32, #tpu.memory_space<vmem>> -> memref<104x64xf32, #tpu.memory_space<vmem>>
      tpu.wait_dma2 semaphore(%run_scoped3A : memref<!tpu.dma_semaphore, #tpu.memory_space<semaphore_mem>>) src(%dma_wait3A_75 : memref<104x64xf32, #tpu.memory_space<vmem>>) dst(%dma_wait3A_72 : memref<104x64xf32, #tpu.memory_space<vmem_shared>>)
      tpu.yield
    }) : () -> ()
    %mul3A_18 = arith.constant 624 : i32
    %mul3A_19 = arith.muli %arg1, %mul3A_18 : i32
    %add3A_20 = arith.constant 416 : i32
    %add3A_21 = arith.addi %mul3A_19, %add3A_20 : i32
    "tpu.region"() ({
      %run_scoped3A = tpu.sem_alloc : memref<!tpu.dma_semaphore, #tpu.memory_space<semaphore_mem>>
      %dma_start3A = arith.constant 0 : i32
      %dma_start3A_58 = arith.constant 0 : i32
      %dma_start3A_59 = tpu.memref_slice %arg8[%dma_start3A, %dma_start3A_58] : memref<1000x64xf32, #tpu.memory_space<vmem>> -> memref<104x64xf32, #tpu.memory_space<vmem>>
      %dma_start3A_60 = arith.constant 0 : i32
      %dma_start3A_61 = tpu.memref_slice %arg9[%add3A_21, %dma_start3A_60] : memref<10000x64xf32, #tpu.memory_space<vmem_shared>> -> memref<104x64xf32, #tpu.memory_space<vmem_shared>>
      %dma_start3A_62 = arith.constant 0 : i32
      %dma_start3A_63 = tpu.memref_slice %arg9[%add3A_21, %dma_start3A_62] : memref<10000x64xf32, #tpu.memory_space<vmem_shared>> -> memref<104x64xf32, #tpu.memory_space<vmem_shared>>
      %dma_start3A_64 = arith.constant 0 : i32
      %dma_start3A_65 = arith.constant 0 : i32
      %dma_start3A_66 = tpu.memref_slice %arg8[%dma_start3A_64, %dma_start3A_65] : memref<1000x64xf32, #tpu.memory_space<vmem>> -> memref<104x64xf32, #tpu.memory_space<vmem>>
      tpu.enqueue_dma source(%dma_start3A_66 : memref<104x64xf32, #tpu.memory_space<vmem>>) target(%dma_start3A_63 : memref<104x64xf32, #tpu.memory_space<vmem_shared>>) target_semaphore(%run_scoped3A : memref<!tpu.dma_semaphore, #tpu.memory_space<semaphore_mem>>)
      %dma_wait3A = arith.constant 0 : i32
      %dma_wait3A_67 = arith.constant 0 : i32
      %dma_wait3A_68 = tpu.memref_slice %arg8[%dma_wait3A, %dma_wait3A_67] : memref<1000x64xf32, #tpu.memory_space<vmem>> -> memref<104x64xf32, #tpu.memory_space<vmem>>
      %dma_wait3A_69 = arith.constant 0 : i32
      %dma_wait3A_70 = tpu.memref_slice %arg9[%add3A_21, %dma_wait3A_69] : memref<10000x64xf32, #tpu.memory_space<vmem_shared>> -> memref<104x64xf32, #tpu.memory_space<vmem_shared>>
      %dma_wait3A_71 = arith.constant 0 : i32
      %dma_wait3A_72 = tpu.memref_slice %arg9[%add3A_21, %dma_wait3A_71] : memref<10000x64xf32, #tpu.memory_space<vmem_shared>> -> memref<104x64xf32, #tpu.memory_space<vmem_shared>>
      %dma_wait3A_73 = arith.constant 0 : i32
      %dma_wait3A_74 = arith.constant 0 : i32
      %dma_wait3A_75 = tpu.memref_slice %arg8[%dma_wait3A_73, %dma_wait3A_74] : memref<1000x64xf32, #tpu.memory_space<vmem>> -> memref<104x64xf32, #tpu.memory_space<vmem>>
      tpu.wait_dma2 semaphore(%run_scoped3A : memref<!tpu.dma_semaphore, #tpu.memory_space<semaphore_mem>>) src(%dma_wait3A_75 : memref<104x64xf32, #tpu.memory_space<vmem>>) dst(%dma_wait3A_72 : memref<104x64xf32, #tpu.memory_space<vmem_shared>>)
      tpu.yield
    }) : () -> ()
    %mul3A_22 = arith.constant 624 : i32
    %mul3A_23 = arith.muli %arg1, %mul3A_22 : i32
    %add3A_24 = arith.constant 520 : i32
    %add3A_25 = arith.addi %mul3A_23, %add3A_24 : i32
    "tpu.region"() ({
      %run_scoped3A = tpu.sem_alloc : memref<!tpu.dma_semaphore, #tpu.memory_space<semaphore_mem>>
      %dma_start3A = arith.constant 0 : i32
      %dma_start3A_58 = arith.constant 0 : i32
      %dma_start3A_59 = tpu.memref_slice %arg8[%dma_start3A, %dma_start3A_58] : memref<1000x64xf32, #tpu.memory_space<vmem>> -> memref<104x64xf32, #tpu.memory_space<vmem>>
      %dma_start3A_60 = arith.constant 0 : i32
      %dma_start3A_61 = tpu.memref_slice %arg9[%add3A_25, %dma_start3A_60] : memref<10000x64xf32, #tpu.memory_space<vmem_shared>> -> memref<104x64xf32, #tpu.memory_space<vmem_shared>>
      %dma_start3A_62 = arith.constant 0 : i32
      %dma_start3A_63 = tpu.memref_slice %arg9[%add3A_25, %dma_start3A_62] : memref<10000x64xf32, #tpu.memory_space<vmem_shared>> -> memref<104x64xf32, #tpu.memory_space<vmem_shared>>
      %dma_start3A_64 = arith.constant 0 : i32
      %dma_start3A_65 = arith.constant 0 : i32
      %dma_start3A_66 = tpu.memref_slice %arg8[%dma_start3A_64, %dma_start3A_65] : memref<1000x64xf32, #tpu.memory_space<vmem>> -> memref<104x64xf32, #tpu.memory_space<vmem>>
      tpu.enqueue_dma source(%dma_start3A_66 : memref<104x64xf32, #tpu.memory_space<vmem>>) target(%dma_start3A_63 : memref<104x64xf32, #tpu.memory_space<vmem_shared>>) target_semaphore(%run_scoped3A : memref<!tpu.dma_semaphore, #tpu.memory_space<semaphore_mem>>)
      %dma_wait3A = arith.constant 0 : i32
      %dma_wait3A_67 = arith.constant 0 : i32
      %dma_wait3A_68 = tpu.memref_slice %arg8[%dma_wait3A, %dma_wait3A_67] : memref<1000x64xf32, #tpu.memory_space<vmem>> -> memref<104x64xf32, #tpu.memory_space<vmem>>
      %dma_wait3A_69 = arith.constant 0 : i32
      %dma_wait3A_70 = tpu.memref_slice %arg9[%add3A_25, %dma_wait3A_69] : memref<10000x64xf32, #tpu.memory_space<vmem_shared>> -> memref<104x64xf32, #tpu.memory_space<vmem_shared>>
      %dma_wait3A_71 = arith.constant 0 : i32
      %dma_wait3A_72 = tpu.memref_slice %arg9[%add3A_25, %dma_wait3A_71] : memref<10000x64xf32, #tpu.memory_space<vmem_shared>> -> memref<104x64xf32, #tpu.memory_space<vmem_shared>>
      %dma_wait3A_73 = arith.constant 0 : i32
      %dma_wait3A_74 = arith.constant 0 : i32
      %dma_wait3A_75 = tpu.memref_slice %arg8[%dma_wait3A_73, %dma_wait3A_74] : memref<1000x64xf32, #tpu.memory_space<vmem>> -> memref<104x64xf32, #tpu.memory_space<vmem>>
      tpu.wait_dma2 semaphore(%run_scoped3A : memref<!tpu.dma_semaphore, #tpu.memory_space<semaphore_mem>>) src(%dma_wait3A_75 : memref<104x64xf32, #tpu.memory_space<vmem>>) dst(%dma_wait3A_72 : memref<104x64xf32, #tpu.memory_space<vmem_shared>>)
      tpu.yield
    }) : () -> ()
    %eq3A = arith.constant 15 : i32
    %eq3A_26 = arith.cmpi eq, %arg1, %eq3A : i32
    %convert_element_type3A = arith.extui %eq3A_26 : i1 to i32
    %cond3A = arith.constant 0 : i32
    %cond3A_27 = arith.cmpi ne, %convert_element_type3A, %cond3A : i32
    scf.if %cond3A_27 {
      "tpu.region"() ({
        %run_scoped3A = tpu.sem_alloc : memref<!tpu.dma_semaphore, #tpu.memory_space<semaphore_mem>>
        %dma_start3A = arith.constant 0 : i32
        %dma_start3A_58 = arith.constant 0 : i32
        %dma_start3A_59 = tpu.memref_slice %arg8[%dma_start3A, %dma_start3A_58] : memref<1000x64xf32, #tpu.memory_space<vmem>> -> memref<16x64xf32, #tpu.memory_space<vmem>>
        %dma_start3A_60 = arith.constant 9984 : i32
        %dma_start3A_61 = arith.constant 0 : i32
        %dma_start3A_62 = tpu.memref_slice %arg9[%dma_start3A_60, %dma_start3A_61] : memref<10000x64xf32, #tpu.memory_space<vmem_shared>> -> memref<16x64xf32, #tpu.memory_space<vmem_shared>>
        %dma_start3A_63 = arith.constant 9984 : i32
        %dma_start3A_64 = arith.constant 0 : i32
        %dma_start3A_65 = tpu.memref_slice %arg9[%dma_start3A_63, %dma_start3A_64] : memref<10000x64xf32, #tpu.memory_space<vmem_shared>> -> memref<16x64xf32, #tpu.memory_space<vmem_shared>>
        %dma_start3A_66 = arith.constant 0 : i32
        %dma_start3A_67 = arith.constant 0 : i32
        %dma_start3A_68 = tpu.memref_slice %arg8[%dma_start3A_66, %dma_start3A_67] : memref<1000x64xf32, #tpu.memory_space<vmem>> -> memref<16x64xf32, #tpu.memory_space<vmem>>
        tpu.enqueue_dma source(%dma_start3A_68 : memref<16x64xf32, #tpu.memory_space<vmem>>) target(%dma_start3A_65 : memref<16x64xf32, #tpu.memory_space<vmem_shared>>) target_semaphore(%run_scoped3A : memref<!tpu.dma_semaphore, #tpu.memory_space<semaphore_mem>>)
        %dma_wait3A = arith.constant 0 : i32
        %dma_wait3A_69 = arith.constant 0 : i32
        %dma_wait3A_70 = tpu.memref_slice %arg8[%dma_wait3A, %dma_wait3A_69] : memref<1000x64xf32, #tpu.memory_space<vmem>> -> memref<16x64xf32, #tpu.memory_space<vmem>>
        %dma_wait3A_71 = arith.constant 9984 : i32
        %dma_wait3A_72 = arith.constant 0 : i32
        %dma_wait3A_73 = tpu.memref_slice %arg9[%dma_wait3A_71, %dma_wait3A_72] : memref<10000x64xf32, #tpu.memory_space<vmem_shared>> -> memref<16x64xf32, #tpu.memory_space<vmem_shared>>
        %dma_wait3A_74 = arith.constant 9984 : i32
        %dma_wait3A_75 = arith.constant 0 : i32
        %dma_wait3A_76 = tpu.memref_slice %arg9[%dma_wait3A_74, %dma_wait3A_75] : memref<10000x64xf32, #tpu.memory_space<vmem_shared>> -> memref<16x64xf32, #tpu.memory_space<vmem_shared>>
        %dma_wait3A_77 = arith.constant 0 : i32
        %dma_wait3A_78 = arith.constant 0 : i32
        %dma_wait3A_79 = tpu.memref_slice %arg8[%dma_wait3A_77, %dma_wait3A_78] : memref<1000x64xf32, #tpu.memory_space<vmem>> -> memref<16x64xf32, #tpu.memory_space<vmem>>
        tpu.wait_dma2 semaphore(%run_scoped3A : memref<!tpu.dma_semaphore, #tpu.memory_space<semaphore_mem>>) src(%dma_wait3A_79 : memref<16x64xf32, #tpu.memory_space<vmem>>) dst(%dma_wait3A_76 : memref<16x64xf32, #tpu.memory_space<vmem_shared>>)
        tpu.yield
      }) : () -> ()
    } else {
    }
    %barrier3A = arith.constant 0 : index
    tpu.barrier barrier_id(%barrier3A)
    %mul3A_28 = arith.constant 160 : i32
    %mul3A_29 = arith.muli %arg1, %mul3A_28 : i32
    %add3A_30 = arith.constant 0 : i32
    %add3A_31 = arith.addi %mul3A_29, %add3A_30 : i32
    "tpu.region"() ({
      %run_scoped3A = tpu.sem_alloc : memref<!tpu.dma_semaphore, #tpu.memory_space<semaphore_mem>>
      %dma_start3A = arith.constant 0 : i32
      %dma_start3A_58 = tpu.memref_slice %arg3[%add3A_31, %dma_start3A] : memref<2560x125xi32, #tpu.memory_space<hbm>> -> memref<80x125xi32, #tpu.memory_space<hbm>>
      %dma_start3A_59 = arith.constant 0 : i32
      %dma_start3A_60 = tpu.memref_slice %arg3[%add3A_31, %dma_start3A_59] : memref<2560x125xi32, #tpu.memory_space<hbm>> -> memref<80x125xi32, #tpu.memory_space<hbm>>
      tpu.enqueue_dma source(%dma_start3A_60 : memref<80x125xi32, #tpu.memory_space<hbm>>) target(%arg6 : memref<80x125xi32, #tpu.memory_space<vmem>>) target_semaphore(%run_scoped3A : memref<!tpu.dma_semaphore, #tpu.memory_space<semaphore_mem>>)
      %dma_wait3A = arith.constant 0 : i32
      %dma_wait3A_61 = tpu.memref_slice %arg3[%add3A_31, %dma_wait3A] : memref<2560x125xi32, #tpu.memory_space<hbm>> -> memref<80x125xi32, #tpu.memory_space<hbm>>
      %dma_wait3A_62 = arith.constant 0 : i32
      %dma_wait3A_63 = tpu.memref_slice %arg3[%add3A_31, %dma_wait3A_62] : memref<2560x125xi32, #tpu.memory_space<hbm>> -> memref<80x125xi32, #tpu.memory_space<hbm>>
      tpu.wait_dma2 semaphore(%run_scoped3A : memref<!tpu.dma_semaphore, #tpu.memory_space<semaphore_mem>>) src(%dma_wait3A_63 : memref<80x125xi32, #tpu.memory_space<hbm>>) dst(%arg6 : memref<80x125xi32, #tpu.memory_space<vmem>>)
      tpu.yield
    }) : () -> ()
    %add3A_32 = arith.constant 0 : i32
    %add3A_33 = arith.addi %mul3A_29, %add3A_32 : i32
    "tpu.region"() ({
      %run_scoped3A = tpu.sem_alloc : memref<!tpu.dma_semaphore, #tpu.memory_space<semaphore_mem>>
      %dma_start3A = arith.constant 0 : i32
      %dma_start3A_58 = tpu.memref_slice %arg4[%add3A_33, %dma_start3A] : memref<2560x125xi32, #tpu.memory_space<hbm>> -> memref<80x125xi32, #tpu.memory_space<hbm>>
      %dma_start3A_59 = arith.constant 0 : i32
      %dma_start3A_60 = tpu.memref_slice %arg4[%add3A_33, %dma_start3A_59] : memref<2560x125xi32, #tpu.memory_space<hbm>> -> memref<80x125xi32, #tpu.memory_space<hbm>>
      tpu.enqueue_dma source(%dma_start3A_60 : memref<80x125xi32, #tpu.memory_space<hbm>>) target(%arg7 : memref<80x125xi32, #tpu.memory_space<vmem>>) target_semaphore(%run_scoped3A : memref<!tpu.dma_semaphore, #tpu.memory_space<semaphore_mem>>)
      %dma_wait3A = arith.constant 0 : i32
      %dma_wait3A_61 = tpu.memref_slice %arg4[%add3A_33, %dma_wait3A] : memref<2560x125xi32, #tpu.memory_space<hbm>> -> memref<80x125xi32, #tpu.memory_space<hbm>>
      %dma_wait3A_62 = arith.constant 0 : i32
      %dma_wait3A_63 = tpu.memref_slice %arg4[%add3A_33, %dma_wait3A_62] : memref<2560x125xi32, #tpu.memory_space<hbm>> -> memref<80x125xi32, #tpu.memory_space<hbm>>
      tpu.wait_dma2 semaphore(%run_scoped3A : memref<!tpu.dma_semaphore, #tpu.memory_space<semaphore_mem>>) src(%dma_wait3A_63 : memref<80x125xi32, #tpu.memory_space<hbm>>) dst(%arg7 : memref<80x125xi32, #tpu.memory_space<vmem>>)
      tpu.yield
    }) : () -> ()
    %scan3A_34 = arith.constant 0 : i32
    %scan3A_35 = arith.constant 10 : i32
    %scan3A_36 = arith.addi %scan3A_34, %scan3A_35 : i32
    %scan3A_37 = arith.constant 1 : i32
    scf.for %scan3A_58 = %scan3A_34 to %scan3A_36 step %scan3A_37  : i32 {
      %mul3A_59 = arith.constant 1 : i32
      %mul3A_60 = arith.muli %scan3A_58, %mul3A_59 : i32
      %add3A_61 = arith.constant 0 : i32
      %add3A_62 = arith.addi %add3A_61, %mul3A_60 : i32
      %mul3A_63 = arith.constant 8 : i32
      %mul3A_64 = arith.muli %add3A_62, %mul3A_63 : i32
      %add3A_65 = arith.constant 0 : i32
      %add3A_66 = arith.addi %mul3A_64, %add3A_65 : i32
      %dma_start3A = arith.constant 0 : i32
      %dma_start3A_67 = arith.constant 0 : i32
      %dma_start3A_68 = tpu.memref_slice %arg8[%dma_start3A, %dma_start3A_67] : memref<1000x64xf32, #tpu.memory_space<vmem>> -> memref<125x64xf32, #tpu.memory_space<vmem>>
      %dma_start3A_69 = arith.constant 0 : i32
      %dma_start3A_70 = tpu.memref_slice %arg6[%add3A_66, %dma_start3A_69] : memref<80x125xi32, #tpu.memory_space<vmem>> -> memref<1x125xi32, #tpu.memory_space<vmem>>
      %dma_start3A_71 = tpu.memref_squeeze %dma_start3A_70 : memref<1x125xi32, #tpu.memory_space<vmem>> -> memref<125xi32, #tpu.memory_space<vmem>>
      %dma_start3A_72 = arith.constant 0 : i32
      %dma_start3A_73 = arith.constant 0 : i32
      %dma_start3A_74 = tpu.memref_slice %arg2[%arg0, %dma_start3A_72, %dma_start3A_73] : memref<2x10000x64xf32, #tpu.memory_space<hbm>> -> memref<1x10000x64xf32, #tpu.memory_space<hbm>>
      %dma_start3A_75 = tpu.memref_squeeze %dma_start3A_74 : memref<1x10000x64xf32, #tpu.memory_space<hbm>> -> memref<10000x64xf32, #tpu.memory_space<hbm>>
      %dma_start3A_76 = arith.constant 0 : i32
      %dma_start3A_77 = arith.constant 0 : i32
      %dma_start3A_78 = tpu.memref_slice %dma_start3A_75[%dma_start3A_76, %dma_start3A_77] : memref<10000x64xf32, #tpu.memory_space<hbm>> -> memref<10000x64xf32, #tpu.memory_space<hbm>>
      tpu.enqueue_indirect_dma source(%dma_start3A_78 : memref<10000x64xf32, #tpu.memory_space<hbm>>) target(%dma_start3A_68 : memref<125x64xf32, #tpu.memory_space<vmem>>) offsets(%dma_start3A_71 : memref<125xi32, #tpu.memory_space<vmem>>) semaphore(%arg10 : memref<!tpu.dma_semaphore, #tpu.memory_space<semaphore_mem>>)
      %add3A_79 = arith.constant 1 : i32
      %add3A_80 = arith.addi %mul3A_64, %add3A_79 : i32
      %dma_start3A_81 = arith.constant 125 : i32
      %dma_start3A_82 = arith.constant 0 : i32
      %dma_start3A_83 = tpu.memref_slice %arg8[%dma_start3A_81, %dma_start3A_82] : memref<1000x64xf32, #tpu.memory_space<vmem>> -> memref<125x64xf32, #tpu.memory_space<vmem>>
      %dma_start3A_84 = arith.constant 0 : i32
      %dma_start3A_85 = tpu.memref_slice %arg6[%add3A_80, %dma_start3A_84] : memref<80x125xi32, #tpu.memory_space<vmem>> -> memref<1x125xi32, #tpu.memory_space<vmem>>
      %dma_start3A_86 = tpu.memref_squeeze %dma_start3A_85 : memref<1x125xi32, #tpu.memory_space<vmem>> -> memref<125xi32, #tpu.memory_space<vmem>>
      %dma_start3A_87 = arith.constant 0 : i32
      %dma_start3A_88 = arith.constant 0 : i32
      %dma_start3A_89 = tpu.memref_slice %arg2[%arg0, %dma_start3A_87, %dma_start3A_88] : memref<2x10000x64xf32, #tpu.memory_space<hbm>> -> memref<1x10000x64xf32, #tpu.memory_space<hbm>>
      %dma_start3A_90 = tpu.memref_squeeze %dma_start3A_89 : memref<1x10000x64xf32, #tpu.memory_space<hbm>> -> memref<10000x64xf32, #tpu.memory_space<hbm>>
      %dma_start3A_91 = arith.constant 0 : i32
      %dma_start3A_92 = arith.constant 0 : i32
      %dma_start3A_93 = tpu.memref_slice %dma_start3A_90[%dma_start3A_91, %dma_start3A_92] : memref<10000x64xf32, #tpu.memory_space<hbm>> -> memref<10000x64xf32, #tpu.memory_space<hbm>>
      tpu.enqueue_indirect_dma source(%dma_start3A_93 : memref<10000x64xf32, #tpu.memory_space<hbm>>) target(%dma_start3A_83 : memref<125x64xf32, #tpu.memory_space<vmem>>) offsets(%dma_start3A_86 : memref<125xi32, #tpu.memory_space<vmem>>) semaphore(%arg10 : memref<!tpu.dma_semaphore, #tpu.memory_space<semaphore_mem>>)
      %add3A_94 = arith.constant 2 : i32
      %add3A_95 = arith.addi %mul3A_64, %add3A_94 : i32
      %dma_start3A_96 = arith.constant 250 : i32
      %dma_start3A_97 = arith.constant 0 : i32
      %dma_start3A_98 = tpu.memref_slice %arg8[%dma_start3A_96, %dma_start3A_97] : memref<1000x64xf32, #tpu.memory_space<vmem>> -> memref<125x64xf32, #tpu.memory_space<vmem>>
      %dma_start3A_99 = arith.constant 0 : i32
      %dma_start3A_100 = tpu.memref_slice %arg6[%add3A_95, %dma_start3A_99] : memref<80x125xi32, #tpu.memory_space<vmem>> -> memref<1x125xi32, #tpu.memory_space<vmem>>
      %dma_start3A_101 = tpu.memref_squeeze %dma_start3A_100 : memref<1x125xi32, #tpu.memory_space<vmem>> -> memref<125xi32, #tpu.memory_space<vmem>>
      %dma_start3A_102 = arith.constant 0 : i32
      %dma_start3A_103 = arith.constant 0 : i32
      %dma_start3A_104 = tpu.memref_slice %arg2[%arg0, %dma_start3A_102, %dma_start3A_103] : memref<2x10000x64xf32, #tpu.memory_space<hbm>> -> memref<1x10000x64xf32, #tpu.memory_space<hbm>>
      %dma_start3A_105 = tpu.memref_squeeze %dma_start3A_104 : memref<1x10000x64xf32, #tpu.memory_space<hbm>> -> memref<10000x64xf32, #tpu.memory_space<hbm>>
      %dma_start3A_106 = arith.constant 0 : i32
      %dma_start3A_107 = arith.constant 0 : i32
      %dma_start3A_108 = tpu.memref_slice %dma_start3A_105[%dma_start3A_106, %dma_start3A_107] : memref<10000x64xf32, #tpu.memory_space<hbm>> -> memref<10000x64xf32, #tpu.memory_space<hbm>>
      tpu.enqueue_indirect_dma source(%dma_start3A_108 : memref<10000x64xf32, #tpu.memory_space<hbm>>) target(%dma_start3A_98 : memref<125x64xf32, #tpu.memory_space<vmem>>) offsets(%dma_start3A_101 : memref<125xi32, #tpu.memory_space<vmem>>) semaphore(%arg10 : memref<!tpu.dma_semaphore, #tpu.memory_space<semaphore_mem>>)
      %add3A_109 = arith.constant 3 : i32
      %add3A_110 = arith.addi %mul3A_64, %add3A_109 : i32
      %dma_start3A_111 = arith.constant 375 : i32
      %dma_start3A_112 = arith.constant 0 : i32
      %dma_start3A_113 = tpu.memref_slice %arg8[%dma_start3A_111, %dma_start3A_112] : memref<1000x64xf32, #tpu.memory_space<vmem>> -> memref<125x64xf32, #tpu.memory_space<vmem>>
      %dma_start3A_114 = arith.constant 0 : i32
      %dma_start3A_115 = tpu.memref_slice %arg6[%add3A_110, %dma_start3A_114] : memref<80x125xi32, #tpu.memory_space<vmem>> -> memref<1x125xi32, #tpu.memory_space<vmem>>
      %dma_start3A_116 = tpu.memref_squeeze %dma_start3A_115 : memref<1x125xi32, #tpu.memory_space<vmem>> -> memref<125xi32, #tpu.memory_space<vmem>>
      %dma_start3A_117 = arith.constant 0 : i32
      %dma_start3A_118 = arith.constant 0 : i32
      %dma_start3A_119 = tpu.memref_slice %arg2[%arg0, %dma_start3A_117, %dma_start3A_118] : memref<2x10000x64xf32, #tpu.memory_space<hbm>> -> memref<1x10000x64xf32, #tpu.memory_space<hbm>>
      %dma_start3A_120 = tpu.memref_squeeze %dma_start3A_119 : memref<1x10000x64xf32, #tpu.memory_space<hbm>> -> memref<10000x64xf32, #tpu.memory_space<hbm>>
      %dma_start3A_121 = arith.constant 0 : i32
      %dma_start3A_122 = arith.constant 0 : i32
      %dma_start3A_123 = tpu.memref_slice %dma_start3A_120[%dma_start3A_121, %dma_start3A_122] : memref<10000x64xf32, #tpu.memory_space<hbm>> -> memref<10000x64xf32, #tpu.memory_space<hbm>>
      tpu.enqueue_indirect_dma source(%dma_start3A_123 : memref<10000x64xf32, #tpu.memory_space<hbm>>) target(%dma_start3A_113 : memref<125x64xf32, #tpu.memory_space<vmem>>) offsets(%dma_start3A_116 : memref<125xi32, #tpu.memory_space<vmem>>) semaphore(%arg10 : memref<!tpu.dma_semaphore, #tpu.memory_space<semaphore_mem>>)
      %add3A_124 = arith.constant 4 : i32
      %add3A_125 = arith.addi %mul3A_64, %add3A_124 : i32
      %dma_start3A_126 = arith.constant 500 : i32
      %dma_start3A_127 = arith.constant 0 : i32
      %dma_start3A_128 = tpu.memref_slice %arg8[%dma_start3A_126, %dma_start3A_127] : memref<1000x64xf32, #tpu.memory_space<vmem>> -> memref<125x64xf32, #tpu.memory_space<vmem>>
      %dma_start3A_129 = arith.constant 0 : i32
      %dma_start3A_130 = tpu.memref_slice %arg6[%add3A_125, %dma_start3A_129] : memref<80x125xi32, #tpu.memory_space<vmem>> -> memref<1x125xi32, #tpu.memory_space<vmem>>
      %dma_start3A_131 = tpu.memref_squeeze %dma_start3A_130 : memref<1x125xi32, #tpu.memory_space<vmem>> -> memref<125xi32, #tpu.memory_space<vmem>>
      %dma_start3A_132 = arith.constant 0 : i32
      %dma_start3A_133 = arith.constant 0 : i32
      %dma_start3A_134 = tpu.memref_slice %arg2[%arg0, %dma_start3A_132, %dma_start3A_133] : memref<2x10000x64xf32, #tpu.memory_space<hbm>> -> memref<1x10000x64xf32, #tpu.memory_space<hbm>>
      %dma_start3A_135 = tpu.memref_squeeze %dma_start3A_134 : memref<1x10000x64xf32, #tpu.memory_space<hbm>> -> memref<10000x64xf32, #tpu.memory_space<hbm>>
      %dma_start3A_136 = arith.constant 0 : i32
      %dma_start3A_137 = arith.constant 0 : i32
      %dma_start3A_138 = tpu.memref_slice %dma_start3A_135[%dma_start3A_136, %dma_start3A_137] : memref<10000x64xf32, #tpu.memory_space<hbm>> -> memref<10000x64xf32, #tpu.memory_space<hbm>>
      tpu.enqueue_indirect_dma source(%dma_start3A_138 : memref<10000x64xf32, #tpu.memory_space<hbm>>) target(%dma_start3A_128 : memref<125x64xf32, #tpu.memory_space<vmem>>) offsets(%dma_start3A_131 : memref<125xi32, #tpu.memory_space<vmem>>) semaphore(%arg10 : memref<!tpu.dma_semaphore, #tpu.memory_space<semaphore_mem>>)
      %add3A_139 = arith.constant 5 : i32
      %add3A_140 = arith.addi %mul3A_64, %add3A_139 : i32
      %dma_start3A_141 = arith.constant 625 : i32
      %dma_start3A_142 = arith.constant 0 : i32
      %dma_start3A_143 = tpu.memref_slice %arg8[%dma_start3A_141, %dma_start3A_142] : memref<1000x64xf32, #tpu.memory_space<vmem>> -> memref<125x64xf32, #tpu.memory_space<vmem>>
      %dma_start3A_144 = arith.constant 0 : i32
      %dma_start3A_145 = tpu.memref_slice %arg6[%add3A_140, %dma_start3A_144] : memref<80x125xi32, #tpu.memory_space<vmem>> -> memref<1x125xi32, #tpu.memory_space<vmem>>
      %dma_start3A_146 = tpu.memref_squeeze %dma_start3A_145 : memref<1x125xi32, #tpu.memory_space<vmem>> -> memref<125xi32, #tpu.memory_space<vmem>>
      %dma_start3A_147 = arith.constant 0 : i32
      %dma_start3A_148 = arith.constant 0 : i32
      %dma_start3A_149 = tpu.memref_slice %arg2[%arg0, %dma_start3A_147, %dma_start3A_148] : memref<2x10000x64xf32, #tpu.memory_space<hbm>> -> memref<1x10000x64xf32, #tpu.memory_space<hbm>>
      %dma_start3A_150 = tpu.memref_squeeze %dma_start3A_149 : memref<1x10000x64xf32, #tpu.memory_space<hbm>> -> memref<10000x64xf32, #tpu.memory_space<hbm>>
      %dma_start3A_151 = arith.constant 0 : i32
      %dma_start3A_152 = arith.constant 0 : i32
      %dma_start3A_153 = tpu.memref_slice %dma_start3A_150[%dma_start3A_151, %dma_start3A_152] : memref<10000x64xf32, #tpu.memory_space<hbm>> -> memref<10000x64xf32, #tpu.memory_space<hbm>>
      tpu.enqueue_indirect_dma source(%dma_start3A_153 : memref<10000x64xf32, #tpu.memory_space<hbm>>) target(%dma_start3A_143 : memref<125x64xf32, #tpu.memory_space<vmem>>) offsets(%dma_start3A_146 : memref<125xi32, #tpu.memory_space<vmem>>) semaphore(%arg10 : memref<!tpu.dma_semaphore, #tpu.memory_space<semaphore_mem>>)
      %add3A_154 = arith.constant 6 : i32
      %add3A_155 = arith.addi %mul3A_64, %add3A_154 : i32
      %dma_start3A_156 = arith.constant 750 : i32
      %dma_start3A_157 = arith.constant 0 : i32
      %dma_start3A_158 = tpu.memref_slice %arg8[%dma_start3A_156, %dma_start3A_157] : memref<1000x64xf32, #tpu.memory_space<vmem>> -> memref<125x64xf32, #tpu.memory_space<vmem>>
      %dma_start3A_159 = arith.constant 0 : i32
      %dma_start3A_160 = tpu.memref_slice %arg6[%add3A_155, %dma_start3A_159] : memref<80x125xi32, #tpu.memory_space<vmem>> -> memref<1x125xi32, #tpu.memory_space<vmem>>
      %dma_start3A_161 = tpu.memref_squeeze %dma_start3A_160 : memref<1x125xi32, #tpu.memory_space<vmem>> -> memref<125xi32, #tpu.memory_space<vmem>>
      %dma_start3A_162 = arith.constant 0 : i32
      %dma_start3A_163 = arith.constant 0 : i32
      %dma_start3A_164 = tpu.memref_slice %arg2[%arg0, %dma_start3A_162, %dma_start3A_163] : memref<2x10000x64xf32, #tpu.memory_space<hbm>> -> memref<1x10000x64xf32, #tpu.memory_space<hbm>>
      %dma_start3A_165 = tpu.memref_squeeze %dma_start3A_164 : memref<1x10000x64xf32, #tpu.memory_space<hbm>> -> memref<10000x64xf32, #tpu.memory_space<hbm>>
      %dma_start3A_166 = arith.constant 0 : i32
      %dma_start3A_167 = arith.constant 0 : i32
      %dma_start3A_168 = tpu.memref_slice %dma_start3A_165[%dma_start3A_166, %dma_start3A_167] : memref<10000x64xf32, #tpu.memory_space<hbm>> -> memref<10000x64xf32, #tpu.memory_space<hbm>>
      tpu.enqueue_indirect_dma source(%dma_start3A_168 : memref<10000x64xf32, #tpu.memory_space<hbm>>) target(%dma_start3A_158 : memref<125x64xf32, #tpu.memory_space<vmem>>) offsets(%dma_start3A_161 : memref<125xi32, #tpu.memory_space<vmem>>) semaphore(%arg10 : memref<!tpu.dma_semaphore, #tpu.memory_space<semaphore_mem>>)
      %add3A_169 = arith.constant 7 : i32
      %add3A_170 = arith.addi %mul3A_64, %add3A_169 : i32
      %dma_start3A_171 = arith.constant 875 : i32
      %dma_start3A_172 = arith.constant 0 : i32
      %dma_start3A_173 = tpu.memref_slice %arg8[%dma_start3A_171, %dma_start3A_172] : memref<1000x64xf32, #tpu.memory_space<vmem>> -> memref<125x64xf32, #tpu.memory_space<vmem>>
      %dma_start3A_174 = arith.constant 0 : i32
      %dma_start3A_175 = tpu.memref_slice %arg6[%add3A_170, %dma_start3A_174] : memref<80x125xi32, #tpu.memory_space<vmem>> -> memref<1x125xi32, #tpu.memory_space<vmem>>
      %dma_start3A_176 = tpu.memref_squeeze %dma_start3A_175 : memref<1x125xi32, #tpu.memory_space<vmem>> -> memref<125xi32, #tpu.memory_space<vmem>>
      %dma_start3A_177 = arith.constant 0 : i32
      %dma_start3A_178 = arith.constant 0 : i32
      %dma_start3A_179 = tpu.memref_slice %arg2[%arg0, %dma_start3A_177, %dma_start3A_178] : memref<2x10000x64xf32, #tpu.memory_space<hbm>> -> memref<1x10000x64xf32, #tpu.memory_space<hbm>>
      %dma_start3A_180 = tpu.memref_squeeze %dma_start3A_179 : memref<1x10000x64xf32, #tpu.memory_space<hbm>> -> memref<10000x64xf32, #tpu.memory_space<hbm>>
      %dma_start3A_181 = arith.constant 0 : i32
      %dma_start3A_182 = arith.constant 0 : i32
      %dma_start3A_183 = tpu.memref_slice %dma_start3A_180[%dma_start3A_181, %dma_start3A_182] : memref<10000x64xf32, #tpu.memory_space<hbm>> -> memref<10000x64xf32, #tpu.memory_space<hbm>>
      tpu.enqueue_indirect_dma source(%dma_start3A_183 : memref<10000x64xf32, #tpu.memory_space<hbm>>) target(%dma_start3A_173 : memref<125x64xf32, #tpu.memory_space<vmem>>) offsets(%dma_start3A_176 : memref<125xi32, #tpu.memory_space<vmem>>) semaphore(%arg10 : memref<!tpu.dma_semaphore, #tpu.memory_space<semaphore_mem>>)
      %dma_wait3A = arith.constant 0 : i32
      %dma_wait3A_184 = arith.constant 0 : i32
      %dma_wait3A_185 = tpu.memref_slice %arg8[%dma_wait3A, %dma_wait3A_184] : memref<1000x64xf32, #tpu.memory_space<vmem>> -> memref<125x64xf32, #tpu.memory_space<vmem>>
      %dma_wait3A_186 = arith.constant 0 : i32
      %dma_wait3A_187 = tpu.memref_slice %arg6[%add3A_66, %dma_wait3A_186] : memref<80x125xi32, #tpu.memory_space<vmem>> -> memref<1x125xi32, #tpu.memory_space<vmem>>
      %dma_wait3A_188 = tpu.memref_squeeze %dma_wait3A_187 : memref<1x125xi32, #tpu.memory_space<vmem>> -> memref<125xi32, #tpu.memory_space<vmem>>
      %dma_wait3A_189 = arith.constant 0 : i32
      %dma_wait3A_190 = arith.constant 0 : i32
      %dma_wait3A_191 = tpu.memref_slice %arg2[%arg0, %dma_wait3A_189, %dma_wait3A_190] : memref<2x10000x64xf32, #tpu.memory_space<hbm>> -> memref<1x10000x64xf32, #tpu.memory_space<hbm>>
      %dma_wait3A_192 = tpu.memref_squeeze %dma_wait3A_191 : memref<1x10000x64xf32, #tpu.memory_space<hbm>> -> memref<10000x64xf32, #tpu.memory_space<hbm>>
      %dma_wait3A_193 = arith.constant 0 : i32
      %dma_wait3A_194 = arith.constant 0 : i32
      %dma_wait3A_195 = tpu.memref_slice %dma_wait3A_192[%dma_wait3A_193, %dma_wait3A_194] : memref<10000x64xf32, #tpu.memory_space<hbm>> -> memref<10000x64xf32, #tpu.memory_space<hbm>>
      tpu.wait_indirect_dma semaphore(%arg10 : memref<!tpu.dma_semaphore, #tpu.memory_space<semaphore_mem>>) src(%dma_wait3A_195 : memref<10000x64xf32, #tpu.memory_space<hbm>>) dst(%dma_wait3A_185 : memref<125x64xf32, #tpu.memory_space<vmem>>)
      %add3A_196 = arith.constant 0 : i32
      %add3A_197 = arith.addi %mul3A_64, %add3A_196 : i32
      %dma_start3A_198 = arith.constant 0 : i32
      %dma_start3A_199 = arith.constant 0 : i32
      %dma_start3A_200 = tpu.memref_slice %arg8[%dma_start3A_198, %dma_start3A_199] : memref<1000x64xf32, #tpu.memory_space<vmem>> -> memref<125x64xf32, #tpu.memory_space<vmem>>
      %dma_start3A_201 = arith.constant 0 : i32
      %dma_start3A_202 = tpu.memref_slice %arg7[%add3A_197, %dma_start3A_201] : memref<80x125xi32, #tpu.memory_space<vmem>> -> memref<1x125xi32, #tpu.memory_space<vmem>>
      %dma_start3A_203 = tpu.memref_squeeze %dma_start3A_202 : memref<1x125xi32, #tpu.memory_space<vmem>> -> memref<125xi32, #tpu.memory_space<vmem>>
      %dma_start3A_204 = arith.constant 0 : i32
      %dma_start3A_205 = arith.constant 0 : i32
      %dma_start3A_206 = tpu.memref_slice %arg9[%dma_start3A_204, %dma_start3A_205] : memref<10000x64xf32, #tpu.memory_space<vmem_shared>> -> memref<10000x64xf32, #tpu.memory_space<vmem_shared>>
      tpu.enqueue_indirect_dma source(%dma_start3A_200 : memref<125x64xf32, #tpu.memory_space<vmem>>) target(%dma_start3A_206 : memref<10000x64xf32, #tpu.memory_space<vmem_shared>>) offsets(%dma_start3A_203 : memref<125xi32, #tpu.memory_space<vmem>>) semaphore(%arg11 : memref<!tpu.dma_semaphore, #tpu.memory_space<semaphore_mem>>) {add = true}
      %dma_wait3A_207 = arith.constant 125 : i32
      %dma_wait3A_208 = arith.constant 0 : i32
      %dma_wait3A_209 = tpu.memref_slice %arg8[%dma_wait3A_207, %dma_wait3A_208] : memref<1000x64xf32, #tpu.memory_space<vmem>> -> memref<125x64xf32, #tpu.memory_space<vmem>>
      %dma_wait3A_210 = arith.constant 0 : i32
      %dma_wait3A_211 = tpu.memref_slice %arg6[%add3A_80, %dma_wait3A_210] : memref<80x125xi32, #tpu.memory_space<vmem>> -> memref<1x125xi32, #tpu.memory_space<vmem>>
      %dma_wait3A_212 = tpu.memref_squeeze %dma_wait3A_211 : memref<1x125xi32, #tpu.memory_space<vmem>> -> memref<125xi32, #tpu.memory_space<vmem>>
      %dma_wait3A_213 = arith.constant 0 : i32
      %dma_wait3A_214 = arith.constant 0 : i32
      %dma_wait3A_215 = tpu.memref_slice %arg2[%arg0, %dma_wait3A_213, %dma_wait3A_214] : memref<2x10000x64xf32, #tpu.memory_space<hbm>> -> memref<1x10000x64xf32, #tpu.memory_space<hbm>>
      %dma_wait3A_216 = tpu.memref_squeeze %dma_wait3A_215 : memref<1x10000x64xf32, #tpu.memory_space<hbm>> -> memref<10000x64xf32, #tpu.memory_space<hbm>>
      %dma_wait3A_217 = arith.constant 0 : i32
      %dma_wait3A_218 = arith.constant 0 : i32
      %dma_wait3A_219 = tpu.memref_slice %dma_wait3A_216[%dma_wait3A_217, %dma_wait3A_218] : memref<10000x64xf32, #tpu.memory_space<hbm>> -> memref<10000x64xf32, #tpu.memory_space<hbm>>
      tpu.wait_indirect_dma semaphore(%arg10 : memref<!tpu.dma_semaphore, #tpu.memory_space<semaphore_mem>>) src(%dma_wait3A_219 : memref<10000x64xf32, #tpu.memory_space<hbm>>) dst(%dma_wait3A_209 : memref<125x64xf32, #tpu.memory_space<vmem>>)
      %add3A_220 = arith.constant 1 : i32
      %add3A_221 = arith.addi %mul3A_64, %add3A_220 : i32
      %dma_start3A_222 = arith.constant 125 : i32
      %dma_start3A_223 = arith.constant 0 : i32
      %dma_start3A_224 = tpu.memref_slice %arg8[%dma_start3A_222, %dma_start3A_223] : memref<1000x64xf32, #tpu.memory_space<vmem>> -> memref<125x64xf32, #tpu.memory_space<vmem>>
      %dma_start3A_225 = arith.constant 0 : i32
      %dma_start3A_226 = tpu.memref_slice %arg7[%add3A_221, %dma_start3A_225] : memref<80x125xi32, #tpu.memory_space<vmem>> -> memref<1x125xi32, #tpu.memory_space<vmem>>
      %dma_start3A_227 = tpu.memref_squeeze %dma_start3A_226 : memref<1x125xi32, #tpu.memory_space<vmem>> -> memref<125xi32, #tpu.memory_space<vmem>>
      %dma_start3A_228 = arith.constant 0 : i32
      %dma_start3A_229 = arith.constant 0 : i32
      %dma_start3A_230 = tpu.memref_slice %arg9[%dma_start3A_228, %dma_start3A_229] : memref<10000x64xf32, #tpu.memory_space<vmem_shared>> -> memref<10000x64xf32, #tpu.memory_space<vmem_shared>>
      tpu.enqueue_indirect_dma source(%dma_start3A_224 : memref<125x64xf32, #tpu.memory_space<vmem>>) target(%dma_start3A_230 : memref<10000x64xf32, #tpu.memory_space<vmem_shared>>) offsets(%dma_start3A_227 : memref<125xi32, #tpu.memory_space<vmem>>) semaphore(%arg11 : memref<!tpu.dma_semaphore, #tpu.memory_space<semaphore_mem>>) {add = true}
      %dma_wait3A_231 = arith.constant 250 : i32
      %dma_wait3A_232 = arith.constant 0 : i32
      %dma_wait3A_233 = tpu.memref_slice %arg8[%dma_wait3A_231, %dma_wait3A_232] : memref<1000x64xf32, #tpu.memory_space<vmem>> -> memref<125x64xf32, #tpu.memory_space<vmem>>
      %dma_wait3A_234 = arith.constant 0 : i32
      %dma_wait3A_235 = tpu.memref_slice %arg6[%add3A_95, %dma_wait3A_234] : memref<80x125xi32, #tpu.memory_space<vmem>> -> memref<1x125xi32, #tpu.memory_space<vmem>>
      %dma_wait3A_236 = tpu.memref_squeeze %dma_wait3A_235 : memref<1x125xi32, #tpu.memory_space<vmem>> -> memref<125xi32, #tpu.memory_space<vmem>>
      %dma_wait3A_237 = arith.constant 0 : i32
      %dma_wait3A_238 = arith.constant 0 : i32
      %dma_wait3A_239 = tpu.memref_slice %arg2[%arg0, %dma_wait3A_237, %dma_wait3A_238] : memref<2x10000x64xf32, #tpu.memory_space<hbm>> -> memref<1x10000x64xf32, #tpu.memory_space<hbm>>
      %dma_wait3A_240 = tpu.memref_squeeze %dma_wait3A_239 : memref<1x10000x64xf32, #tpu.memory_space<hbm>> -> memref<10000x64xf32, #tpu.memory_space<hbm>>
      %dma_wait3A_241 = arith.constant 0 : i32
      %dma_wait3A_242 = arith.constant 0 : i32
      %dma_wait3A_243 = tpu.memref_slice %dma_wait3A_240[%dma_wait3A_241, %dma_wait3A_242] : memref<10000x64xf32, #tpu.memory_space<hbm>> -> memref<10000x64xf32, #tpu.memory_space<hbm>>
      tpu.wait_indirect_dma semaphore(%arg10 : memref<!tpu.dma_semaphore, #tpu.memory_space<semaphore_mem>>) src(%dma_wait3A_243 : memref<10000x64xf32, #tpu.memory_space<hbm>>) dst(%dma_wait3A_233 : memref<125x64xf32, #tpu.memory_space<vmem>>)
      %add3A_244 = arith.constant 2 : i32
      %add3A_245 = arith.addi %mul3A_64, %add3A_244 : i32
      %dma_start3A_246 = arith.constant 250 : i32
      %dma_start3A_247 = arith.constant 0 : i32
      %dma_start3A_248 = tpu.memref_slice %arg8[%dma_start3A_246, %dma_start3A_247] : memref<1000x64xf32, #tpu.memory_space<vmem>> -> memref<125x64xf32, #tpu.memory_space<vmem>>
      %dma_start3A_249 = arith.constant 0 : i32
      %dma_start3A_250 = tpu.memref_slice %arg7[%add3A_245, %dma_start3A_249] : memref<80x125xi32, #tpu.memory_space<vmem>> -> memref<1x125xi32, #tpu.memory_space<vmem>>
      %dma_start3A_251 = tpu.memref_squeeze %dma_start3A_250 : memref<1x125xi32, #tpu.memory_space<vmem>> -> memref<125xi32, #tpu.memory_space<vmem>>
      %dma_start3A_252 = arith.constant 0 : i32
      %dma_start3A_253 = arith.constant 0 : i32
      %dma_start3A_254 = tpu.memref_slice %arg9[%dma_start3A_252, %dma_start3A_253] : memref<10000x64xf32, #tpu.memory_space<vmem_shared>> -> memref<10000x64xf32, #tpu.memory_space<vmem_shared>>
      tpu.enqueue_indirect_dma source(%dma_start3A_248 : memref<125x64xf32, #tpu.memory_space<vmem>>) target(%dma_start3A_254 : memref<10000x64xf32, #tpu.memory_space<vmem_shared>>) offsets(%dma_start3A_251 : memref<125xi32, #tpu.memory_space<vmem>>) semaphore(%arg11 : memref<!tpu.dma_semaphore, #tpu.memory_space<semaphore_mem>>) {add = true}
      %dma_wait3A_255 = arith.constant 375 : i32
      %dma_wait3A_256 = arith.constant 0 : i32
      %dma_wait3A_257 = tpu.memref_slice %arg8[%dma_wait3A_255, %dma_wait3A_256] : memref<1000x64xf32, #tpu.memory_space<vmem>> -> memref<125x64xf32, #tpu.memory_space<vmem>>
      %dma_wait3A_258 = arith.constant 0 : i32
      %dma_wait3A_259 = tpu.memref_slice %arg6[%add3A_110, %dma_wait3A_258] : memref<80x125xi32, #tpu.memory_space<vmem>> -> memref<1x125xi32, #tpu.memory_space<vmem>>
      %dma_wait3A_260 = tpu.memref_squeeze %dma_wait3A_259 : memref<1x125xi32, #tpu.memory_space<vmem>> -> memref<125xi32, #tpu.memory_space<vmem>>
      %dma_wait3A_261 = arith.constant 0 : i32
      %dma_wait3A_262 = arith.constant 0 : i32
      %dma_wait3A_263 = tpu.memref_slice %arg2[%arg0, %dma_wait3A_261, %dma_wait3A_262] : memref<2x10000x64xf32, #tpu.memory_space<hbm>> -> memref<1x10000x64xf32, #tpu.memory_space<hbm>>
      %dma_wait3A_264 = tpu.memref_squeeze %dma_wait3A_263 : memref<1x10000x64xf32, #tpu.memory_space<hbm>> -> memref<10000x64xf32, #tpu.memory_space<hbm>>
      %dma_wait3A_265 = arith.constant 0 : i32
      %dma_wait3A_266 = arith.constant 0 : i32
      %dma_wait3A_267 = tpu.memref_slice %dma_wait3A_264[%dma_wait3A_265, %dma_wait3A_266] : memref<10000x64xf32, #tpu.memory_space<hbm>> -> memref<10000x64xf32, #tpu.memory_space<hbm>>
      tpu.wait_indirect_dma semaphore(%arg10 : memref<!tpu.dma_semaphore, #tpu.memory_space<semaphore_mem>>) src(%dma_wait3A_267 : memref<10000x64xf32, #tpu.memory_space<hbm>>) dst(%dma_wait3A_257 : memref<125x64xf32, #tpu.memory_space<vmem>>)
      %add3A_268 = arith.constant 3 : i32
      %add3A_269 = arith.addi %mul3A_64, %add3A_268 : i32
      %dma_start3A_270 = arith.constant 375 : i32
      %dma_start3A_271 = arith.constant 0 : i32
      %dma_start3A_272 = tpu.memref_slice %arg8[%dma_start3A_270, %dma_start3A_271] : memref<1000x64xf32, #tpu.memory_space<vmem>> -> memref<125x64xf32, #tpu.memory_space<vmem>>
      %dma_start3A_273 = arith.constant 0 : i32
      %dma_start3A_274 = tpu.memref_slice %arg7[%add3A_269, %dma_start3A_273] : memref<80x125xi32, #tpu.memory_space<vmem>> -> memref<1x125xi32, #tpu.memory_space<vmem>>
      %dma_start3A_275 = tpu.memref_squeeze %dma_start3A_274 : memref<1x125xi32, #tpu.memory_space<vmem>> -> memref<125xi32, #tpu.memory_space<vmem>>
      %dma_start3A_276 = arith.constant 0 : i32
      %dma_start3A_277 = arith.constant 0 : i32
      %dma_start3A_278 = tpu.memref_slice %arg9[%dma_start3A_276, %dma_start3A_277] : memref<10000x64xf32, #tpu.memory_space<vmem_shared>> -> memref<10000x64xf32, #tpu.memory_space<vmem_shared>>
      tpu.enqueue_indirect_dma source(%dma_start3A_272 : memref<125x64xf32, #tpu.memory_space<vmem>>) target(%dma_start3A_278 : memref<10000x64xf32, #tpu.memory_space<vmem_shared>>) offsets(%dma_start3A_275 : memref<125xi32, #tpu.memory_space<vmem>>) semaphore(%arg11 : memref<!tpu.dma_semaphore, #tpu.memory_space<semaphore_mem>>) {add = true}
      %dma_wait3A_279 = arith.constant 500 : i32
      %dma_wait3A_280 = arith.constant 0 : i32
      %dma_wait3A_281 = tpu.memref_slice %arg8[%dma_wait3A_279, %dma_wait3A_280] : memref<1000x64xf32, #tpu.memory_space<vmem>> -> memref<125x64xf32, #tpu.memory_space<vmem>>
      %dma_wait3A_282 = arith.constant 0 : i32
      %dma_wait3A_283 = tpu.memref_slice %arg6[%add3A_125, %dma_wait3A_282] : memref<80x125xi32, #tpu.memory_space<vmem>> -> memref<1x125xi32, #tpu.memory_space<vmem>>
      %dma_wait3A_284 = tpu.memref_squeeze %dma_wait3A_283 : memref<1x125xi32, #tpu.memory_space<vmem>> -> memref<125xi32, #tpu.memory_space<vmem>>
      %dma_wait3A_285 = arith.constant 0 : i32
      %dma_wait3A_286 = arith.constant 0 : i32
      %dma_wait3A_287 = tpu.memref_slice %arg2[%arg0, %dma_wait3A_285, %dma_wait3A_286] : memref<2x10000x64xf32, #tpu.memory_space<hbm>> -> memref<1x10000x64xf32, #tpu.memory_space<hbm>>
      %dma_wait3A_288 = tpu.memref_squeeze %dma_wait3A_287 : memref<1x10000x64xf32, #tpu.memory_space<hbm>> -> memref<10000x64xf32, #tpu.memory_space<hbm>>
      %dma_wait3A_289 = arith.constant 0 : i32
      %dma_wait3A_290 = arith.constant 0 : i32
      %dma_wait3A_291 = tpu.memref_slice %dma_wait3A_288[%dma_wait3A_289, %dma_wait3A_290] : memref<10000x64xf32, #tpu.memory_space<hbm>> -> memref<10000x64xf32, #tpu.memory_space<hbm>>
      tpu.wait_indirect_dma semaphore(%arg10 : memref<!tpu.dma_semaphore, #tpu.memory_space<semaphore_mem>>) src(%dma_wait3A_291 : memref<10000x64xf32, #tpu.memory_space<hbm>>) dst(%dma_wait3A_281 : memref<125x64xf32, #tpu.memory_space<vmem>>)
      %add3A_292 = arith.constant 4 : i32
      %add3A_293 = arith.addi %mul3A_64, %add3A_292 : i32
      %dma_start3A_294 = arith.constant 500 : i32
      %dma_start3A_295 = arith.constant 0 : i32
      %dma_start3A_296 = tpu.memref_slice %arg8[%dma_start3A_294, %dma_start3A_295] : memref<1000x64xf32, #tpu.memory_space<vmem>> -> memref<125x64xf32, #tpu.memory_space<vmem>>
      %dma_start3A_297 = arith.constant 0 : i32
      %dma_start3A_298 = tpu.memref_slice %arg7[%add3A_293, %dma_start3A_297] : memref<80x125xi32, #tpu.memory_space<vmem>> -> memref<1x125xi32, #tpu.memory_space<vmem>>
      %dma_start3A_299 = tpu.memref_squeeze %dma_start3A_298 : memref<1x125xi32, #tpu.memory_space<vmem>> -> memref<125xi32, #tpu.memory_space<vmem>>
      %dma_start3A_300 = arith.constant 0 : i32
      %dma_start3A_301 = arith.constant 0 : i32
      %dma_start3A_302 = tpu.memref_slice %arg9[%dma_start3A_300, %dma_start3A_301] : memref<10000x64xf32, #tpu.memory_space<vmem_shared>> -> memref<10000x64xf32, #tpu.memory_space<vmem_shared>>
      tpu.enqueue_indirect_dma source(%dma_start3A_296 : memref<125x64xf32, #tpu.memory_space<vmem>>) target(%dma_start3A_302 : memref<10000x64xf32, #tpu.memory_space<vmem_shared>>) offsets(%dma_start3A_299 : memref<125xi32, #tpu.memory_space<vmem>>) semaphore(%arg11 : memref<!tpu.dma_semaphore, #tpu.memory_space<semaphore_mem>>) {add = true}
      %dma_wait3A_303 = arith.constant 625 : i32
      %dma_wait3A_304 = arith.constant 0 : i32
      %dma_wait3A_305 = tpu.memref_slice %arg8[%dma_wait3A_303, %dma_wait3A_304] : memref<1000x64xf32, #tpu.memory_space<vmem>> -> memref<125x64xf32, #tpu.memory_space<vmem>>
      %dma_wait3A_306 = arith.constant 0 : i32
      %dma_wait3A_307 = tpu.memref_slice %arg6[%add3A_140, %dma_wait3A_306] : memref<80x125xi32, #tpu.memory_space<vmem>> -> memref<1x125xi32, #tpu.memory_space<vmem>>
      %dma_wait3A_308 = tpu.memref_squeeze %dma_wait3A_307 : memref<1x125xi32, #tpu.memory_space<vmem>> -> memref<125xi32, #tpu.memory_space<vmem>>
      %dma_wait3A_309 = arith.constant 0 : i32
      %dma_wait3A_310 = arith.constant 0 : i32
      %dma_wait3A_311 = tpu.memref_slice %arg2[%arg0, %dma_wait3A_309, %dma_wait3A_310] : memref<2x10000x64xf32, #tpu.memory_space<hbm>> -> memref<1x10000x64xf32, #tpu.memory_space<hbm>>
      %dma_wait3A_312 = tpu.memref_squeeze %dma_wait3A_311 : memref<1x10000x64xf32, #tpu.memory_space<hbm>> -> memref<10000x64xf32, #tpu.memory_space<hbm>>
      %dma_wait3A_313 = arith.constant 0 : i32
      %dma_wait3A_314 = arith.constant 0 : i32
      %dma_wait3A_315 = tpu.memref_slice %dma_wait3A_312[%dma_wait3A_313, %dma_wait3A_314] : memref<10000x64xf32, #tpu.memory_space<hbm>> -> memref<10000x64xf32, #tpu.memory_space<hbm>>
      tpu.wait_indirect_dma semaphore(%arg10 : memref<!tpu.dma_semaphore, #tpu.memory_space<semaphore_mem>>) src(%dma_wait3A_315 : memref<10000x64xf32, #tpu.memory_space<hbm>>) dst(%dma_wait3A_305 : memref<125x64xf32, #tpu.memory_space<vmem>>)
      %add3A_316 = arith.constant 5 : i32
      %add3A_317 = arith.addi %mul3A_64, %add3A_316 : i32
      %dma_start3A_318 = arith.constant 625 : i32
      %dma_start3A_319 = arith.constant 0 : i32
      %dma_start3A_320 = tpu.memref_slice %arg8[%dma_start3A_318, %dma_start3A_319] : memref<1000x64xf32, #tpu.memory_space<vmem>> -> memref<125x64xf32, #tpu.memory_space<vmem>>
      %dma_start3A_321 = arith.constant 0 : i32
      %dma_start3A_322 = tpu.memref_slice %arg7[%add3A_317, %dma_start3A_321] : memref<80x125xi32, #tpu.memory_space<vmem>> -> memref<1x125xi32, #tpu.memory_space<vmem>>
      %dma_start3A_323 = tpu.memref_squeeze %dma_start3A_322 : memref<1x125xi32, #tpu.memory_space<vmem>> -> memref<125xi32, #tpu.memory_space<vmem>>
      %dma_start3A_324 = arith.constant 0 : i32
      %dma_start3A_325 = arith.constant 0 : i32
      %dma_start3A_326 = tpu.memref_slice %arg9[%dma_start3A_324, %dma_start3A_325] : memref<10000x64xf32, #tpu.memory_space<vmem_shared>> -> memref<10000x64xf32, #tpu.memory_space<vmem_shared>>
      tpu.enqueue_indirect_dma source(%dma_start3A_320 : memref<125x64xf32, #tpu.memory_space<vmem>>) target(%dma_start3A_326 : memref<10000x64xf32, #tpu.memory_space<vmem_shared>>) offsets(%dma_start3A_323 : memref<125xi32, #tpu.memory_space<vmem>>) semaphore(%arg11 : memref<!tpu.dma_semaphore, #tpu.memory_space<semaphore_mem>>) {add = true}
      %dma_wait3A_327 = arith.constant 750 : i32
      %dma_wait3A_328 = arith.constant 0 : i32
      %dma_wait3A_329 = tpu.memref_slice %arg8[%dma_wait3A_327, %dma_wait3A_328] : memref<1000x64xf32, #tpu.memory_space<vmem>> -> memref<125x64xf32, #tpu.memory_space<vmem>>
      %dma_wait3A_330 = arith.constant 0 : i32
      %dma_wait3A_331 = tpu.memref_slice %arg6[%add3A_155, %dma_wait3A_330] : memref<80x125xi32, #tpu.memory_space<vmem>> -> memref<1x125xi32, #tpu.memory_space<vmem>>
      %dma_wait3A_332 = tpu.memref_squeeze %dma_wait3A_331 : memref<1x125xi32, #tpu.memory_space<vmem>> -> memref<125xi32, #tpu.memory_space<vmem>>
      %dma_wait3A_333 = arith.constant 0 : i32
      %dma_wait3A_334 = arith.constant 0 : i32
      %dma_wait3A_335 = tpu.memref_slice %arg2[%arg0, %dma_wait3A_333, %dma_wait3A_334] : memref<2x10000x64xf32, #tpu.memory_space<hbm>> -> memref<1x10000x64xf32, #tpu.memory_space<hbm>>
      %dma_wait3A_336 = tpu.memref_squeeze %dma_wait3A_335 : memref<1x10000x64xf32, #tpu.memory_space<hbm>> -> memref<10000x64xf32, #tpu.memory_space<hbm>>
      %dma_wait3A_337 = arith.constant 0 : i32
      %dma_wait3A_338 = arith.constant 0 : i32
      %dma_wait3A_339 = tpu.memref_slice %dma_wait3A_336[%dma_wait3A_337, %dma_wait3A_338] : memref<10000x64xf32, #tpu.memory_space<hbm>> -> memref<10000x64xf32, #tpu.memory_space<hbm>>
      tpu.wait_indirect_dma semaphore(%arg10 : memref<!tpu.dma_semaphore, #tpu.memory_space<semaphore_mem>>) src(%dma_wait3A_339 : memref<10000x64xf32, #tpu.memory_space<hbm>>) dst(%dma_wait3A_329 : memref<125x64xf32, #tpu.memory_space<vmem>>)
      %add3A_340 = arith.constant 6 : i32
      %add3A_341 = arith.addi %mul3A_64, %add3A_340 : i32
      %dma_start3A_342 = arith.constant 750 : i32
      %dma_start3A_343 = arith.constant 0 : i32
      %dma_start3A_344 = tpu.memref_slice %arg8[%dma_start3A_342, %dma_start3A_343] : memref<1000x64xf32, #tpu.memory_space<vmem>> -> memref<125x64xf32, #tpu.memory_space<vmem>>
      %dma_start3A_345 = arith.constant 0 : i32
      %dma_start3A_346 = tpu.memref_slice %arg7[%add3A_341, %dma_start3A_345] : memref<80x125xi32, #tpu.memory_space<vmem>> -> memref<1x125xi32, #tpu.memory_space<vmem>>
      %dma_start3A_347 = tpu.memref_squeeze %dma_start3A_346 : memref<1x125xi32, #tpu.memory_space<vmem>> -> memref<125xi32, #tpu.memory_space<vmem>>
      %dma_start3A_348 = arith.constant 0 : i32
      %dma_start3A_349 = arith.constant 0 : i32
      %dma_start3A_350 = tpu.memref_slice %arg9[%dma_start3A_348, %dma_start3A_349] : memref<10000x64xf32, #tpu.memory_space<vmem_shared>> -> memref<10000x64xf32, #tpu.memory_space<vmem_shared>>
      tpu.enqueue_indirect_dma source(%dma_start3A_344 : memref<125x64xf32, #tpu.memory_space<vmem>>) target(%dma_start3A_350 : memref<10000x64xf32, #tpu.memory_space<vmem_shared>>) offsets(%dma_start3A_347 : memref<125xi32, #tpu.memory_space<vmem>>) semaphore(%arg11 : memref<!tpu.dma_semaphore, #tpu.memory_space<semaphore_mem>>) {add = true}
      %dma_wait3A_351 = arith.constant 875 : i32
      %dma_wait3A_352 = arith.constant 0 : i32
      %dma_wait3A_353 = tpu.memref_slice %arg8[%dma_wait3A_351, %dma_wait3A_352] : memref<1000x64xf32, #tpu.memory_space<vmem>> -> memref<125x64xf32, #tpu.memory_space<vmem>>
      %dma_wait3A_354 = arith.constant 0 : i32
      %dma_wait3A_355 = tpu.memref_slice %arg6[%add3A_170, %dma_wait3A_354] : memref<80x125xi32, #tpu.memory_space<vmem>> -> memref<1x125xi32, #tpu.memory_space<vmem>>
      %dma_wait3A_356 = tpu.memref_squeeze %dma_wait3A_355 : memref<1x125xi32, #tpu.memory_space<vmem>> -> memref<125xi32, #tpu.memory_space<vmem>>
      %dma_wait3A_357 = arith.constant 0 : i32
      %dma_wait3A_358 = arith.constant 0 : i32
      %dma_wait3A_359 = tpu.memref_slice %arg2[%arg0, %dma_wait3A_357, %dma_wait3A_358] : memref<2x10000x64xf32, #tpu.memory_space<hbm>> -> memref<1x10000x64xf32, #tpu.memory_space<hbm>>
      %dma_wait3A_360 = tpu.memref_squeeze %dma_wait3A_359 : memref<1x10000x64xf32, #tpu.memory_space<hbm>> -> memref<10000x64xf32, #tpu.memory_space<hbm>>
      %dma_wait3A_361 = arith.constant 0 : i32
      %dma_wait3A_362 = arith.constant 0 : i32
      %dma_wait3A_363 = tpu.memref_slice %dma_wait3A_360[%dma_wait3A_361, %dma_wait3A_362] : memref<10000x64xf32, #tpu.memory_space<hbm>> -> memref<10000x64xf32, #tpu.memory_space<hbm>>
      tpu.wait_indirect_dma semaphore(%arg10 : memref<!tpu.dma_semaphore, #tpu.memory_space<semaphore_mem>>) src(%dma_wait3A_363 : memref<10000x64xf32, #tpu.memory_space<hbm>>) dst(%dma_wait3A_353 : memref<125x64xf32, #tpu.memory_space<vmem>>)
      %add3A_364 = arith.constant 7 : i32
      %add3A_365 = arith.addi %mul3A_64, %add3A_364 : i32
      %dma_start3A_366 = arith.constant 875 : i32
      %dma_start3A_367 = arith.constant 0 : i32
      %dma_start3A_368 = tpu.memref_slice %arg8[%dma_start3A_366, %dma_start3A_367] : memref<1000x64xf32, #tpu.memory_space<vmem>> -> memref<125x64xf32, #tpu.memory_space<vmem>>
      %dma_start3A_369 = arith.constant 0 : i32
      %dma_start3A_370 = tpu.memref_slice %arg7[%add3A_365, %dma_start3A_369] : memref<80x125xi32, #tpu.memory_space<vmem>> -> memref<1x125xi32, #tpu.memory_space<vmem>>
      %dma_start3A_371 = tpu.memref_squeeze %dma_start3A_370 : memref<1x125xi32, #tpu.memory_space<vmem>> -> memref<125xi32, #tpu.memory_space<vmem>>
      %dma_start3A_372 = arith.constant 0 : i32
      %dma_start3A_373 = arith.constant 0 : i32
      %dma_start3A_374 = tpu.memref_slice %arg9[%dma_start3A_372, %dma_start3A_373] : memref<10000x64xf32, #tpu.memory_space<vmem_shared>> -> memref<10000x64xf32, #tpu.memory_space<vmem_shared>>
      tpu.enqueue_indirect_dma source(%dma_start3A_368 : memref<125x64xf32, #tpu.memory_space<vmem>>) target(%dma_start3A_374 : memref<10000x64xf32, #tpu.memory_space<vmem_shared>>) offsets(%dma_start3A_371 : memref<125xi32, #tpu.memory_space<vmem>>) semaphore(%arg11 : memref<!tpu.dma_semaphore, #tpu.memory_space<semaphore_mem>>) {add = true}
      %dma_wait3A_375 = arith.constant 0 : i32
      %dma_wait3A_376 = arith.constant 0 : i32
      %dma_wait3A_377 = tpu.memref_slice %arg8[%dma_wait3A_375, %dma_wait3A_376] : memref<1000x64xf32, #tpu.memory_space<vmem>> -> memref<125x64xf32, #tpu.memory_space<vmem>>
      %dma_wait3A_378 = arith.constant 0 : i32
      %dma_wait3A_379 = tpu.memref_slice %arg7[%add3A_197, %dma_wait3A_378] : memref<80x125xi32, #tpu.memory_space<vmem>> -> memref<1x125xi32, #tpu.memory_space<vmem>>
      %dma_wait3A_380 = tpu.memref_squeeze %dma_wait3A_379 : memref<1x125xi32, #tpu.memory_space<vmem>> -> memref<125xi32, #tpu.memory_space<vmem>>
      %dma_wait3A_381 = arith.constant 0 : i32
      %dma_wait3A_382 = arith.constant 0 : i32
      %dma_wait3A_383 = tpu.memref_slice %arg9[%dma_wait3A_381, %dma_wait3A_382] : memref<10000x64xf32, #tpu.memory_space<vmem_shared>> -> memref<10000x64xf32, #tpu.memory_space<vmem_shared>>
      tpu.wait_indirect_dma semaphore(%arg11 : memref<!tpu.dma_semaphore, #tpu.memory_space<semaphore_mem>>) src(%dma_wait3A_377 : memref<125x64xf32, #tpu.memory_space<vmem>>) dst(%dma_wait3A_383 : memref<10000x64xf32, #tpu.memory_space<vmem_shared>>)
      %dma_wait3A_384 = arith.constant 125 : i32
      %dma_wait3A_385 = arith.constant 0 : i32
      %dma_wait3A_386 = tpu.memref_slice %arg8[%dma_wait3A_384, %dma_wait3A_385] : memref<1000x64xf32, #tpu.memory_space<vmem>> -> memref<125x64xf32, #tpu.memory_space<vmem>>
      %dma_wait3A_387 = arith.constant 0 : i32
      %dma_wait3A_388 = tpu.memref_slice %arg7[%add3A_221, %dma_wait3A_387] : memref<80x125xi32, #tpu.memory_space<vmem>> -> memref<1x125xi32, #tpu.memory_space<vmem>>
      %dma_wait3A_389 = tpu.memref_squeeze %dma_wait3A_388 : memref<1x125xi32, #tpu.memory_space<vmem>> -> memref<125xi32, #tpu.memory_space<vmem>>
      %dma_wait3A_390 = arith.constant 0 : i32
      %dma_wait3A_391 = arith.constant 0 : i32
      %dma_wait3A_392 = tpu.memref_slice %arg9[%dma_wait3A_390, %dma_wait3A_391] : memref<10000x64xf32, #tpu.memory_space<vmem_shared>> -> memref<10000x64xf32, #tpu.memory_space<vmem_shared>>
      tpu.wait_indirect_dma semaphore(%arg11 : memref<!tpu.dma_semaphore, #tpu.memory_space<semaphore_mem>>) src(%dma_wait3A_386 : memref<125x64xf32, #tpu.memory_space<vmem>>) dst(%dma_wait3A_392 : memref<10000x64xf32, #tpu.memory_space<vmem_shared>>)
      %dma_wait3A_393 = arith.constant 250 : i32
      %dma_wait3A_394 = arith.constant 0 : i32
      %dma_wait3A_395 = tpu.memref_slice %arg8[%dma_wait3A_393, %dma_wait3A_394] : memref<1000x64xf32, #tpu.memory_space<vmem>> -> memref<125x64xf32, #tpu.memory_space<vmem>>
      %dma_wait3A_396 = arith.constant 0 : i32
      %dma_wait3A_397 = tpu.memref_slice %arg7[%add3A_245, %dma_wait3A_396] : memref<80x125xi32, #tpu.memory_space<vmem>> -> memref<1x125xi32, #tpu.memory_space<vmem>>
      %dma_wait3A_398 = tpu.memref_squeeze %dma_wait3A_397 : memref<1x125xi32, #tpu.memory_space<vmem>> -> memref<125xi32, #tpu.memory_space<vmem>>
      %dma_wait3A_399 = arith.constant 0 : i32
      %dma_wait3A_400 = arith.constant 0 : i32
      %dma_wait3A_401 = tpu.memref_slice %arg9[%dma_wait3A_399, %dma_wait3A_400] : memref<10000x64xf32, #tpu.memory_space<vmem_shared>> -> memref<10000x64xf32, #tpu.memory_space<vmem_shared>>
      tpu.wait_indirect_dma semaphore(%arg11 : memref<!tpu.dma_semaphore, #tpu.memory_space<semaphore_mem>>) src(%dma_wait3A_395 : memref<125x64xf32, #tpu.memory_space<vmem>>) dst(%dma_wait3A_401 : memref<10000x64xf32, #tpu.memory_space<vmem_shared>>)
      %dma_wait3A_402 = arith.constant 375 : i32
      %dma_wait3A_403 = arith.constant 0 : i32
      %dma_wait3A_404 = tpu.memref_slice %arg8[%dma_wait3A_402, %dma_wait3A_403] : memref<1000x64xf32, #tpu.memory_space<vmem>> -> memref<125x64xf32, #tpu.memory_space<vmem>>
      %dma_wait3A_405 = arith.constant 0 : i32
      %dma_wait3A_406 = tpu.memref_slice %arg7[%add3A_269, %dma_wait3A_405] : memref<80x125xi32, #tpu.memory_space<vmem>> -> memref<1x125xi32, #tpu.memory_space<vmem>>
      %dma_wait3A_407 = tpu.memref_squeeze %dma_wait3A_406 : memref<1x125xi32, #tpu.memory_space<vmem>> -> memref<125xi32, #tpu.memory_space<vmem>>
      %dma_wait3A_408 = arith.constant 0 : i32
      %dma_wait3A_409 = arith.constant 0 : i32
      %dma_wait3A_410 = tpu.memref_slice %arg9[%dma_wait3A_408, %dma_wait3A_409] : memref<10000x64xf32, #tpu.memory_space<vmem_shared>> -> memref<10000x64xf32, #tpu.memory_space<vmem_shared>>
      tpu.wait_indirect_dma semaphore(%arg11 : memref<!tpu.dma_semaphore, #tpu.memory_space<semaphore_mem>>) src(%dma_wait3A_404 : memref<125x64xf32, #tpu.memory_space<vmem>>) dst(%dma_wait3A_410 : memref<10000x64xf32, #tpu.memory_space<vmem_shared>>)
      %dma_wait3A_411 = arith.constant 500 : i32
      %dma_wait3A_412 = arith.constant 0 : i32
      %dma_wait3A_413 = tpu.memref_slice %arg8[%dma_wait3A_411, %dma_wait3A_412] : memref<1000x64xf32, #tpu.memory_space<vmem>> -> memref<125x64xf32, #tpu.memory_space<vmem>>
      %dma_wait3A_414 = arith.constant 0 : i32
      %dma_wait3A_415 = tpu.memref_slice %arg7[%add3A_293, %dma_wait3A_414] : memref<80x125xi32, #tpu.memory_space<vmem>> -> memref<1x125xi32, #tpu.memory_space<vmem>>
      %dma_wait3A_416 = tpu.memref_squeeze %dma_wait3A_415 : memref<1x125xi32, #tpu.memory_space<vmem>> -> memref<125xi32, #tpu.memory_space<vmem>>
      %dma_wait3A_417 = arith.constant 0 : i32
      %dma_wait3A_418 = arith.constant 0 : i32
      %dma_wait3A_419 = tpu.memref_slice %arg9[%dma_wait3A_417, %dma_wait3A_418] : memref<10000x64xf32, #tpu.memory_space<vmem_shared>> -> memref<10000x64xf32, #tpu.memory_space<vmem_shared>>
      tpu.wait_indirect_dma semaphore(%arg11 : memref<!tpu.dma_semaphore, #tpu.memory_space<semaphore_mem>>) src(%dma_wait3A_413 : memref<125x64xf32, #tpu.memory_space<vmem>>) dst(%dma_wait3A_419 : memref<10000x64xf32, #tpu.memory_space<vmem_shared>>)
      %dma_wait3A_420 = arith.constant 625 : i32
      %dma_wait3A_421 = arith.constant 0 : i32
      %dma_wait3A_422 = tpu.memref_slice %arg8[%dma_wait3A_420, %dma_wait3A_421] : memref<1000x64xf32, #tpu.memory_space<vmem>> -> memref<125x64xf32, #tpu.memory_space<vmem>>
      %dma_wait3A_423 = arith.constant 0 : i32
      %dma_wait3A_424 = tpu.memref_slice %arg7[%add3A_317, %dma_wait3A_423] : memref<80x125xi32, #tpu.memory_space<vmem>> -> memref<1x125xi32, #tpu.memory_space<vmem>>
      %dma_wait3A_425 = tpu.memref_squeeze %dma_wait3A_424 : memref<1x125xi32, #tpu.memory_space<vmem>> -> memref<125xi32, #tpu.memory_space<vmem>>
      %dma_wait3A_426 = arith.constant 0 : i32
      %dma_wait3A_427 = arith.constant 0 : i32
      %dma_wait3A_428 = tpu.memref_slice %arg9[%dma_wait3A_426, %dma_wait3A_427] : memref<10000x64xf32, #tpu.memory_space<vmem_shared>> -> memref<10000x64xf32, #tpu.memory_space<vmem_shared>>
      tpu.wait_indirect_dma semaphore(%arg11 : memref<!tpu.dma_semaphore, #tpu.memory_space<semaphore_mem>>) src(%dma_wait3A_422 : memref<125x64xf32, #tpu.memory_space<vmem>>) dst(%dma_wait3A_428 : memref<10000x64xf32, #tpu.memory_space<vmem_shared>>)
      %dma_wait3A_429 = arith.constant 750 : i32
      %dma_wait3A_430 = arith.constant 0 : i32
      %dma_wait3A_431 = tpu.memref_slice %arg8[%dma_wait3A_429, %dma_wait3A_430] : memref<1000x64xf32, #tpu.memory_space<vmem>> -> memref<125x64xf32, #tpu.memory_space<vmem>>
      %dma_wait3A_432 = arith.constant 0 : i32
      %dma_wait3A_433 = tpu.memref_slice %arg7[%add3A_341, %dma_wait3A_432] : memref<80x125xi32, #tpu.memory_space<vmem>> -> memref<1x125xi32, #tpu.memory_space<vmem>>
      %dma_wait3A_434 = tpu.memref_squeeze %dma_wait3A_433 : memref<1x125xi32, #tpu.memory_space<vmem>> -> memref<125xi32, #tpu.memory_space<vmem>>
      %dma_wait3A_435 = arith.constant 0 : i32
      %dma_wait3A_436 = arith.constant 0 : i32
      %dma_wait3A_437 = tpu.memref_slice %arg9[%dma_wait3A_435, %dma_wait3A_436] : memref<10000x64xf32, #tpu.memory_space<vmem_shared>> -> memref<10000x64xf32, #tpu.memory_space<vmem_shared>>
      tpu.wait_indirect_dma semaphore(%arg11 : memref<!tpu.dma_semaphore, #tpu.memory_space<semaphore_mem>>) src(%dma_wait3A_431 : memref<125x64xf32, #tpu.memory_space<vmem>>) dst(%dma_wait3A_437 : memref<10000x64xf32, #tpu.memory_space<vmem_shared>>)
      %dma_wait3A_438 = arith.constant 875 : i32
      %dma_wait3A_439 = arith.constant 0 : i32
      %dma_wait3A_440 = tpu.memref_slice %arg8[%dma_wait3A_438, %dma_wait3A_439] : memref<1000x64xf32, #tpu.memory_space<vmem>> -> memref<125x64xf32, #tpu.memory_space<vmem>>
      %dma_wait3A_441 = arith.constant 0 : i32
      %dma_wait3A_442 = tpu.memref_slice %arg7[%add3A_365, %dma_wait3A_441] : memref<80x125xi32, #tpu.memory_space<vmem>> -> memref<1x125xi32, #tpu.memory_space<vmem>>
      %dma_wait3A_443 = tpu.memref_squeeze %dma_wait3A_442 : memref<1x125xi32, #tpu.memory_space<vmem>> -> memref<125xi32, #tpu.memory_space<vmem>>
      %dma_wait3A_444 = arith.constant 0 : i32
      %dma_wait3A_445 = arith.constant 0 : i32
      %dma_wait3A_446 = tpu.memref_slice %arg9[%dma_wait3A_444, %dma_wait3A_445] : memref<10000x64xf32, #tpu.memory_space<vmem_shared>> -> memref<10000x64xf32, #tpu.memory_space<vmem_shared>>
      tpu.wait_indirect_dma semaphore(%arg11 : memref<!tpu.dma_semaphore, #tpu.memory_space<semaphore_mem>>) src(%dma_wait3A_440 : memref<125x64xf32, #tpu.memory_space<vmem>>) dst(%dma_wait3A_446 : memref<10000x64xf32, #tpu.memory_space<vmem_shared>>)
    }
    %scan3A_38 = arith.constant 10 : i32
    %add3A_39 = arith.constant 80 : i32
    %add3A_40 = arith.addi %mul3A_29, %add3A_39 : i32
    "tpu.region"() ({
      %run_scoped3A = tpu.sem_alloc : memref<!tpu.dma_semaphore, #tpu.memory_space<semaphore_mem>>
      %dma_start3A = arith.constant 0 : i32
      %dma_start3A_58 = tpu.memref_slice %arg3[%add3A_40, %dma_start3A] : memref<2560x125xi32, #tpu.memory_space<hbm>> -> memref<80x125xi32, #tpu.memory_space<hbm>>
      %dma_start3A_59 = arith.constant 0 : i32
      %dma_start3A_60 = tpu.memref_slice %arg3[%add3A_40, %dma_start3A_59] : memref<2560x125xi32, #tpu.memory_space<hbm>> -> memref<80x125xi32, #tpu.memory_space<hbm>>
      tpu.enqueue_dma source(%dma_start3A_60 : memref<80x125xi32, #tpu.memory_space<hbm>>) target(%arg6 : memref<80x125xi32, #tpu.memory_space<vmem>>) target_semaphore(%run_scoped3A : memref<!tpu.dma_semaphore, #tpu.memory_space<semaphore_mem>>)
      %dma_wait3A = arith.constant 0 : i32
      %dma_wait3A_61 = tpu.memref_slice %arg3[%add3A_40, %dma_wait3A] : memref<2560x125xi32, #tpu.memory_space<hbm>> -> memref<80x125xi32, #tpu.memory_space<hbm>>
      %dma_wait3A_62 = arith.constant 0 : i32
      %dma_wait3A_63 = tpu.memref_slice %arg3[%add3A_40, %dma_wait3A_62] : memref<2560x125xi32, #tpu.memory_space<hbm>> -> memref<80x125xi32, #tpu.memory_space<hbm>>
      tpu.wait_dma2 semaphore(%run_scoped3A : memref<!tpu.dma_semaphore, #tpu.memory_space<semaphore_mem>>) src(%dma_wait3A_63 : memref<80x125xi32, #tpu.memory_space<hbm>>) dst(%arg6 : memref<80x125xi32, #tpu.memory_space<vmem>>)
      tpu.yield
    }) : () -> ()
    %add3A_41 = arith.constant 80 : i32
    %add3A_42 = arith.addi %mul3A_29, %add3A_41 : i32
    "tpu.region"() ({
      %run_scoped3A = tpu.sem_alloc : memref<!tpu.dma_semaphore, #tpu.memory_space<semaphore_mem>>
      %dma_start3A = arith.constant 0 : i32
      %dma_start3A_58 = tpu.memref_slice %arg4[%add3A_42, %dma_start3A] : memref<2560x125xi32, #tpu.memory_space<hbm>> -> memref<80x125xi32, #tpu.memory_space<hbm>>
      %dma_start3A_59 = arith.constant 0 : i32
      %dma_start3A_60 = tpu.memref_slice %arg4[%add3A_42, %dma_start3A_59] : memref<2560x125xi32, #tpu.memory_space<hbm>> -> memref<80x125xi32, #tpu.memory_space<hbm>>
      tpu.enqueue_dma source(%dma_start3A_60 : memref<80x125xi32, #tpu.memory_space<hbm>>) target(%arg7 : memref<80x125xi32, #tpu.memory_space<vmem>>) target_semaphore(%run_scoped3A : memref<!tpu.dma_semaphore, #tpu.memory_space<semaphore_mem>>)
      %dma_wait3A = arith.constant 0 : i32
      %dma_wait3A_61 = tpu.memref_slice %arg4[%add3A_42, %dma_wait3A] : memref<2560x125xi32, #tpu.memory_space<hbm>> -> memref<80x125xi32, #tpu.memory_space<hbm>>
      %dma_wait3A_62 = arith.constant 0 : i32
      %dma_wait3A_63 = tpu.memref_slice %arg4[%add3A_42, %dma_wait3A_62] : memref<2560x125xi32, #tpu.memory_space<hbm>> -> memref<80x125xi32, #tpu.memory_space<hbm>>
      tpu.wait_dma2 semaphore(%run_scoped3A : memref<!tpu.dma_semaphore, #tpu.memory_space<semaphore_mem>>) src(%dma_wait3A_63 : memref<80x125xi32, #tpu.memory_space<hbm>>) dst(%arg7 : memref<80x125xi32, #tpu.memory_space<vmem>>)
      tpu.yield
    }) : () -> ()
    %scan3A_43 = arith.constant 0 : i32
    %scan3A_44 = arith.constant 10 : i32
    %scan3A_45 = arith.addi %scan3A_43, %scan3A_44 : i32
    %scan3A_46 = arith.constant 1 : i32
    scf.for %scan3A_58 = %scan3A_43 to %scan3A_45 step %scan3A_46  : i32 {
      %mul3A_59 = arith.constant 1 : i32
      %mul3A_60 = arith.muli %scan3A_58, %mul3A_59 : i32
      %add3A_61 = arith.constant 0 : i32
      %add3A_62 = arith.addi %add3A_61, %mul3A_60 : i32
      %mul3A_63 = arith.constant 8 : i32
      %mul3A_64 = arith.muli %add3A_62, %mul3A_63 : i32
      %add3A_65 = arith.constant 0 : i32
      %add3A_66 = arith.addi %mul3A_64, %add3A_65 : i32
      %dma_start3A = arith.constant 0 : i32
      %dma_start3A_67 = arith.constant 0 : i32
      %dma_start3A_68 = tpu.memref_slice %arg8[%dma_start3A, %dma_start3A_67] : memref<1000x64xf32, #tpu.memory_space<vmem>> -> memref<125x64xf32, #tpu.memory_space<vmem>>
      %dma_start3A_69 = arith.constant 0 : i32
      %dma_start3A_70 = tpu.memref_slice %arg6[%add3A_66, %dma_start3A_69] : memref<80x125xi32, #tpu.memory_space<vmem>> -> memref<1x125xi32, #tpu.memory_space<vmem>>
      %dma_start3A_71 = tpu.memref_squeeze %dma_start3A_70 : memref<1x125xi32, #tpu.memory_space<vmem>> -> memref<125xi32, #tpu.memory_space<vmem>>
      %dma_start3A_72 = arith.constant 0 : i32
      %dma_start3A_73 = arith.constant 0 : i32
      %dma_start3A_74 = tpu.memref_slice %arg2[%arg0, %dma_start3A_72, %dma_start3A_73] : memref<2x10000x64xf32, #tpu.memory_space<hbm>> -> memref<1x10000x64xf32, #tpu.memory_space<hbm>>
      %dma_start3A_75 = tpu.memref_squeeze %dma_start3A_74 : memref<1x10000x64xf32, #tpu.memory_space<hbm>> -> memref<10000x64xf32, #tpu.memory_space<hbm>>
      %dma_start3A_76 = arith.constant 0 : i32
      %dma_start3A_77 = arith.constant 0 : i32
      %dma_start3A_78 = tpu.memref_slice %dma_start3A_75[%dma_start3A_76, %dma_start3A_77] : memref<10000x64xf32, #tpu.memory_space<hbm>> -> memref<10000x64xf32, #tpu.memory_space<hbm>>
      tpu.enqueue_indirect_dma source(%dma_start3A_78 : memref<10000x64xf32, #tpu.memory_space<hbm>>) target(%dma_start3A_68 : memref<125x64xf32, #tpu.memory_space<vmem>>) offsets(%dma_start3A_71 : memref<125xi32, #tpu.memory_space<vmem>>) semaphore(%arg10 : memref<!tpu.dma_semaphore, #tpu.memory_space<semaphore_mem>>)
      %add3A_79 = arith.constant 1 : i32
      %add3A_80 = arith.addi %mul3A_64, %add3A_79 : i32
      %dma_start3A_81 = arith.constant 125 : i32
      %dma_start3A_82 = arith.constant 0 : i32
      %dma_start3A_83 = tpu.memref_slice %arg8[%dma_start3A_81, %dma_start3A_82] : memref<1000x64xf32, #tpu.memory_space<vmem>> -> memref<125x64xf32, #tpu.memory_space<vmem>>
      %dma_start3A_84 = arith.constant 0 : i32
      %dma_start3A_85 = tpu.memref_slice %arg6[%add3A_80, %dma_start3A_84] : memref<80x125xi32, #tpu.memory_space<vmem>> -> memref<1x125xi32, #tpu.memory_space<vmem>>
      %dma_start3A_86 = tpu.memref_squeeze %dma_start3A_85 : memref<1x125xi32, #tpu.memory_space<vmem>> -> memref<125xi32, #tpu.memory_space<vmem>>
      %dma_start3A_87 = arith.constant 0 : i32
      %dma_start3A_88 = arith.constant 0 : i32
      %dma_start3A_89 = tpu.memref_slice %arg2[%arg0, %dma_start3A_87, %dma_start3A_88] : memref<2x10000x64xf32, #tpu.memory_space<hbm>> -> memref<1x10000x64xf32, #tpu.memory_space<hbm>>
      %dma_start3A_90 = tpu.memref_squeeze %dma_start3A_89 : memref<1x10000x64xf32, #tpu.memory_space<hbm>> -> memref<10000x64xf32, #tpu.memory_space<hbm>>
      %dma_start3A_91 = arith.constant 0 : i32
      %dma_start3A_92 = arith.constant 0 : i32
      %dma_start3A_93 = tpu.memref_slice %dma_start3A_90[%dma_start3A_91, %dma_start3A_92] : memref<10000x64xf32, #tpu.memory_space<hbm>> -> memref<10000x64xf32, #tpu.memory_space<hbm>>
      tpu.enqueue_indirect_dma source(%dma_start3A_93 : memref<10000x64xf32, #tpu.memory_space<hbm>>) target(%dma_start3A_83 : memref<125x64xf32, #tpu.memory_space<vmem>>) offsets(%dma_start3A_86 : memref<125xi32, #tpu.memory_space<vmem>>) semaphore(%arg10 : memref<!tpu.dma_semaphore, #tpu.memory_space<semaphore_mem>>)
      %add3A_94 = arith.constant 2 : i32
      %add3A_95 = arith.addi %mul3A_64, %add3A_94 : i32
      %dma_start3A_96 = arith.constant 250 : i32
      %dma_start3A_97 = arith.constant 0 : i32
      %dma_start3A_98 = tpu.memref_slice %arg8[%dma_start3A_96, %dma_start3A_97] : memref<1000x64xf32, #tpu.memory_space<vmem>> -> memref<125x64xf32, #tpu.memory_space<vmem>>
      %dma_start3A_99 = arith.constant 0 : i32
      %dma_start3A_100 = tpu.memref_slice %arg6[%add3A_95, %dma_start3A_99] : memref<80x125xi32, #tpu.memory_space<vmem>> -> memref<1x125xi32, #tpu.memory_space<vmem>>
      %dma_start3A_101 = tpu.memref_squeeze %dma_start3A_100 : memref<1x125xi32, #tpu.memory_space<vmem>> -> memref<125xi32, #tpu.memory_space<vmem>>
      %dma_start3A_102 = arith.constant 0 : i32
      %dma_start3A_103 = arith.constant 0 : i32
      %dma_start3A_104 = tpu.memref_slice %arg2[%arg0, %dma_start3A_102, %dma_start3A_103] : memref<2x10000x64xf32, #tpu.memory_space<hbm>> -> memref<1x10000x64xf32, #tpu.memory_space<hbm>>
      %dma_start3A_105 = tpu.memref_squeeze %dma_start3A_104 : memref<1x10000x64xf32, #tpu.memory_space<hbm>> -> memref<10000x64xf32, #tpu.memory_space<hbm>>
      %dma_start3A_106 = arith.constant 0 : i32
      %dma_start3A_107 = arith.constant 0 : i32
      %dma_start3A_108 = tpu.memref_slice %dma_start3A_105[%dma_start3A_106, %dma_start3A_107] : memref<10000x64xf32, #tpu.memory_space<hbm>> -> memref<10000x64xf32, #tpu.memory_space<hbm>>
      tpu.enqueue_indirect_dma source(%dma_start3A_108 : memref<10000x64xf32, #tpu.memory_space<hbm>>) target(%dma_start3A_98 : memref<125x64xf32, #tpu.memory_space<vmem>>) offsets(%dma_start3A_101 : memref<125xi32, #tpu.memory_space<vmem>>) semaphore(%arg10 : memref<!tpu.dma_semaphore, #tpu.memory_space<semaphore_mem>>)
      %add3A_109 = arith.constant 3 : i32
      %add3A_110 = arith.addi %mul3A_64, %add3A_109 : i32
      %dma_start3A_111 = arith.constant 375 : i32
      %dma_start3A_112 = arith.constant 0 : i32
      %dma_start3A_113 = tpu.memref_slice %arg8[%dma_start3A_111, %dma_start3A_112] : memref<1000x64xf32, #tpu.memory_space<vmem>> -> memref<125x64xf32, #tpu.memory_space<vmem>>
      %dma_start3A_114 = arith.constant 0 : i32
      %dma_start3A_115 = tpu.memref_slice %arg6[%add3A_110, %dma_start3A_114] : memref<80x125xi32, #tpu.memory_space<vmem>> -> memref<1x125xi32, #tpu.memory_space<vmem>>
      %dma_start3A_116 = tpu.memref_squeeze %dma_start3A_115 : memref<1x125xi32, #tpu.memory_space<vmem>> -> memref<125xi32, #tpu.memory_space<vmem>>
      %dma_start3A_117 = arith.constant 0 : i32
      %dma_start3A_118 = arith.constant 0 : i32
      %dma_start3A_119 = tpu.memref_slice %arg2[%arg0, %dma_start3A_117, %dma_start3A_118] : memref<2x10000x64xf32, #tpu.memory_space<hbm>> -> memref<1x10000x64xf32, #tpu.memory_space<hbm>>
      %dma_start3A_120 = tpu.memref_squeeze %dma_start3A_119 : memref<1x10000x64xf32, #tpu.memory_space<hbm>> -> memref<10000x64xf32, #tpu.memory_space<hbm>>
      %dma_start3A_121 = arith.constant 0 : i32
      %dma_start3A_122 = arith.constant 0 : i32
      %dma_start3A_123 = tpu.memref_slice %dma_start3A_120[%dma_start3A_121, %dma_start3A_122] : memref<10000x64xf32, #tpu.memory_space<hbm>> -> memref<10000x64xf32, #tpu.memory_space<hbm>>
      tpu.enqueue_indirect_dma source(%dma_start3A_123 : memref<10000x64xf32, #tpu.memory_space<hbm>>) target(%dma_start3A_113 : memref<125x64xf32, #tpu.memory_space<vmem>>) offsets(%dma_start3A_116 : memref<125xi32, #tpu.memory_space<vmem>>) semaphore(%arg10 : memref<!tpu.dma_semaphore, #tpu.memory_space<semaphore_mem>>)
      %add3A_124 = arith.constant 4 : i32
      %add3A_125 = arith.addi %mul3A_64, %add3A_124 : i32
      %dma_start3A_126 = arith.constant 500 : i32
      %dma_start3A_127 = arith.constant 0 : i32
      %dma_start3A_128 = tpu.memref_slice %arg8[%dma_start3A_126, %dma_start3A_127] : memref<1000x64xf32, #tpu.memory_space<vmem>> -> memref<125x64xf32, #tpu.memory_space<vmem>>
      %dma_start3A_129 = arith.constant 0 : i32
      %dma_start3A_130 = tpu.memref_slice %arg6[%add3A_125, %dma_start3A_129] : memref<80x125xi32, #tpu.memory_space<vmem>> -> memref<1x125xi32, #tpu.memory_space<vmem>>
      %dma_start3A_131 = tpu.memref_squeeze %dma_start3A_130 : memref<1x125xi32, #tpu.memory_space<vmem>> -> memref<125xi32, #tpu.memory_space<vmem>>
      %dma_start3A_132 = arith.constant 0 : i32
      %dma_start3A_133 = arith.constant 0 : i32
      %dma_start3A_134 = tpu.memref_slice %arg2[%arg0, %dma_start3A_132, %dma_start3A_133] : memref<2x10000x64xf32, #tpu.memory_space<hbm>> -> memref<1x10000x64xf32, #tpu.memory_space<hbm>>
      %dma_start3A_135 = tpu.memref_squeeze %dma_start3A_134 : memref<1x10000x64xf32, #tpu.memory_space<hbm>> -> memref<10000x64xf32, #tpu.memory_space<hbm>>
      %dma_start3A_136 = arith.constant 0 : i32
      %dma_start3A_137 = arith.constant 0 : i32
      %dma_start3A_138 = tpu.memref_slice %dma_start3A_135[%dma_start3A_136, %dma_start3A_137] : memref<10000x64xf32, #tpu.memory_space<hbm>> -> memref<10000x64xf32, #tpu.memory_space<hbm>>
      tpu.enqueue_indirect_dma source(%dma_start3A_138 : memref<10000x64xf32, #tpu.memory_space<hbm>>) target(%dma_start3A_128 : memref<125x64xf32, #tpu.memory_space<vmem>>) offsets(%dma_start3A_131 : memref<125xi32, #tpu.memory_space<vmem>>) semaphore(%arg10 : memref<!tpu.dma_semaphore, #tpu.memory_space<semaphore_mem>>)
      %add3A_139 = arith.constant 5 : i32
      %add3A_140 = arith.addi %mul3A_64, %add3A_139 : i32
      %dma_start3A_141 = arith.constant 625 : i32
      %dma_start3A_142 = arith.constant 0 : i32
      %dma_start3A_143 = tpu.memref_slice %arg8[%dma_start3A_141, %dma_start3A_142] : memref<1000x64xf32, #tpu.memory_space<vmem>> -> memref<125x64xf32, #tpu.memory_space<vmem>>
      %dma_start3A_144 = arith.constant 0 : i32
      %dma_start3A_145 = tpu.memref_slice %arg6[%add3A_140, %dma_start3A_144] : memref<80x125xi32, #tpu.memory_space<vmem>> -> memref<1x125xi32, #tpu.memory_space<vmem>>
      %dma_start3A_146 = tpu.memref_squeeze %dma_start3A_145 : memref<1x125xi32, #tpu.memory_space<vmem>> -> memref<125xi32, #tpu.memory_space<vmem>>
      %dma_start3A_147 = arith.constant 0 : i32
      %dma_start3A_148 = arith.constant 0 : i32
      %dma_start3A_149 = tpu.memref_slice %arg2[%arg0, %dma_start3A_147, %dma_start3A_148] : memref<2x10000x64xf32, #tpu.memory_space<hbm>> -> memref<1x10000x64xf32, #tpu.memory_space<hbm>>
      %dma_start3A_150 = tpu.memref_squeeze %dma_start3A_149 : memref<1x10000x64xf32, #tpu.memory_space<hbm>> -> memref<10000x64xf32, #tpu.memory_space<hbm>>
      %dma_start3A_151 = arith.constant 0 : i32
      %dma_start3A_152 = arith.constant 0 : i32
      %dma_start3A_153 = tpu.memref_slice %dma_start3A_150[%dma_start3A_151, %dma_start3A_152] : memref<10000x64xf32, #tpu.memory_space<hbm>> -> memref<10000x64xf32, #tpu.memory_space<hbm>>
      tpu.enqueue_indirect_dma source(%dma_start3A_153 : memref<10000x64xf32, #tpu.memory_space<hbm>>) target(%dma_start3A_143 : memref<125x64xf32, #tpu.memory_space<vmem>>) offsets(%dma_start3A_146 : memref<125xi32, #tpu.memory_space<vmem>>) semaphore(%arg10 : memref<!tpu.dma_semaphore, #tpu.memory_space<semaphore_mem>>)
      %add3A_154 = arith.constant 6 : i32
      %add3A_155 = arith.addi %mul3A_64, %add3A_154 : i32
      %dma_start3A_156 = arith.constant 750 : i32
      %dma_start3A_157 = arith.constant 0 : i32
      %dma_start3A_158 = tpu.memref_slice %arg8[%dma_start3A_156, %dma_start3A_157] : memref<1000x64xf32, #tpu.memory_space<vmem>> -> memref<125x64xf32, #tpu.memory_space<vmem>>
      %dma_start3A_159 = arith.constant 0 : i32
      %dma_start3A_160 = tpu.memref_slice %arg6[%add3A_155, %dma_start3A_159] : memref<80x125xi32, #tpu.memory_space<vmem>> -> memref<1x125xi32, #tpu.memory_space<vmem>>
      %dma_start3A_161 = tpu.memref_squeeze %dma_start3A_160 : memref<1x125xi32, #tpu.memory_space<vmem>> -> memref<125xi32, #tpu.memory_space<vmem>>
      %dma_start3A_162 = arith.constant 0 : i32
      %dma_start3A_163 = arith.constant 0 : i32
      %dma_start3A_164 = tpu.memref_slice %arg2[%arg0, %dma_start3A_162, %dma_start3A_163] : memref<2x10000x64xf32, #tpu.memory_space<hbm>> -> memref<1x10000x64xf32, #tpu.memory_space<hbm>>
      %dma_start3A_165 = tpu.memref_squeeze %dma_start3A_164 : memref<1x10000x64xf32, #tpu.memory_space<hbm>> -> memref<10000x64xf32, #tpu.memory_space<hbm>>
      %dma_start3A_166 = arith.constant 0 : i32
      %dma_start3A_167 = arith.constant 0 : i32
      %dma_start3A_168 = tpu.memref_slice %dma_start3A_165[%dma_start3A_166, %dma_start3A_167] : memref<10000x64xf32, #tpu.memory_space<hbm>> -> memref<10000x64xf32, #tpu.memory_space<hbm>>
      tpu.enqueue_indirect_dma source(%dma_start3A_168 : memref<10000x64xf32, #tpu.memory_space<hbm>>) target(%dma_start3A_158 : memref<125x64xf32, #tpu.memory_space<vmem>>) offsets(%dma_start3A_161 : memref<125xi32, #tpu.memory_space<vmem>>) semaphore(%arg10 : memref<!tpu.dma_semaphore, #tpu.memory_space<semaphore_mem>>)
      %add3A_169 = arith.constant 7 : i32
      %add3A_170 = arith.addi %mul3A_64, %add3A_169 : i32
      %dma_start3A_171 = arith.constant 875 : i32
      %dma_start3A_172 = arith.constant 0 : i32
      %dma_start3A_173 = tpu.memref_slice %arg8[%dma_start3A_171, %dma_start3A_172] : memref<1000x64xf32, #tpu.memory_space<vmem>> -> memref<125x64xf32, #tpu.memory_space<vmem>>
      %dma_start3A_174 = arith.constant 0 : i32
      %dma_start3A_175 = tpu.memref_slice %arg6[%add3A_170, %dma_start3A_174] : memref<80x125xi32, #tpu.memory_space<vmem>> -> memref<1x125xi32, #tpu.memory_space<vmem>>
      %dma_start3A_176 = tpu.memref_squeeze %dma_start3A_175 : memref<1x125xi32, #tpu.memory_space<vmem>> -> memref<125xi32, #tpu.memory_space<vmem>>
      %dma_start3A_177 = arith.constant 0 : i32
      %dma_start3A_178 = arith.constant 0 : i32
      %dma_start3A_179 = tpu.memref_slice %arg2[%arg0, %dma_start3A_177, %dma_start3A_178] : memref<2x10000x64xf32, #tpu.memory_space<hbm>> -> memref<1x10000x64xf32, #tpu.memory_space<hbm>>
      %dma_start3A_180 = tpu.memref_squeeze %dma_start3A_179 : memref<1x10000x64xf32, #tpu.memory_space<hbm>> -> memref<10000x64xf32, #tpu.memory_space<hbm>>
      %dma_start3A_181 = arith.constant 0 : i32
      %dma_start3A_182 = arith.constant 0 : i32
      %dma_start3A_183 = tpu.memref_slice %dma_start3A_180[%dma_start3A_181, %dma_start3A_182] : memref<10000x64xf32, #tpu.memory_space<hbm>> -> memref<10000x64xf32, #tpu.memory_space<hbm>>
      tpu.enqueue_indirect_dma source(%dma_start3A_183 : memref<10000x64xf32, #tpu.memory_space<hbm>>) target(%dma_start3A_173 : memref<125x64xf32, #tpu.memory_space<vmem>>) offsets(%dma_start3A_176 : memref<125xi32, #tpu.memory_space<vmem>>) semaphore(%arg10 : memref<!tpu.dma_semaphore, #tpu.memory_space<semaphore_mem>>)
      %dma_wait3A = arith.constant 0 : i32
      %dma_wait3A_184 = arith.constant 0 : i32
      %dma_wait3A_185 = tpu.memref_slice %arg8[%dma_wait3A, %dma_wait3A_184] : memref<1000x64xf32, #tpu.memory_space<vmem>> -> memref<125x64xf32, #tpu.memory_space<vmem>>
      %dma_wait3A_186 = arith.constant 0 : i32
      %dma_wait3A_187 = tpu.memref_slice %arg6[%add3A_66, %dma_wait3A_186] : memref<80x125xi32, #tpu.memory_space<vmem>> -> memref<1x125xi32, #tpu.memory_space<vmem>>
      %dma_wait3A_188 = tpu.memref_squeeze %dma_wait3A_187 : memref<1x125xi32, #tpu.memory_space<vmem>> -> memref<125xi32, #tpu.memory_space<vmem>>
      %dma_wait3A_189 = arith.constant 0 : i32
      %dma_wait3A_190 = arith.constant 0 : i32
      %dma_wait3A_191 = tpu.memref_slice %arg2[%arg0, %dma_wait3A_189, %dma_wait3A_190] : memref<2x10000x64xf32, #tpu.memory_space<hbm>> -> memref<1x10000x64xf32, #tpu.memory_space<hbm>>
      %dma_wait3A_192 = tpu.memref_squeeze %dma_wait3A_191 : memref<1x10000x64xf32, #tpu.memory_space<hbm>> -> memref<10000x64xf32, #tpu.memory_space<hbm>>
      %dma_wait3A_193 = arith.constant 0 : i32
      %dma_wait3A_194 = arith.constant 0 : i32
      %dma_wait3A_195 = tpu.memref_slice %dma_wait3A_192[%dma_wait3A_193, %dma_wait3A_194] : memref<10000x64xf32, #tpu.memory_space<hbm>> -> memref<10000x64xf32, #tpu.memory_space<hbm>>
      tpu.wait_indirect_dma semaphore(%arg10 : memref<!tpu.dma_semaphore, #tpu.memory_space<semaphore_mem>>) src(%dma_wait3A_195 : memref<10000x64xf32, #tpu.memory_space<hbm>>) dst(%dma_wait3A_185 : memref<125x64xf32, #tpu.memory_space<vmem>>)
      %add3A_196 = arith.constant 0 : i32
      %add3A_197 = arith.addi %mul3A_64, %add3A_196 : i32
      %dma_start3A_198 = arith.constant 0 : i32
      %dma_start3A_199 = arith.constant 0 : i32
      %dma_start3A_200 = tpu.memref_slice %arg8[%dma_start3A_198, %dma_start3A_199] : memref<1000x64xf32, #tpu.memory_space<vmem>> -> memref<125x64xf32, #tpu.memory_space<vmem>>
      %dma_start3A_201 = arith.constant 0 : i32
      %dma_start3A_202 = tpu.memref_slice %arg7[%add3A_197, %dma_start3A_201] : memref<80x125xi32, #tpu.memory_space<vmem>> -> memref<1x125xi32, #tpu.memory_space<vmem>>
      %dma_start3A_203 = tpu.memref_squeeze %dma_start3A_202 : memref<1x125xi32, #tpu.memory_space<vmem>> -> memref<125xi32, #tpu.memory_space<vmem>>
      %dma_start3A_204 = arith.constant 0 : i32
      %dma_start3A_205 = arith.constant 0 : i32
      %dma_start3A_206 = tpu.memref_slice %arg9[%dma_start3A_204, %dma_start3A_205] : memref<10000x64xf32, #tpu.memory_space<vmem_shared>> -> memref<10000x64xf32, #tpu.memory_space<vmem_shared>>
      tpu.enqueue_indirect_dma source(%dma_start3A_200 : memref<125x64xf32, #tpu.memory_space<vmem>>) target(%dma_start3A_206 : memref<10000x64xf32, #tpu.memory_space<vmem_shared>>) offsets(%dma_start3A_203 : memref<125xi32, #tpu.memory_space<vmem>>) semaphore(%arg11 : memref<!tpu.dma_semaphore, #tpu.memory_space<semaphore_mem>>) {add = true}
      %dma_wait3A_207 = arith.constant 125 : i32
      %dma_wait3A_208 = arith.constant 0 : i32
      %dma_wait3A_209 = tpu.memref_slice %arg8[%dma_wait3A_207, %dma_wait3A_208] : memref<1000x64xf32, #tpu.memory_space<vmem>> -> memref<125x64xf32, #tpu.memory_space<vmem>>
      %dma_wait3A_210 = arith.constant 0 : i32
      %dma_wait3A_211 = tpu.memref_slice %arg6[%add3A_80, %dma_wait3A_210] : memref<80x125xi32, #tpu.memory_space<vmem>> -> memref<1x125xi32, #tpu.memory_space<vmem>>
      %dma_wait3A_212 = tpu.memref_squeeze %dma_wait3A_211 : memref<1x125xi32, #tpu.memory_space<vmem>> -> memref<125xi32, #tpu.memory_space<vmem>>
      %dma_wait3A_213 = arith.constant 0 : i32
      %dma_wait3A_214 = arith.constant 0 : i32
      %dma_wait3A_215 = tpu.memref_slice %arg2[%arg0, %dma_wait3A_213, %dma_wait3A_214] : memref<2x10000x64xf32, #tpu.memory_space<hbm>> -> memref<1x10000x64xf32, #tpu.memory_space<hbm>>
      %dma_wait3A_216 = tpu.memref_squeeze %dma_wait3A_215 : memref<1x10000x64xf32, #tpu.memory_space<hbm>> -> memref<10000x64xf32, #tpu.memory_space<hbm>>
      %dma_wait3A_217 = arith.constant 0 : i32
      %dma_wait3A_218 = arith.constant 0 : i32
      %dma_wait3A_219 = tpu.memref_slice %dma_wait3A_216[%dma_wait3A_217, %dma_wait3A_218] : memref<10000x64xf32, #tpu.memory_space<hbm>> -> memref<10000x64xf32, #tpu.memory_space<hbm>>
      tpu.wait_indirect_dma semaphore(%arg10 : memref<!tpu.dma_semaphore, #tpu.memory_space<semaphore_mem>>) src(%dma_wait3A_219 : memref<10000x64xf32, #tpu.memory_space<hbm>>) dst(%dma_wait3A_209 : memref<125x64xf32, #tpu.memory_space<vmem>>)
      %add3A_220 = arith.constant 1 : i32
      %add3A_221 = arith.addi %mul3A_64, %add3A_220 : i32
      %dma_start3A_222 = arith.constant 125 : i32
      %dma_start3A_223 = arith.constant 0 : i32
      %dma_start3A_224 = tpu.memref_slice %arg8[%dma_start3A_222, %dma_start3A_223] : memref<1000x64xf32, #tpu.memory_space<vmem>> -> memref<125x64xf32, #tpu.memory_space<vmem>>
      %dma_start3A_225 = arith.constant 0 : i32
      %dma_start3A_226 = tpu.memref_slice %arg7[%add3A_221, %dma_start3A_225] : memref<80x125xi32, #tpu.memory_space<vmem>> -> memref<1x125xi32, #tpu.memory_space<vmem>>
      %dma_start3A_227 = tpu.memref_squeeze %dma_start3A_226 : memref<1x125xi32, #tpu.memory_space<vmem>> -> memref<125xi32, #tpu.memory_space<vmem>>
      %dma_start3A_228 = arith.constant 0 : i32
      %dma_start3A_229 = arith.constant 0 : i32
      %dma_start3A_230 = tpu.memref_slice %arg9[%dma_start3A_228, %dma_start3A_229] : memref<10000x64xf32, #tpu.memory_space<vmem_shared>> -> memref<10000x64xf32, #tpu.memory_space<vmem_shared>>
      tpu.enqueue_indirect_dma source(%dma_start3A_224 : memref<125x64xf32, #tpu.memory_space<vmem>>) target(%dma_start3A_230 : memref<10000x64xf32, #tpu.memory_space<vmem_shared>>) offsets(%dma_start3A_227 : memref<125xi32, #tpu.memory_space<vmem>>) semaphore(%arg11 : memref<!tpu.dma_semaphore, #tpu.memory_space<semaphore_mem>>) {add = true}
      %dma_wait3A_231 = arith.constant 250 : i32
      %dma_wait3A_232 = arith.constant 0 : i32
      %dma_wait3A_233 = tpu.memref_slice %arg8[%dma_wait3A_231, %dma_wait3A_232] : memref<1000x64xf32, #tpu.memory_space<vmem>> -> memref<125x64xf32, #tpu.memory_space<vmem>>
      %dma_wait3A_234 = arith.constant 0 : i32
      %dma_wait3A_235 = tpu.memref_slice %arg6[%add3A_95, %dma_wait3A_234] : memref<80x125xi32, #tpu.memory_space<vmem>> -> memref<1x125xi32, #tpu.memory_space<vmem>>
      %dma_wait3A_236 = tpu.memref_squeeze %dma_wait3A_235 : memref<1x125xi32, #tpu.memory_space<vmem>> -> memref<125xi32, #tpu.memory_space<vmem>>
      %dma_wait3A_237 = arith.constant 0 : i32
      %dma_wait3A_238 = arith.constant 0 : i32
      %dma_wait3A_239 = tpu.memref_slice %arg2[%arg0, %dma_wait3A_237, %dma_wait3A_238] : memref<2x10000x64xf32, #tpu.memory_space<hbm>> -> memref<1x10000x64xf32, #tpu.memory_space<hbm>>
      %dma_wait3A_240 = tpu.memref_squeeze %dma_wait3A_239 : memref<1x10000x64xf32, #tpu.memory_space<hbm>> -> memref<10000x64xf32, #tpu.memory_space<hbm>>
      %dma_wait3A_241 = arith.constant 0 : i32
      %dma_wait3A_242 = arith.constant 0 : i32
      %dma_wait3A_243 = tpu.memref_slice %dma_wait3A_240[%dma_wait3A_241, %dma_wait3A_242] : memref<10000x64xf32, #tpu.memory_space<hbm>> -> memref<10000x64xf32, #tpu.memory_space<hbm>>
      tpu.wait_indirect_dma semaphore(%arg10 : memref<!tpu.dma_semaphore, #tpu.memory_space<semaphore_mem>>) src(%dma_wait3A_243 : memref<10000x64xf32, #tpu.memory_space<hbm>>) dst(%dma_wait3A_233 : memref<125x64xf32, #tpu.memory_space<vmem>>)
      %add3A_244 = arith.constant 2 : i32
      %add3A_245 = arith.addi %mul3A_64, %add3A_244 : i32
      %dma_start3A_246 = arith.constant 250 : i32
      %dma_start3A_247 = arith.constant 0 : i32
      %dma_start3A_248 = tpu.memref_slice %arg8[%dma_start3A_246, %dma_start3A_247] : memref<1000x64xf32, #tpu.memory_space<vmem>> -> memref<125x64xf32, #tpu.memory_space<vmem>>
      %dma_start3A_249 = arith.constant 0 : i32
      %dma_start3A_250 = tpu.memref_slice %arg7[%add3A_245, %dma_start3A_249] : memref<80x125xi32, #tpu.memory_space<vmem>> -> memref<1x125xi32, #tpu.memory_space<vmem>>
      %dma_start3A_251 = tpu.memref_squeeze %dma_start3A_250 : memref<1x125xi32, #tpu.memory_space<vmem>> -> memref<125xi32, #tpu.memory_space<vmem>>
      %dma_start3A_252 = arith.constant 0 : i32
      %dma_start3A_253 = arith.constant 0 : i32
      %dma_start3A_254 = tpu.memref_slice %arg9[%dma_start3A_252, %dma_start3A_253] : memref<10000x64xf32, #tpu.memory_space<vmem_shared>> -> memref<10000x64xf32, #tpu.memory_space<vmem_shared>>
      tpu.enqueue_indirect_dma source(%dma_start3A_248 : memref<125x64xf32, #tpu.memory_space<vmem>>) target(%dma_start3A_254 : memref<10000x64xf32, #tpu.memory_space<vmem_shared>>) offsets(%dma_start3A_251 : memref<125xi32, #tpu.memory_space<vmem>>) semaphore(%arg11 : memref<!tpu.dma_semaphore, #tpu.memory_space<semaphore_mem>>) {add = true}
      %dma_wait3A_255 = arith.constant 375 : i32
      %dma_wait3A_256 = arith.constant 0 : i32
      %dma_wait3A_257 = tpu.memref_slice %arg8[%dma_wait3A_255, %dma_wait3A_256] : memref<1000x64xf32, #tpu.memory_space<vmem>> -> memref<125x64xf32, #tpu.memory_space<vmem>>
      %dma_wait3A_258 = arith.constant 0 : i32
      %dma_wait3A_259 = tpu.memref_slice %arg6[%add3A_110, %dma_wait3A_258] : memref<80x125xi32, #tpu.memory_space<vmem>> -> memref<1x125xi32, #tpu.memory_space<vmem>>
      %dma_wait3A_260 = tpu.memref_squeeze %dma_wait3A_259 : memref<1x125xi32, #tpu.memory_space<vmem>> -> memref<125xi32, #tpu.memory_space<vmem>>
      %dma_wait3A_261 = arith.constant 0 : i32
      %dma_wait3A_262 = arith.constant 0 : i32
      %dma_wait3A_263 = tpu.memref_slice %arg2[%arg0, %dma_wait3A_261, %dma_wait3A_262] : memref<2x10000x64xf32, #tpu.memory_space<hbm>> -> memref<1x10000x64xf32, #tpu.memory_space<hbm>>
      %dma_wait3A_264 = tpu.memref_squeeze %dma_wait3A_263 : memref<1x10000x64xf32, #tpu.memory_space<hbm>> -> memref<10000x64xf32, #tpu.memory_space<hbm>>
      %dma_wait3A_265 = arith.constant 0 : i32
      %dma_wait3A_266 = arith.constant 0 : i32
      %dma_wait3A_267 = tpu.memref_slice %dma_wait3A_264[%dma_wait3A_265, %dma_wait3A_266] : memref<10000x64xf32, #tpu.memory_space<hbm>> -> memref<10000x64xf32, #tpu.memory_space<hbm>>
      tpu.wait_indirect_dma semaphore(%arg10 : memref<!tpu.dma_semaphore, #tpu.memory_space<semaphore_mem>>) src(%dma_wait3A_267 : memref<10000x64xf32, #tpu.memory_space<hbm>>) dst(%dma_wait3A_257 : memref<125x64xf32, #tpu.memory_space<vmem>>)
      %add3A_268 = arith.constant 3 : i32
      %add3A_269 = arith.addi %mul3A_64, %add3A_268 : i32
      %dma_start3A_270 = arith.constant 375 : i32
      %dma_start3A_271 = arith.constant 0 : i32
      %dma_start3A_272 = tpu.memref_slice %arg8[%dma_start3A_270, %dma_start3A_271] : memref<1000x64xf32, #tpu.memory_space<vmem>> -> memref<125x64xf32, #tpu.memory_space<vmem>>
      %dma_start3A_273 = arith.constant 0 : i32
      %dma_start3A_274 = tpu.memref_slice %arg7[%add3A_269, %dma_start3A_273] : memref<80x125xi32, #tpu.memory_space<vmem>> -> memref<1x125xi32, #tpu.memory_space<vmem>>
      %dma_start3A_275 = tpu.memref_squeeze %dma_start3A_274 : memref<1x125xi32, #tpu.memory_space<vmem>> -> memref<125xi32, #tpu.memory_space<vmem>>
      %dma_start3A_276 = arith.constant 0 : i32
      %dma_start3A_277 = arith.constant 0 : i32
      %dma_start3A_278 = tpu.memref_slice %arg9[%dma_start3A_276, %dma_start3A_277] : memref<10000x64xf32, #tpu.memory_space<vmem_shared>> -> memref<10000x64xf32, #tpu.memory_space<vmem_shared>>
      tpu.enqueue_indirect_dma source(%dma_start3A_272 : memref<125x64xf32, #tpu.memory_space<vmem>>) target(%dma_start3A_278 : memref<10000x64xf32, #tpu.memory_space<vmem_shared>>) offsets(%dma_start3A_275 : memref<125xi32, #tpu.memory_space<vmem>>) semaphore(%arg11 : memref<!tpu.dma_semaphore, #tpu.memory_space<semaphore_mem>>) {add = true}
      %dma_wait3A_279 = arith.constant 500 : i32
      %dma_wait3A_280 = arith.constant 0 : i32
      %dma_wait3A_281 = tpu.memref_slice %arg8[%dma_wait3A_279, %dma_wait3A_280] : memref<1000x64xf32, #tpu.memory_space<vmem>> -> memref<125x64xf32, #tpu.memory_space<vmem>>
      %dma_wait3A_282 = arith.constant 0 : i32
      %dma_wait3A_283 = tpu.memref_slice %arg6[%add3A_125, %dma_wait3A_282] : memref<80x125xi32, #tpu.memory_space<vmem>> -> memref<1x125xi32, #tpu.memory_space<vmem>>
      %dma_wait3A_284 = tpu.memref_squeeze %dma_wait3A_283 : memref<1x125xi32, #tpu.memory_space<vmem>> -> memref<125xi32, #tpu.memory_space<vmem>>
      %dma_wait3A_285 = arith.constant 0 : i32
      %dma_wait3A_286 = arith.constant 0 : i32
      %dma_wait3A_287 = tpu.memref_slice %arg2[%arg0, %dma_wait3A_285, %dma_wait3A_286] : memref<2x10000x64xf32, #tpu.memory_space<hbm>> -> memref<1x10000x64xf32, #tpu.memory_space<hbm>>
      %dma_wait3A_288 = tpu.memref_squeeze %dma_wait3A_287 : memref<1x10000x64xf32, #tpu.memory_space<hbm>> -> memref<10000x64xf32, #tpu.memory_space<hbm>>
      %dma_wait3A_289 = arith.constant 0 : i32
      %dma_wait3A_290 = arith.constant 0 : i32
      %dma_wait3A_291 = tpu.memref_slice %dma_wait3A_288[%dma_wait3A_289, %dma_wait3A_290] : memref<10000x64xf32, #tpu.memory_space<hbm>> -> memref<10000x64xf32, #tpu.memory_space<hbm>>
      tpu.wait_indirect_dma semaphore(%arg10 : memref<!tpu.dma_semaphore, #tpu.memory_space<semaphore_mem>>) src(%dma_wait3A_291 : memref<10000x64xf32, #tpu.memory_space<hbm>>) dst(%dma_wait3A_281 : memref<125x64xf32, #tpu.memory_space<vmem>>)
      %add3A_292 = arith.constant 4 : i32
      %add3A_293 = arith.addi %mul3A_64, %add3A_292 : i32
      %dma_start3A_294 = arith.constant 500 : i32
      %dma_start3A_295 = arith.constant 0 : i32
      %dma_start3A_296 = tpu.memref_slice %arg8[%dma_start3A_294, %dma_start3A_295] : memref<1000x64xf32, #tpu.memory_space<vmem>> -> memref<125x64xf32, #tpu.memory_space<vmem>>
      %dma_start3A_297 = arith.constant 0 : i32
      %dma_start3A_298 = tpu.memref_slice %arg7[%add3A_293, %dma_start3A_297] : memref<80x125xi32, #tpu.memory_space<vmem>> -> memref<1x125xi32, #tpu.memory_space<vmem>>
      %dma_start3A_299 = tpu.memref_squeeze %dma_start3A_298 : memref<1x125xi32, #tpu.memory_space<vmem>> -> memref<125xi32, #tpu.memory_space<vmem>>
      %dma_start3A_300 = arith.constant 0 : i32
      %dma_start3A_301 = arith.constant 0 : i32
      %dma_start3A_302 = tpu.memref_slice %arg9[%dma_start3A_300, %dma_start3A_301] : memref<10000x64xf32, #tpu.memory_space<vmem_shared>> -> memref<10000x64xf32, #tpu.memory_space<vmem_shared>>
      tpu.enqueue_indirect_dma source(%dma_start3A_296 : memref<125x64xf32, #tpu.memory_space<vmem>>) target(%dma_start3A_302 : memref<10000x64xf32, #tpu.memory_space<vmem_shared>>) offsets(%dma_start3A_299 : memref<125xi32, #tpu.memory_space<vmem>>) semaphore(%arg11 : memref<!tpu.dma_semaphore, #tpu.memory_space<semaphore_mem>>) {add = true}
      %dma_wait3A_303 = arith.constant 625 : i32
      %dma_wait3A_304 = arith.constant 0 : i32
      %dma_wait3A_305 = tpu.memref_slice %arg8[%dma_wait3A_303, %dma_wait3A_304] : memref<1000x64xf32, #tpu.memory_space<vmem>> -> memref<125x64xf32, #tpu.memory_space<vmem>>
      %dma_wait3A_306 = arith.constant 0 : i32
      %dma_wait3A_307 = tpu.memref_slice %arg6[%add3A_140, %dma_wait3A_306] : memref<80x125xi32, #tpu.memory_space<vmem>> -> memref<1x125xi32, #tpu.memory_space<vmem>>
      %dma_wait3A_308 = tpu.memref_squeeze %dma_wait3A_307 : memref<1x125xi32, #tpu.memory_space<vmem>> -> memref<125xi32, #tpu.memory_space<vmem>>
      %dma_wait3A_309 = arith.constant 0 : i32
      %dma_wait3A_310 = arith.constant 0 : i32
      %dma_wait3A_311 = tpu.memref_slice %arg2[%arg0, %dma_wait3A_309, %dma_wait3A_310] : memref<2x10000x64xf32, #tpu.memory_space<hbm>> -> memref<1x10000x64xf32, #tpu.memory_space<hbm>>
      %dma_wait3A_312 = tpu.memref_squeeze %dma_wait3A_311 : memref<1x10000x64xf32, #tpu.memory_space<hbm>> -> memref<10000x64xf32, #tpu.memory_space<hbm>>
      %dma_wait3A_313 = arith.constant 0 : i32
      %dma_wait3A_314 = arith.constant 0 : i32
      %dma_wait3A_315 = tpu.memref_slice %dma_wait3A_312[%dma_wait3A_313, %dma_wait3A_314] : memref<10000x64xf32, #tpu.memory_space<hbm>> -> memref<10000x64xf32, #tpu.memory_space<hbm>>
      tpu.wait_indirect_dma semaphore(%arg10 : memref<!tpu.dma_semaphore, #tpu.memory_space<semaphore_mem>>) src(%dma_wait3A_315 : memref<10000x64xf32, #tpu.memory_space<hbm>>) dst(%dma_wait3A_305 : memref<125x64xf32, #tpu.memory_space<vmem>>)
      %add3A_316 = arith.constant 5 : i32
      %add3A_317 = arith.addi %mul3A_64, %add3A_316 : i32
      %dma_start3A_318 = arith.constant 625 : i32
      %dma_start3A_319 = arith.constant 0 : i32
      %dma_start3A_320 = tpu.memref_slice %arg8[%dma_start3A_318, %dma_start3A_319] : memref<1000x64xf32, #tpu.memory_space<vmem>> -> memref<125x64xf32, #tpu.memory_space<vmem>>
      %dma_start3A_321 = arith.constant 0 : i32
      %dma_start3A_322 = tpu.memref_slice %arg7[%add3A_317, %dma_start3A_321] : memref<80x125xi32, #tpu.memory_space<vmem>> -> memref<1x125xi32, #tpu.memory_space<vmem>>
      %dma_start3A_323 = tpu.memref_squeeze %dma_start3A_322 : memref<1x125xi32, #tpu.memory_space<vmem>> -> memref<125xi32, #tpu.memory_space<vmem>>
      %dma_start3A_324 = arith.constant 0 : i32
      %dma_start3A_325 = arith.constant 0 : i32
      %dma_start3A_326 = tpu.memref_slice %arg9[%dma_start3A_324, %dma_start3A_325] : memref<10000x64xf32, #tpu.memory_space<vmem_shared>> -> memref<10000x64xf32, #tpu.memory_space<vmem_shared>>
      tpu.enqueue_indirect_dma source(%dma_start3A_320 : memref<125x64xf32, #tpu.memory_space<vmem>>) target(%dma_start3A_326 : memref<10000x64xf32, #tpu.memory_space<vmem_shared>>) offsets(%dma_start3A_323 : memref<125xi32, #tpu.memory_space<vmem>>) semaphore(%arg11 : memref<!tpu.dma_semaphore, #tpu.memory_space<semaphore_mem>>) {add = true}
      %dma_wait3A_327 = arith.constant 750 : i32
      %dma_wait3A_328 = arith.constant 0 : i32
      %dma_wait3A_329 = tpu.memref_slice %arg8[%dma_wait3A_327, %dma_wait3A_328] : memref<1000x64xf32, #tpu.memory_space<vmem>> -> memref<125x64xf32, #tpu.memory_space<vmem>>
      %dma_wait3A_330 = arith.constant 0 : i32
      %dma_wait3A_331 = tpu.memref_slice %arg6[%add3A_155, %dma_wait3A_330] : memref<80x125xi32, #tpu.memory_space<vmem>> -> memref<1x125xi32, #tpu.memory_space<vmem>>
      %dma_wait3A_332 = tpu.memref_squeeze %dma_wait3A_331 : memref<1x125xi32, #tpu.memory_space<vmem>> -> memref<125xi32, #tpu.memory_space<vmem>>
      %dma_wait3A_333 = arith.constant 0 : i32
      %dma_wait3A_334 = arith.constant 0 : i32
      %dma_wait3A_335 = tpu.memref_slice %arg2[%arg0, %dma_wait3A_333, %dma_wait3A_334] : memref<2x10000x64xf32, #tpu.memory_space<hbm>> -> memref<1x10000x64xf32, #tpu.memory_space<hbm>>
      %dma_wait3A_336 = tpu.memref_squeeze %dma_wait3A_335 : memref<1x10000x64xf32, #tpu.memory_space<hbm>> -> memref<10000x64xf32, #tpu.memory_space<hbm>>
      %dma_wait3A_337 = arith.constant 0 : i32
      %dma_wait3A_338 = arith.constant 0 : i32
      %dma_wait3A_339 = tpu.memref_slice %dma_wait3A_336[%dma_wait3A_337, %dma_wait3A_338] : memref<10000x64xf32, #tpu.memory_space<hbm>> -> memref<10000x64xf32, #tpu.memory_space<hbm>>
      tpu.wait_indirect_dma semaphore(%arg10 : memref<!tpu.dma_semaphore, #tpu.memory_space<semaphore_mem>>) src(%dma_wait3A_339 : memref<10000x64xf32, #tpu.memory_space<hbm>>) dst(%dma_wait3A_329 : memref<125x64xf32, #tpu.memory_space<vmem>>)
      %add3A_340 = arith.constant 6 : i32
      %add3A_341 = arith.addi %mul3A_64, %add3A_340 : i32
      %dma_start3A_342 = arith.constant 750 : i32
      %dma_start3A_343 = arith.constant 0 : i32
      %dma_start3A_344 = tpu.memref_slice %arg8[%dma_start3A_342, %dma_start3A_343] : memref<1000x64xf32, #tpu.memory_space<vmem>> -> memref<125x64xf32, #tpu.memory_space<vmem>>
      %dma_start3A_345 = arith.constant 0 : i32
      %dma_start3A_346 = tpu.memref_slice %arg7[%add3A_341, %dma_start3A_345] : memref<80x125xi32, #tpu.memory_space<vmem>> -> memref<1x125xi32, #tpu.memory_space<vmem>>
      %dma_start3A_347 = tpu.memref_squeeze %dma_start3A_346 : memref<1x125xi32, #tpu.memory_space<vmem>> -> memref<125xi32, #tpu.memory_space<vmem>>
      %dma_start3A_348 = arith.constant 0 : i32
      %dma_start3A_349 = arith.constant 0 : i32
      %dma_start3A_350 = tpu.memref_slice %arg9[%dma_start3A_348, %dma_start3A_349] : memref<10000x64xf32, #tpu.memory_space<vmem_shared>> -> memref<10000x64xf32, #tpu.memory_space<vmem_shared>>
      tpu.enqueue_indirect_dma source(%dma_start3A_344 : memref<125x64xf32, #tpu.memory_space<vmem>>) target(%dma_start3A_350 : memref<10000x64xf32, #tpu.memory_space<vmem_shared>>) offsets(%dma_start3A_347 : memref<125xi32, #tpu.memory_space<vmem>>) semaphore(%arg11 : memref<!tpu.dma_semaphore, #tpu.memory_space<semaphore_mem>>) {add = true}
      %dma_wait3A_351 = arith.constant 875 : i32
      %dma_wait3A_352 = arith.constant 0 : i32
      %dma_wait3A_353 = tpu.memref_slice %arg8[%dma_wait3A_351, %dma_wait3A_352] : memref<1000x64xf32, #tpu.memory_space<vmem>> -> memref<125x64xf32, #tpu.memory_space<vmem>>
      %dma_wait3A_354 = arith.constant 0 : i32
      %dma_wait3A_355 = tpu.memref_slice %arg6[%add3A_170, %dma_wait3A_354] : memref<80x125xi32, #tpu.memory_space<vmem>> -> memref<1x125xi32, #tpu.memory_space<vmem>>
      %dma_wait3A_356 = tpu.memref_squeeze %dma_wait3A_355 : memref<1x125xi32, #tpu.memory_space<vmem>> -> memref<125xi32, #tpu.memory_space<vmem>>
      %dma_wait3A_357 = arith.constant 0 : i32
      %dma_wait3A_358 = arith.constant 0 : i32
      %dma_wait3A_359 = tpu.memref_slice %arg2[%arg0, %dma_wait3A_357, %dma_wait3A_358] : memref<2x10000x64xf32, #tpu.memory_space<hbm>> -> memref<1x10000x64xf32, #tpu.memory_space<hbm>>
      %dma_wait3A_360 = tpu.memref_squeeze %dma_wait3A_359 : memref<1x10000x64xf32, #tpu.memory_space<hbm>> -> memref<10000x64xf32, #tpu.memory_space<hbm>>
      %dma_wait3A_361 = arith.constant 0 : i32
      %dma_wait3A_362 = arith.constant 0 : i32
      %dma_wait3A_363 = tpu.memref_slice %dma_wait3A_360[%dma_wait3A_361, %dma_wait3A_362] : memref<10000x64xf32, #tpu.memory_space<hbm>> -> memref<10000x64xf32, #tpu.memory_space<hbm>>
      tpu.wait_indirect_dma semaphore(%arg10 : memref<!tpu.dma_semaphore, #tpu.memory_space<semaphore_mem>>) src(%dma_wait3A_363 : memref<10000x64xf32, #tpu.memory_space<hbm>>) dst(%dma_wait3A_353 : memref<125x64xf32, #tpu.memory_space<vmem>>)
      %add3A_364 = arith.constant 7 : i32
      %add3A_365 = arith.addi %mul3A_64, %add3A_364 : i32
      %dma_start3A_366 = arith.constant 875 : i32
      %dma_start3A_367 = arith.constant 0 : i32
      %dma_start3A_368 = tpu.memref_slice %arg8[%dma_start3A_366, %dma_start3A_367] : memref<1000x64xf32, #tpu.memory_space<vmem>> -> memref<125x64xf32, #tpu.memory_space<vmem>>
      %dma_start3A_369 = arith.constant 0 : i32
      %dma_start3A_370 = tpu.memref_slice %arg7[%add3A_365, %dma_start3A_369] : memref<80x125xi32, #tpu.memory_space<vmem>> -> memref<1x125xi32, #tpu.memory_space<vmem>>
      %dma_start3A_371 = tpu.memref_squeeze %dma_start3A_370 : memref<1x125xi32, #tpu.memory_space<vmem>> -> memref<125xi32, #tpu.memory_space<vmem>>
      %dma_start3A_372 = arith.constant 0 : i32
      %dma_start3A_373 = arith.constant 0 : i32
      %dma_start3A_374 = tpu.memref_slice %arg9[%dma_start3A_372, %dma_start3A_373] : memref<10000x64xf32, #tpu.memory_space<vmem_shared>> -> memref<10000x64xf32, #tpu.memory_space<vmem_shared>>
      tpu.enqueue_indirect_dma source(%dma_start3A_368 : memref<125x64xf32, #tpu.memory_space<vmem>>) target(%dma_start3A_374 : memref<10000x64xf32, #tpu.memory_space<vmem_shared>>) offsets(%dma_start3A_371 : memref<125xi32, #tpu.memory_space<vmem>>) semaphore(%arg11 : memref<!tpu.dma_semaphore, #tpu.memory_space<semaphore_mem>>) {add = true}
      %dma_wait3A_375 = arith.constant 0 : i32
      %dma_wait3A_376 = arith.constant 0 : i32
      %dma_wait3A_377 = tpu.memref_slice %arg8[%dma_wait3A_375, %dma_wait3A_376] : memref<1000x64xf32, #tpu.memory_space<vmem>> -> memref<125x64xf32, #tpu.memory_space<vmem>>
      %dma_wait3A_378 = arith.constant 0 : i32
      %dma_wait3A_379 = tpu.memref_slice %arg7[%add3A_197, %dma_wait3A_378] : memref<80x125xi32, #tpu.memory_space<vmem>> -> memref<1x125xi32, #tpu.memory_space<vmem>>
      %dma_wait3A_380 = tpu.memref_squeeze %dma_wait3A_379 : memref<1x125xi32, #tpu.memory_space<vmem>> -> memref<125xi32, #tpu.memory_space<vmem>>
      %dma_wait3A_381 = arith.constant 0 : i32
      %dma_wait3A_382 = arith.constant 0 : i32
      %dma_wait3A_383 = tpu.memref_slice %arg9[%dma_wait3A_381, %dma_wait3A_382] : memref<10000x64xf32, #tpu.memory_space<vmem_shared>> -> memref<10000x64xf32, #tpu.memory_space<vmem_shared>>
      tpu.wait_indirect_dma semaphore(%arg11 : memref<!tpu.dma_semaphore, #tpu.memory_space<semaphore_mem>>) src(%dma_wait3A_377 : memref<125x64xf32, #tpu.memory_space<vmem>>) dst(%dma_wait3A_383 : memref<10000x64xf32, #tpu.memory_space<vmem_shared>>)
      %dma_wait3A_384 = arith.constant 125 : i32
      %dma_wait3A_385 = arith.constant 0 : i32
      %dma_wait3A_386 = tpu.memref_slice %arg8[%dma_wait3A_384, %dma_wait3A_385] : memref<1000x64xf32, #tpu.memory_space<vmem>> -> memref<125x64xf32, #tpu.memory_space<vmem>>
      %dma_wait3A_387 = arith.constant 0 : i32
      %dma_wait3A_388 = tpu.memref_slice %arg7[%add3A_221, %dma_wait3A_387] : memref<80x125xi32, #tpu.memory_space<vmem>> -> memref<1x125xi32, #tpu.memory_space<vmem>>
      %dma_wait3A_389 = tpu.memref_squeeze %dma_wait3A_388 : memref<1x125xi32, #tpu.memory_space<vmem>> -> memref<125xi32, #tpu.memory_space<vmem>>
      %dma_wait3A_390 = arith.constant 0 : i32
      %dma_wait3A_391 = arith.constant 0 : i32
      %dma_wait3A_392 = tpu.memref_slice %arg9[%dma_wait3A_390, %dma_wait3A_391] : memref<10000x64xf32, #tpu.memory_space<vmem_shared>> -> memref<10000x64xf32, #tpu.memory_space<vmem_shared>>
      tpu.wait_indirect_dma semaphore(%arg11 : memref<!tpu.dma_semaphore, #tpu.memory_space<semaphore_mem>>) src(%dma_wait3A_386 : memref<125x64xf32, #tpu.memory_space<vmem>>) dst(%dma_wait3A_392 : memref<10000x64xf32, #tpu.memory_space<vmem_shared>>)
      %dma_wait3A_393 = arith.constant 250 : i32
      %dma_wait3A_394 = arith.constant 0 : i32
      %dma_wait3A_395 = tpu.memref_slice %arg8[%dma_wait3A_393, %dma_wait3A_394] : memref<1000x64xf32, #tpu.memory_space<vmem>> -> memref<125x64xf32, #tpu.memory_space<vmem>>
      %dma_wait3A_396 = arith.constant 0 : i32
      %dma_wait3A_397 = tpu.memref_slice %arg7[%add3A_245, %dma_wait3A_396] : memref<80x125xi32, #tpu.memory_space<vmem>> -> memref<1x125xi32, #tpu.memory_space<vmem>>
      %dma_wait3A_398 = tpu.memref_squeeze %dma_wait3A_397 : memref<1x125xi32, #tpu.memory_space<vmem>> -> memref<125xi32, #tpu.memory_space<vmem>>
      %dma_wait3A_399 = arith.constant 0 : i32
      %dma_wait3A_400 = arith.constant 0 : i32
      %dma_wait3A_401 = tpu.memref_slice %arg9[%dma_wait3A_399, %dma_wait3A_400] : memref<10000x64xf32, #tpu.memory_space<vmem_shared>> -> memref<10000x64xf32, #tpu.memory_space<vmem_shared>>
      tpu.wait_indirect_dma semaphore(%arg11 : memref<!tpu.dma_semaphore, #tpu.memory_space<semaphore_mem>>) src(%dma_wait3A_395 : memref<125x64xf32, #tpu.memory_space<vmem>>) dst(%dma_wait3A_401 : memref<10000x64xf32, #tpu.memory_space<vmem_shared>>)
      %dma_wait3A_402 = arith.constant 375 : i32
      %dma_wait3A_403 = arith.constant 0 : i32
      %dma_wait3A_404 = tpu.memref_slice %arg8[%dma_wait3A_402, %dma_wait3A_403] : memref<1000x64xf32, #tpu.memory_space<vmem>> -> memref<125x64xf32, #tpu.memory_space<vmem>>
      %dma_wait3A_405 = arith.constant 0 : i32
      %dma_wait3A_406 = tpu.memref_slice %arg7[%add3A_269, %dma_wait3A_405] : memref<80x125xi32, #tpu.memory_space<vmem>> -> memref<1x125xi32, #tpu.memory_space<vmem>>
      %dma_wait3A_407 = tpu.memref_squeeze %dma_wait3A_406 : memref<1x125xi32, #tpu.memory_space<vmem>> -> memref<125xi32, #tpu.memory_space<vmem>>
      %dma_wait3A_408 = arith.constant 0 : i32
      %dma_wait3A_409 = arith.constant 0 : i32
      %dma_wait3A_410 = tpu.memref_slice %arg9[%dma_wait3A_408, %dma_wait3A_409] : memref<10000x64xf32, #tpu.memory_space<vmem_shared>> -> memref<10000x64xf32, #tpu.memory_space<vmem_shared>>
      tpu.wait_indirect_dma semaphore(%arg11 : memref<!tpu.dma_semaphore, #tpu.memory_space<semaphore_mem>>) src(%dma_wait3A_404 : memref<125x64xf32, #tpu.memory_space<vmem>>) dst(%dma_wait3A_410 : memref<10000x64xf32, #tpu.memory_space<vmem_shared>>)
      %dma_wait3A_411 = arith.constant 500 : i32
      %dma_wait3A_412 = arith.constant 0 : i32
      %dma_wait3A_413 = tpu.memref_slice %arg8[%dma_wait3A_411, %dma_wait3A_412] : memref<1000x64xf32, #tpu.memory_space<vmem>> -> memref<125x64xf32, #tpu.memory_space<vmem>>
      %dma_wait3A_414 = arith.constant 0 : i32
      %dma_wait3A_415 = tpu.memref_slice %arg7[%add3A_293, %dma_wait3A_414] : memref<80x125xi32, #tpu.memory_space<vmem>> -> memref<1x125xi32, #tpu.memory_space<vmem>>
      %dma_wait3A_416 = tpu.memref_squeeze %dma_wait3A_415 : memref<1x125xi32, #tpu.memory_space<vmem>> -> memref<125xi32, #tpu.memory_space<vmem>>
      %dma_wait3A_417 = arith.constant 0 : i32
      %dma_wait3A_418 = arith.constant 0 : i32
      %dma_wait3A_419 = tpu.memref_slice %arg9[%dma_wait3A_417, %dma_wait3A_418] : memref<10000x64xf32, #tpu.memory_space<vmem_shared>> -> memref<10000x64xf32, #tpu.memory_space<vmem_shared>>
      tpu.wait_indirect_dma semaphore(%arg11 : memref<!tpu.dma_semaphore, #tpu.memory_space<semaphore_mem>>) src(%dma_wait3A_413 : memref<125x64xf32, #tpu.memory_space<vmem>>) dst(%dma_wait3A_419 : memref<10000x64xf32, #tpu.memory_space<vmem_shared>>)
      %dma_wait3A_420 = arith.constant 625 : i32
      %dma_wait3A_421 = arith.constant 0 : i32
      %dma_wait3A_422 = tpu.memref_slice %arg8[%dma_wait3A_420, %dma_wait3A_421] : memref<1000x64xf32, #tpu.memory_space<vmem>> -> memref<125x64xf32, #tpu.memory_space<vmem>>
      %dma_wait3A_423 = arith.constant 0 : i32
      %dma_wait3A_424 = tpu.memref_slice %arg7[%add3A_317, %dma_wait3A_423] : memref<80x125xi32, #tpu.memory_space<vmem>> -> memref<1x125xi32, #tpu.memory_space<vmem>>
      %dma_wait3A_425 = tpu.memref_squeeze %dma_wait3A_424 : memref<1x125xi32, #tpu.memory_space<vmem>> -> memref<125xi32, #tpu.memory_space<vmem>>
      %dma_wait3A_426 = arith.constant 0 : i32
      %dma_wait3A_427 = arith.constant 0 : i32
      %dma_wait3A_428 = tpu.memref_slice %arg9[%dma_wait3A_426, %dma_wait3A_427] : memref<10000x64xf32, #tpu.memory_space<vmem_shared>> -> memref<10000x64xf32, #tpu.memory_space<vmem_shared>>
      tpu.wait_indirect_dma semaphore(%arg11 : memref<!tpu.dma_semaphore, #tpu.memory_space<semaphore_mem>>) src(%dma_wait3A_422 : memref<125x64xf32, #tpu.memory_space<vmem>>) dst(%dma_wait3A_428 : memref<10000x64xf32, #tpu.memory_space<vmem_shared>>)
      %dma_wait3A_429 = arith.constant 750 : i32
      %dma_wait3A_430 = arith.constant 0 : i32
      %dma_wait3A_431 = tpu.memref_slice %arg8[%dma_wait3A_429, %dma_wait3A_430] : memref<1000x64xf32, #tpu.memory_space<vmem>> -> memref<125x64xf32, #tpu.memory_space<vmem>>
      %dma_wait3A_432 = arith.constant 0 : i32
      %dma_wait3A_433 = tpu.memref_slice %arg7[%add3A_341, %dma_wait3A_432] : memref<80x125xi32, #tpu.memory_space<vmem>> -> memref<1x125xi32, #tpu.memory_space<vmem>>
      %dma_wait3A_434 = tpu.memref_squeeze %dma_wait3A_433 : memref<1x125xi32, #tpu.memory_space<vmem>> -> memref<125xi32, #tpu.memory_space<vmem>>
      %dma_wait3A_435 = arith.constant 0 : i32
      %dma_wait3A_436 = arith.constant 0 : i32
      %dma_wait3A_437 = tpu.memref_slice %arg9[%dma_wait3A_435, %dma_wait3A_436] : memref<10000x64xf32, #tpu.memory_space<vmem_shared>> -> memref<10000x64xf32, #tpu.memory_space<vmem_shared>>
      tpu.wait_indirect_dma semaphore(%arg11 : memref<!tpu.dma_semaphore, #tpu.memory_space<semaphore_mem>>) src(%dma_wait3A_431 : memref<125x64xf32, #tpu.memory_space<vmem>>) dst(%dma_wait3A_437 : memref<10000x64xf32, #tpu.memory_space<vmem_shared>>)
      %dma_wait3A_438 = arith.constant 875 : i32
      %dma_wait3A_439 = arith.constant 0 : i32
      %dma_wait3A_440 = tpu.memref_slice %arg8[%dma_wait3A_438, %dma_wait3A_439] : memref<1000x64xf32, #tpu.memory_space<vmem>> -> memref<125x64xf32, #tpu.memory_space<vmem>>
      %dma_wait3A_441 = arith.constant 0 : i32
      %dma_wait3A_442 = tpu.memref_slice %arg7[%add3A_365, %dma_wait3A_441] : memref<80x125xi32, #tpu.memory_space<vmem>> -> memref<1x125xi32, #tpu.memory_space<vmem>>
      %dma_wait3A_443 = tpu.memref_squeeze %dma_wait3A_442 : memref<1x125xi32, #tpu.memory_space<vmem>> -> memref<125xi32, #tpu.memory_space<vmem>>
      %dma_wait3A_444 = arith.constant 0 : i32
      %dma_wait3A_445 = arith.constant 0 : i32
      %dma_wait3A_446 = tpu.memref_slice %arg9[%dma_wait3A_444, %dma_wait3A_445] : memref<10000x64xf32, #tpu.memory_space<vmem_shared>> -> memref<10000x64xf32, #tpu.memory_space<vmem_shared>>
      tpu.wait_indirect_dma semaphore(%arg11 : memref<!tpu.dma_semaphore, #tpu.memory_space<semaphore_mem>>) src(%dma_wait3A_440 : memref<125x64xf32, #tpu.memory_space<vmem>>) dst(%dma_wait3A_446 : memref<10000x64xf32, #tpu.memory_space<vmem_shared>>)
    }
    %scan3A_47 = arith.constant 10 : i32
    %barrier3A_48 = arith.constant 0 : index
    tpu.barrier barrier_id(%barrier3A_48)
    %mul3A_49 = arith.constant 624 : i32
    %mul3A_50 = arith.muli %arg1, %mul3A_49 : i32
    %mul3A_51 = arith.constant 624 : i32
    %mul3A_52 = arith.muli %arg1, %mul3A_51 : i32
    "tpu.region"() ({
      %run_scoped3A = tpu.sem_alloc : memref<!tpu.dma_semaphore, #tpu.memory_space<semaphore_mem>>
      %dma_start3A = arith.constant 0 : i32
      %dma_start3A_58 = tpu.memref_slice %arg5[%arg0, %mul3A_52, %dma_start3A] : memref<2x10000x64xf32, #tpu.memory_space<hbm>> -> memref<1x624x64xf32, #tpu.memory_space<hbm>>
      %dma_start3A_59 = tpu.memref_squeeze %dma_start3A_58 : memref<1x624x64xf32, #tpu.memory_space<hbm>> -> memref<624x64xf32, #tpu.memory_space<hbm>>
      %dma_start3A_60 = arith.constant 0 : i32
      %dma_start3A_61 = tpu.memref_slice %arg9[%mul3A_50, %dma_start3A_60] : memref<10000x64xf32, #tpu.memory_space<vmem_shared>> -> memref<624x64xf32, #tpu.memory_space<vmem_shared>>
      tpu.enqueue_dma source(%dma_start3A_61 : memref<624x64xf32, #tpu.memory_space<vmem_shared>>) target(%dma_start3A_59 : memref<624x64xf32, #tpu.memory_space<hbm>>) target_semaphore(%run_scoped3A : memref<!tpu.dma_semaphore, #tpu.memory_space<semaphore_mem>>)
      %dma_wait3A = arith.constant 0 : i32
      %dma_wait3A_62 = tpu.memref_slice %arg5[%arg0, %mul3A_52, %dma_wait3A] : memref<2x10000x64xf32, #tpu.memory_space<hbm>> -> memref<1x624x64xf32, #tpu.memory_space<hbm>>
      %dma_wait3A_63 = tpu.memref_squeeze %dma_wait3A_62 : memref<1x624x64xf32, #tpu.memory_space<hbm>> -> memref<624x64xf32, #tpu.memory_space<hbm>>
      %dma_wait3A_64 = arith.constant 0 : i32
      %dma_wait3A_65 = tpu.memref_slice %arg9[%mul3A_50, %dma_wait3A_64] : memref<10000x64xf32, #tpu.memory_space<vmem_shared>> -> memref<624x64xf32, #tpu.memory_space<vmem_shared>>
      tpu.wait_dma2 semaphore(%run_scoped3A : memref<!tpu.dma_semaphore, #tpu.memory_space<semaphore_mem>>) src(%dma_wait3A_65 : memref<624x64xf32, #tpu.memory_space<vmem_shared>>) dst(%dma_wait3A_63 : memref<624x64xf32, #tpu.memory_space<hbm>>)
      tpu.yield
    }) : () -> ()
    %eq3A_53 = arith.constant 15 : i32
    %eq3A_54 = arith.cmpi eq, %arg1, %eq3A_53 : i32
    %convert_element_type3A_55 = arith.extui %eq3A_54 : i1 to i32
    %cond3A_56 = arith.constant 0 : i32
    %cond3A_57 = arith.cmpi ne, %convert_element_type3A_55, %cond3A_56 : i32
    scf.if %cond3A_57 {
      "tpu.region"() ({
        %run_scoped3A = tpu.sem_alloc : memref<!tpu.dma_semaphore, #tpu.memory_space<semaphore_mem>>
        %dma_start3A = arith.constant 9984 : i32
        %dma_start3A_58 = arith.constant 0 : i32
        %dma_start3A_59 = tpu.memref_slice %arg5[%arg0, %dma_start3A, %dma_start3A_58] : memref<2x10000x64xf32, #tpu.memory_space<hbm>> -> memref<1x16x64xf32, #tpu.memory_space<hbm>>
        %dma_start3A_60 = tpu.memref_squeeze %dma_start3A_59 : memref<1x16x64xf32, #tpu.memory_space<hbm>> -> memref<16x64xf32, #tpu.memory_space<hbm>>
        %dma_start3A_61 = arith.constant 9984 : i32
        %dma_start3A_62 = arith.constant 0 : i32
        %dma_start3A_63 = tpu.memref_slice %arg9[%dma_start3A_61, %dma_start3A_62] : memref<10000x64xf32, #tpu.memory_space<vmem_shared>> -> memref<16x64xf32, #tpu.memory_space<vmem_shared>>
        tpu.enqueue_dma source(%dma_start3A_63 : memref<16x64xf32, #tpu.memory_space<vmem_shared>>) target(%dma_start3A_60 : memref<16x64xf32, #tpu.memory_space<hbm>>) target_semaphore(%run_scoped3A : memref<!tpu.dma_semaphore, #tpu.memory_space<semaphore_mem>>)
        %dma_wait3A = arith.constant 9984 : i32
        %dma_wait3A_64 = arith.constant 0 : i32
        %dma_wait3A_65 = tpu.memref_slice %arg5[%arg0, %dma_wait3A, %dma_wait3A_64] : memref<2x10000x64xf32, #tpu.memory_space<hbm>> -> memref<1x16x64xf32, #tpu.memory_space<hbm>>
        %dma_wait3A_66 = tpu.memref_squeeze %dma_wait3A_65 : memref<1x16x64xf32, #tpu.memory_space<hbm>> -> memref<16x64xf32, #tpu.memory_space<hbm>>
        %dma_wait3A_67 = arith.constant 9984 : i32
        %dma_wait3A_68 = arith.constant 0 : i32
        %dma_wait3A_69 = tpu.memref_slice %arg9[%dma_wait3A_67, %dma_wait3A_68] : memref<10000x64xf32, #tpu.memory_space<vmem_shared>> -> memref<16x64xf32, #tpu.memory_space<vmem_shared>>
        tpu.wait_dma2 semaphore(%run_scoped3A : memref<!tpu.dma_semaphore, #tpu.memory_space<semaphore_mem>>) src(%dma_wait3A_69 : memref<16x64xf32, #tpu.memory_space<vmem_shared>>) dst(%dma_wait3A_66 : memref<16x64xf32, #tpu.memory_space<hbm>>)
        tpu.yield
      }) : () -> ()
    } else {
    }
    return
  }
}

#map = affine_map<(d0, d1) -> (0, 0, 0)>
#map1 = affine_map<(d0, d1) -> (0, 0)>
module attributes {stable_mosaic.version = 14 : i64} {
  func.func @_edge_body(%arg0: i32, %arg1: i32, %arg2: memref<2x10000x64xf32, #tpu.memory_space<hbm>>, %arg3: memref<2560x125xi32, #tpu.memory_space<hbm>>, %arg4: memref<2560x125xi32, #tpu.memory_space<hbm>>, %arg5: memref<2x10000x64xf32, #tpu.memory_space<hbm>>, %arg6: memref<80x125xi32, #tpu.memory_space<vmem>>, %arg7: memref<80x125xi32, #tpu.memory_space<vmem>>, %arg8: memref<1000x64xf32, #tpu.memory_space<vmem>>, %arg9: memref<10000x64xf32, #tpu.memory_space<vmem_shared>>, %arg10: memref<!tpu.dma_semaphore, #tpu.memory_space<semaphore_mem>>, %arg11: memref<!tpu.dma_semaphore, #tpu.memory_space<semaphore_mem>>) attributes {dimension_semantics = [#tpu.dimension_semantics<core_parallel>, #tpu.dimension_semantics<subcore_parallel>], iteration_bounds = array<i64: 2, 16>, scalar_prefetch = 0 : i64, scratch_operands = 6 : i64, tpu.core_type = #tpu.core_type<sc_vector_subcore>, window_params = [{transform_indices = #map}, {transform_indices = #map1}, {transform_indices = #map1}, {transform_indices = #map}]} {
    %scan3A = arith.constant 0 : i32
    %scan3A_0 = arith.constant 104 : i32
    %scan3A_1 = arith.addi %scan3A, %scan3A_0 : i32
    %scan3A_2 = arith.constant 1 : i32
    scf.for %scan3A_58 = %scan3A to %scan3A_1 step %scan3A_2  : i32 {
      %mul3A_59 = arith.constant 1 : i32
      %mul3A_60 = arith.muli %scan3A_58, %mul3A_59 : i32
      %add3A_61 = arith.constant 0 : i32
      %add3A_62 = arith.addi %add3A_61, %mul3A_60 : i32
      %broadcast_in_dim3A = arith.constant 0.000000e+00 : f32
      %broadcast_in_dim3A_63 = vector.broadcast %broadcast_in_dim3A : f32 to vector<16xf32>
      %swap3A = arith.index_cast %add3A_62 : i32 to index
      %swap3A_64 = arith.constant 0 : index
      %swap3A_65 = tpu.vector_load %arg8[%swap3A, %swap3A_64] {strides = array<i32>} : memref<1000x64xf32, #tpu.memory_space<vmem>>, vector<1x16xf32>,
      %swap3A_66 = vector.shape_cast %swap3A_65 : vector<1x16xf32> to vector<16xf32>
      %swap3A_67 = vector.shape_cast %broadcast_in_dim3A_63 : vector<16xf32> to vector<1x16xf32>
      tpu.vector_store %arg8[%swap3A, %swap3A_64], %swap3A_67 {strides = array<i32>} : memref<1000x64xf32, #tpu.memory_space<vmem>>, vector<1x16xf32>,
      %broadcast_in_dim3A_68 = arith.constant 0.000000e+00 : f32
      %broadcast_in_dim3A_69 = vector.broadcast %broadcast_in_dim3A_68 : f32 to vector<16xf32>
      %swap3A_70 = arith.index_cast %add3A_62 : i32 to index
      %swap3A_71 = arith.constant 16 : index
      %swap3A_72 = tpu.vector_load %arg8[%swap3A_70, %swap3A_71] {strides = array<i32>} : memref<1000x64xf32, #tpu.memory_space<vmem>>, vector<1x16xf32>,
      %swap3A_73 = vector.shape_cast %swap3A_72 : vector<1x16xf32> to vector<16xf32>
      %swap3A_74 = vector.shape_cast %broadcast_in_dim3A_69 : vector<16xf32> to vector<1x16xf32>
      tpu.vector_store %arg8[%swap3A_70, %swap3A_71], %swap3A_74 {strides = array<i32>} : memref<1000x64xf32, #tpu.memory_space<vmem>>, vector<1x16xf32>,
      %broadcast_in_dim3A_75 = arith.constant 0.000000e+00 : f32
      %broadcast_in_dim3A_76 = vector.broadcast %broadcast_in_dim3A_75 : f32 to vector<16xf32>
      %swap3A_77 = arith.index_cast %add3A_62 : i32 to index
      %swap3A_78 = arith.constant 32 : index
      %swap3A_79 = tpu.vector_load %arg8[%swap3A_77, %swap3A_78] {strides = array<i32>} : memref<1000x64xf32, #tpu.memory_space<vmem>>, vector<1x16xf32>,
      %swap3A_80 = vector.shape_cast %swap3A_79 : vector<1x16xf32> to vector<16xf32>
      %swap3A_81 = vector.shape_cast %broadcast_in_dim3A_76 : vector<16xf32> to vector<1x16xf32>
      tpu.vector_store %arg8[%swap3A_77, %swap3A_78], %swap3A_81 {strides = array<i32>} : memref<1000x64xf32, #tpu.memory_space<vmem>>, vector<1x16xf32>,
      %broadcast_in_dim3A_82 = arith.constant 0.000000e+00 : f32
      %broadcast_in_dim3A_83 = vector.broadcast %broadcast_in_dim3A_82 : f32 to vector<16xf32>
      %swap3A_84 = arith.index_cast %add3A_62 : i32 to index
      %swap3A_85 = arith.constant 48 : index
      %swap3A_86 = tpu.vector_load %arg8[%swap3A_84, %swap3A_85] {strides = array<i32>} : memref<1000x64xf32, #tpu.memory_space<vmem>>, vector<1x16xf32>,
      %swap3A_87 = vector.shape_cast %swap3A_86 : vector<1x16xf32> to vector<16xf32>
      %swap3A_88 = vector.shape_cast %broadcast_in_dim3A_83 : vector<16xf32> to vector<1x16xf32>
      tpu.vector_store %arg8[%swap3A_84, %swap3A_85], %swap3A_88 {strides = array<i32>} : memref<1000x64xf32, #tpu.memory_space<vmem>>, vector<1x16xf32>,
    }
    %scan3A_3 = arith.constant 104 : i32
    %mul3A = arith.constant 624 : i32
    %mul3A_4 = arith.muli %arg1, %mul3A : i32
    %add3A = arith.constant 0 : i32
    %add3A_5 = arith.addi %mul3A_4, %add3A : i32
    "tpu.region"() ({
      %run_scoped3A = tpu.sem_alloc : memref<!tpu.dma_semaphore, #tpu.memory_space<semaphore_mem>>
      %dma_start3A = arith.constant 0 : i32
      %dma_start3A_58 = arith.constant 0 : i32
      %dma_start3A_59 = tpu.memref_slice %arg8[%dma_start3A, %dma_start3A_58] : memref<1000x64xf32, #tpu.memory_space<vmem>> -> memref<104x64xf32, #tpu.memory_space<vmem>>
      %dma_start3A_60 = arith.constant 0 : i32
      %dma_start3A_61 = tpu.memref_slice %arg9[%add3A_5, %dma_start3A_60] : memref<10000x64xf32, #tpu.memory_space<vmem_shared>> -> memref<104x64xf32, #tpu.memory_space<vmem_shared>>
      %dma_start3A_62 = arith.constant 0 : i32
      %dma_start3A_63 = tpu.memref_slice %arg9[%add3A_5, %dma_start3A_62] : memref<10000x64xf32, #tpu.memory_space<vmem_shared>> -> memref<104x64xf32, #tpu.memory_space<vmem_shared>>
      %dma_start3A_64 = arith.constant 0 : i32
      %dma_start3A_65 = arith.constant 0 : i32
      %dma_start3A_66 = tpu.memref_slice %arg8[%dma_start3A_64, %dma_start3A_65] : memref<1000x64xf32, #tpu.memory_space<vmem>> -> memref<104x64xf32, #tpu.memory_space<vmem>>
      tpu.enqueue_dma source(%dma_start3A_66 : memref<104x64xf32, #tpu.memory_space<vmem>>) target(%dma_start3A_63 : memref<104x64xf32, #tpu.memory_space<vmem_shared>>) target_semaphore(%run_scoped3A : memref<!tpu.dma_semaphore, #tpu.memory_space<semaphore_mem>>)
      %dma_wait3A = arith.constant 0 : i32
      %dma_wait3A_67 = arith.constant 0 : i32
      %dma_wait3A_68 = tpu.memref_slice %arg8[%dma_wait3A, %dma_wait3A_67] : memref<1000x64xf32, #tpu.memory_space<vmem>> -> memref<104x64xf32, #tpu.memory_space<vmem>>
      %dma_wait3A_69 = arith.constant 0 : i32
      %dma_wait3A_70 = tpu.memref_slice %arg9[%add3A_5, %dma_wait3A_69] : memref<10000x64xf32, #tpu.memory_space<vmem_shared>> -> memref<104x64xf32, #tpu.memory_space<vmem_shared>>
      %dma_wait3A_71 = arith.constant 0 : i32
      %dma_wait3A_72 = tpu.memref_slice %arg9[%add3A_5, %dma_wait3A_71] : memref<10000x64xf32, #tpu.memory_space<vmem_shared>> -> memref<104x64xf32, #tpu.memory_space<vmem_shared>>
      %dma_wait3A_73 = arith.constant 0 : i32
      %dma_wait3A_74 = arith.constant 0 : i32
      %dma_wait3A_75 = tpu.memref_slice %arg8[%dma_wait3A_73, %dma_wait3A_74] : memref<1000x64xf32, #tpu.memory_space<vmem>> -> memref<104x64xf32, #tpu.memory_space<vmem>>
      tpu.wait_dma2 semaphore(%run_scoped3A : memref<!tpu.dma_semaphore, #tpu.memory_space<semaphore_mem>>) src(%dma_wait3A_75 : memref<104x64xf32, #tpu.memory_space<vmem>>) dst(%dma_wait3A_72 : memref<104x64xf32, #tpu.memory_space<vmem_shared>>)
      tpu.yield
    }) : () -> ()
    %mul3A_6 = arith.constant 624 : i32
    %mul3A_7 = arith.muli %arg1, %mul3A_6 : i32
    %add3A_8 = arith.constant 104 : i32
    %add3A_9 = arith.addi %mul3A_7, %add3A_8 : i32
    "tpu.region"() ({
      %run_scoped3A = tpu.sem_alloc : memref<!tpu.dma_semaphore, #tpu.memory_space<semaphore_mem>>
      %dma_start3A = arith.constant 0 : i32
      %dma_start3A_58 = arith.constant 0 : i32
      %dma_start3A_59 = tpu.memref_slice %arg8[%dma_start3A, %dma_start3A_58] : memref<1000x64xf32, #tpu.memory_space<vmem>> -> memref<104x64xf32, #tpu.memory_space<vmem>>
      %dma_start3A_60 = arith.constant 0 : i32
      %dma_start3A_61 = tpu.memref_slice %arg9[%add3A_9, %dma_start3A_60] : memref<10000x64xf32, #tpu.memory_space<vmem_shared>> -> memref<104x64xf32, #tpu.memory_space<vmem_shared>>
      %dma_start3A_62 = arith.constant 0 : i32
      %dma_start3A_63 = tpu.memref_slice %arg9[%add3A_9, %dma_start3A_62] : memref<10000x64xf32, #tpu.memory_space<vmem_shared>> -> memref<104x64xf32, #tpu.memory_space<vmem_shared>>
      %dma_start3A_64 = arith.constant 0 : i32
      %dma_start3A_65 = arith.constant 0 : i32
      %dma_start3A_66 = tpu.memref_slice %arg8[%dma_start3A_64, %dma_start3A_65] : memref<1000x64xf32, #tpu.memory_space<vmem>> -> memref<104x64xf32, #tpu.memory_space<vmem>>
      tpu.enqueue_dma source(%dma_start3A_66 : memref<104x64xf32, #tpu.memory_space<vmem>>) target(%dma_start3A_63 : memref<104x64xf32, #tpu.memory_space<vmem_shared>>) target_semaphore(%run_scoped3A : memref<!tpu.dma_semaphore, #tpu.memory_space<semaphore_mem>>)
      %dma_wait3A = arith.constant 0 : i32
      %dma_wait3A_67 = arith.constant 0 : i32
      %dma_wait3A_68 = tpu.memref_slice %arg8[%dma_wait3A, %dma_wait3A_67] : memref<1000x64xf32, #tpu.memory_space<vmem>> -> memref<104x64xf32, #tpu.memory_space<vmem>>
      %dma_wait3A_69 = arith.constant 0 : i32
      %dma_wait3A_70 = tpu.memref_slice %arg9[%add3A_9, %dma_wait3A_69] : memref<10000x64xf32, #tpu.memory_space<vmem_shared>> -> memref<104x64xf32, #tpu.memory_space<vmem_shared>>
      %dma_wait3A_71 = arith.constant 0 : i32
      %dma_wait3A_72 = tpu.memref_slice %arg9[%add3A_9, %dma_wait3A_71] : memref<10000x64xf32, #tpu.memory_space<vmem_shared>> -> memref<104x64xf32, #tpu.memory_space<vmem_shared>>
      %dma_wait3A_73 = arith.constant 0 : i32
      %dma_wait3A_74 = arith.constant 0 : i32
      %dma_wait3A_75 = tpu.memref_slice %arg8[%dma_wait3A_73, %dma_wait3A_74] : memref<1000x64xf32, #tpu.memory_space<vmem>> -> memref<104x64xf32, #tpu.memory_space<vmem>>
      tpu.wait_dma2 semaphore(%run_scoped3A : memref<!tpu.dma_semaphore, #tpu.memory_space<semaphore_mem>>) src(%dma_wait3A_75 : memref<104x64xf32, #tpu.memory_space<vmem>>) dst(%dma_wait3A_72 : memref<104x64xf32, #tpu.memory_space<vmem_shared>>)
      tpu.yield
    }) : () -> ()
    %mul3A_10 = arith.constant 624 : i32
    %mul3A_11 = arith.muli %arg1, %mul3A_10 : i32
    %add3A_12 = arith.constant 208 : i32
    %add3A_13 = arith.addi %mul3A_11, %add3A_12 : i32
    "tpu.region"() ({
      %run_scoped3A = tpu.sem_alloc : memref<!tpu.dma_semaphore, #tpu.memory_space<semaphore_mem>>
      %dma_start3A = arith.constant 0 : i32
      %dma_start3A_58 = arith.constant 0 : i32
      %dma_start3A_59 = tpu.memref_slice %arg8[%dma_start3A, %dma_start3A_58] : memref<1000x64xf32, #tpu.memory_space<vmem>> -> memref<104x64xf32, #tpu.memory_space<vmem>>
      %dma_start3A_60 = arith.constant 0 : i32
      %dma_start3A_61 = tpu.memref_slice %arg9[%add3A_13, %dma_start3A_60] : memref<10000x64xf32, #tpu.memory_space<vmem_shared>> -> memref<104x64xf32, #tpu.memory_space<vmem_shared>>
      %dma_start3A_62 = arith.constant 0 : i32
      %dma_start3A_63 = tpu.memref_slice %arg9[%add3A_13, %dma_start3A_62] : memref<10000x64xf32, #tpu.memory_space<vmem_shared>> -> memref<104x64xf32, #tpu.memory_space<vmem_shared>>
      %dma_start3A_64 = arith.constant 0 : i32
      %dma_start3A_65 = arith.constant 0 : i32
      %dma_start3A_66 = tpu.memref_slice %arg8[%dma_start3A_64, %dma_start3A_65] : memref<1000x64xf32, #tpu.memory_space<vmem>> -> memref<104x64xf32, #tpu.memory_space<vmem>>
      tpu.enqueue_dma source(%dma_start3A_66 : memref<104x64xf32, #tpu.memory_space<vmem>>) target(%dma_start3A_63 : memref<104x64xf32, #tpu.memory_space<vmem_shared>>) target_semaphore(%run_scoped3A : memref<!tpu.dma_semaphore, #tpu.memory_space<semaphore_mem>>)
      %dma_wait3A = arith.constant 0 : i32
      %dma_wait3A_67 = arith.constant 0 : i32
      %dma_wait3A_68 = tpu.memref_slice %arg8[%dma_wait3A, %dma_wait3A_67] : memref<1000x64xf32, #tpu.memory_space<vmem>> -> memref<104x64xf32, #tpu.memory_space<vmem>>
      %dma_wait3A_69 = arith.constant 0 : i32
      %dma_wait3A_70 = tpu.memref_slice %arg9[%add3A_13, %dma_wait3A_69] : memref<10000x64xf32, #tpu.memory_space<vmem_shared>> -> memref<104x64xf32, #tpu.memory_space<vmem_shared>>
      %dma_wait3A_71 = arith.constant 0 : i32
      %dma_wait3A_72 = tpu.memref_slice %arg9[%add3A_13, %dma_wait3A_71] : memref<10000x64xf32, #tpu.memory_space<vmem_shared>> -> memref<104x64xf32, #tpu.memory_space<vmem_shared>>
      %dma_wait3A_73 = arith.constant 0 : i32
      %dma_wait3A_74 = arith.constant 0 : i32
      %dma_wait3A_75 = tpu.memref_slice %arg8[%dma_wait3A_73, %dma_wait3A_74] : memref<1000x64xf32, #tpu.memory_space<vmem>> -> memref<104x64xf32, #tpu.memory_space<vmem>>
      tpu.wait_dma2 semaphore(%run_scoped3A : memref<!tpu.dma_semaphore, #tpu.memory_space<semaphore_mem>>) src(%dma_wait3A_75 : memref<104x64xf32, #tpu.memory_space<vmem>>) dst(%dma_wait3A_72 : memref<104x64xf32, #tpu.memory_space<vmem_shared>>)
      tpu.yield
    }) : () -> ()
    %mul3A_14 = arith.constant 624 : i32
    %mul3A_15 = arith.muli %arg1, %mul3A_14 : i32
    %add3A_16 = arith.constant 312 : i32
    %add3A_17 = arith.addi %mul3A_15, %add3A_16 : i32
    "tpu.region"() ({
      %run_scoped3A = tpu.sem_alloc : memref<!tpu.dma_semaphore, #tpu.memory_space<semaphore_mem>>
      %dma_start3A = arith.constant 0 : i32
      %dma_start3A_58 = arith.constant 0 : i32
      %dma_start3A_59 = tpu.memref_slice %arg8[%dma_start3A, %dma_start3A_58] : memref<1000x64xf32, #tpu.memory_space<vmem>> -> memref<104x64xf32, #tpu.memory_space<vmem>>
      %dma_start3A_60 = arith.constant 0 : i32
      %dma_start3A_61 = tpu.memref_slice %arg9[%add3A_17, %dma_start3A_60] : memref<10000x64xf32, #tpu.memory_space<vmem_shared>> -> memref<104x64xf32, #tpu.memory_space<vmem_shared>>
      %dma_start3A_62 = arith.constant 0 : i32
      %dma_start3A_63 = tpu.memref_slice %arg9[%add3A_17, %dma_start3A_62] : memref<10000x64xf32, #tpu.memory_space<vmem_shared>> -> memref<104x64xf32, #tpu.memory_space<vmem_shared>>
      %dma_start3A_64 = arith.constant 0 : i32
      %dma_start3A_65 = arith.constant 0 : i32
      %dma_start3A_66 = tpu.memref_slice %arg8[%dma_start3A_64, %dma_start3A_65] : memref<1000x64xf32, #tpu.memory_space<vmem>> -> memref<104x64xf32, #tpu.memory_space<vmem>>
      tpu.enqueue_dma source(%dma_start3A_66 : memref<104x64xf32, #tpu.memory_space<vmem>>) target(%dma_start3A_63 : memref<104x64xf32, #tpu.memory_space<vmem_shared>>) target_semaphore(%run_scoped3A : memref<!tpu.dma_semaphore, #tpu.memory_space<semaphore_mem>>)
      %dma_wait3A = arith.constant 0 : i32
      %dma_wait3A_67 = arith.constant 0 : i32
      %dma_wait3A_68 = tpu.memref_slice %arg8[%dma_wait3A, %dma_wait3A_67] : memref<1000x64xf32, #tpu.memory_space<vmem>> -> memref<104x64xf32, #tpu.memory_space<vmem>>
      %dma_wait3A_69 = arith.constant 0 : i32
      %dma_wait3A_70 = tpu.memref_slice %arg9[%add3A_17, %dma_wait3A_69] : memref<10000x64xf32, #tpu.memory_space<vmem_shared>> -> memref<104x64xf32, #tpu.memory_space<vmem_shared>>
      %dma_wait3A_71 = arith.constant 0 : i32
      %dma_wait3A_72 = tpu.memref_slice %arg9[%add3A_17, %dma_wait3A_71] : memref<10000x64xf32, #tpu.memory_space<vmem_shared>> -> memref<104x64xf32, #tpu.memory_space<vmem_shared>>
      %dma_wait3A_73 = arith.constant 0 : i32
      %dma_wait3A_74 = arith.constant 0 : i32
      %dma_wait3A_75 = tpu.memref_slice %arg8[%dma_wait3A_73, %dma_wait3A_74] : memref<1000x64xf32, #tpu.memory_space<vmem>> -> memref<104x64xf32, #tpu.memory_space<vmem>>
      tpu.wait_dma2 semaphore(%run_scoped3A : memref<!tpu.dma_semaphore, #tpu.memory_space<semaphore_mem>>) src(%dma_wait3A_75 : memref<104x64xf32, #tpu.memory_space<vmem>>) dst(%dma_wait3A_72 : memref<104x64xf32, #tpu.memory_space<vmem_shared>>)
      tpu.yield
    }) : () -> ()
    %mul3A_18 = arith.constant 624 : i32
    %mul3A_19 = arith.muli %arg1, %mul3A_18 : i32
    %add3A_20 = arith.constant 416 : i32
    %add3A_21 = arith.addi %mul3A_19, %add3A_20 : i32
    "tpu.region"() ({
      %run_scoped3A = tpu.sem_alloc : memref<!tpu.dma_semaphore, #tpu.memory_space<semaphore_mem>>
      %dma_start3A = arith.constant 0 : i32
      %dma_start3A_58 = arith.constant 0 : i32
      %dma_start3A_59 = tpu.memref_slice %arg8[%dma_start3A, %dma_start3A_58] : memref<1000x64xf32, #tpu.memory_space<vmem>> -> memref<104x64xf32, #tpu.memory_space<vmem>>
      %dma_start3A_60 = arith.constant 0 : i32
      %dma_start3A_61 = tpu.memref_slice %arg9[%add3A_21, %dma_start3A_60] : memref<10000x64xf32, #tpu.memory_space<vmem_shared>> -> memref<104x64xf32, #tpu.memory_space<vmem_shared>>
      %dma_start3A_62 = arith.constant 0 : i32
      %dma_start3A_63 = tpu.memref_slice %arg9[%add3A_21, %dma_start3A_62] : memref<10000x64xf32, #tpu.memory_space<vmem_shared>> -> memref<104x64xf32, #tpu.memory_space<vmem_shared>>
      %dma_start3A_64 = arith.constant 0 : i32
      %dma_start3A_65 = arith.constant 0 : i32
      %dma_start3A_66 = tpu.memref_slice %arg8[%dma_start3A_64, %dma_start3A_65] : memref<1000x64xf32, #tpu.memory_space<vmem>> -> memref<104x64xf32, #tpu.memory_space<vmem>>
      tpu.enqueue_dma source(%dma_start3A_66 : memref<104x64xf32, #tpu.memory_space<vmem>>) target(%dma_start3A_63 : memref<104x64xf32, #tpu.memory_space<vmem_shared>>) target_semaphore(%run_scoped3A : memref<!tpu.dma_semaphore, #tpu.memory_space<semaphore_mem>>)
      %dma_wait3A = arith.constant 0 : i32
      %dma_wait3A_67 = arith.constant 0 : i32
      %dma_wait3A_68 = tpu.memref_slice %arg8[%dma_wait3A, %dma_wait3A_67] : memref<1000x64xf32, #tpu.memory_space<vmem>> -> memref<104x64xf32, #tpu.memory_space<vmem>>
      %dma_wait3A_69 = arith.constant 0 : i32
      %dma_wait3A_70 = tpu.memref_slice %arg9[%add3A_21, %dma_wait3A_69] : memref<10000x64xf32, #tpu.memory_space<vmem_shared>> -> memref<104x64xf32, #tpu.memory_space<vmem_shared>>
      %dma_wait3A_71 = arith.constant 0 : i32
      %dma_wait3A_72 = tpu.memref_slice %arg9[%add3A_21, %dma_wait3A_71] : memref<10000x64xf32, #tpu.memory_space<vmem_shared>> -> memref<104x64xf32, #tpu.memory_space<vmem_shared>>
      %dma_wait3A_73 = arith.constant 0 : i32
      %dma_wait3A_74 = arith.constant 0 : i32
      %dma_wait3A_75 = tpu.memref_slice %arg8[%dma_wait3A_73, %dma_wait3A_74] : memref<1000x64xf32, #tpu.memory_space<vmem>> -> memref<104x64xf32, #tpu.memory_space<vmem>>
      tpu.wait_dma2 semaphore(%run_scoped3A : memref<!tpu.dma_semaphore, #tpu.memory_space<semaphore_mem>>) src(%dma_wait3A_75 : memref<104x64xf32, #tpu.memory_space<vmem>>) dst(%dma_wait3A_72 : memref<104x64xf32, #tpu.memory_space<vmem_shared>>)
      tpu.yield
    }) : () -> ()
    %mul3A_22 = arith.constant 624 : i32
    %mul3A_23 = arith.muli %arg1, %mul3A_22 : i32
    %add3A_24 = arith.constant 520 : i32
    %add3A_25 = arith.addi %mul3A_23, %add3A_24 : i32
    "tpu.region"() ({
      %run_scoped3A = tpu.sem_alloc : memref<!tpu.dma_semaphore, #tpu.memory_space<semaphore_mem>>
      %dma_start3A = arith.constant 0 : i32
      %dma_start3A_58 = arith.constant 0 : i32
      %dma_start3A_59 = tpu.memref_slice %arg8[%dma_start3A, %dma_start3A_58] : memref<1000x64xf32, #tpu.memory_space<vmem>> -> memref<104x64xf32, #tpu.memory_space<vmem>>
      %dma_start3A_60 = arith.constant 0 : i32
      %dma_start3A_61 = tpu.memref_slice %arg9[%add3A_25, %dma_start3A_60] : memref<10000x64xf32, #tpu.memory_space<vmem_shared>> -> memref<104x64xf32, #tpu.memory_space<vmem_shared>>
      %dma_start3A_62 = arith.constant 0 : i32
      %dma_start3A_63 = tpu.memref_slice %arg9[%add3A_25, %dma_start3A_62] : memref<10000x64xf32, #tpu.memory_space<vmem_shared>> -> memref<104x64xf32, #tpu.memory_space<vmem_shared>>
      %dma_start3A_64 = arith.constant 0 : i32
      %dma_start3A_65 = arith.constant 0 : i32
      %dma_start3A_66 = tpu.memref_slice %arg8[%dma_start3A_64, %dma_start3A_65] : memref<1000x64xf32, #tpu.memory_space<vmem>> -> memref<104x64xf32, #tpu.memory_space<vmem>>
      tpu.enqueue_dma source(%dma_start3A_66 : memref<104x64xf32, #tpu.memory_space<vmem>>) target(%dma_start3A_63 : memref<104x64xf32, #tpu.memory_space<vmem_shared>>) target_semaphore(%run_scoped3A : memref<!tpu.dma_semaphore, #tpu.memory_space<semaphore_mem>>)
      %dma_wait3A = arith.constant 0 : i32
      %dma_wait3A_67 = arith.constant 0 : i32
      %dma_wait3A_68 = tpu.memref_slice %arg8[%dma_wait3A, %dma_wait3A_67] : memref<1000x64xf32, #tpu.memory_space<vmem>> -> memref<104x64xf32, #tpu.memory_space<vmem>>
      %dma_wait3A_69 = arith.constant 0 : i32
      %dma_wait3A_70 = tpu.memref_slice %arg9[%add3A_25, %dma_wait3A_69] : memref<10000x64xf32, #tpu.memory_space<vmem_shared>> -> memref<104x64xf32, #tpu.memory_space<vmem_shared>>
      %dma_wait3A_71 = arith.constant 0 : i32
      %dma_wait3A_72 = tpu.memref_slice %arg9[%add3A_25, %dma_wait3A_71] : memref<10000x64xf32, #tpu.memory_space<vmem_shared>> -> memref<104x64xf32, #tpu.memory_space<vmem_shared>>
      %dma_wait3A_73 = arith.constant 0 : i32
      %dma_wait3A_74 = arith.constant 0 : i32
      %dma_wait3A_75 = tpu.memref_slice %arg8[%dma_wait3A_73, %dma_wait3A_74] : memref<1000x64xf32, #tpu.memory_space<vmem>> -> memref<104x64xf32, #tpu.memory_space<vmem>>
      tpu.wait_dma2 semaphore(%run_scoped3A : memref<!tpu.dma_semaphore, #tpu.memory_space<semaphore_mem>>) src(%dma_wait3A_75 : memref<104x64xf32, #tpu.memory_space<vmem>>) dst(%dma_wait3A_72 : memref<104x64xf32, #tpu.memory_space<vmem_shared>>)
      tpu.yield
    }) : () -> ()
    %eq3A = arith.constant 15 : i32
    %eq3A_26 = arith.cmpi eq, %arg1, %eq3A : i32
    %convert_element_type3A = arith.extui %eq3A_26 : i1 to i32
    %cond3A = arith.constant 0 : i32
    %cond3A_27 = arith.cmpi ne, %convert_element_type3A, %cond3A : i32
    scf.if %cond3A_27 {
      "tpu.region"() ({
        %run_scoped3A = tpu.sem_alloc : memref<!tpu.dma_semaphore, #tpu.memory_space<semaphore_mem>>
        %dma_start3A = arith.constant 0 : i32
        %dma_start3A_58 = arith.constant 0 : i32
        %dma_start3A_59 = tpu.memref_slice %arg8[%dma_start3A, %dma_start3A_58] : memref<1000x64xf32, #tpu.memory_space<vmem>> -> memref<16x64xf32, #tpu.memory_space<vmem>>
        %dma_start3A_60 = arith.constant 9984 : i32
        %dma_start3A_61 = arith.constant 0 : i32
        %dma_start3A_62 = tpu.memref_slice %arg9[%dma_start3A_60, %dma_start3A_61] : memref<10000x64xf32, #tpu.memory_space<vmem_shared>> -> memref<16x64xf32, #tpu.memory_space<vmem_shared>>
        %dma_start3A_63 = arith.constant 9984 : i32
        %dma_start3A_64 = arith.constant 0 : i32
        %dma_start3A_65 = tpu.memref_slice %arg9[%dma_start3A_63, %dma_start3A_64] : memref<10000x64xf32, #tpu.memory_space<vmem_shared>> -> memref<16x64xf32, #tpu.memory_space<vmem_shared>>
        %dma_start3A_66 = arith.constant 0 : i32
        %dma_start3A_67 = arith.constant 0 : i32
        %dma_start3A_68 = tpu.memref_slice %arg8[%dma_start3A_66, %dma_start3A_67] : memref<1000x64xf32, #tpu.memory_space<vmem>> -> memref<16x64xf32, #tpu.memory_space<vmem>>
        tpu.enqueue_dma source(%dma_start3A_68 : memref<16x64xf32, #tpu.memory_space<vmem>>) target(%dma_start3A_65 : memref<16x64xf32, #tpu.memory_space<vmem_shared>>) target_semaphore(%run_scoped3A : memref<!tpu.dma_semaphore, #tpu.memory_space<semaphore_mem>>)
        %dma_wait3A = arith.constant 0 : i32
        %dma_wait3A_69 = arith.constant 0 : i32
        %dma_wait3A_70 = tpu.memref_slice %arg8[%dma_wait3A, %dma_wait3A_69] : memref<1000x64xf32, #tpu.memory_space<vmem>> -> memref<16x64xf32, #tpu.memory_space<vmem>>
        %dma_wait3A_71 = arith.constant 9984 : i32
        %dma_wait3A_72 = arith.constant 0 : i32
        %dma_wait3A_73 = tpu.memref_slice %arg9[%dma_wait3A_71, %dma_wait3A_72] : memref<10000x64xf32, #tpu.memory_space<vmem_shared>> -> memref<16x64xf32, #tpu.memory_space<vmem_shared>>
        %dma_wait3A_74 = arith.constant 9984 : i32
        %dma_wait3A_75 = arith.constant 0 : i32
        %dma_wait3A_76 = tpu.memref_slice %arg9[%dma_wait3A_74, %dma_wait3A_75] : memref<10000x64xf32, #tpu.memory_space<vmem_shared>> -> memref<16x64xf32, #tpu.memory_space<vmem_shared>>
        %dma_wait3A_77 = arith.constant 0 : i32
        %dma_wait3A_78 = arith.constant 0 : i32
        %dma_wait3A_79 = tpu.memref_slice %arg8[%dma_wait3A_77, %dma_wait3A_78] : memref<1000x64xf32, #tpu.memory_space<vmem>> -> memref<16x64xf32, #tpu.memory_space<vmem>>
        tpu.wait_dma2 semaphore(%run_scoped3A : memref<!tpu.dma_semaphore, #tpu.memory_space<semaphore_mem>>) src(%dma_wait3A_79 : memref<16x64xf32, #tpu.memory_space<vmem>>) dst(%dma_wait3A_76 : memref<16x64xf32, #tpu.memory_space<vmem_shared>>)
        tpu.yield
      }) : () -> ()
    } else {
    }
    %barrier3A = arith.constant 0 : index
    tpu.barrier barrier_id(%barrier3A)
    %mul3A_28 = arith.constant 160 : i32
    %mul3A_29 = arith.muli %arg1, %mul3A_28 : i32
    %add3A_30 = arith.constant 0 : i32
    %add3A_31 = arith.addi %mul3A_29, %add3A_30 : i32
    "tpu.region"() ({
      %run_scoped3A = tpu.sem_alloc : memref<!tpu.dma_semaphore, #tpu.memory_space<semaphore_mem>>
      %dma_start3A = arith.constant 0 : i32
      %dma_start3A_58 = tpu.memref_slice %arg3[%add3A_31, %dma_start3A] : memref<2560x125xi32, #tpu.memory_space<hbm>> -> memref<80x125xi32, #tpu.memory_space<hbm>>
      %dma_start3A_59 = arith.constant 0 : i32
      %dma_start3A_60 = tpu.memref_slice %arg3[%add3A_31, %dma_start3A_59] : memref<2560x125xi32, #tpu.memory_space<hbm>> -> memref<80x125xi32, #tpu.memory_space<hbm>>
      tpu.enqueue_dma source(%dma_start3A_60 : memref<80x125xi32, #tpu.memory_space<hbm>>) target(%arg6 : memref<80x125xi32, #tpu.memory_space<vmem>>) target_semaphore(%run_scoped3A : memref<!tpu.dma_semaphore, #tpu.memory_space<semaphore_mem>>)
      %dma_wait3A = arith.constant 0 : i32
      %dma_wait3A_61 = tpu.memref_slice %arg3[%add3A_31, %dma_wait3A] : memref<2560x125xi32, #tpu.memory_space<hbm>> -> memref<80x125xi32, #tpu.memory_space<hbm>>
      %dma_wait3A_62 = arith.constant 0 : i32
      %dma_wait3A_63 = tpu.memref_slice %arg3[%add3A_31, %dma_wait3A_62] : memref<2560x125xi32, #tpu.memory_space<hbm>> -> memref<80x125xi32, #tpu.memory_space<hbm>>
      tpu.wait_dma2 semaphore(%run_scoped3A : memref<!tpu.dma_semaphore, #tpu.memory_space<semaphore_mem>>) src(%dma_wait3A_63 : memref<80x125xi32, #tpu.memory_space<hbm>>) dst(%arg6 : memref<80x125xi32, #tpu.memory_space<vmem>>)
      tpu.yield
    }) : () -> ()
    %add3A_32 = arith.constant 0 : i32
    %add3A_33 = arith.addi %mul3A_29, %add3A_32 : i32
    "tpu.region"() ({
      %run_scoped3A = tpu.sem_alloc : memref<!tpu.dma_semaphore, #tpu.memory_space<semaphore_mem>>
      %dma_start3A = arith.constant 0 : i32
      %dma_start3A_58 = tpu.memref_slice %arg4[%add3A_33, %dma_start3A] : memref<2560x125xi32, #tpu.memory_space<hbm>> -> memref<80x125xi32, #tpu.memory_space<hbm>>
      %dma_start3A_59 = arith.constant 0 : i32
      %dma_start3A_60 = tpu.memref_slice %arg4[%add3A_33, %dma_start3A_59] : memref<2560x125xi32, #tpu.memory_space<hbm>> -> memref<80x125xi32, #tpu.memory_space<hbm>>
      tpu.enqueue_dma source(%dma_start3A_60 : memref<80x125xi32, #tpu.memory_space<hbm>>) target(%arg7 : memref<80x125xi32, #tpu.memory_space<vmem>>) target_semaphore(%run_scoped3A : memref<!tpu.dma_semaphore, #tpu.memory_space<semaphore_mem>>)
      %dma_wait3A = arith.constant 0 : i32
      %dma_wait3A_61 = tpu.memref_slice %arg4[%add3A_33, %dma_wait3A] : memref<2560x125xi32, #tpu.memory_space<hbm>> -> memref<80x125xi32, #tpu.memory_space<hbm>>
      %dma_wait3A_62 = arith.constant 0 : i32
      %dma_wait3A_63 = tpu.memref_slice %arg4[%add3A_33, %dma_wait3A_62] : memref<2560x125xi32, #tpu.memory_space<hbm>> -> memref<80x125xi32, #tpu.memory_space<hbm>>
      tpu.wait_dma2 semaphore(%run_scoped3A : memref<!tpu.dma_semaphore, #tpu.memory_space<semaphore_mem>>) src(%dma_wait3A_63 : memref<80x125xi32, #tpu.memory_space<hbm>>) dst(%arg7 : memref<80x125xi32, #tpu.memory_space<vmem>>)
      tpu.yield
    }) : () -> ()
    %scan3A_34 = arith.constant 0 : i32
    %scan3A_35 = arith.constant 10 : i32
    %scan3A_36 = arith.addi %scan3A_34, %scan3A_35 : i32
    %scan3A_37 = arith.constant 1 : i32
    scf.for %scan3A_58 = %scan3A_34 to %scan3A_36 step %scan3A_37  : i32 {
      %mul3A_59 = arith.constant 1 : i32
      %mul3A_60 = arith.muli %scan3A_58, %mul3A_59 : i32
      %add3A_61 = arith.constant 0 : i32
      %add3A_62 = arith.addi %add3A_61, %mul3A_60 : i32
      %mul3A_63 = arith.constant 8 : i32
      %mul3A_64 = arith.muli %add3A_62, %mul3A_63 : i32
      %add3A_65 = arith.constant 0 : i32
      %add3A_66 = arith.addi %mul3A_64, %add3A_65 : i32
      %dma_start3A = arith.constant 0 : i32
      %dma_start3A_67 = arith.constant 0 : i32
      %dma_start3A_68 = tpu.memref_slice %arg8[%dma_start3A, %dma_start3A_67] : memref<1000x64xf32, #tpu.memory_space<vmem>> -> memref<125x64xf32, #tpu.memory_space<vmem>>
      %dma_start3A_69 = arith.constant 0 : i32
      %dma_start3A_70 = tpu.memref_slice %arg6[%add3A_66, %dma_start3A_69] : memref<80x125xi32, #tpu.memory_space<vmem>> -> memref<1x125xi32, #tpu.memory_space<vmem>>
      %dma_start3A_71 = tpu.memref_squeeze %dma_start3A_70 : memref<1x125xi32, #tpu.memory_space<vmem>> -> memref<125xi32, #tpu.memory_space<vmem>>
      %dma_start3A_72 = arith.constant 0 : i32
      %dma_start3A_73 = arith.constant 0 : i32
      %dma_start3A_74 = tpu.memref_slice %arg2[%arg0, %dma_start3A_72, %dma_start3A_73] : memref<2x10000x64xf32, #tpu.memory_space<hbm>> -> memref<1x10000x64xf32, #tpu.memory_space<hbm>>
      %dma_start3A_75 = tpu.memref_squeeze %dma_start3A_74 : memref<1x10000x64xf32, #tpu.memory_space<hbm>> -> memref<10000x64xf32, #tpu.memory_space<hbm>>
      %dma_start3A_76 = arith.constant 0 : i32
      %dma_start3A_77 = arith.constant 0 : i32
      %dma_start3A_78 = tpu.memref_slice %dma_start3A_75[%dma_start3A_76, %dma_start3A_77] : memref<10000x64xf32, #tpu.memory_space<hbm>> -> memref<10000x64xf32, #tpu.memory_space<hbm>>
      tpu.enqueue_indirect_dma source(%dma_start3A_78 : memref<10000x64xf32, #tpu.memory_space<hbm>>) target(%dma_start3A_68 : memref<125x64xf32, #tpu.memory_space<vmem>>) offsets(%dma_start3A_71 : memref<125xi32, #tpu.memory_space<vmem>>) semaphore(%arg10 : memref<!tpu.dma_semaphore, #tpu.memory_space<semaphore_mem>>)
      %add3A_79 = arith.constant 1 : i32
      %add3A_80 = arith.addi %mul3A_64, %add3A_79 : i32
      %dma_start3A_81 = arith.constant 125 : i32
      %dma_start3A_82 = arith.constant 0 : i32
      %dma_start3A_83 = tpu.memref_slice %arg8[%dma_start3A_81, %dma_start3A_82] : memref<1000x64xf32, #tpu.memory_space<vmem>> -> memref<125x64xf32, #tpu.memory_space<vmem>>
      %dma_start3A_84 = arith.constant 0 : i32
      %dma_start3A_85 = tpu.memref_slice %arg6[%add3A_80, %dma_start3A_84] : memref<80x125xi32, #tpu.memory_space<vmem>> -> memref<1x125xi32, #tpu.memory_space<vmem>>
      %dma_start3A_86 = tpu.memref_squeeze %dma_start3A_85 : memref<1x125xi32, #tpu.memory_space<vmem>> -> memref<125xi32, #tpu.memory_space<vmem>>
      %dma_start3A_87 = arith.constant 0 : i32
      %dma_start3A_88 = arith.constant 0 : i32
      %dma_start3A_89 = tpu.memref_slice %arg2[%arg0, %dma_start3A_87, %dma_start3A_88] : memref<2x10000x64xf32, #tpu.memory_space<hbm>> -> memref<1x10000x64xf32, #tpu.memory_space<hbm>>
      %dma_start3A_90 = tpu.memref_squeeze %dma_start3A_89 : memref<1x10000x64xf32, #tpu.memory_space<hbm>> -> memref<10000x64xf32, #tpu.memory_space<hbm>>
      %dma_start3A_91 = arith.constant 0 : i32
      %dma_start3A_92 = arith.constant 0 : i32
      %dma_start3A_93 = tpu.memref_slice %dma_start3A_90[%dma_start3A_91, %dma_start3A_92] : memref<10000x64xf32, #tpu.memory_space<hbm>> -> memref<10000x64xf32, #tpu.memory_space<hbm>>
      tpu.enqueue_indirect_dma source(%dma_start3A_93 : memref<10000x64xf32, #tpu.memory_space<hbm>>) target(%dma_start3A_83 : memref<125x64xf32, #tpu.memory_space<vmem>>) offsets(%dma_start3A_86 : memref<125xi32, #tpu.memory_space<vmem>>) semaphore(%arg10 : memref<!tpu.dma_semaphore, #tpu.memory_space<semaphore_mem>>)
      %add3A_94 = arith.constant 2 : i32
      %add3A_95 = arith.addi %mul3A_64, %add3A_94 : i32
      %dma_start3A_96 = arith.constant 250 : i32
      %dma_start3A_97 = arith.constant 0 : i32
      %dma_start3A_98 = tpu.memref_slice %arg8[%dma_start3A_96, %dma_start3A_97] : memref<1000x64xf32, #tpu.memory_space<vmem>> -> memref<125x64xf32, #tpu.memory_space<vmem>>
      %dma_start3A_99 = arith.constant 0 : i32
      %dma_start3A_100 = tpu.memref_slice %arg6[%add3A_95, %dma_start3A_99] : memref<80x125xi32, #tpu.memory_space<vmem>> -> memref<1x125xi32, #tpu.memory_space<vmem>>
      %dma_start3A_101 = tpu.memref_squeeze %dma_start3A_100 : memref<1x125xi32, #tpu.memory_space<vmem>> -> memref<125xi32, #tpu.memory_space<vmem>>
      %dma_start3A_102 = arith.constant 0 : i32
      %dma_start3A_103 = arith.constant 0 : i32
      %dma_start3A_104 = tpu.memref_slice %arg2[%arg0, %dma_start3A_102, %dma_start3A_103] : memref<2x10000x64xf32, #tpu.memory_space<hbm>> -> memref<1x10000x64xf32, #tpu.memory_space<hbm>>
      %dma_start3A_105 = tpu.memref_squeeze %dma_start3A_104 : memref<1x10000x64xf32, #tpu.memory_space<hbm>> -> memref<10000x64xf32, #tpu.memory_space<hbm>>
      %dma_start3A_106 = arith.constant 0 : i32
      %dma_start3A_107 = arith.constant 0 : i32
      %dma_start3A_108 = tpu.memref_slice %dma_start3A_105[%dma_start3A_106, %dma_start3A_107] : memref<10000x64xf32, #tpu.memory_space<hbm>> -> memref<10000x64xf32, #tpu.memory_space<hbm>>
      tpu.enqueue_indirect_dma source(%dma_start3A_108 : memref<10000x64xf32, #tpu.memory_space<hbm>>) target(%dma_start3A_98 : memref<125x64xf32, #tpu.memory_space<vmem>>) offsets(%dma_start3A_101 : memref<125xi32, #tpu.memory_space<vmem>>) semaphore(%arg10 : memref<!tpu.dma_semaphore, #tpu.memory_space<semaphore_mem>>)
      %add3A_109 = arith.constant 3 : i32
      %add3A_110 = arith.addi %mul3A_64, %add3A_109 : i32
      %dma_start3A_111 = arith.constant 375 : i32
      %dma_start3A_112 = arith.constant 0 : i32
      %dma_start3A_113 = tpu.memref_slice %arg8[%dma_start3A_111, %dma_start3A_112] : memref<1000x64xf32, #tpu.memory_space<vmem>> -> memref<125x64xf32, #tpu.memory_space<vmem>>
      %dma_start3A_114 = arith.constant 0 : i32
      %dma_start3A_115 = tpu.memref_slice %arg6[%add3A_110, %dma_start3A_114] : memref<80x125xi32, #tpu.memory_space<vmem>> -> memref<1x125xi32, #tpu.memory_space<vmem>>
      %dma_start3A_116 = tpu.memref_squeeze %dma_start3A_115 : memref<1x125xi32, #tpu.memory_space<vmem>> -> memref<125xi32, #tpu.memory_space<vmem>>
      %dma_start3A_117 = arith.constant 0 : i32
      %dma_start3A_118 = arith.constant 0 : i32
      %dma_start3A_119 = tpu.memref_slice %arg2[%arg0, %dma_start3A_117, %dma_start3A_118] : memref<2x10000x64xf32, #tpu.memory_space<hbm>> -> memref<1x10000x64xf32, #tpu.memory_space<hbm>>
      %dma_start3A_120 = tpu.memref_squeeze %dma_start3A_119 : memref<1x10000x64xf32, #tpu.memory_space<hbm>> -> memref<10000x64xf32, #tpu.memory_space<hbm>>
      %dma_start3A_121 = arith.constant 0 : i32
      %dma_start3A_122 = arith.constant 0 : i32
      %dma_start3A_123 = tpu.memref_slice %dma_start3A_120[%dma_start3A_121, %dma_start3A_122] : memref<10000x64xf32, #tpu.memory_space<hbm>> -> memref<10000x64xf32, #tpu.memory_space<hbm>>
      tpu.enqueue_indirect_dma source(%dma_start3A_123 : memref<10000x64xf32, #tpu.memory_space<hbm>>) target(%dma_start3A_113 : memref<125x64xf32, #tpu.memory_space<vmem>>) offsets(%dma_start3A_116 : memref<125xi32, #tpu.memory_space<vmem>>) semaphore(%arg10 : memref<!tpu.dma_semaphore, #tpu.memory_space<semaphore_mem>>)
      %add3A_124 = arith.constant 4 : i32
      %add3A_125 = arith.addi %mul3A_64, %add3A_124 : i32
      %dma_start3A_126 = arith.constant 500 : i32
      %dma_start3A_127 = arith.constant 0 : i32
      %dma_start3A_128 = tpu.memref_slice %arg8[%dma_start3A_126, %dma_start3A_127] : memref<1000x64xf32, #tpu.memory_space<vmem>> -> memref<125x64xf32, #tpu.memory_space<vmem>>
      %dma_start3A_129 = arith.constant 0 : i32
      %dma_start3A_130 = tpu.memref_slice %arg6[%add3A_125, %dma_start3A_129] : memref<80x125xi32, #tpu.memory_space<vmem>> -> memref<1x125xi32, #tpu.memory_space<vmem>>
      %dma_start3A_131 = tpu.memref_squeeze %dma_start3A_130 : memref<1x125xi32, #tpu.memory_space<vmem>> -> memref<125xi32, #tpu.memory_space<vmem>>
      %dma_start3A_132 = arith.constant 0 : i32
      %dma_start3A_133 = arith.constant 0 : i32
      %dma_start3A_134 = tpu.memref_slice %arg2[%arg0, %dma_start3A_132, %dma_start3A_133] : memref<2x10000x64xf32, #tpu.memory_space<hbm>> -> memref<1x10000x64xf32, #tpu.memory_space<hbm>>
      %dma_start3A_135 = tpu.memref_squeeze %dma_start3A_134 : memref<1x10000x64xf32, #tpu.memory_space<hbm>> -> memref<10000x64xf32, #tpu.memory_space<hbm>>
      %dma_start3A_136 = arith.constant 0 : i32
      %dma_start3A_137 = arith.constant 0 : i32
      %dma_start3A_138 = tpu.memref_slice %dma_start3A_135[%dma_start3A_136, %dma_start3A_137] : memref<10000x64xf32, #tpu.memory_space<hbm>> -> memref<10000x64xf32, #tpu.memory_space<hbm>>
      tpu.enqueue_indirect_dma source(%dma_start3A_138 : memref<10000x64xf32, #tpu.memory_space<hbm>>) target(%dma_start3A_128 : memref<125x64xf32, #tpu.memory_space<vmem>>) offsets(%dma_start3A_131 : memref<125xi32, #tpu.memory_space<vmem>>) semaphore(%arg10 : memref<!tpu.dma_semaphore, #tpu.memory_space<semaphore_mem>>)
      %add3A_139 = arith.constant 5 : i32
      %add3A_140 = arith.addi %mul3A_64, %add3A_139 : i32
      %dma_start3A_141 = arith.constant 625 : i32
      %dma_start3A_142 = arith.constant 0 : i32
      %dma_start3A_143 = tpu.memref_slice %arg8[%dma_start3A_141, %dma_start3A_142] : memref<1000x64xf32, #tpu.memory_space<vmem>> -> memref<125x64xf32, #tpu.memory_space<vmem>>
      %dma_start3A_144 = arith.constant 0 : i32
      %dma_start3A_145 = tpu.memref_slice %arg6[%add3A_140, %dma_start3A_144] : memref<80x125xi32, #tpu.memory_space<vmem>> -> memref<1x125xi32, #tpu.memory_space<vmem>>
      %dma_start3A_146 = tpu.memref_squeeze %dma_start3A_145 : memref<1x125xi32, #tpu.memory_space<vmem>> -> memref<125xi32, #tpu.memory_space<vmem>>
      %dma_start3A_147 = arith.constant 0 : i32
      %dma_start3A_148 = arith.constant 0 : i32
      %dma_start3A_149 = tpu.memref_slice %arg2[%arg0, %dma_start3A_147, %dma_start3A_148] : memref<2x10000x64xf32, #tpu.memory_space<hbm>> -> memref<1x10000x64xf32, #tpu.memory_space<hbm>>
      %dma_start3A_150 = tpu.memref_squeeze %dma_start3A_149 : memref<1x10000x64xf32, #tpu.memory_space<hbm>> -> memref<10000x64xf32, #tpu.memory_space<hbm>>
      %dma_start3A_151 = arith.constant 0 : i32
      %dma_start3A_152 = arith.constant 0 : i32
      %dma_start3A_153 = tpu.memref_slice %dma_start3A_150[%dma_start3A_151, %dma_start3A_152] : memref<10000x64xf32, #tpu.memory_space<hbm>> -> memref<10000x64xf32, #tpu.memory_space<hbm>>
      tpu.enqueue_indirect_dma source(%dma_start3A_153 : memref<10000x64xf32, #tpu.memory_space<hbm>>) target(%dma_start3A_143 : memref<125x64xf32, #tpu.memory_space<vmem>>) offsets(%dma_start3A_146 : memref<125xi32, #tpu.memory_space<vmem>>) semaphore(%arg10 : memref<!tpu.dma_semaphore, #tpu.memory_space<semaphore_mem>>)
      %add3A_154 = arith.constant 6 : i32
      %add3A_155 = arith.addi %mul3A_64, %add3A_154 : i32
      %dma_start3A_156 = arith.constant 750 : i32
      %dma_start3A_157 = arith.constant 0 : i32
      %dma_start3A_158 = tpu.memref_slice %arg8[%dma_start3A_156, %dma_start3A_157] : memref<1000x64xf32, #tpu.memory_space<vmem>> -> memref<125x64xf32, #tpu.memory_space<vmem>>
      %dma_start3A_159 = arith.constant 0 : i32
      %dma_start3A_160 = tpu.memref_slice %arg6[%add3A_155, %dma_start3A_159] : memref<80x125xi32, #tpu.memory_space<vmem>> -> memref<1x125xi32, #tpu.memory_space<vmem>>
      %dma_start3A_161 = tpu.memref_squeeze %dma_start3A_160 : memref<1x125xi32, #tpu.memory_space<vmem>> -> memref<125xi32, #tpu.memory_space<vmem>>
      %dma_start3A_162 = arith.constant 0 : i32
      %dma_start3A_163 = arith.constant 0 : i32
      %dma_start3A_164 = tpu.memref_slice %arg2[%arg0, %dma_start3A_162, %dma_start3A_163] : memref<2x10000x64xf32, #tpu.memory_space<hbm>> -> memref<1x10000x64xf32, #tpu.memory_space<hbm>>
      %dma_start3A_165 = tpu.memref_squeeze %dma_start3A_164 : memref<1x10000x64xf32, #tpu.memory_space<hbm>> -> memref<10000x64xf32, #tpu.memory_space<hbm>>
      %dma_start3A_166 = arith.constant 0 : i32
      %dma_start3A_167 = arith.constant 0 : i32
      %dma_start3A_168 = tpu.memref_slice %dma_start3A_165[%dma_start3A_166, %dma_start3A_167] : memref<10000x64xf32, #tpu.memory_space<hbm>> -> memref<10000x64xf32, #tpu.memory_space<hbm>>
      tpu.enqueue_indirect_dma source(%dma_start3A_168 : memref<10000x64xf32, #tpu.memory_space<hbm>>) target(%dma_start3A_158 : memref<125x64xf32, #tpu.memory_space<vmem>>) offsets(%dma_start3A_161 : memref<125xi32, #tpu.memory_space<vmem>>) semaphore(%arg10 : memref<!tpu.dma_semaphore, #tpu.memory_space<semaphore_mem>>)
      %add3A_169 = arith.constant 7 : i32
      %add3A_170 = arith.addi %mul3A_64, %add3A_169 : i32
      %dma_start3A_171 = arith.constant 875 : i32
      %dma_start3A_172 = arith.constant 0 : i32
      %dma_start3A_173 = tpu.memref_slice %arg8[%dma_start3A_171, %dma_start3A_172] : memref<1000x64xf32, #tpu.memory_space<vmem>> -> memref<125x64xf32, #tpu.memory_space<vmem>>
      %dma_start3A_174 = arith.constant 0 : i32
      %dma_start3A_175 = tpu.memref_slice %arg6[%add3A_170, %dma_start3A_174] : memref<80x125xi32, #tpu.memory_space<vmem>> -> memref<1x125xi32, #tpu.memory_space<vmem>>
      %dma_start3A_176 = tpu.memref_squeeze %dma_start3A_175 : memref<1x125xi32, #tpu.memory_space<vmem>> -> memref<125xi32, #tpu.memory_space<vmem>>
      %dma_start3A_177 = arith.constant 0 : i32
      %dma_start3A_178 = arith.constant 0 : i32
      %dma_start3A_179 = tpu.memref_slice %arg2[%arg0, %dma_start3A_177, %dma_start3A_178] : memref<2x10000x64xf32, #tpu.memory_space<hbm>> -> memref<1x10000x64xf32, #tpu.memory_space<hbm>>
      %dma_start3A_180 = tpu.memref_squeeze %dma_start3A_179 : memref<1x10000x64xf32, #tpu.memory_space<hbm>> -> memref<10000x64xf32, #tpu.memory_space<hbm>>
      %dma_start3A_181 = arith.constant 0 : i32
      %dma_start3A_182 = arith.constant 0 : i32
      %dma_start3A_183 = tpu.memref_slice %dma_start3A_180[%dma_start3A_181, %dma_start3A_182] : memref<10000x64xf32, #tpu.memory_space<hbm>> -> memref<10000x64xf32, #tpu.memory_space<hbm>>
      tpu.enqueue_indirect_dma source(%dma_start3A_183 : memref<10000x64xf32, #tpu.memory_space<hbm>>) target(%dma_start3A_173 : memref<125x64xf32, #tpu.memory_space<vmem>>) offsets(%dma_start3A_176 : memref<125xi32, #tpu.memory_space<vmem>>) semaphore(%arg10 : memref<!tpu.dma_semaphore, #tpu.memory_space<semaphore_mem>>)
      %dma_wait3A = arith.constant 0 : i32
      %dma_wait3A_184 = arith.constant 0 : i32
      %dma_wait3A_185 = tpu.memref_slice %arg8[%dma_wait3A, %dma_wait3A_184] : memref<1000x64xf32, #tpu.memory_space<vmem>> -> memref<125x64xf32, #tpu.memory_space<vmem>>
      %dma_wait3A_186 = arith.constant 0 : i32
      %dma_wait3A_187 = tpu.memref_slice %arg6[%add3A_66, %dma_wait3A_186] : memref<80x125xi32, #tpu.memory_space<vmem>> -> memref<1x125xi32, #tpu.memory_space<vmem>>
      %dma_wait3A_188 = tpu.memref_squeeze %dma_wait3A_187 : memref<1x125xi32, #tpu.memory_space<vmem>> -> memref<125xi32, #tpu.memory_space<vmem>>
      %dma_wait3A_189 = arith.constant 0 : i32
      %dma_wait3A_190 = arith.constant 0 : i32
      %dma_wait3A_191 = tpu.memref_slice %arg2[%arg0, %dma_wait3A_189, %dma_wait3A_190] : memref<2x10000x64xf32, #tpu.memory_space<hbm>> -> memref<1x10000x64xf32, #tpu.memory_space<hbm>>
      %dma_wait3A_192 = tpu.memref_squeeze %dma_wait3A_191 : memref<1x10000x64xf32, #tpu.memory_space<hbm>> -> memref<10000x64xf32, #tpu.memory_space<hbm>>
      %dma_wait3A_193 = arith.constant 0 : i32
      %dma_wait3A_194 = arith.constant 0 : i32
      %dma_wait3A_195 = tpu.memref_slice %dma_wait3A_192[%dma_wait3A_193, %dma_wait3A_194] : memref<10000x64xf32, #tpu.memory_space<hbm>> -> memref<10000x64xf32, #tpu.memory_space<hbm>>
      tpu.wait_indirect_dma semaphore(%arg10 : memref<!tpu.dma_semaphore, #tpu.memory_space<semaphore_mem>>) src(%dma_wait3A_195 : memref<10000x64xf32, #tpu.memory_space<hbm>>) dst(%dma_wait3A_185 : memref<125x64xf32, #tpu.memory_space<vmem>>)
      %add3A_196 = arith.constant 0 : i32
      %add3A_197 = arith.addi %mul3A_64, %add3A_196 : i32
      %dma_start3A_198 = arith.constant 0 : i32
      %dma_start3A_199 = arith.constant 0 : i32
      %dma_start3A_200 = tpu.memref_slice %arg8[%dma_start3A_198, %dma_start3A_199] : memref<1000x64xf32, #tpu.memory_space<vmem>> -> memref<125x64xf32, #tpu.memory_space<vmem>>
      %dma_start3A_201 = arith.constant 0 : i32
      %dma_start3A_202 = tpu.memref_slice %arg7[%add3A_197, %dma_start3A_201] : memref<80x125xi32, #tpu.memory_space<vmem>> -> memref<1x125xi32, #tpu.memory_space<vmem>>
      %dma_start3A_203 = tpu.memref_squeeze %dma_start3A_202 : memref<1x125xi32, #tpu.memory_space<vmem>> -> memref<125xi32, #tpu.memory_space<vmem>>
      %dma_start3A_204 = arith.constant 0 : i32
      %dma_start3A_205 = arith.constant 0 : i32
      %dma_start3A_206 = tpu.memref_slice %arg9[%dma_start3A_204, %dma_start3A_205] : memref<10000x64xf32, #tpu.memory_space<vmem_shared>> -> memref<10000x64xf32, #tpu.memory_space<vmem_shared>>
      tpu.enqueue_indirect_dma source(%dma_start3A_200 : memref<125x64xf32, #tpu.memory_space<vmem>>) target(%dma_start3A_206 : memref<10000x64xf32, #tpu.memory_space<vmem_shared>>) offsets(%dma_start3A_203 : memref<125xi32, #tpu.memory_space<vmem>>) semaphore(%arg11 : memref<!tpu.dma_semaphore, #tpu.memory_space<semaphore_mem>>) {add = true}
      %dma_wait3A_207 = arith.constant 125 : i32
      %dma_wait3A_208 = arith.constant 0 : i32
      %dma_wait3A_209 = tpu.memref_slice %arg8[%dma_wait3A_207, %dma_wait3A_208] : memref<1000x64xf32, #tpu.memory_space<vmem>> -> memref<125x64xf32, #tpu.memory_space<vmem>>
      %dma_wait3A_210 = arith.constant 0 : i32
      %dma_wait3A_211 = tpu.memref_slice %arg6[%add3A_80, %dma_wait3A_210] : memref<80x125xi32, #tpu.memory_space<vmem>> -> memref<1x125xi32, #tpu.memory_space<vmem>>
      %dma_wait3A_212 = tpu.memref_squeeze %dma_wait3A_211 : memref<1x125xi32, #tpu.memory_space<vmem>> -> memref<125xi32, #tpu.memory_space<vmem>>
      %dma_wait3A_213 = arith.constant 0 : i32
      %dma_wait3A_214 = arith.constant 0 : i32
      %dma_wait3A_215 = tpu.memref_slice %arg2[%arg0, %dma_wait3A_213, %dma_wait3A_214] : memref<2x10000x64xf32, #tpu.memory_space<hbm>> -> memref<1x10000x64xf32, #tpu.memory_space<hbm>>
      %dma_wait3A_216 = tpu.memref_squeeze %dma_wait3A_215 : memref<1x10000x64xf32, #tpu.memory_space<hbm>> -> memref<10000x64xf32, #tpu.memory_space<hbm>>
      %dma_wait3A_217 = arith.constant 0 : i32
      %dma_wait3A_218 = arith.constant 0 : i32
      %dma_wait3A_219 = tpu.memref_slice %dma_wait3A_216[%dma_wait3A_217, %dma_wait3A_218] : memref<10000x64xf32, #tpu.memory_space<hbm>> -> memref<10000x64xf32, #tpu.memory_space<hbm>>
      tpu.wait_indirect_dma semaphore(%arg10 : memref<!tpu.dma_semaphore, #tpu.memory_space<semaphore_mem>>) src(%dma_wait3A_219 : memref<10000x64xf32, #tpu.memory_space<hbm>>) dst(%dma_wait3A_209 : memref<125x64xf32, #tpu.memory_space<vmem>>)
      %add3A_220 = arith.constant 1 : i32
      %add3A_221 = arith.addi %mul3A_64, %add3A_220 : i32
      %dma_start3A_222 = arith.constant 125 : i32
      %dma_start3A_223 = arith.constant 0 : i32
      %dma_start3A_224 = tpu.memref_slice %arg8[%dma_start3A_222, %dma_start3A_223] : memref<1000x64xf32, #tpu.memory_space<vmem>> -> memref<125x64xf32, #tpu.memory_space<vmem>>
      %dma_start3A_225 = arith.constant 0 : i32
      %dma_start3A_226 = tpu.memref_slice %arg7[%add3A_221, %dma_start3A_225] : memref<80x125xi32, #tpu.memory_space<vmem>> -> memref<1x125xi32, #tpu.memory_space<vmem>>
      %dma_start3A_227 = tpu.memref_squeeze %dma_start3A_226 : memref<1x125xi32, #tpu.memory_space<vmem>> -> memref<125xi32, #tpu.memory_space<vmem>>
      %dma_start3A_228 = arith.constant 0 : i32
      %dma_start3A_229 = arith.constant 0 : i32
      %dma_start3A_230 = tpu.memref_slice %arg9[%dma_start3A_228, %dma_start3A_229] : memref<10000x64xf32, #tpu.memory_space<vmem_shared>> -> memref<10000x64xf32, #tpu.memory_space<vmem_shared>>
      tpu.enqueue_indirect_dma source(%dma_start3A_224 : memref<125x64xf32, #tpu.memory_space<vmem>>) target(%dma_start3A_230 : memref<10000x64xf32, #tpu.memory_space<vmem_shared>>) offsets(%dma_start3A_227 : memref<125xi32, #tpu.memory_space<vmem>>) semaphore(%arg11 : memref<!tpu.dma_semaphore, #tpu.memory_space<semaphore_mem>>) {add = true}
      %dma_wait3A_231 = arith.constant 250 : i32
      %dma_wait3A_232 = arith.constant 0 : i32
      %dma_wait3A_233 = tpu.memref_slice %arg8[%dma_wait3A_231, %dma_wait3A_232] : memref<1000x64xf32, #tpu.memory_space<vmem>> -> memref<125x64xf32, #tpu.memory_space<vmem>>
      %dma_wait3A_234 = arith.constant 0 : i32
      %dma_wait3A_235 = tpu.memref_slice %arg6[%add3A_95, %dma_wait3A_234] : memref<80x125xi32, #tpu.memory_space<vmem>> -> memref<1x125xi32, #tpu.memory_space<vmem>>
      %dma_wait3A_236 = tpu.memref_squeeze %dma_wait3A_235 : memref<1x125xi32, #tpu.memory_space<vmem>> -> memref<125xi32, #tpu.memory_space<vmem>>
      %dma_wait3A_237 = arith.constant 0 : i32
      %dma_wait3A_238 = arith.constant 0 : i32
      %dma_wait3A_239 = tpu.memref_slice %arg2[%arg0, %dma_wait3A_237, %dma_wait3A_238] : memref<2x10000x64xf32, #tpu.memory_space<hbm>> -> memref<1x10000x64xf32, #tpu.memory_space<hbm>>
      %dma_wait3A_240 = tpu.memref_squeeze %dma_wait3A_239 : memref<1x10000x64xf32, #tpu.memory_space<hbm>> -> memref<10000x64xf32, #tpu.memory_space<hbm>>
      %dma_wait3A_241 = arith.constant 0 : i32
      %dma_wait3A_242 = arith.constant 0 : i32
      %dma_wait3A_243 = tpu.memref_slice %dma_wait3A_240[%dma_wait3A_241, %dma_wait3A_242] : memref<10000x64xf32, #tpu.memory_space<hbm>> -> memref<10000x64xf32, #tpu.memory_space<hbm>>
      tpu.wait_indirect_dma semaphore(%arg10 : memref<!tpu.dma_semaphore, #tpu.memory_space<semaphore_mem>>) src(%dma_wait3A_243 : memref<10000x64xf32, #tpu.memory_space<hbm>>) dst(%dma_wait3A_233 : memref<125x64xf32, #tpu.memory_space<vmem>>)
      %add3A_244 = arith.constant 2 : i32
      %add3A_245 = arith.addi %mul3A_64, %add3A_244 : i32
      %dma_start3A_246 = arith.constant 250 : i32
      %dma_start3A_247 = arith.constant 0 : i32
      %dma_start3A_248 = tpu.memref_slice %arg8[%dma_start3A_246, %dma_start3A_247] : memref<1000x64xf32, #tpu.memory_space<vmem>> -> memref<125x64xf32, #tpu.memory_space<vmem>>
      %dma_start3A_249 = arith.constant 0 : i32
      %dma_start3A_250 = tpu.memref_slice %arg7[%add3A_245, %dma_start3A_249] : memref<80x125xi32, #tpu.memory_space<vmem>> -> memref<1x125xi32, #tpu.memory_space<vmem>>
      %dma_start3A_251 = tpu.memref_squeeze %dma_start3A_250 : memref<1x125xi32, #tpu.memory_space<vmem>> -> memref<125xi32, #tpu.memory_space<vmem>>
      %dma_start3A_252 = arith.constant 0 : i32
      %dma_start3A_253 = arith.constant 0 : i32
      %dma_start3A_254 = tpu.memref_slice %arg9[%dma_start3A_252, %dma_start3A_253] : memref<10000x64xf32, #tpu.memory_space<vmem_shared>> -> memref<10000x64xf32, #tpu.memory_space<vmem_shared>>
      tpu.enqueue_indirect_dma source(%dma_start3A_248 : memref<125x64xf32, #tpu.memory_space<vmem>>) target(%dma_start3A_254 : memref<10000x64xf32, #tpu.memory_space<vmem_shared>>) offsets(%dma_start3A_251 : memref<125xi32, #tpu.memory_space<vmem>>) semaphore(%arg11 : memref<!tpu.dma_semaphore, #tpu.memory_space<semaphore_mem>>) {add = true}
      %dma_wait3A_255 = arith.constant 375 : i32
      %dma_wait3A_256 = arith.constant 0 : i32
      %dma_wait3A_257 = tpu.memref_slice %arg8[%dma_wait3A_255, %dma_wait3A_256] : memref<1000x64xf32, #tpu.memory_space<vmem>> -> memref<125x64xf32, #tpu.memory_space<vmem>>
      %dma_wait3A_258 = arith.constant 0 : i32
      %dma_wait3A_259 = tpu.memref_slice %arg6[%add3A_110, %dma_wait3A_258] : memref<80x125xi32, #tpu.memory_space<vmem>> -> memref<1x125xi32, #tpu.memory_space<vmem>>
      %dma_wait3A_260 = tpu.memref_squeeze %dma_wait3A_259 : memref<1x125xi32, #tpu.memory_space<vmem>> -> memref<125xi32, #tpu.memory_space<vmem>>
      %dma_wait3A_261 = arith.constant 0 : i32
      %dma_wait3A_262 = arith.constant 0 : i32
      %dma_wait3A_263 = tpu.memref_slice %arg2[%arg0, %dma_wait3A_261, %dma_wait3A_262] : memref<2x10000x64xf32, #tpu.memory_space<hbm>> -> memref<1x10000x64xf32, #tpu.memory_space<hbm>>
      %dma_wait3A_264 = tpu.memref_squeeze %dma_wait3A_263 : memref<1x10000x64xf32, #tpu.memory_space<hbm>> -> memref<10000x64xf32, #tpu.memory_space<hbm>>
      %dma_wait3A_265 = arith.constant 0 : i32
      %dma_wait3A_266 = arith.constant 0 : i32
      %dma_wait3A_267 = tpu.memref_slice %dma_wait3A_264[%dma_wait3A_265, %dma_wait3A_266] : memref<10000x64xf32, #tpu.memory_space<hbm>> -> memref<10000x64xf32, #tpu.memory_space<hbm>>
      tpu.wait_indirect_dma semaphore(%arg10 : memref<!tpu.dma_semaphore, #tpu.memory_space<semaphore_mem>>) src(%dma_wait3A_267 : memref<10000x64xf32, #tpu.memory_space<hbm>>) dst(%dma_wait3A_257 : memref<125x64xf32, #tpu.memory_space<vmem>>)
      %add3A_268 = arith.constant 3 : i32
      %add3A_269 = arith.addi %mul3A_64, %add3A_268 : i32
      %dma_start3A_270 = arith.constant 375 : i32
      %dma_start3A_271 = arith.constant 0 : i32
      %dma_start3A_272 = tpu.memref_slice %arg8[%dma_start3A_270, %dma_start3A_271] : memref<1000x64xf32, #tpu.memory_space<vmem>> -> memref<125x64xf32, #tpu.memory_space<vmem>>
      %dma_start3A_273 = arith.constant 0 : i32
      %dma_start3A_274 = tpu.memref_slice %arg7[%add3A_269, %dma_start3A_273] : memref<80x125xi32, #tpu.memory_space<vmem>> -> memref<1x125xi32, #tpu.memory_space<vmem>>
      %dma_start3A_275 = tpu.memref_squeeze %dma_start3A_274 : memref<1x125xi32, #tpu.memory_space<vmem>> -> memref<125xi32, #tpu.memory_space<vmem>>
      %dma_start3A_276 = arith.constant 0 : i32
      %dma_start3A_277 = arith.constant 0 : i32
      %dma_start3A_278 = tpu.memref_slice %arg9[%dma_start3A_276, %dma_start3A_277] : memref<10000x64xf32, #tpu.memory_space<vmem_shared>> -> memref<10000x64xf32, #tpu.memory_space<vmem_shared>>
      tpu.enqueue_indirect_dma source(%dma_start3A_272 : memref<125x64xf32, #tpu.memory_space<vmem>>) target(%dma_start3A_278 : memref<10000x64xf32, #tpu.memory_space<vmem_shared>>) offsets(%dma_start3A_275 : memref<125xi32, #tpu.memory_space<vmem>>) semaphore(%arg11 : memref<!tpu.dma_semaphore, #tpu.memory_space<semaphore_mem>>) {add = true}
      %dma_wait3A_279 = arith.constant 500 : i32
      %dma_wait3A_280 = arith.constant 0 : i32
      %dma_wait3A_281 = tpu.memref_slice %arg8[%dma_wait3A_279, %dma_wait3A_280] : memref<1000x64xf32, #tpu.memory_space<vmem>> -> memref<125x64xf32, #tpu.memory_space<vmem>>
      %dma_wait3A_282 = arith.constant 0 : i32
      %dma_wait3A_283 = tpu.memref_slice %arg6[%add3A_125, %dma_wait3A_282] : memref<80x125xi32, #tpu.memory_space<vmem>> -> memref<1x125xi32, #tpu.memory_space<vmem>>
      %dma_wait3A_284 = tpu.memref_squeeze %dma_wait3A_283 : memref<1x125xi32, #tpu.memory_space<vmem>> -> memref<125xi32, #tpu.memory_space<vmem>>
      %dma_wait3A_285 = arith.constant 0 : i32
      %dma_wait3A_286 = arith.constant 0 : i32
      %dma_wait3A_287 = tpu.memref_slice %arg2[%arg0, %dma_wait3A_285, %dma_wait3A_286] : memref<2x10000x64xf32, #tpu.memory_space<hbm>> -> memref<1x10000x64xf32, #tpu.memory_space<hbm>>
      %dma_wait3A_288 = tpu.memref_squeeze %dma_wait3A_287 : memref<1x10000x64xf32, #tpu.memory_space<hbm>> -> memref<10000x64xf32, #tpu.memory_space<hbm>>
      %dma_wait3A_289 = arith.constant 0 : i32
      %dma_wait3A_290 = arith.constant 0 : i32
      %dma_wait3A_291 = tpu.memref_slice %dma_wait3A_288[%dma_wait3A_289, %dma_wait3A_290] : memref<10000x64xf32, #tpu.memory_space<hbm>> -> memref<10000x64xf32, #tpu.memory_space<hbm>>
      tpu.wait_indirect_dma semaphore(%arg10 : memref<!tpu.dma_semaphore, #tpu.memory_space<semaphore_mem>>) src(%dma_wait3A_291 : memref<10000x64xf32, #tpu.memory_space<hbm>>) dst(%dma_wait3A_281 : memref<125x64xf32, #tpu.memory_space<vmem>>)
      %add3A_292 = arith.constant 4 : i32
      %add3A_293 = arith.addi %mul3A_64, %add3A_292 : i32
      %dma_start3A_294 = arith.constant 500 : i32
      %dma_start3A_295 = arith.constant 0 : i32
      %dma_start3A_296 = tpu.memref_slice %arg8[%dma_start3A_294, %dma_start3A_295] : memref<1000x64xf32, #tpu.memory_space<vmem>> -> memref<125x64xf32, #tpu.memory_space<vmem>>
      %dma_start3A_297 = arith.constant 0 : i32
      %dma_start3A_298 = tpu.memref_slice %arg7[%add3A_293, %dma_start3A_297] : memref<80x125xi32, #tpu.memory_space<vmem>> -> memref<1x125xi32, #tpu.memory_space<vmem>>
      %dma_start3A_299 = tpu.memref_squeeze %dma_start3A_298 : memref<1x125xi32, #tpu.memory_space<vmem>> -> memref<125xi32, #tpu.memory_space<vmem>>
      %dma_start3A_300 = arith.constant 0 : i32
      %dma_start3A_301 = arith.constant 0 : i32
      %dma_start3A_302 = tpu.memref_slice %arg9[%dma_start3A_300, %dma_start3A_301] : memref<10000x64xf32, #tpu.memory_space<vmem_shared>> -> memref<10000x64xf32, #tpu.memory_space<vmem_shared>>
      tpu.enqueue_indirect_dma source(%dma_start3A_296 : memref<125x64xf32, #tpu.memory_space<vmem>>) target(%dma_start3A_302 : memref<10000x64xf32, #tpu.memory_space<vmem_shared>>) offsets(%dma_start3A_299 : memref<125xi32, #tpu.memory_space<vmem>>) semaphore(%arg11 : memref<!tpu.dma_semaphore, #tpu.memory_space<semaphore_mem>>) {add = true}
      %dma_wait3A_303 = arith.constant 625 : i32
      %dma_wait3A_304 = arith.constant 0 : i32
      %dma_wait3A_305 = tpu.memref_slice %arg8[%dma_wait3A_303, %dma_wait3A_304] : memref<1000x64xf32, #tpu.memory_space<vmem>> -> memref<125x64xf32, #tpu.memory_space<vmem>>
      %dma_wait3A_306 = arith.constant 0 : i32
      %dma_wait3A_307 = tpu.memref_slice %arg6[%add3A_140, %dma_wait3A_306] : memref<80x125xi32, #tpu.memory_space<vmem>> -> memref<1x125xi32, #tpu.memory_space<vmem>>
      %dma_wait3A_308 = tpu.memref_squeeze %dma_wait3A_307 : memref<1x125xi32, #tpu.memory_space<vmem>> -> memref<125xi32, #tpu.memory_space<vmem>>
      %dma_wait3A_309 = arith.constant 0 : i32
      %dma_wait3A_310 = arith.constant 0 : i32
      %dma_wait3A_311 = tpu.memref_slice %arg2[%arg0, %dma_wait3A_309, %dma_wait3A_310] : memref<2x10000x64xf32, #tpu.memory_space<hbm>> -> memref<1x10000x64xf32, #tpu.memory_space<hbm>>
      %dma_wait3A_312 = tpu.memref_squeeze %dma_wait3A_311 : memref<1x10000x64xf32, #tpu.memory_space<hbm>> -> memref<10000x64xf32, #tpu.memory_space<hbm>>
      %dma_wait3A_313 = arith.constant 0 : i32
      %dma_wait3A_314 = arith.constant 0 : i32
      %dma_wait3A_315 = tpu.memref_slice %dma_wait3A_312[%dma_wait3A_313, %dma_wait3A_314] : memref<10000x64xf32, #tpu.memory_space<hbm>> -> memref<10000x64xf32, #tpu.memory_space<hbm>>
      tpu.wait_indirect_dma semaphore(%arg10 : memref<!tpu.dma_semaphore, #tpu.memory_space<semaphore_mem>>) src(%dma_wait3A_315 : memref<10000x64xf32, #tpu.memory_space<hbm>>) dst(%dma_wait3A_305 : memref<125x64xf32, #tpu.memory_space<vmem>>)
      %add3A_316 = arith.constant 5 : i32
      %add3A_317 = arith.addi %mul3A_64, %add3A_316 : i32
      %dma_start3A_318 = arith.constant 625 : i32
      %dma_start3A_319 = arith.constant 0 : i32
      %dma_start3A_320 = tpu.memref_slice %arg8[%dma_start3A_318, %dma_start3A_319] : memref<1000x64xf32, #tpu.memory_space<vmem>> -> memref<125x64xf32, #tpu.memory_space<vmem>>
      %dma_start3A_321 = arith.constant 0 : i32
      %dma_start3A_322 = tpu.memref_slice %arg7[%add3A_317, %dma_start3A_321] : memref<80x125xi32, #tpu.memory_space<vmem>> -> memref<1x125xi32, #tpu.memory_space<vmem>>
      %dma_start3A_323 = tpu.memref_squeeze %dma_start3A_322 : memref<1x125xi32, #tpu.memory_space<vmem>> -> memref<125xi32, #tpu.memory_space<vmem>>
      %dma_start3A_324 = arith.constant 0 : i32
      %dma_start3A_325 = arith.constant 0 : i32
      %dma_start3A_326 = tpu.memref_slice %arg9[%dma_start3A_324, %dma_start3A_325] : memref<10000x64xf32, #tpu.memory_space<vmem_shared>> -> memref<10000x64xf32, #tpu.memory_space<vmem_shared>>
      tpu.enqueue_indirect_dma source(%dma_start3A_320 : memref<125x64xf32, #tpu.memory_space<vmem>>) target(%dma_start3A_326 : memref<10000x64xf32, #tpu.memory_space<vmem_shared>>) offsets(%dma_start3A_323 : memref<125xi32, #tpu.memory_space<vmem>>) semaphore(%arg11 : memref<!tpu.dma_semaphore, #tpu.memory_space<semaphore_mem>>) {add = true}
      %dma_wait3A_327 = arith.constant 750 : i32
      %dma_wait3A_328 = arith.constant 0 : i32
      %dma_wait3A_329 = tpu.memref_slice %arg8[%dma_wait3A_327, %dma_wait3A_328] : memref<1000x64xf32, #tpu.memory_space<vmem>> -> memref<125x64xf32, #tpu.memory_space<vmem>>
      %dma_wait3A_330 = arith.constant 0 : i32
      %dma_wait3A_331 = tpu.memref_slice %arg6[%add3A_155, %dma_wait3A_330] : memref<80x125xi32, #tpu.memory_space<vmem>> -> memref<1x125xi32, #tpu.memory_space<vmem>>
      %dma_wait3A_332 = tpu.memref_squeeze %dma_wait3A_331 : memref<1x125xi32, #tpu.memory_space<vmem>> -> memref<125xi32, #tpu.memory_space<vmem>>
      %dma_wait3A_333 = arith.constant 0 : i32
      %dma_wait3A_334 = arith.constant 0 : i32
      %dma_wait3A_335 = tpu.memref_slice %arg2[%arg0, %dma_wait3A_333, %dma_wait3A_334] : memref<2x10000x64xf32, #tpu.memory_space<hbm>> -> memref<1x10000x64xf32, #tpu.memory_space<hbm>>
      %dma_wait3A_336 = tpu.memref_squeeze %dma_wait3A_335 : memref<1x10000x64xf32, #tpu.memory_space<hbm>> -> memref<10000x64xf32, #tpu.memory_space<hbm>>
      %dma_wait3A_337 = arith.constant 0 : i32
      %dma_wait3A_338 = arith.constant 0 : i32
      %dma_wait3A_339 = tpu.memref_slice %dma_wait3A_336[%dma_wait3A_337, %dma_wait3A_338] : memref<10000x64xf32, #tpu.memory_space<hbm>> -> memref<10000x64xf32, #tpu.memory_space<hbm>>
      tpu.wait_indirect_dma semaphore(%arg10 : memref<!tpu.dma_semaphore, #tpu.memory_space<semaphore_mem>>) src(%dma_wait3A_339 : memref<10000x64xf32, #tpu.memory_space<hbm>>) dst(%dma_wait3A_329 : memref<125x64xf32, #tpu.memory_space<vmem>>)
      %add3A_340 = arith.constant 6 : i32
      %add3A_341 = arith.addi %mul3A_64, %add3A_340 : i32
      %dma_start3A_342 = arith.constant 750 : i32
      %dma_start3A_343 = arith.constant 0 : i32
      %dma_start3A_344 = tpu.memref_slice %arg8[%dma_start3A_342, %dma_start3A_343] : memref<1000x64xf32, #tpu.memory_space<vmem>> -> memref<125x64xf32, #tpu.memory_space<vmem>>
      %dma_start3A_345 = arith.constant 0 : i32
      %dma_start3A_346 = tpu.memref_slice %arg7[%add3A_341, %dma_start3A_345] : memref<80x125xi32, #tpu.memory_space<vmem>> -> memref<1x125xi32, #tpu.memory_space<vmem>>
      %dma_start3A_347 = tpu.memref_squeeze %dma_start3A_346 : memref<1x125xi32, #tpu.memory_space<vmem>> -> memref<125xi32, #tpu.memory_space<vmem>>
      %dma_start3A_348 = arith.constant 0 : i32
      %dma_start3A_349 = arith.constant 0 : i32
      %dma_start3A_350 = tpu.memref_slice %arg9[%dma_start3A_348, %dma_start3A_349] : memref<10000x64xf32, #tpu.memory_space<vmem_shared>> -> memref<10000x64xf32, #tpu.memory_space<vmem_shared>>
      tpu.enqueue_indirect_dma source(%dma_start3A_344 : memref<125x64xf32, #tpu.memory_space<vmem>>) target(%dma_start3A_350 : memref<10000x64xf32, #tpu.memory_space<vmem_shared>>) offsets(%dma_start3A_347 : memref<125xi32, #tpu.memory_space<vmem>>) semaphore(%arg11 : memref<!tpu.dma_semaphore, #tpu.memory_space<semaphore_mem>>) {add = true}
      %dma_wait3A_351 = arith.constant 875 : i32
      %dma_wait3A_352 = arith.constant 0 : i32
      %dma_wait3A_353 = tpu.memref_slice %arg8[%dma_wait3A_351, %dma_wait3A_352] : memref<1000x64xf32, #tpu.memory_space<vmem>> -> memref<125x64xf32, #tpu.memory_space<vmem>>
      %dma_wait3A_354 = arith.constant 0 : i32
      %dma_wait3A_355 = tpu.memref_slice %arg6[%add3A_170, %dma_wait3A_354] : memref<80x125xi32, #tpu.memory_space<vmem>> -> memref<1x125xi32, #tpu.memory_space<vmem>>
      %dma_wait3A_356 = tpu.memref_squeeze %dma_wait3A_355 : memref<1x125xi32, #tpu.memory_space<vmem>> -> memref<125xi32, #tpu.memory_space<vmem>>
      %dma_wait3A_357 = arith.constant 0 : i32
      %dma_wait3A_358 = arith.constant 0 : i32
      %dma_wait3A_359 = tpu.memref_slice %arg2[%arg0, %dma_wait3A_357, %dma_wait3A_358] : memref<2x10000x64xf32, #tpu.memory_space<hbm>> -> memref<1x10000x64xf32, #tpu.memory_space<hbm>>
      %dma_wait3A_360 = tpu.memref_squeeze %dma_wait3A_359 : memref<1x10000x64xf32, #tpu.memory_space<hbm>> -> memref<10000x64xf32, #tpu.memory_space<hbm>>
      %dma_wait3A_361 = arith.constant 0 : i32
      %dma_wait3A_362 = arith.constant 0 : i32
      %dma_wait3A_363 = tpu.memref_slice %dma_wait3A_360[%dma_wait3A_361, %dma_wait3A_362] : memref<10000x64xf32, #tpu.memory_space<hbm>> -> memref<10000x64xf32, #tpu.memory_space<hbm>>
      tpu.wait_indirect_dma semaphore(%arg10 : memref<!tpu.dma_semaphore, #tpu.memory_space<semaphore_mem>>) src(%dma_wait3A_363 : memref<10000x64xf32, #tpu.memory_space<hbm>>) dst(%dma_wait3A_353 : memref<125x64xf32, #tpu.memory_space<vmem>>)
      %add3A_364 = arith.constant 7 : i32
      %add3A_365 = arith.addi %mul3A_64, %add3A_364 : i32
      %dma_start3A_366 = arith.constant 875 : i32
      %dma_start3A_367 = arith.constant 0 : i32
      %dma_start3A_368 = tpu.memref_slice %arg8[%dma_start3A_366, %dma_start3A_367] : memref<1000x64xf32, #tpu.memory_space<vmem>> -> memref<125x64xf32, #tpu.memory_space<vmem>>
      %dma_start3A_369 = arith.constant 0 : i32
      %dma_start3A_370 = tpu.memref_slice %arg7[%add3A_365, %dma_start3A_369] : memref<80x125xi32, #tpu.memory_space<vmem>> -> memref<1x125xi32, #tpu.memory_space<vmem>>
      %dma_start3A_371 = tpu.memref_squeeze %dma_start3A_370 : memref<1x125xi32, #tpu.memory_space<vmem>> -> memref<125xi32, #tpu.memory_space<vmem>>
      %dma_start3A_372 = arith.constant 0 : i32
      %dma_start3A_373 = arith.constant 0 : i32
      %dma_start3A_374 = tpu.memref_slice %arg9[%dma_start3A_372, %dma_start3A_373] : memref<10000x64xf32, #tpu.memory_space<vmem_shared>> -> memref<10000x64xf32, #tpu.memory_space<vmem_shared>>
      tpu.enqueue_indirect_dma source(%dma_start3A_368 : memref<125x64xf32, #tpu.memory_space<vmem>>) target(%dma_start3A_374 : memref<10000x64xf32, #tpu.memory_space<vmem_shared>>) offsets(%dma_start3A_371 : memref<125xi32, #tpu.memory_space<vmem>>) semaphore(%arg11 : memref<!tpu.dma_semaphore, #tpu.memory_space<semaphore_mem>>) {add = true}
      %dma_wait3A_375 = arith.constant 0 : i32
      %dma_wait3A_376 = arith.constant 0 : i32
      %dma_wait3A_377 = tpu.memref_slice %arg8[%dma_wait3A_375, %dma_wait3A_376] : memref<1000x64xf32, #tpu.memory_space<vmem>> -> memref<125x64xf32, #tpu.memory_space<vmem>>
      %dma_wait3A_378 = arith.constant 0 : i32
      %dma_wait3A_379 = tpu.memref_slice %arg7[%add3A_197, %dma_wait3A_378] : memref<80x125xi32, #tpu.memory_space<vmem>> -> memref<1x125xi32, #tpu.memory_space<vmem>>
      %dma_wait3A_380 = tpu.memref_squeeze %dma_wait3A_379 : memref<1x125xi32, #tpu.memory_space<vmem>> -> memref<125xi32, #tpu.memory_space<vmem>>
      %dma_wait3A_381 = arith.constant 0 : i32
      %dma_wait3A_382 = arith.constant 0 : i32
      %dma_wait3A_383 = tpu.memref_slice %arg9[%dma_wait3A_381, %dma_wait3A_382] : memref<10000x64xf32, #tpu.memory_space<vmem_shared>> -> memref<10000x64xf32, #tpu.memory_space<vmem_shared>>
      tpu.wait_indirect_dma semaphore(%arg11 : memref<!tpu.dma_semaphore, #tpu.memory_space<semaphore_mem>>) src(%dma_wait3A_377 : memref<125x64xf32, #tpu.memory_space<vmem>>) dst(%dma_wait3A_383 : memref<10000x64xf32, #tpu.memory_space<vmem_shared>>)
      %dma_wait3A_384 = arith.constant 125 : i32
      %dma_wait3A_385 = arith.constant 0 : i32
      %dma_wait3A_386 = tpu.memref_slice %arg8[%dma_wait3A_384, %dma_wait3A_385] : memref<1000x64xf32, #tpu.memory_space<vmem>> -> memref<125x64xf32, #tpu.memory_space<vmem>>
      %dma_wait3A_387 = arith.constant 0 : i32
      %dma_wait3A_388 = tpu.memref_slice %arg7[%add3A_221, %dma_wait3A_387] : memref<80x125xi32, #tpu.memory_space<vmem>> -> memref<1x125xi32, #tpu.memory_space<vmem>>
      %dma_wait3A_389 = tpu.memref_squeeze %dma_wait3A_388 : memref<1x125xi32, #tpu.memory_space<vmem>> -> memref<125xi32, #tpu.memory_space<vmem>>
      %dma_wait3A_390 = arith.constant 0 : i32
      %dma_wait3A_391 = arith.constant 0 : i32
      %dma_wait3A_392 = tpu.memref_slice %arg9[%dma_wait3A_390, %dma_wait3A_391] : memref<10000x64xf32, #tpu.memory_space<vmem_shared>> -> memref<10000x64xf32, #tpu.memory_space<vmem_shared>>
      tpu.wait_indirect_dma semaphore(%arg11 : memref<!tpu.dma_semaphore, #tpu.memory_space<semaphore_mem>>) src(%dma_wait3A_386 : memref<125x64xf32, #tpu.memory_space<vmem>>) dst(%dma_wait3A_392 : memref<10000x64xf32, #tpu.memory_space<vmem_shared>>)
      %dma_wait3A_393 = arith.constant 250 : i32
      %dma_wait3A_394 = arith.constant 0 : i32
      %dma_wait3A_395 = tpu.memref_slice %arg8[%dma_wait3A_393, %dma_wait3A_394] : memref<1000x64xf32, #tpu.memory_space<vmem>> -> memref<125x64xf32, #tpu.memory_space<vmem>>
      %dma_wait3A_396 = arith.constant 0 : i32
      %dma_wait3A_397 = tpu.memref_slice %arg7[%add3A_245, %dma_wait3A_396] : memref<80x125xi32, #tpu.memory_space<vmem>> -> memref<1x125xi32, #tpu.memory_space<vmem>>
      %dma_wait3A_398 = tpu.memref_squeeze %dma_wait3A_397 : memref<1x125xi32, #tpu.memory_space<vmem>> -> memref<125xi32, #tpu.memory_space<vmem>>
      %dma_wait3A_399 = arith.constant 0 : i32
      %dma_wait3A_400 = arith.constant 0 : i32
      %dma_wait3A_401 = tpu.memref_slice %arg9[%dma_wait3A_399, %dma_wait3A_400] : memref<10000x64xf32, #tpu.memory_space<vmem_shared>> -> memref<10000x64xf32, #tpu.memory_space<vmem_shared>>
      tpu.wait_indirect_dma semaphore(%arg11 : memref<!tpu.dma_semaphore, #tpu.memory_space<semaphore_mem>>) src(%dma_wait3A_395 : memref<125x64xf32, #tpu.memory_space<vmem>>) dst(%dma_wait3A_401 : memref<10000x64xf32, #tpu.memory_space<vmem_shared>>)
      %dma_wait3A_402 = arith.constant 375 : i32
      %dma_wait3A_403 = arith.constant 0 : i32
      %dma_wait3A_404 = tpu.memref_slice %arg8[%dma_wait3A_402, %dma_wait3A_403] : memref<1000x64xf32, #tpu.memory_space<vmem>> -> memref<125x64xf32, #tpu.memory_space<vmem>>
      %dma_wait3A_405 = arith.constant 0 : i32
      %dma_wait3A_406 = tpu.memref_slice %arg7[%add3A_269, %dma_wait3A_405] : memref<80x125xi32, #tpu.memory_space<vmem>> -> memref<1x125xi32, #tpu.memory_space<vmem>>
      %dma_wait3A_407 = tpu.memref_squeeze %dma_wait3A_406 : memref<1x125xi32, #tpu.memory_space<vmem>> -> memref<125xi32, #tpu.memory_space<vmem>>
      %dma_wait3A_408 = arith.constant 0 : i32
      %dma_wait3A_409 = arith.constant 0 : i32
      %dma_wait3A_410 = tpu.memref_slice %arg9[%dma_wait3A_408, %dma_wait3A_409] : memref<10000x64xf32, #tpu.memory_space<vmem_shared>> -> memref<10000x64xf32, #tpu.memory_space<vmem_shared>>
      tpu.wait_indirect_dma semaphore(%arg11 : memref<!tpu.dma_semaphore, #tpu.memory_space<semaphore_mem>>) src(%dma_wait3A_404 : memref<125x64xf32, #tpu.memory_space<vmem>>) dst(%dma_wait3A_410 : memref<10000x64xf32, #tpu.memory_space<vmem_shared>>)
      %dma_wait3A_411 = arith.constant 500 : i32
      %dma_wait3A_412 = arith.constant 0 : i32
      %dma_wait3A_413 = tpu.memref_slice %arg8[%dma_wait3A_411, %dma_wait3A_412] : memref<1000x64xf32, #tpu.memory_space<vmem>> -> memref<125x64xf32, #tpu.memory_space<vmem>>
      %dma_wait3A_414 = arith.constant 0 : i32
      %dma_wait3A_415 = tpu.memref_slice %arg7[%add3A_293, %dma_wait3A_414] : memref<80x125xi32, #tpu.memory_space<vmem>> -> memref<1x125xi32, #tpu.memory_space<vmem>>
      %dma_wait3A_416 = tpu.memref_squeeze %dma_wait3A_415 : memref<1x125xi32, #tpu.memory_space<vmem>> -> memref<125xi32, #tpu.memory_space<vmem>>
      %dma_wait3A_417 = arith.constant 0 : i32
      %dma_wait3A_418 = arith.constant 0 : i32
      %dma_wait3A_419 = tpu.memref_slice %arg9[%dma_wait3A_417, %dma_wait3A_418] : memref<10000x64xf32, #tpu.memory_space<vmem_shared>> -> memref<10000x64xf32, #tpu.memory_space<vmem_shared>>
      tpu.wait_indirect_dma semaphore(%arg11 : memref<!tpu.dma_semaphore, #tpu.memory_space<semaphore_mem>>) src(%dma_wait3A_413 : memref<125x64xf32, #tpu.memory_space<vmem>>) dst(%dma_wait3A_419 : memref<10000x64xf32, #tpu.memory_space<vmem_shared>>)
      %dma_wait3A_420 = arith.constant 625 : i32
      %dma_wait3A_421 = arith.constant 0 : i32
      %dma_wait3A_422 = tpu.memref_slice %arg8[%dma_wait3A_420, %dma_wait3A_421] : memref<1000x64xf32, #tpu.memory_space<vmem>> -> memref<125x64xf32, #tpu.memory_space<vmem>>
      %dma_wait3A_423 = arith.constant 0 : i32
      %dma_wait3A_424 = tpu.memref_slice %arg7[%add3A_317, %dma_wait3A_423] : memref<80x125xi32, #tpu.memory_space<vmem>> -> memref<1x125xi32, #tpu.memory_space<vmem>>
      %dma_wait3A_425 = tpu.memref_squeeze %dma_wait3A_424 : memref<1x125xi32, #tpu.memory_space<vmem>> -> memref<125xi32, #tpu.memory_space<vmem>>
      %dma_wait3A_426 = arith.constant 0 : i32
      %dma_wait3A_427 = arith.constant 0 : i32
      %dma_wait3A_428 = tpu.memref_slice %arg9[%dma_wait3A_426, %dma_wait3A_427] : memref<10000x64xf32, #tpu.memory_space<vmem_shared>> -> memref<10000x64xf32, #tpu.memory_space<vmem_shared>>
      tpu.wait_indirect_dma semaphore(%arg11 : memref<!tpu.dma_semaphore, #tpu.memory_space<semaphore_mem>>) src(%dma_wait3A_422 : memref<125x64xf32, #tpu.memory_space<vmem>>) dst(%dma_wait3A_428 : memref<10000x64xf32, #tpu.memory_space<vmem_shared>>)
      %dma_wait3A_429 = arith.constant 750 : i32
      %dma_wait3A_430 = arith.constant 0 : i32
      %dma_wait3A_431 = tpu.memref_slice %arg8[%dma_wait3A_429, %dma_wait3A_430] : memref<1000x64xf32, #tpu.memory_space<vmem>> -> memref<125x64xf32, #tpu.memory_space<vmem>>
      %dma_wait3A_432 = arith.constant 0 : i32
      %dma_wait3A_433 = tpu.memref_slice %arg7[%add3A_341, %dma_wait3A_432] : memref<80x125xi32, #tpu.memory_space<vmem>> -> memref<1x125xi32, #tpu.memory_space<vmem>>
      %dma_wait3A_434 = tpu.memref_squeeze %dma_wait3A_433 : memref<1x125xi32, #tpu.memory_space<vmem>> -> memref<125xi32, #tpu.memory_space<vmem>>
      %dma_wait3A_435 = arith.constant 0 : i32
      %dma_wait3A_436 = arith.constant 0 : i32
      %dma_wait3A_437 = tpu.memref_slice %arg9[%dma_wait3A_435, %dma_wait3A_436] : memref<10000x64xf32, #tpu.memory_space<vmem_shared>> -> memref<10000x64xf32, #tpu.memory_space<vmem_shared>>
      tpu.wait_indirect_dma semaphore(%arg11 : memref<!tpu.dma_semaphore, #tpu.memory_space<semaphore_mem>>) src(%dma_wait3A_431 : memref<125x64xf32, #tpu.memory_space<vmem>>) dst(%dma_wait3A_437 : memref<10000x64xf32, #tpu.memory_space<vmem_shared>>)
      %dma_wait3A_438 = arith.constant 875 : i32
      %dma_wait3A_439 = arith.constant 0 : i32
      %dma_wait3A_440 = tpu.memref_slice %arg8[%dma_wait3A_438, %dma_wait3A_439] : memref<1000x64xf32, #tpu.memory_space<vmem>> -> memref<125x64xf32, #tpu.memory_space<vmem>>
      %dma_wait3A_441 = arith.constant 0 : i32
      %dma_wait3A_442 = tpu.memref_slice %arg7[%add3A_365, %dma_wait3A_441] : memref<80x125xi32, #tpu.memory_space<vmem>> -> memref<1x125xi32, #tpu.memory_space<vmem>>
      %dma_wait3A_443 = tpu.memref_squeeze %dma_wait3A_442 : memref<1x125xi32, #tpu.memory_space<vmem>> -> memref<125xi32, #tpu.memory_space<vmem>>
      %dma_wait3A_444 = arith.constant 0 : i32
      %dma_wait3A_445 = arith.constant 0 : i32
      %dma_wait3A_446 = tpu.memref_slice %arg9[%dma_wait3A_444, %dma_wait3A_445] : memref<10000x64xf32, #tpu.memory_space<vmem_shared>> -> memref<10000x64xf32, #tpu.memory_space<vmem_shared>>
      tpu.wait_indirect_dma semaphore(%arg11 : memref<!tpu.dma_semaphore, #tpu.memory_space<semaphore_mem>>) src(%dma_wait3A_440 : memref<125x64xf32, #tpu.memory_space<vmem>>) dst(%dma_wait3A_446 : memref<10000x64xf32, #tpu.memory_space<vmem_shared>>)
    }
    %scan3A_38 = arith.constant 10 : i32
    %add3A_39 = arith.constant 80 : i32
    %add3A_40 = arith.addi %mul3A_29, %add3A_39 : i32
    "tpu.region"() ({
      %run_scoped3A = tpu.sem_alloc : memref<!tpu.dma_semaphore, #tpu.memory_space<semaphore_mem>>
      %dma_start3A = arith.constant 0 : i32
      %dma_start3A_58 = tpu.memref_slice %arg3[%add3A_40, %dma_start3A] : memref<2560x125xi32, #tpu.memory_space<hbm>> -> memref<80x125xi32, #tpu.memory_space<hbm>>
      %dma_start3A_59 = arith.constant 0 : i32
      %dma_start3A_60 = tpu.memref_slice %arg3[%add3A_40, %dma_start3A_59] : memref<2560x125xi32, #tpu.memory_space<hbm>> -> memref<80x125xi32, #tpu.memory_space<hbm>>
      tpu.enqueue_dma source(%dma_start3A_60 : memref<80x125xi32, #tpu.memory_space<hbm>>) target(%arg6 : memref<80x125xi32, #tpu.memory_space<vmem>>) target_semaphore(%run_scoped3A : memref<!tpu.dma_semaphore, #tpu.memory_space<semaphore_mem>>)
      %dma_wait3A = arith.constant 0 : i32
      %dma_wait3A_61 = tpu.memref_slice %arg3[%add3A_40, %dma_wait3A] : memref<2560x125xi32, #tpu.memory_space<hbm>> -> memref<80x125xi32, #tpu.memory_space<hbm>>
      %dma_wait3A_62 = arith.constant 0 : i32
      %dma_wait3A_63 = tpu.memref_slice %arg3[%add3A_40, %dma_wait3A_62] : memref<2560x125xi32, #tpu.memory_space<hbm>> -> memref<80x125xi32, #tpu.memory_space<hbm>>
      tpu.wait_dma2 semaphore(%run_scoped3A : memref<!tpu.dma_semaphore, #tpu.memory_space<semaphore_mem>>) src(%dma_wait3A_63 : memref<80x125xi32, #tpu.memory_space<hbm>>) dst(%arg6 : memref<80x125xi32, #tpu.memory_space<vmem>>)
      tpu.yield
    }) : () -> ()
    %add3A_41 = arith.constant 80 : i32
    %add3A_42 = arith.addi %mul3A_29, %add3A_41 : i32
    "tpu.region"() ({
      %run_scoped3A = tpu.sem_alloc : memref<!tpu.dma_semaphore, #tpu.memory_space<semaphore_mem>>
      %dma_start3A = arith.constant 0 : i32
      %dma_start3A_58 = tpu.memref_slice %arg4[%add3A_42, %dma_start3A] : memref<2560x125xi32, #tpu.memory_space<hbm>> -> memref<80x125xi32, #tpu.memory_space<hbm>>
      %dma_start3A_59 = arith.constant 0 : i32
      %dma_start3A_60 = tpu.memref_slice %arg4[%add3A_42, %dma_start3A_59] : memref<2560x125xi32, #tpu.memory_space<hbm>> -> memref<80x125xi32, #tpu.memory_space<hbm>>
      tpu.enqueue_dma source(%dma_start3A_60 : memref<80x125xi32, #tpu.memory_space<hbm>>) target(%arg7 : memref<80x125xi32, #tpu.memory_space<vmem>>) target_semaphore(%run_scoped3A : memref<!tpu.dma_semaphore, #tpu.memory_space<semaphore_mem>>)
      %dma_wait3A = arith.constant 0 : i32
      %dma_wait3A_61 = tpu.memref_slice %arg4[%add3A_42, %dma_wait3A] : memref<2560x125xi32, #tpu.memory_space<hbm>> -> memref<80x125xi32, #tpu.memory_space<hbm>>
      %dma_wait3A_62 = arith.constant 0 : i32
      %dma_wait3A_63 = tpu.memref_slice %arg4[%add3A_42, %dma_wait3A_62] : memref<2560x125xi32, #tpu.memory_space<hbm>> -> memref<80x125xi32, #tpu.memory_space<hbm>>
      tpu.wait_dma2 semaphore(%run_scoped3A : memref<!tpu.dma_semaphore, #tpu.memory_space<semaphore_mem>>) src(%dma_wait3A_63 : memref<80x125xi32, #tpu.memory_space<hbm>>) dst(%arg7 : memref<80x125xi32, #tpu.memory_space<vmem>>)
      tpu.yield
    }) : () -> ()
    %scan3A_43 = arith.constant 0 : i32
    %scan3A_44 = arith.constant 10 : i32
    %scan3A_45 = arith.addi %scan3A_43, %scan3A_44 : i32
    %scan3A_46 = arith.constant 1 : i32
    scf.for %scan3A_58 = %scan3A_43 to %scan3A_45 step %scan3A_46  : i32 {
      %mul3A_59 = arith.constant 1 : i32
      %mul3A_60 = arith.muli %scan3A_58, %mul3A_59 : i32
      %add3A_61 = arith.constant 0 : i32
      %add3A_62 = arith.addi %add3A_61, %mul3A_60 : i32
      %mul3A_63 = arith.constant 8 : i32
      %mul3A_64 = arith.muli %add3A_62, %mul3A_63 : i32
      %add3A_65 = arith.constant 0 : i32
      %add3A_66 = arith.addi %mul3A_64, %add3A_65 : i32
      %dma_start3A = arith.constant 0 : i32
      %dma_start3A_67 = arith.constant 0 : i32
      %dma_start3A_68 = tpu.memref_slice %arg8[%dma_start3A, %dma_start3A_67] : memref<1000x64xf32, #tpu.memory_space<vmem>> -> memref<125x64xf32, #tpu.memory_space<vmem>>
      %dma_start3A_69 = arith.constant 0 : i32
      %dma_start3A_70 = tpu.memref_slice %arg6[%add3A_66, %dma_start3A_69] : memref<80x125xi32, #tpu.memory_space<vmem>> -> memref<1x125xi32, #tpu.memory_space<vmem>>
      %dma_start3A_71 = tpu.memref_squeeze %dma_start3A_70 : memref<1x125xi32, #tpu.memory_space<vmem>> -> memref<125xi32, #tpu.memory_space<vmem>>
      %dma_start3A_72 = arith.constant 0 : i32
      %dma_start3A_73 = arith.constant 0 : i32
      %dma_start3A_74 = tpu.memref_slice %arg2[%arg0, %dma_start3A_72, %dma_start3A_73] : memref<2x10000x64xf32, #tpu.memory_space<hbm>> -> memref<1x10000x64xf32, #tpu.memory_space<hbm>>
      %dma_start3A_75 = tpu.memref_squeeze %dma_start3A_74 : memref<1x10000x64xf32, #tpu.memory_space<hbm>> -> memref<10000x64xf32, #tpu.memory_space<hbm>>
      %dma_start3A_76 = arith.constant 0 : i32
      %dma_start3A_77 = arith.constant 0 : i32
      %dma_start3A_78 = tpu.memref_slice %dma_start3A_75[%dma_start3A_76, %dma_start3A_77] : memref<10000x64xf32, #tpu.memory_space<hbm>> -> memref<10000x64xf32, #tpu.memory_space<hbm>>
      tpu.enqueue_indirect_dma source(%dma_start3A_78 : memref<10000x64xf32, #tpu.memory_space<hbm>>) target(%dma_start3A_68 : memref<125x64xf32, #tpu.memory_space<vmem>>) offsets(%dma_start3A_71 : memref<125xi32, #tpu.memory_space<vmem>>) semaphore(%arg10 : memref<!tpu.dma_semaphore, #tpu.memory_space<semaphore_mem>>)
      %add3A_79 = arith.constant 1 : i32
      %add3A_80 = arith.addi %mul3A_64, %add3A_79 : i32
      %dma_start3A_81 = arith.constant 125 : i32
      %dma_start3A_82 = arith.constant 0 : i32
      %dma_start3A_83 = tpu.memref_slice %arg8[%dma_start3A_81, %dma_start3A_82] : memref<1000x64xf32, #tpu.memory_space<vmem>> -> memref<125x64xf32, #tpu.memory_space<vmem>>
      %dma_start3A_84 = arith.constant 0 : i32
      %dma_start3A_85 = tpu.memref_slice %arg6[%add3A_80, %dma_start3A_84] : memref<80x125xi32, #tpu.memory_space<vmem>> -> memref<1x125xi32, #tpu.memory_space<vmem>>
      %dma_start3A_86 = tpu.memref_squeeze %dma_start3A_85 : memref<1x125xi32, #tpu.memory_space<vmem>> -> memref<125xi32, #tpu.memory_space<vmem>>
      %dma_start3A_87 = arith.constant 0 : i32
      %dma_start3A_88 = arith.constant 0 : i32
      %dma_start3A_89 = tpu.memref_slice %arg2[%arg0, %dma_start3A_87, %dma_start3A_88] : memref<2x10000x64xf32, #tpu.memory_space<hbm>> -> memref<1x10000x64xf32, #tpu.memory_space<hbm>>
      %dma_start3A_90 = tpu.memref_squeeze %dma_start3A_89 : memref<1x10000x64xf32, #tpu.memory_space<hbm>> -> memref<10000x64xf32, #tpu.memory_space<hbm>>
      %dma_start3A_91 = arith.constant 0 : i32
      %dma_start3A_92 = arith.constant 0 : i32
      %dma_start3A_93 = tpu.memref_slice %dma_start3A_90[%dma_start3A_91, %dma_start3A_92] : memref<10000x64xf32, #tpu.memory_space<hbm>> -> memref<10000x64xf32, #tpu.memory_space<hbm>>
      tpu.enqueue_indirect_dma source(%dma_start3A_93 : memref<10000x64xf32, #tpu.memory_space<hbm>>) target(%dma_start3A_83 : memref<125x64xf32, #tpu.memory_space<vmem>>) offsets(%dma_start3A_86 : memref<125xi32, #tpu.memory_space<vmem>>) semaphore(%arg10 : memref<!tpu.dma_semaphore, #tpu.memory_space<semaphore_mem>>)
      %add3A_94 = arith.constant 2 : i32
      %add3A_95 = arith.addi %mul3A_64, %add3A_94 : i32
      %dma_start3A_96 = arith.constant 250 : i32
      %dma_start3A_97 = arith.constant 0 : i32
      %dma_start3A_98 = tpu.memref_slice %arg8[%dma_start3A_96, %dma_start3A_97] : memref<1000x64xf32, #tpu.memory_space<vmem>> -> memref<125x64xf32, #tpu.memory_space<vmem>>
      %dma_start3A_99 = arith.constant 0 : i32
      %dma_start3A_100 = tpu.memref_slice %arg6[%add3A_95, %dma_start3A_99] : memref<80x125xi32, #tpu.memory_space<vmem>> -> memref<1x125xi32, #tpu.memory_space<vmem>>
      %dma_start3A_101 = tpu.memref_squeeze %dma_start3A_100 : memref<1x125xi32, #tpu.memory_space<vmem>> -> memref<125xi32, #tpu.memory_space<vmem>>
      %dma_start3A_102 = arith.constant 0 : i32
      %dma_start3A_103 = arith.constant 0 : i32
      %dma_start3A_104 = tpu.memref_slice %arg2[%arg0, %dma_start3A_102, %dma_start3A_103] : memref<2x10000x64xf32, #tpu.memory_space<hbm>> -> memref<1x10000x64xf32, #tpu.memory_space<hbm>>
      %dma_start3A_105 = tpu.memref_squeeze %dma_start3A_104 : memref<1x10000x64xf32, #tpu.memory_space<hbm>> -> memref<10000x64xf32, #tpu.memory_space<hbm>>
      %dma_start3A_106 = arith.constant 0 : i32
      %dma_start3A_107 = arith.constant 0 : i32
      %dma_start3A_108 = tpu.memref_slice %dma_start3A_105[%dma_start3A_106, %dma_start3A_107] : memref<10000x64xf32, #tpu.memory_space<hbm>> -> memref<10000x64xf32, #tpu.memory_space<hbm>>
      tpu.enqueue_indirect_dma source(%dma_start3A_108 : memref<10000x64xf32, #tpu.memory_space<hbm>>) target(%dma_start3A_98 : memref<125x64xf32, #tpu.memory_space<vmem>>) offsets(%dma_start3A_101 : memref<125xi32, #tpu.memory_space<vmem>>) semaphore(%arg10 : memref<!tpu.dma_semaphore, #tpu.memory_space<semaphore_mem>>)
      %add3A_109 = arith.constant 3 : i32
      %add3A_110 = arith.addi %mul3A_64, %add3A_109 : i32
      %dma_start3A_111 = arith.constant 375 : i32
      %dma_start3A_112 = arith.constant 0 : i32
      %dma_start3A_113 = tpu.memref_slice %arg8[%dma_start3A_111, %dma_start3A_112] : memref<1000x64xf32, #tpu.memory_space<vmem>> -> memref<125x64xf32, #tpu.memory_space<vmem>>
      %dma_start3A_114 = arith.constant 0 : i32
      %dma_start3A_115 = tpu.memref_slice %arg6[%add3A_110, %dma_start3A_114] : memref<80x125xi32, #tpu.memory_space<vmem>> -> memref<1x125xi32, #tpu.memory_space<vmem>>
      %dma_start3A_116 = tpu.memref_squeeze %dma_start3A_115 : memref<1x125xi32, #tpu.memory_space<vmem>> -> memref<125xi32, #tpu.memory_space<vmem>>
      %dma_start3A_117 = arith.constant 0 : i32
      %dma_start3A_118 = arith.constant 0 : i32
      %dma_start3A_119 = tpu.memref_slice %arg2[%arg0, %dma_start3A_117, %dma_start3A_118] : memref<2x10000x64xf32, #tpu.memory_space<hbm>> -> memref<1x10000x64xf32, #tpu.memory_space<hbm>>
      %dma_start3A_120 = tpu.memref_squeeze %dma_start3A_119 : memref<1x10000x64xf32, #tpu.memory_space<hbm>> -> memref<10000x64xf32, #tpu.memory_space<hbm>>
      %dma_start3A_121 = arith.constant 0 : i32
      %dma_start3A_122 = arith.constant 0 : i32
      %dma_start3A_123 = tpu.memref_slice %dma_start3A_120[%dma_start3A_121, %dma_start3A_122] : memref<10000x64xf32, #tpu.memory_space<hbm>> -> memref<10000x64xf32, #tpu.memory_space<hbm>>
      tpu.enqueue_indirect_dma source(%dma_start3A_123 : memref<10000x64xf32, #tpu.memory_space<hbm>>) target(%dma_start3A_113 : memref<125x64xf32, #tpu.memory_space<vmem>>) offsets(%dma_start3A_116 : memref<125xi32, #tpu.memory_space<vmem>>) semaphore(%arg10 : memref<!tpu.dma_semaphore, #tpu.memory_space<semaphore_mem>>)
      %add3A_124 = arith.constant 4 : i32
      %add3A_125 = arith.addi %mul3A_64, %add3A_124 : i32
      %dma_start3A_126 = arith.constant 500 : i32
      %dma_start3A_127 = arith.constant 0 : i32
      %dma_start3A_128 = tpu.memref_slice %arg8[%dma_start3A_126, %dma_start3A_127] : memref<1000x64xf32, #tpu.memory_space<vmem>> -> memref<125x64xf32, #tpu.memory_space<vmem>>
      %dma_start3A_129 = arith.constant 0 : i32
      %dma_start3A_130 = tpu.memref_slice %arg6[%add3A_125, %dma_start3A_129] : memref<80x125xi32, #tpu.memory_space<vmem>> -> memref<1x125xi32, #tpu.memory_space<vmem>>
      %dma_start3A_131 = tpu.memref_squeeze %dma_start3A_130 : memref<1x125xi32, #tpu.memory_space<vmem>> -> memref<125xi32, #tpu.memory_space<vmem>>
      %dma_start3A_132 = arith.constant 0 : i32
      %dma_start3A_133 = arith.constant 0 : i32
      %dma_start3A_134 = tpu.memref_slice %arg2[%arg0, %dma_start3A_132, %dma_start3A_133] : memref<2x10000x64xf32, #tpu.memory_space<hbm>> -> memref<1x10000x64xf32, #tpu.memory_space<hbm>>
      %dma_start3A_135 = tpu.memref_squeeze %dma_start3A_134 : memref<1x10000x64xf32, #tpu.memory_space<hbm>> -> memref<10000x64xf32, #tpu.memory_space<hbm>>
      %dma_start3A_136 = arith.constant 0 : i32
      %dma_start3A_137 = arith.constant 0 : i32
      %dma_start3A_138 = tpu.memref_slice %dma_start3A_135[%dma_start3A_136, %dma_start3A_137] : memref<10000x64xf32, #tpu.memory_space<hbm>> -> memref<10000x64xf32, #tpu.memory_space<hbm>>
      tpu.enqueue_indirect_dma source(%dma_start3A_138 : memref<10000x64xf32, #tpu.memory_space<hbm>>) target(%dma_start3A_128 : memref<125x64xf32, #tpu.memory_space<vmem>>) offsets(%dma_start3A_131 : memref<125xi32, #tpu.memory_space<vmem>>) semaphore(%arg10 : memref<!tpu.dma_semaphore, #tpu.memory_space<semaphore_mem>>)
      %add3A_139 = arith.constant 5 : i32
      %add3A_140 = arith.addi %mul3A_64, %add3A_139 : i32
      %dma_start3A_141 = arith.constant 625 : i32
      %dma_start3A_142 = arith.constant 0 : i32
      %dma_start3A_143 = tpu.memref_slice %arg8[%dma_start3A_141, %dma_start3A_142] : memref<1000x64xf32, #tpu.memory_space<vmem>> -> memref<125x64xf32, #tpu.memory_space<vmem>>
      %dma_start3A_144 = arith.constant 0 : i32
      %dma_start3A_145 = tpu.memref_slice %arg6[%add3A_140, %dma_start3A_144] : memref<80x125xi32, #tpu.memory_space<vmem>> -> memref<1x125xi32, #tpu.memory_space<vmem>>
      %dma_start3A_146 = tpu.memref_squeeze %dma_start3A_145 : memref<1x125xi32, #tpu.memory_space<vmem>> -> memref<125xi32, #tpu.memory_space<vmem>>
      %dma_start3A_147 = arith.constant 0 : i32
      %dma_start3A_148 = arith.constant 0 : i32
      %dma_start3A_149 = tpu.memref_slice %arg2[%arg0, %dma_start3A_147, %dma_start3A_148] : memref<2x10000x64xf32, #tpu.memory_space<hbm>> -> memref<1x10000x64xf32, #tpu.memory_space<hbm>>
      %dma_start3A_150 = tpu.memref_squeeze %dma_start3A_149 : memref<1x10000x64xf32, #tpu.memory_space<hbm>> -> memref<10000x64xf32, #tpu.memory_space<hbm>>
      %dma_start3A_151 = arith.constant 0 : i32
      %dma_start3A_152 = arith.constant 0 : i32
      %dma_start3A_153 = tpu.memref_slice %dma_start3A_150[%dma_start3A_151, %dma_start3A_152] : memref<10000x64xf32, #tpu.memory_space<hbm>> -> memref<10000x64xf32, #tpu.memory_space<hbm>>
      tpu.enqueue_indirect_dma source(%dma_start3A_153 : memref<10000x64xf32, #tpu.memory_space<hbm>>) target(%dma_start3A_143 : memref<125x64xf32, #tpu.memory_space<vmem>>) offsets(%dma_start3A_146 : memref<125xi32, #tpu.memory_space<vmem>>) semaphore(%arg10 : memref<!tpu.dma_semaphore, #tpu.memory_space<semaphore_mem>>)
      %add3A_154 = arith.constant 6 : i32
      %add3A_155 = arith.addi %mul3A_64, %add3A_154 : i32
      %dma_start3A_156 = arith.constant 750 : i32
      %dma_start3A_157 = arith.constant 0 : i32
      %dma_start3A_158 = tpu.memref_slice %arg8[%dma_start3A_156, %dma_start3A_157] : memref<1000x64xf32, #tpu.memory_space<vmem>> -> memref<125x64xf32, #tpu.memory_space<vmem>>
      %dma_start3A_159 = arith.constant 0 : i32
      %dma_start3A_160 = tpu.memref_slice %arg6[%add3A_155, %dma_start3A_159] : memref<80x125xi32, #tpu.memory_space<vmem>> -> memref<1x125xi32, #tpu.memory_space<vmem>>
      %dma_start3A_161 = tpu.memref_squeeze %dma_start3A_160 : memref<1x125xi32, #tpu.memory_space<vmem>> -> memref<125xi32, #tpu.memory_space<vmem>>
      %dma_start3A_162 = arith.constant 0 : i32
      %dma_start3A_163 = arith.constant 0 : i32
      %dma_start3A_164 = tpu.memref_slice %arg2[%arg0, %dma_start3A_162, %dma_start3A_163] : memref<2x10000x64xf32, #tpu.memory_space<hbm>> -> memref<1x10000x64xf32, #tpu.memory_space<hbm>>
      %dma_start3A_165 = tpu.memref_squeeze %dma_start3A_164 : memref<1x10000x64xf32, #tpu.memory_space<hbm>> -> memref<10000x64xf32, #tpu.memory_space<hbm>>
      %dma_start3A_166 = arith.constant 0 : i32
      %dma_start3A_167 = arith.constant 0 : i32
      %dma_start3A_168 = tpu.memref_slice %dma_start3A_165[%dma_start3A_166, %dma_start3A_167] : memref<10000x64xf32, #tpu.memory_space<hbm>> -> memref<10000x64xf32, #tpu.memory_space<hbm>>
      tpu.enqueue_indirect_dma source(%dma_start3A_168 : memref<10000x64xf32, #tpu.memory_space<hbm>>) target(%dma_start3A_158 : memref<125x64xf32, #tpu.memory_space<vmem>>) offsets(%dma_start3A_161 : memref<125xi32, #tpu.memory_space<vmem>>) semaphore(%arg10 : memref<!tpu.dma_semaphore, #tpu.memory_space<semaphore_mem>>)
      %add3A_169 = arith.constant 7 : i32
      %add3A_170 = arith.addi %mul3A_64, %add3A_169 : i32
      %dma_start3A_171 = arith.constant 875 : i32
      %dma_start3A_172 = arith.constant 0 : i32
      %dma_start3A_173 = tpu.memref_slice %arg8[%dma_start3A_171, %dma_start3A_172] : memref<1000x64xf32, #tpu.memory_space<vmem>> -> memref<125x64xf32, #tpu.memory_space<vmem>>
      %dma_start3A_174 = arith.constant 0 : i32
      %dma_start3A_175 = tpu.memref_slice %arg6[%add3A_170, %dma_start3A_174] : memref<80x125xi32, #tpu.memory_space<vmem>> -> memref<1x125xi32, #tpu.memory_space<vmem>>
      %dma_start3A_176 = tpu.memref_squeeze %dma_start3A_175 : memref<1x125xi32, #tpu.memory_space<vmem>> -> memref<125xi32, #tpu.memory_space<vmem>>
      %dma_start3A_177 = arith.constant 0 : i32
      %dma_start3A_178 = arith.constant 0 : i32
      %dma_start3A_179 = tpu.memref_slice %arg2[%arg0, %dma_start3A_177, %dma_start3A_178] : memref<2x10000x64xf32, #tpu.memory_space<hbm>> -> memref<1x10000x64xf32, #tpu.memory_space<hbm>>
      %dma_start3A_180 = tpu.memref_squeeze %dma_start3A_179 : memref<1x10000x64xf32, #tpu.memory_space<hbm>> -> memref<10000x64xf32, #tpu.memory_space<hbm>>
      %dma_start3A_181 = arith.constant 0 : i32
      %dma_start3A_182 = arith.constant 0 : i32
      %dma_start3A_183 = tpu.memref_slice %dma_start3A_180[%dma_start3A_181, %dma_start3A_182] : memref<10000x64xf32, #tpu.memory_space<hbm>> -> memref<10000x64xf32, #tpu.memory_space<hbm>>
      tpu.enqueue_indirect_dma source(%dma_start3A_183 : memref<10000x64xf32, #tpu.memory_space<hbm>>) target(%dma_start3A_173 : memref<125x64xf32, #tpu.memory_space<vmem>>) offsets(%dma_start3A_176 : memref<125xi32, #tpu.memory_space<vmem>>) semaphore(%arg10 : memref<!tpu.dma_semaphore, #tpu.memory_space<semaphore_mem>>)
      %dma_wait3A = arith.constant 0 : i32
      %dma_wait3A_184 = arith.constant 0 : i32
      %dma_wait3A_185 = tpu.memref_slice %arg8[%dma_wait3A, %dma_wait3A_184] : memref<1000x64xf32, #tpu.memory_space<vmem>> -> memref<125x64xf32, #tpu.memory_space<vmem>>
      %dma_wait3A_186 = arith.constant 0 : i32
      %dma_wait3A_187 = tpu.memref_slice %arg6[%add3A_66, %dma_wait3A_186] : memref<80x125xi32, #tpu.memory_space<vmem>> -> memref<1x125xi32, #tpu.memory_space<vmem>>
      %dma_wait3A_188 = tpu.memref_squeeze %dma_wait3A_187 : memref<1x125xi32, #tpu.memory_space<vmem>> -> memref<125xi32, #tpu.memory_space<vmem>>
      %dma_wait3A_189 = arith.constant 0 : i32
      %dma_wait3A_190 = arith.constant 0 : i32
      %dma_wait3A_191 = tpu.memref_slice %arg2[%arg0, %dma_wait3A_189, %dma_wait3A_190] : memref<2x10000x64xf32, #tpu.memory_space<hbm>> -> memref<1x10000x64xf32, #tpu.memory_space<hbm>>
      %dma_wait3A_192 = tpu.memref_squeeze %dma_wait3A_191 : memref<1x10000x64xf32, #tpu.memory_space<hbm>> -> memref<10000x64xf32, #tpu.memory_space<hbm>>
      %dma_wait3A_193 = arith.constant 0 : i32
      %dma_wait3A_194 = arith.constant 0 : i32
      %dma_wait3A_195 = tpu.memref_slice %dma_wait3A_192[%dma_wait3A_193, %dma_wait3A_194] : memref<10000x64xf32, #tpu.memory_space<hbm>> -> memref<10000x64xf32, #tpu.memory_space<hbm>>
      tpu.wait_indirect_dma semaphore(%arg10 : memref<!tpu.dma_semaphore, #tpu.memory_space<semaphore_mem>>) src(%dma_wait3A_195 : memref<10000x64xf32, #tpu.memory_space<hbm>>) dst(%dma_wait3A_185 : memref<125x64xf32, #tpu.memory_space<vmem>>)
      %add3A_196 = arith.constant 0 : i32
      %add3A_197 = arith.addi %mul3A_64, %add3A_196 : i32
      %dma_start3A_198 = arith.constant 0 : i32
      %dma_start3A_199 = arith.constant 0 : i32
      %dma_start3A_200 = tpu.memref_slice %arg8[%dma_start3A_198, %dma_start3A_199] : memref<1000x64xf32, #tpu.memory_space<vmem>> -> memref<125x64xf32, #tpu.memory_space<vmem>>
      %dma_start3A_201 = arith.constant 0 : i32
      %dma_start3A_202 = tpu.memref_slice %arg7[%add3A_197, %dma_start3A_201] : memref<80x125xi32, #tpu.memory_space<vmem>> -> memref<1x125xi32, #tpu.memory_space<vmem>>
      %dma_start3A_203 = tpu.memref_squeeze %dma_start3A_202 : memref<1x125xi32, #tpu.memory_space<vmem>> -> memref<125xi32, #tpu.memory_space<vmem>>
      %dma_start3A_204 = arith.constant 0 : i32
      %dma_start3A_205 = arith.constant 0 : i32
      %dma_start3A_206 = tpu.memref_slice %arg9[%dma_start3A_204, %dma_start3A_205] : memref<10000x64xf32, #tpu.memory_space<vmem_shared>> -> memref<10000x64xf32, #tpu.memory_space<vmem_shared>>
      tpu.enqueue_indirect_dma source(%dma_start3A_200 : memref<125x64xf32, #tpu.memory_space<vmem>>) target(%dma_start3A_206 : memref<10000x64xf32, #tpu.memory_space<vmem_shared>>) offsets(%dma_start3A_203 : memref<125xi32, #tpu.memory_space<vmem>>) semaphore(%arg11 : memref<!tpu.dma_semaphore, #tpu.memory_space<semaphore_mem>>) {add = true}
      %dma_wait3A_207 = arith.constant 125 : i32
      %dma_wait3A_208 = arith.constant 0 : i32
      %dma_wait3A_209 = tpu.memref_slice %arg8[%dma_wait3A_207, %dma_wait3A_208] : memref<1000x64xf32, #tpu.memory_space<vmem>> -> memref<125x64xf32, #tpu.memory_space<vmem>>
      %dma_wait3A_210 = arith.constant 0 : i32
      %dma_wait3A_211 = tpu.memref_slice %arg6[%add3A_80, %dma_wait3A_210] : memref<80x125xi32, #tpu.memory_space<vmem>> -> memref<1x125xi32, #tpu.memory_space<vmem>>
      %dma_wait3A_212 = tpu.memref_squeeze %dma_wait3A_211 : memref<1x125xi32, #tpu.memory_space<vmem>> -> memref<125xi32, #tpu.memory_space<vmem>>
      %dma_wait3A_213 = arith.constant 0 : i32
      %dma_wait3A_214 = arith.constant 0 : i32
      %dma_wait3A_215 = tpu.memref_slice %arg2[%arg0, %dma_wait3A_213, %dma_wait3A_214] : memref<2x10000x64xf32, #tpu.memory_space<hbm>> -> memref<1x10000x64xf32, #tpu.memory_space<hbm>>
      %dma_wait3A_216 = tpu.memref_squeeze %dma_wait3A_215 : memref<1x10000x64xf32, #tpu.memory_space<hbm>> -> memref<10000x64xf32, #tpu.memory_space<hbm>>
      %dma_wait3A_217 = arith.constant 0 : i32
      %dma_wait3A_218 = arith.constant 0 : i32
      %dma_wait3A_219 = tpu.memref_slice %dma_wait3A_216[%dma_wait3A_217, %dma_wait3A_218] : memref<10000x64xf32, #tpu.memory_space<hbm>> -> memref<10000x64xf32, #tpu.memory_space<hbm>>
      tpu.wait_indirect_dma semaphore(%arg10 : memref<!tpu.dma_semaphore, #tpu.memory_space<semaphore_mem>>) src(%dma_wait3A_219 : memref<10000x64xf32, #tpu.memory_space<hbm>>) dst(%dma_wait3A_209 : memref<125x64xf32, #tpu.memory_space<vmem>>)
      %add3A_220 = arith.constant 1 : i32
      %add3A_221 = arith.addi %mul3A_64, %add3A_220 : i32
      %dma_start3A_222 = arith.constant 125 : i32
      %dma_start3A_223 = arith.constant 0 : i32
      %dma_start3A_224 = tpu.memref_slice %arg8[%dma_start3A_222, %dma_start3A_223] : memref<1000x64xf32, #tpu.memory_space<vmem>> -> memref<125x64xf32, #tpu.memory_space<vmem>>
      %dma_start3A_225 = arith.constant 0 : i32
      %dma_start3A_226 = tpu.memref_slice %arg7[%add3A_221, %dma_start3A_225] : memref<80x125xi32, #tpu.memory_space<vmem>> -> memref<1x125xi32, #tpu.memory_space<vmem>>
      %dma_start3A_227 = tpu.memref_squeeze %dma_start3A_226 : memref<1x125xi32, #tpu.memory_space<vmem>> -> memref<125xi32, #tpu.memory_space<vmem>>
      %dma_start3A_228 = arith.constant 0 : i32
      %dma_start3A_229 = arith.constant 0 : i32
      %dma_start3A_230 = tpu.memref_slice %arg9[%dma_start3A_228, %dma_start3A_229] : memref<10000x64xf32, #tpu.memory_space<vmem_shared>> -> memref<10000x64xf32, #tpu.memory_space<vmem_shared>>
      tpu.enqueue_indirect_dma source(%dma_start3A_224 : memref<125x64xf32, #tpu.memory_space<vmem>>) target(%dma_start3A_230 : memref<10000x64xf32, #tpu.memory_space<vmem_shared>>) offsets(%dma_start3A_227 : memref<125xi32, #tpu.memory_space<vmem>>) semaphore(%arg11 : memref<!tpu.dma_semaphore, #tpu.memory_space<semaphore_mem>>) {add = true}
      %dma_wait3A_231 = arith.constant 250 : i32
      %dma_wait3A_232 = arith.constant 0 : i32
      %dma_wait3A_233 = tpu.memref_slice %arg8[%dma_wait3A_231, %dma_wait3A_232] : memref<1000x64xf32, #tpu.memory_space<vmem>> -> memref<125x64xf32, #tpu.memory_space<vmem>>
      %dma_wait3A_234 = arith.constant 0 : i32
      %dma_wait3A_235 = tpu.memref_slice %arg6[%add3A_95, %dma_wait3A_234] : memref<80x125xi32, #tpu.memory_space<vmem>> -> memref<1x125xi32, #tpu.memory_space<vmem>>
      %dma_wait3A_236 = tpu.memref_squeeze %dma_wait3A_235 : memref<1x125xi32, #tpu.memory_space<vmem>> -> memref<125xi32, #tpu.memory_space<vmem>>
      %dma_wait3A_237 = arith.constant 0 : i32
      %dma_wait3A_238 = arith.constant 0 : i32
      %dma_wait3A_239 = tpu.memref_slice %arg2[%arg0, %dma_wait3A_237, %dma_wait3A_238] : memref<2x10000x64xf32, #tpu.memory_space<hbm>> -> memref<1x10000x64xf32, #tpu.memory_space<hbm>>
      %dma_wait3A_240 = tpu.memref_squeeze %dma_wait3A_239 : memref<1x10000x64xf32, #tpu.memory_space<hbm>> -> memref<10000x64xf32, #tpu.memory_space<hbm>>
      %dma_wait3A_241 = arith.constant 0 : i32
      %dma_wait3A_242 = arith.constant 0 : i32
      %dma_wait3A_243 = tpu.memref_slice %dma_wait3A_240[%dma_wait3A_241, %dma_wait3A_242] : memref<10000x64xf32, #tpu.memory_space<hbm>> -> memref<10000x64xf32, #tpu.memory_space<hbm>>
      tpu.wait_indirect_dma semaphore(%arg10 : memref<!tpu.dma_semaphore, #tpu.memory_space<semaphore_mem>>) src(%dma_wait3A_243 : memref<10000x64xf32, #tpu.memory_space<hbm>>) dst(%dma_wait3A_233 : memref<125x64xf32, #tpu.memory_space<vmem>>)
      %add3A_244 = arith.constant 2 : i32
      %add3A_245 = arith.addi %mul3A_64, %add3A_244 : i32
      %dma_start3A_246 = arith.constant 250 : i32
      %dma_start3A_247 = arith.constant 0 : i32
      %dma_start3A_248 = tpu.memref_slice %arg8[%dma_start3A_246, %dma_start3A_247] : memref<1000x64xf32, #tpu.memory_space<vmem>> -> memref<125x64xf32, #tpu.memory_space<vmem>>
      %dma_start3A_249 = arith.constant 0 : i32
      %dma_start3A_250 = tpu.memref_slice %arg7[%add3A_245, %dma_start3A_249] : memref<80x125xi32, #tpu.memory_space<vmem>> -> memref<1x125xi32, #tpu.memory_space<vmem>>
      %dma_start3A_251 = tpu.memref_squeeze %dma_start3A_250 : memref<1x125xi32, #tpu.memory_space<vmem>> -> memref<125xi32, #tpu.memory_space<vmem>>
      %dma_start3A_252 = arith.constant 0 : i32
      %dma_start3A_253 = arith.constant 0 : i32
      %dma_start3A_254 = tpu.memref_slice %arg9[%dma_start3A_252, %dma_start3A_253] : memref<10000x64xf32, #tpu.memory_space<vmem_shared>> -> memref<10000x64xf32, #tpu.memory_space<vmem_shared>>
      tpu.enqueue_indirect_dma source(%dma_start3A_248 : memref<125x64xf32, #tpu.memory_space<vmem>>) target(%dma_start3A_254 : memref<10000x64xf32, #tpu.memory_space<vmem_shared>>) offsets(%dma_start3A_251 : memref<125xi32, #tpu.memory_space<vmem>>) semaphore(%arg11 : memref<!tpu.dma_semaphore, #tpu.memory_space<semaphore_mem>>) {add = true}
      %dma_wait3A_255 = arith.constant 375 : i32
      %dma_wait3A_256 = arith.constant 0 : i32
      %dma_wait3A_257 = tpu.memref_slice %arg8[%dma_wait3A_255, %dma_wait3A_256] : memref<1000x64xf32, #tpu.memory_space<vmem>> -> memref<125x64xf32, #tpu.memory_space<vmem>>
      %dma_wait3A_258 = arith.constant 0 : i32
      %dma_wait3A_259 = tpu.memref_slice %arg6[%add3A_110, %dma_wait3A_258] : memref<80x125xi32, #tpu.memory_space<vmem>> -> memref<1x125xi32, #tpu.memory_space<vmem>>
      %dma_wait3A_260 = tpu.memref_squeeze %dma_wait3A_259 : memref<1x125xi32, #tpu.memory_space<vmem>> -> memref<125xi32, #tpu.memory_space<vmem>>
      %dma_wait3A_261 = arith.constant 0 : i32
      %dma_wait3A_262 = arith.constant 0 : i32
      %dma_wait3A_263 = tpu.memref_slice %arg2[%arg0, %dma_wait3A_261, %dma_wait3A_262] : memref<2x10000x64xf32, #tpu.memory_space<hbm>> -> memref<1x10000x64xf32, #tpu.memory_space<hbm>>
      %dma_wait3A_264 = tpu.memref_squeeze %dma_wait3A_263 : memref<1x10000x64xf32, #tpu.memory_space<hbm>> -> memref<10000x64xf32, #tpu.memory_space<hbm>>
      %dma_wait3A_265 = arith.constant 0 : i32
      %dma_wait3A_266 = arith.constant 0 : i32
      %dma_wait3A_267 = tpu.memref_slice %dma_wait3A_264[%dma_wait3A_265, %dma_wait3A_266] : memref<10000x64xf32, #tpu.memory_space<hbm>> -> memref<10000x64xf32, #tpu.memory_space<hbm>>
      tpu.wait_indirect_dma semaphore(%arg10 : memref<!tpu.dma_semaphore, #tpu.memory_space<semaphore_mem>>) src(%dma_wait3A_267 : memref<10000x64xf32, #tpu.memory_space<hbm>>) dst(%dma_wait3A_257 : memref<125x64xf32, #tpu.memory_space<vmem>>)
      %add3A_268 = arith.constant 3 : i32
      %add3A_269 = arith.addi %mul3A_64, %add3A_268 : i32
      %dma_start3A_270 = arith.constant 375 : i32
      %dma_start3A_271 = arith.constant 0 : i32
      %dma_start3A_272 = tpu.memref_slice %arg8[%dma_start3A_270, %dma_start3A_271] : memref<1000x64xf32, #tpu.memory_space<vmem>> -> memref<125x64xf32, #tpu.memory_space<vmem>>
      %dma_start3A_273 = arith.constant 0 : i32
      %dma_start3A_274 = tpu.memref_slice %arg7[%add3A_269, %dma_start3A_273] : memref<80x125xi32, #tpu.memory_space<vmem>> -> memref<1x125xi32, #tpu.memory_space<vmem>>
      %dma_start3A_275 = tpu.memref_squeeze %dma_start3A_274 : memref<1x125xi32, #tpu.memory_space<vmem>> -> memref<125xi32, #tpu.memory_space<vmem>>
      %dma_start3A_276 = arith.constant 0 : i32
      %dma_start3A_277 = arith.constant 0 : i32
      %dma_start3A_278 = tpu.memref_slice %arg9[%dma_start3A_276, %dma_start3A_277] : memref<10000x64xf32, #tpu.memory_space<vmem_shared>> -> memref<10000x64xf32, #tpu.memory_space<vmem_shared>>
      tpu.enqueue_indirect_dma source(%dma_start3A_272 : memref<125x64xf32, #tpu.memory_space<vmem>>) target(%dma_start3A_278 : memref<10000x64xf32, #tpu.memory_space<vmem_shared>>) offsets(%dma_start3A_275 : memref<125xi32, #tpu.memory_space<vmem>>) semaphore(%arg11 : memref<!tpu.dma_semaphore, #tpu.memory_space<semaphore_mem>>) {add = true}
      %dma_wait3A_279 = arith.constant 500 : i32
      %dma_wait3A_280 = arith.constant 0 : i32
      %dma_wait3A_281 = tpu.memref_slice %arg8[%dma_wait3A_279, %dma_wait3A_280] : memref<1000x64xf32, #tpu.memory_space<vmem>> -> memref<125x64xf32, #tpu.memory_space<vmem>>
      %dma_wait3A_282 = arith.constant 0 : i32
      %dma_wait3A_283 = tpu.memref_slice %arg6[%add3A_125, %dma_wait3A_282] : memref<80x125xi32, #tpu.memory_space<vmem>> -> memref<1x125xi32, #tpu.memory_space<vmem>>
      %dma_wait3A_284 = tpu.memref_squeeze %dma_wait3A_283 : memref<1x125xi32, #tpu.memory_space<vmem>> -> memref<125xi32, #tpu.memory_space<vmem>>
      %dma_wait3A_285 = arith.constant 0 : i32
      %dma_wait3A_286 = arith.constant 0 : i32
      %dma_wait3A_287 = tpu.memref_slice %arg2[%arg0, %dma_wait3A_285, %dma_wait3A_286] : memref<2x10000x64xf32, #tpu.memory_space<hbm>> -> memref<1x10000x64xf32, #tpu.memory_space<hbm>>
      %dma_wait3A_288 = tpu.memref_squeeze %dma_wait3A_287 : memref<1x10000x64xf32, #tpu.memory_space<hbm>> -> memref<10000x64xf32, #tpu.memory_space<hbm>>
      %dma_wait3A_289 = arith.constant 0 : i32
      %dma_wait3A_290 = arith.constant 0 : i32
      %dma_wait3A_291 = tpu.memref_slice %dma_wait3A_288[%dma_wait3A_289, %dma_wait3A_290] : memref<10000x64xf32, #tpu.memory_space<hbm>> -> memref<10000x64xf32, #tpu.memory_space<hbm>>
      tpu.wait_indirect_dma semaphore(%arg10 : memref<!tpu.dma_semaphore, #tpu.memory_space<semaphore_mem>>) src(%dma_wait3A_291 : memref<10000x64xf32, #tpu.memory_space<hbm>>) dst(%dma_wait3A_281 : memref<125x64xf32, #tpu.memory_space<vmem>>)
      %add3A_292 = arith.constant 4 : i32
      %add3A_293 = arith.addi %mul3A_64, %add3A_292 : i32
      %dma_start3A_294 = arith.constant 500 : i32
      %dma_start3A_295 = arith.constant 0 : i32
      %dma_start3A_296 = tpu.memref_slice %arg8[%dma_start3A_294, %dma_start3A_295] : memref<1000x64xf32, #tpu.memory_space<vmem>> -> memref<125x64xf32, #tpu.memory_space<vmem>>
      %dma_start3A_297 = arith.constant 0 : i32
      %dma_start3A_298 = tpu.memref_slice %arg7[%add3A_293, %dma_start3A_297] : memref<80x125xi32, #tpu.memory_space<vmem>> -> memref<1x125xi32, #tpu.memory_space<vmem>>
      %dma_start3A_299 = tpu.memref_squeeze %dma_start3A_298 : memref<1x125xi32, #tpu.memory_space<vmem>> -> memref<125xi32, #tpu.memory_space<vmem>>
      %dma_start3A_300 = arith.constant 0 : i32
      %dma_start3A_301 = arith.constant 0 : i32
      %dma_start3A_302 = tpu.memref_slice %arg9[%dma_start3A_300, %dma_start3A_301] : memref<10000x64xf32, #tpu.memory_space<vmem_shared>> -> memref<10000x64xf32, #tpu.memory_space<vmem_shared>>
      tpu.enqueue_indirect_dma source(%dma_start3A_296 : memref<125x64xf32, #tpu.memory_space<vmem>>) target(%dma_start3A_302 : memref<10000x64xf32, #tpu.memory_space<vmem_shared>>) offsets(%dma_start3A_299 : memref<125xi32, #tpu.memory_space<vmem>>) semaphore(%arg11 : memref<!tpu.dma_semaphore, #tpu.memory_space<semaphore_mem>>) {add = true}
      %dma_wait3A_303 = arith.constant 625 : i32
      %dma_wait3A_304 = arith.constant 0 : i32
      %dma_wait3A_305 = tpu.memref_slice %arg8[%dma_wait3A_303, %dma_wait3A_304] : memref<1000x64xf32, #tpu.memory_space<vmem>> -> memref<125x64xf32, #tpu.memory_space<vmem>>
      %dma_wait3A_306 = arith.constant 0 : i32
      %dma_wait3A_307 = tpu.memref_slice %arg6[%add3A_140, %dma_wait3A_306] : memref<80x125xi32, #tpu.memory_space<vmem>> -> memref<1x125xi32, #tpu.memory_space<vmem>>
      %dma_wait3A_308 = tpu.memref_squeeze %dma_wait3A_307 : memref<1x125xi32, #tpu.memory_space<vmem>> -> memref<125xi32, #tpu.memory_space<vmem>>
      %dma_wait3A_309 = arith.constant 0 : i32
      %dma_wait3A_310 = arith.constant 0 : i32
      %dma_wait3A_311 = tpu.memref_slice %arg2[%arg0, %dma_wait3A_309, %dma_wait3A_310] : memref<2x10000x64xf32, #tpu.memory_space<hbm>> -> memref<1x10000x64xf32, #tpu.memory_space<hbm>>
      %dma_wait3A_312 = tpu.memref_squeeze %dma_wait3A_311 : memref<1x10000x64xf32, #tpu.memory_space<hbm>> -> memref<10000x64xf32, #tpu.memory_space<hbm>>
      %dma_wait3A_313 = arith.constant 0 : i32
      %dma_wait3A_314 = arith.constant 0 : i32
      %dma_wait3A_315 = tpu.memref_slice %dma_wait3A_312[%dma_wait3A_313, %dma_wait3A_314] : memref<10000x64xf32, #tpu.memory_space<hbm>> -> memref<10000x64xf32, #tpu.memory_space<hbm>>
      tpu.wait_indirect_dma semaphore(%arg10 : memref<!tpu.dma_semaphore, #tpu.memory_space<semaphore_mem>>) src(%dma_wait3A_315 : memref<10000x64xf32, #tpu.memory_space<hbm>>) dst(%dma_wait3A_305 : memref<125x64xf32, #tpu.memory_space<vmem>>)
      %add3A_316 = arith.constant 5 : i32
      %add3A_317 = arith.addi %mul3A_64, %add3A_316 : i32
      %dma_start3A_318 = arith.constant 625 : i32
      %dma_start3A_319 = arith.constant 0 : i32
      %dma_start3A_320 = tpu.memref_slice %arg8[%dma_start3A_318, %dma_start3A_319] : memref<1000x64xf32, #tpu.memory_space<vmem>> -> memref<125x64xf32, #tpu.memory_space<vmem>>
      %dma_start3A_321 = arith.constant 0 : i32
      %dma_start3A_322 = tpu.memref_slice %arg7[%add3A_317, %dma_start3A_321] : memref<80x125xi32, #tpu.memory_space<vmem>> -> memref<1x125xi32, #tpu.memory_space<vmem>>
      %dma_start3A_323 = tpu.memref_squeeze %dma_start3A_322 : memref<1x125xi32, #tpu.memory_space<vmem>> -> memref<125xi32, #tpu.memory_space<vmem>>
      %dma_start3A_324 = arith.constant 0 : i32
      %dma_start3A_325 = arith.constant 0 : i32
      %dma_start3A_326 = tpu.memref_slice %arg9[%dma_start3A_324, %dma_start3A_325] : memref<10000x64xf32, #tpu.memory_space<vmem_shared>> -> memref<10000x64xf32, #tpu.memory_space<vmem_shared>>
      tpu.enqueue_indirect_dma source(%dma_start3A_320 : memref<125x64xf32, #tpu.memory_space<vmem>>) target(%dma_start3A_326 : memref<10000x64xf32, #tpu.memory_space<vmem_shared>>) offsets(%dma_start3A_323 : memref<125xi32, #tpu.memory_space<vmem>>) semaphore(%arg11 : memref<!tpu.dma_semaphore, #tpu.memory_space<semaphore_mem>>) {add = true}
      %dma_wait3A_327 = arith.constant 750 : i32
      %dma_wait3A_328 = arith.constant 0 : i32
      %dma_wait3A_329 = tpu.memref_slice %arg8[%dma_wait3A_327, %dma_wait3A_328] : memref<1000x64xf32, #tpu.memory_space<vmem>> -> memref<125x64xf32, #tpu.memory_space<vmem>>
      %dma_wait3A_330 = arith.constant 0 : i32
      %dma_wait3A_331 = tpu.memref_slice %arg6[%add3A_155, %dma_wait3A_330] : memref<80x125xi32, #tpu.memory_space<vmem>> -> memref<1x125xi32, #tpu.memory_space<vmem>>
      %dma_wait3A_332 = tpu.memref_squeeze %dma_wait3A_331 : memref<1x125xi32, #tpu.memory_space<vmem>> -> memref<125xi32, #tpu.memory_space<vmem>>
      %dma_wait3A_333 = arith.constant 0 : i32
      %dma_wait3A_334 = arith.constant 0 : i32
      %dma_wait3A_335 = tpu.memref_slice %arg2[%arg0, %dma_wait3A_333, %dma_wait3A_334] : memref<2x10000x64xf32, #tpu.memory_space<hbm>> -> memref<1x10000x64xf32, #tpu.memory_space<hbm>>
      %dma_wait3A_336 = tpu.memref_squeeze %dma_wait3A_335 : memref<1x10000x64xf32, #tpu.memory_space<hbm>> -> memref<10000x64xf32, #tpu.memory_space<hbm>>
      %dma_wait3A_337 = arith.constant 0 : i32
      %dma_wait3A_338 = arith.constant 0 : i32
      %dma_wait3A_339 = tpu.memref_slice %dma_wait3A_336[%dma_wait3A_337, %dma_wait3A_338] : memref<10000x64xf32, #tpu.memory_space<hbm>> -> memref<10000x64xf32, #tpu.memory_space<hbm>>
      tpu.wait_indirect_dma semaphore(%arg10 : memref<!tpu.dma_semaphore, #tpu.memory_space<semaphore_mem>>) src(%dma_wait3A_339 : memref<10000x64xf32, #tpu.memory_space<hbm>>) dst(%dma_wait3A_329 : memref<125x64xf32, #tpu.memory_space<vmem>>)
      %add3A_340 = arith.constant 6 : i32
      %add3A_341 = arith.addi %mul3A_64, %add3A_340 : i32
      %dma_start3A_342 = arith.constant 750 : i32
      %dma_start3A_343 = arith.constant 0 : i32
      %dma_start3A_344 = tpu.memref_slice %arg8[%dma_start3A_342, %dma_start3A_343] : memref<1000x64xf32, #tpu.memory_space<vmem>> -> memref<125x64xf32, #tpu.memory_space<vmem>>
      %dma_start3A_345 = arith.constant 0 : i32
      %dma_start3A_346 = tpu.memref_slice %arg7[%add3A_341, %dma_start3A_345] : memref<80x125xi32, #tpu.memory_space<vmem>> -> memref<1x125xi32, #tpu.memory_space<vmem>>
      %dma_start3A_347 = tpu.memref_squeeze %dma_start3A_346 : memref<1x125xi32, #tpu.memory_space<vmem>> -> memref<125xi32, #tpu.memory_space<vmem>>
      %dma_start3A_348 = arith.constant 0 : i32
      %dma_start3A_349 = arith.constant 0 : i32
      %dma_start3A_350 = tpu.memref_slice %arg9[%dma_start3A_348, %dma_start3A_349] : memref<10000x64xf32, #tpu.memory_space<vmem_shared>> -> memref<10000x64xf32, #tpu.memory_space<vmem_shared>>
      tpu.enqueue_indirect_dma source(%dma_start3A_344 : memref<125x64xf32, #tpu.memory_space<vmem>>) target(%dma_start3A_350 : memref<10000x64xf32, #tpu.memory_space<vmem_shared>>) offsets(%dma_start3A_347 : memref<125xi32, #tpu.memory_space<vmem>>) semaphore(%arg11 : memref<!tpu.dma_semaphore, #tpu.memory_space<semaphore_mem>>) {add = true}
      %dma_wait3A_351 = arith.constant 875 : i32
      %dma_wait3A_352 = arith.constant 0 : i32
      %dma_wait3A_353 = tpu.memref_slice %arg8[%dma_wait3A_351, %dma_wait3A_352] : memref<1000x64xf32, #tpu.memory_space<vmem>> -> memref<125x64xf32, #tpu.memory_space<vmem>>
      %dma_wait3A_354 = arith.constant 0 : i32
      %dma_wait3A_355 = tpu.memref_slice %arg6[%add3A_170, %dma_wait3A_354] : memref<80x125xi32, #tpu.memory_space<vmem>> -> memref<1x125xi32, #tpu.memory_space<vmem>>
      %dma_wait3A_356 = tpu.memref_squeeze %dma_wait3A_355 : memref<1x125xi32, #tpu.memory_space<vmem>> -> memref<125xi32, #tpu.memory_space<vmem>>
      %dma_wait3A_357 = arith.constant 0 : i32
      %dma_wait3A_358 = arith.constant 0 : i32
      %dma_wait3A_359 = tpu.memref_slice %arg2[%arg0, %dma_wait3A_357, %dma_wait3A_358] : memref<2x10000x64xf32, #tpu.memory_space<hbm>> -> memref<1x10000x64xf32, #tpu.memory_space<hbm>>
      %dma_wait3A_360 = tpu.memref_squeeze %dma_wait3A_359 : memref<1x10000x64xf32, #tpu.memory_space<hbm>> -> memref<10000x64xf32, #tpu.memory_space<hbm>>
      %dma_wait3A_361 = arith.constant 0 : i32
      %dma_wait3A_362 = arith.constant 0 : i32
      %dma_wait3A_363 = tpu.memref_slice %dma_wait3A_360[%dma_wait3A_361, %dma_wait3A_362] : memref<10000x64xf32, #tpu.memory_space<hbm>> -> memref<10000x64xf32, #tpu.memory_space<hbm>>
      tpu.wait_indirect_dma semaphore(%arg10 : memref<!tpu.dma_semaphore, #tpu.memory_space<semaphore_mem>>) src(%dma_wait3A_363 : memref<10000x64xf32, #tpu.memory_space<hbm>>) dst(%dma_wait3A_353 : memref<125x64xf32, #tpu.memory_space<vmem>>)
      %add3A_364 = arith.constant 7 : i32
      %add3A_365 = arith.addi %mul3A_64, %add3A_364 : i32
      %dma_start3A_366 = arith.constant 875 : i32
      %dma_start3A_367 = arith.constant 0 : i32
      %dma_start3A_368 = tpu.memref_slice %arg8[%dma_start3A_366, %dma_start3A_367] : memref<1000x64xf32, #tpu.memory_space<vmem>> -> memref<125x64xf32, #tpu.memory_space<vmem>>
      %dma_start3A_369 = arith.constant 0 : i32
      %dma_start3A_370 = tpu.memref_slice %arg7[%add3A_365, %dma_start3A_369] : memref<80x125xi32, #tpu.memory_space<vmem>> -> memref<1x125xi32, #tpu.memory_space<vmem>>
      %dma_start3A_371 = tpu.memref_squeeze %dma_start3A_370 : memref<1x125xi32, #tpu.memory_space<vmem>> -> memref<125xi32, #tpu.memory_space<vmem>>
      %dma_start3A_372 = arith.constant 0 : i32
      %dma_start3A_373 = arith.constant 0 : i32
      %dma_start3A_374 = tpu.memref_slice %arg9[%dma_start3A_372, %dma_start3A_373] : memref<10000x64xf32, #tpu.memory_space<vmem_shared>> -> memref<10000x64xf32, #tpu.memory_space<vmem_shared>>
      tpu.enqueue_indirect_dma source(%dma_start3A_368 : memref<125x64xf32, #tpu.memory_space<vmem>>) target(%dma_start3A_374 : memref<10000x64xf32, #tpu.memory_space<vmem_shared>>) offsets(%dma_start3A_371 : memref<125xi32, #tpu.memory_space<vmem>>) semaphore(%arg11 : memref<!tpu.dma_semaphore, #tpu.memory_space<semaphore_mem>>) {add = true}
      %dma_wait3A_375 = arith.constant 0 : i32
      %dma_wait3A_376 = arith.constant 0 : i32
      %dma_wait3A_377 = tpu.memref_slice %arg8[%dma_wait3A_375, %dma_wait3A_376] : memref<1000x64xf32, #tpu.memory_space<vmem>> -> memref<125x64xf32, #tpu.memory_space<vmem>>
      %dma_wait3A_378 = arith.constant 0 : i32
      %dma_wait3A_379 = tpu.memref_slice %arg7[%add3A_197, %dma_wait3A_378] : memref<80x125xi32, #tpu.memory_space<vmem>> -> memref<1x125xi32, #tpu.memory_space<vmem>>
      %dma_wait3A_380 = tpu.memref_squeeze %dma_wait3A_379 : memref<1x125xi32, #tpu.memory_space<vmem>> -> memref<125xi32, #tpu.memory_space<vmem>>
      %dma_wait3A_381 = arith.constant 0 : i32
      %dma_wait3A_382 = arith.constant 0 : i32
      %dma_wait3A_383 = tpu.memref_slice %arg9[%dma_wait3A_381, %dma_wait3A_382] : memref<10000x64xf32, #tpu.memory_space<vmem_shared>> -> memref<10000x64xf32, #tpu.memory_space<vmem_shared>>
      tpu.wait_indirect_dma semaphore(%arg11 : memref<!tpu.dma_semaphore, #tpu.memory_space<semaphore_mem>>) src(%dma_wait3A_377 : memref<125x64xf32, #tpu.memory_space<vmem>>) dst(%dma_wait3A_383 : memref<10000x64xf32, #tpu.memory_space<vmem_shared>>)
      %dma_wait3A_384 = arith.constant 125 : i32
      %dma_wait3A_385 = arith.constant 0 : i32
      %dma_wait3A_386 = tpu.memref_slice %arg8[%dma_wait3A_384, %dma_wait3A_385] : memref<1000x64xf32, #tpu.memory_space<vmem>> -> memref<125x64xf32, #tpu.memory_space<vmem>>
      %dma_wait3A_387 = arith.constant 0 : i32
      %dma_wait3A_388 = tpu.memref_slice %arg7[%add3A_221, %dma_wait3A_387] : memref<80x125xi32, #tpu.memory_space<vmem>> -> memref<1x125xi32, #tpu.memory_space<vmem>>
      %dma_wait3A_389 = tpu.memref_squeeze %dma_wait3A_388 : memref<1x125xi32, #tpu.memory_space<vmem>> -> memref<125xi32, #tpu.memory_space<vmem>>
      %dma_wait3A_390 = arith.constant 0 : i32
      %dma_wait3A_391 = arith.constant 0 : i32
      %dma_wait3A_392 = tpu.memref_slice %arg9[%dma_wait3A_390, %dma_wait3A_391] : memref<10000x64xf32, #tpu.memory_space<vmem_shared>> -> memref<10000x64xf32, #tpu.memory_space<vmem_shared>>
      tpu.wait_indirect_dma semaphore(%arg11 : memref<!tpu.dma_semaphore, #tpu.memory_space<semaphore_mem>>) src(%dma_wait3A_386 : memref<125x64xf32, #tpu.memory_space<vmem>>) dst(%dma_wait3A_392 : memref<10000x64xf32, #tpu.memory_space<vmem_shared>>)
      %dma_wait3A_393 = arith.constant 250 : i32
      %dma_wait3A_394 = arith.constant 0 : i32
      %dma_wait3A_395 = tpu.memref_slice %arg8[%dma_wait3A_393, %dma_wait3A_394] : memref<1000x64xf32, #tpu.memory_space<vmem>> -> memref<125x64xf32, #tpu.memory_space<vmem>>
      %dma_wait3A_396 = arith.constant 0 : i32
      %dma_wait3A_397 = tpu.memref_slice %arg7[%add3A_245, %dma_wait3A_396] : memref<80x125xi32, #tpu.memory_space<vmem>> -> memref<1x125xi32, #tpu.memory_space<vmem>>
      %dma_wait3A_398 = tpu.memref_squeeze %dma_wait3A_397 : memref<1x125xi32, #tpu.memory_space<vmem>> -> memref<125xi32, #tpu.memory_space<vmem>>
      %dma_wait3A_399 = arith.constant 0 : i32
      %dma_wait3A_400 = arith.constant 0 : i32
      %dma_wait3A_401 = tpu.memref_slice %arg9[%dma_wait3A_399, %dma_wait3A_400] : memref<10000x64xf32, #tpu.memory_space<vmem_shared>> -> memref<10000x64xf32, #tpu.memory_space<vmem_shared>>
      tpu.wait_indirect_dma semaphore(%arg11 : memref<!tpu.dma_semaphore, #tpu.memory_space<semaphore_mem>>) src(%dma_wait3A_395 : memref<125x64xf32, #tpu.memory_space<vmem>>) dst(%dma_wait3A_401 : memref<10000x64xf32, #tpu.memory_space<vmem_shared>>)
      %dma_wait3A_402 = arith.constant 375 : i32
      %dma_wait3A_403 = arith.constant 0 : i32
      %dma_wait3A_404 = tpu.memref_slice %arg8[%dma_wait3A_402, %dma_wait3A_403] : memref<1000x64xf32, #tpu.memory_space<vmem>> -> memref<125x64xf32, #tpu.memory_space<vmem>>
      %dma_wait3A_405 = arith.constant 0 : i32
      %dma_wait3A_406 = tpu.memref_slice %arg7[%add3A_269, %dma_wait3A_405] : memref<80x125xi32, #tpu.memory_space<vmem>> -> memref<1x125xi32, #tpu.memory_space<vmem>>
      %dma_wait3A_407 = tpu.memref_squeeze %dma_wait3A_406 : memref<1x125xi32, #tpu.memory_space<vmem>> -> memref<125xi32, #tpu.memory_space<vmem>>
      %dma_wait3A_408 = arith.constant 0 : i32
      %dma_wait3A_409 = arith.constant 0 : i32
      %dma_wait3A_410 = tpu.memref_slice %arg9[%dma_wait3A_408, %dma_wait3A_409] : memref<10000x64xf32, #tpu.memory_space<vmem_shared>> -> memref<10000x64xf32, #tpu.memory_space<vmem_shared>>
      tpu.wait_indirect_dma semaphore(%arg11 : memref<!tpu.dma_semaphore, #tpu.memory_space<semaphore_mem>>) src(%dma_wait3A_404 : memref<125x64xf32, #tpu.memory_space<vmem>>) dst(%dma_wait3A_410 : memref<10000x64xf32, #tpu.memory_space<vmem_shared>>)
      %dma_wait3A_411 = arith.constant 500 : i32
      %dma_wait3A_412 = arith.constant 0 : i32
      %dma_wait3A_413 = tpu.memref_slice %arg8[%dma_wait3A_411, %dma_wait3A_412] : memref<1000x64xf32, #tpu.memory_space<vmem>> -> memref<125x64xf32, #tpu.memory_space<vmem>>
      %dma_wait3A_414 = arith.constant 0 : i32
      %dma_wait3A_415 = tpu.memref_slice %arg7[%add3A_293, %dma_wait3A_414] : memref<80x125xi32, #tpu.memory_space<vmem>> -> memref<1x125xi32, #tpu.memory_space<vmem>>
      %dma_wait3A_416 = tpu.memref_squeeze %dma_wait3A_415 : memref<1x125xi32, #tpu.memory_space<vmem>> -> memref<125xi32, #tpu.memory_space<vmem>>
      %dma_wait3A_417 = arith.constant 0 : i32
      %dma_wait3A_418 = arith.constant 0 : i32
      %dma_wait3A_419 = tpu.memref_slice %arg9[%dma_wait3A_417, %dma_wait3A_418] : memref<10000x64xf32, #tpu.memory_space<vmem_shared>> -> memref<10000x64xf32, #tpu.memory_space<vmem_shared>>
      tpu.wait_indirect_dma semaphore(%arg11 : memref<!tpu.dma_semaphore, #tpu.memory_space<semaphore_mem>>) src(%dma_wait3A_413 : memref<125x64xf32, #tpu.memory_space<vmem>>) dst(%dma_wait3A_419 : memref<10000x64xf32, #tpu.memory_space<vmem_shared>>)
      %dma_wait3A_420 = arith.constant 625 : i32
      %dma_wait3A_421 = arith.constant 0 : i32
      %dma_wait3A_422 = tpu.memref_slice %arg8[%dma_wait3A_420, %dma_wait3A_421] : memref<1000x64xf32, #tpu.memory_space<vmem>> -> memref<125x64xf32, #tpu.memory_space<vmem>>
      %dma_wait3A_423 = arith.constant 0 : i32
      %dma_wait3A_424 = tpu.memref_slice %arg7[%add3A_317, %dma_wait3A_423] : memref<80x125xi32, #tpu.memory_space<vmem>> -> memref<1x125xi32, #tpu.memory_space<vmem>>
      %dma_wait3A_425 = tpu.memref_squeeze %dma_wait3A_424 : memref<1x125xi32, #tpu.memory_space<vmem>> -> memref<125xi32, #tpu.memory_space<vmem>>
      %dma_wait3A_426 = arith.constant 0 : i32
      %dma_wait3A_427 = arith.constant 0 : i32
      %dma_wait3A_428 = tpu.memref_slice %arg9[%dma_wait3A_426, %dma_wait3A_427] : memref<10000x64xf32, #tpu.memory_space<vmem_shared>> -> memref<10000x64xf32, #tpu.memory_space<vmem_shared>>
      tpu.wait_indirect_dma semaphore(%arg11 : memref<!tpu.dma_semaphore, #tpu.memory_space<semaphore_mem>>) src(%dma_wait3A_422 : memref<125x64xf32, #tpu.memory_space<vmem>>) dst(%dma_wait3A_428 : memref<10000x64xf32, #tpu.memory_space<vmem_shared>>)
      %dma_wait3A_429 = arith.constant 750 : i32
      %dma_wait3A_430 = arith.constant 0 : i32
      %dma_wait3A_431 = tpu.memref_slice %arg8[%dma_wait3A_429, %dma_wait3A_430] : memref<1000x64xf32, #tpu.memory_space<vmem>> -> memref<125x64xf32, #tpu.memory_space<vmem>>
      %dma_wait3A_432 = arith.constant 0 : i32
      %dma_wait3A_433 = tpu.memref_slice %arg7[%add3A_341, %dma_wait3A_432] : memref<80x125xi32, #tpu.memory_space<vmem>> -> memref<1x125xi32, #tpu.memory_space<vmem>>
      %dma_wait3A_434 = tpu.memref_squeeze %dma_wait3A_433 : memref<1x125xi32, #tpu.memory_space<vmem>> -> memref<125xi32, #tpu.memory_space<vmem>>
      %dma_wait3A_435 = arith.constant 0 : i32
      %dma_wait3A_436 = arith.constant 0 : i32
      %dma_wait3A_437 = tpu.memref_slice %arg9[%dma_wait3A_435, %dma_wait3A_436] : memref<10000x64xf32, #tpu.memory_space<vmem_shared>> -> memref<10000x64xf32, #tpu.memory_space<vmem_shared>>
      tpu.wait_indirect_dma semaphore(%arg11 : memref<!tpu.dma_semaphore, #tpu.memory_space<semaphore_mem>>) src(%dma_wait3A_431 : memref<125x64xf32, #tpu.memory_space<vmem>>) dst(%dma_wait3A_437 : memref<10000x64xf32, #tpu.memory_space<vmem_shared>>)
      %dma_wait3A_438 = arith.constant 875 : i32
      %dma_wait3A_439 = arith.constant 0 : i32
      %dma_wait3A_440 = tpu.memref_slice %arg8[%dma_wait3A_438, %dma_wait3A_439] : memref<1000x64xf32, #tpu.memory_space<vmem>> -> memref<125x64xf32, #tpu.memory_space<vmem>>
      %dma_wait3A_441 = arith.constant 0 : i32
      %dma_wait3A_442 = tpu.memref_slice %arg7[%add3A_365, %dma_wait3A_441] : memref<80x125xi32, #tpu.memory_space<vmem>> -> memref<1x125xi32, #tpu.memory_space<vmem>>
      %dma_wait3A_443 = tpu.memref_squeeze %dma_wait3A_442 : memref<1x125xi32, #tpu.memory_space<vmem>> -> memref<125xi32, #tpu.memory_space<vmem>>
      %dma_wait3A_444 = arith.constant 0 : i32
      %dma_wait3A_445 = arith.constant 0 : i32
      %dma_wait3A_446 = tpu.memref_slice %arg9[%dma_wait3A_444, %dma_wait3A_445] : memref<10000x64xf32, #tpu.memory_space<vmem_shared>> -> memref<10000x64xf32, #tpu.memory_space<vmem_shared>>
      tpu.wait_indirect_dma semaphore(%arg11 : memref<!tpu.dma_semaphore, #tpu.memory_space<semaphore_mem>>) src(%dma_wait3A_440 : memref<125x64xf32, #tpu.memory_space<vmem>>) dst(%dma_wait3A_446 : memref<10000x64xf32, #tpu.memory_space<vmem_shared>>)
    }
    %scan3A_47 = arith.constant 10 : i32
    %barrier3A_48 = arith.constant 0 : index
    tpu.barrier barrier_id(%barrier3A_48)
    %mul3A_49 = arith.constant 624 : i32
    %mul3A_50 = arith.muli %arg1, %mul3A_49 : i32
    %mul3A_51 = arith.constant 624 : i32
    %mul3A_52 = arith.muli %arg1, %mul3A_51 : i32
    "tpu.region"() ({
      %run_scoped3A = tpu.sem_alloc : memref<!tpu.dma_semaphore, #tpu.memory_space<semaphore_mem>>
      %dma_start3A = arith.constant 0 : i32
      %dma_start3A_58 = tpu.memref_slice %arg5[%arg0, %mul3A_52, %dma_start3A] : memref<2x10000x64xf32, #tpu.memory_space<hbm>> -> memref<1x624x64xf32, #tpu.memory_space<hbm>>
      %dma_start3A_59 = tpu.memref_squeeze %dma_start3A_58 : memref<1x624x64xf32, #tpu.memory_space<hbm>> -> memref<624x64xf32, #tpu.memory_space<hbm>>
      %dma_start3A_60 = arith.constant 0 : i32
      %dma_start3A_61 = tpu.memref_slice %arg9[%mul3A_50, %dma_start3A_60] : memref<10000x64xf32, #tpu.memory_space<vmem_shared>> -> memref<624x64xf32, #tpu.memory_space<vmem_shared>>
      tpu.enqueue_dma source(%dma_start3A_61 : memref<624x64xf32, #tpu.memory_space<vmem_shared>>) target(%dma_start3A_59 : memref<624x64xf32, #tpu.memory_space<hbm>>) target_semaphore(%run_scoped3A : memref<!tpu.dma_semaphore, #tpu.memory_space<semaphore_mem>>)
      %dma_wait3A = arith.constant 0 : i32
      %dma_wait3A_62 = tpu.memref_slice %arg5[%arg0, %mul3A_52, %dma_wait3A] : memref<2x10000x64xf32, #tpu.memory_space<hbm>> -> memref<1x624x64xf32, #tpu.memory_space<hbm>>
      %dma_wait3A_63 = tpu.memref_squeeze %dma_wait3A_62 : memref<1x624x64xf32, #tpu.memory_space<hbm>> -> memref<624x64xf32, #tpu.memory_space<hbm>>
      %dma_wait3A_64 = arith.constant 0 : i32
      %dma_wait3A_65 = tpu.memref_slice %arg9[%mul3A_50, %dma_wait3A_64] : memref<10000x64xf32, #tpu.memory_space<vmem_shared>> -> memref<624x64xf32, #tpu.memory_space<vmem_shared>>
      tpu.wait_dma2 semaphore(%run_scoped3A : memref<!tpu.dma_semaphore, #tpu.memory_space<semaphore_mem>>) src(%dma_wait3A_65 : memref<624x64xf32, #tpu.memory_space<vmem_shared>>) dst(%dma_wait3A_63 : memref<624x64xf32, #tpu.memory_space<hbm>>)
      tpu.yield
    }) : () -> ()
    %eq3A_53 = arith.constant 15 : i32
    %eq3A_54 = arith.cmpi eq, %arg1, %eq3A_53 : i32
    %convert_element_type3A_55 = arith.extui %eq3A_54 : i1 to i32
    %cond3A_56 = arith.constant 0 : i32
    %cond3A_57 = arith.cmpi ne, %convert_element_type3A_55, %cond3A_56 : i32
    scf.if %cond3A_57 {
      "tpu.region"() ({
        %run_scoped3A = tpu.sem_alloc : memref<!tpu.dma_semaphore, #tpu.memory_space<semaphore_mem>>
        %dma_start3A = arith.constant 9984 : i32
        %dma_start3A_58 = arith.constant 0 : i32
        %dma_start3A_59 = tpu.memref_slice %arg5[%arg0, %dma_start3A, %dma_start3A_58] : memref<2x10000x64xf32, #tpu.memory_space<hbm>> -> memref<1x16x64xf32, #tpu.memory_space<hbm>>
        %dma_start3A_60 = tpu.memref_squeeze %dma_start3A_59 : memref<1x16x64xf32, #tpu.memory_space<hbm>> -> memref<16x64xf32, #tpu.memory_space<hbm>>
        %dma_start3A_61 = arith.constant 9984 : i32
        %dma_start3A_62 = arith.constant 0 : i32
        %dma_start3A_63 = tpu.memref_slice %arg9[%dma_start3A_61, %dma_start3A_62] : memref<10000x64xf32, #tpu.memory_space<vmem_shared>> -> memref<16x64xf32, #tpu.memory_space<vmem_shared>>
        tpu.enqueue_dma source(%dma_start3A_63 : memref<16x64xf32, #tpu.memory_space<vmem_shared>>) target(%dma_start3A_60 : memref<16x64xf32, #tpu.memory_space<hbm>>) target_semaphore(%run_scoped3A : memref<!tpu.dma_semaphore, #tpu.memory_space<semaphore_mem>>)
        %dma_wait3A = arith.constant 9984 : i32
        %dma_wait3A_64 = arith.constant 0 : i32
        %dma_wait3A_65 = tpu.memref_slice %arg5[%arg0, %dma_wait3A, %dma_wait3A_64] : memref<2x10000x64xf32, #tpu.memory_space<hbm>> -> memref<1x16x64xf32, #tpu.memory_space<hbm>>
        %dma_wait3A_66 = tpu.memref_squeeze %dma_wait3A_65 : memref<1x16x64xf32, #tpu.memory_space<hbm>> -> memref<16x64xf32, #tpu.memory_space<hbm>>
        %dma_wait3A_67 = arith.constant 9984 : i32
        %dma_wait3A_68 = arith.constant 0 : i32
        %dma_wait3A_69 = tpu.memref_slice %arg9[%dma_wait3A_67, %dma_wait3A_68] : memref<10000x64xf32, #tpu.memory_space<vmem_shared>> -> memref<16x64xf32, #tpu.memory_space<vmem_shared>>
        tpu.wait_dma2 semaphore(%run_scoped3A : memref<!tpu.dma_semaphore, #tpu.memory_space<semaphore_mem>>) src(%dma_wait3A_69 : memref<16x64xf32, #tpu.memory_space<vmem_shared>>) dst(%dma_wait3A_66 : memref<16x64xf32, #tpu.memory_space<hbm>>)
        tpu.yield
      }) : () -> ()
    } else {
    }
    return
  }
}

#map = affine_map<(d0, d1) -> (0, 0)>
#map1 = affine_map<(d0, d1) -> (0, 0, 0)>
module attributes {stable_mosaic.version = 14 : i64} {
  func.func @_deg_body(%arg0: i32, %arg1: i32, %arg2: memref<2560x125xi32, #tpu.memory_space<hbm>>, %arg3: memref<2x10000x16xf32, #tpu.memory_space<hbm>>, %arg4: memref<80x125xi32, #tpu.memory_space<vmem>>, %arg5: memref<125x16xf32, #tpu.memory_space<vmem>>, %arg6: memref<624x16xf32, #tpu.memory_space<vmem>>, %arg7: memref<10000x16xf32, #tpu.memory_space<vmem_shared>>, %arg8: memref<!tpu.dma_semaphore, #tpu.memory_space<semaphore_mem>>) attributes {dimension_semantics = [#tpu.dimension_semantics<core_parallel>, #tpu.dimension_semantics<subcore_parallel>], iteration_bounds = array<i64: 2, 16>, scalar_prefetch = 0 : i64, scratch_operands = 5 : i64, tpu.core_type = #tpu.core_type<sc_vector_subcore>, window_params = [{transform_indices = #map}, {transform_indices = #map1}]} {
    %scan3A = arith.constant 0 : i32
    %scan3A_0 = arith.constant 624 : i32
    %scan3A_1 = arith.addi %scan3A, %scan3A_0 : i32
    %scan3A_2 = arith.constant 1 : i32
    scf.for %scan3A_31 = %scan3A to %scan3A_1 step %scan3A_2  : i32 {
      %mul3A_32 = arith.constant 1 : i32
      %mul3A_33 = arith.muli %scan3A_31, %mul3A_32 : i32
      %add3A_34 = arith.constant 0 : i32
      %add3A_35 = arith.addi %add3A_34, %mul3A_33 : i32
      %broadcast_in_dim3A = arith.constant 0.000000e+00 : f32
      %broadcast_in_dim3A_36 = vector.broadcast %broadcast_in_dim3A : f32 to vector<16xf32>
      %swap3A = arith.index_cast %add3A_35 : i32 to index
      %swap3A_37 = arith.constant 0 : index
      %swap3A_38 = tpu.vector_load %arg6[%swap3A, %swap3A_37] {strides = array<i32>} : memref<624x16xf32, #tpu.memory_space<vmem>>, vector<1x16xf32>,
      %swap3A_39 = vector.shape_cast %swap3A_38 : vector<1x16xf32> to vector<16xf32>
      %swap3A_40 = vector.shape_cast %broadcast_in_dim3A_36 : vector<16xf32> to vector<1x16xf32>
      tpu.vector_store %arg6[%swap3A, %swap3A_37], %swap3A_40 {strides = array<i32>} : memref<624x16xf32, #tpu.memory_space<vmem>>, vector<1x16xf32>,
    }
    %scan3A_3 = arith.constant 624 : i32
    %scan3A_4 = arith.constant 0 : i32
    %scan3A_5 = arith.constant 125 : i32
    %scan3A_6 = arith.addi %scan3A_4, %scan3A_5 : i32
    %scan3A_7 = arith.constant 1 : i32
    scf.for %scan3A_31 = %scan3A_4 to %scan3A_6 step %scan3A_7  : i32 {
      %mul3A_32 = arith.constant 1 : i32
      %mul3A_33 = arith.muli %scan3A_31, %mul3A_32 : i32
      %add3A_34 = arith.constant 0 : i32
      %add3A_35 = arith.addi %add3A_34, %mul3A_33 : i32
      %broadcast_in_dim3A = arith.constant 1.000000e+00 : f32
      %broadcast_in_dim3A_36 = vector.broadcast %broadcast_in_dim3A : f32 to vector<16xf32>
      %swap3A = arith.index_cast %add3A_35 : i32 to index
      %swap3A_37 = arith.constant 0 : index
      %swap3A_38 = tpu.vector_load %arg5[%swap3A, %swap3A_37] {strides = array<i32>} : memref<125x16xf32, #tpu.memory_space<vmem>>, vector<1x16xf32>,
      %swap3A_39 = vector.shape_cast %swap3A_38 : vector<1x16xf32> to vector<16xf32>
      %swap3A_40 = vector.shape_cast %broadcast_in_dim3A_36 : vector<16xf32> to vector<1x16xf32>
      tpu.vector_store %arg5[%swap3A, %swap3A_37], %swap3A_40 {strides = array<i32>} : memref<125x16xf32, #tpu.memory_space<vmem>>, vector<1x16xf32>,
    }
    %scan3A_8 = arith.constant 125 : i32
    %mul3A = arith.constant 624 : i32
    %mul3A_9 = arith.muli %arg1, %mul3A : i32
    "tpu.region"() ({
      %run_scoped3A = tpu.sem_alloc : memref<!tpu.dma_semaphore, #tpu.memory_space<semaphore_mem>>
      %dma_start3A = arith.constant 0 : i32
      %dma_start3A_31 = tpu.memref_slice %arg7[%mul3A_9, %dma_start3A] : memref<10000x16xf32, #tpu.memory_space<vmem_shared>> -> memref<624x16xf32, #tpu.memory_space<vmem_shared>>
      %dma_start3A_32 = arith.constant 0 : i32
      %dma_start3A_33 = tpu.memref_slice %arg7[%mul3A_9, %dma_start3A_32] : memref<10000x16xf32, #tpu.memory_space<vmem_shared>> -> memref<624x16xf32, #tpu.memory_space<vmem_shared>>
      tpu.enqueue_dma source(%arg6 : memref<624x16xf32, #tpu.memory_space<vmem>>) target(%dma_start3A_33 : memref<624x16xf32, #tpu.memory_space<vmem_shared>>) target_semaphore(%run_scoped3A : memref<!tpu.dma_semaphore, #tpu.memory_space<semaphore_mem>>)
      %dma_wait3A = arith.constant 0 : i32
      %dma_wait3A_34 = tpu.memref_slice %arg7[%mul3A_9, %dma_wait3A] : memref<10000x16xf32, #tpu.memory_space<vmem_shared>> -> memref<624x16xf32, #tpu.memory_space<vmem_shared>>
      %dma_wait3A_35 = arith.constant 0 : i32
      %dma_wait3A_36 = tpu.memref_slice %arg7[%mul3A_9, %dma_wait3A_35] : memref<10000x16xf32, #tpu.memory_space<vmem_shared>> -> memref<624x16xf32, #tpu.memory_space<vmem_shared>>
      tpu.wait_dma2 semaphore(%run_scoped3A : memref<!tpu.dma_semaphore, #tpu.memory_space<semaphore_mem>>) src(%arg6 : memref<624x16xf32, #tpu.memory_space<vmem>>) dst(%dma_wait3A_36 : memref<624x16xf32, #tpu.memory_space<vmem_shared>>)
      tpu.yield
    }) : () -> ()
    %eq3A = arith.constant 15 : i32
    %eq3A_10 = arith.cmpi eq, %arg1, %eq3A : i32
    %convert_element_type3A = arith.extui %eq3A_10 : i1 to i32
    %cond3A = arith.constant 0 : i32
    %cond3A_11 = arith.cmpi ne, %convert_element_type3A, %cond3A : i32
    scf.if %cond3A_11 {
      "tpu.region"() ({
        %run_scoped3A = tpu.sem_alloc : memref<!tpu.dma_semaphore, #tpu.memory_space<semaphore_mem>>
        %dma_start3A = arith.constant 0 : i32
        %dma_start3A_31 = arith.constant 0 : i32
        %dma_start3A_32 = tpu.memref_slice %arg6[%dma_start3A, %dma_start3A_31] : memref<624x16xf32, #tpu.memory_space<vmem>> -> memref<16x16xf32, #tpu.memory_space<vmem>>
        %dma_start3A_33 = arith.constant 9984 : i32
        %dma_start3A_34 = arith.constant 0 : i32
        %dma_start3A_35 = tpu.memref_slice %arg7[%dma_start3A_33, %dma_start3A_34] : memref<10000x16xf32, #tpu.memory_space<vmem_shared>> -> memref<16x16xf32, #tpu.memory_space<vmem_shared>>
        %dma_start3A_36 = arith.constant 9984 : i32
        %dma_start3A_37 = arith.constant 0 : i32
        %dma_start3A_38 = tpu.memref_slice %arg7[%dma_start3A_36, %dma_start3A_37] : memref<10000x16xf32, #tpu.memory_space<vmem_shared>> -> memref<16x16xf32, #tpu.memory_space<vmem_shared>>
        %dma_start3A_39 = arith.constant 0 : i32
        %dma_start3A_40 = arith.constant 0 : i32
        %dma_start3A_41 = tpu.memref_slice %arg6[%dma_start3A_39, %dma_start3A_40] : memref<624x16xf32, #tpu.memory_space<vmem>> -> memref<16x16xf32, #tpu.memory_space<vmem>>
        tpu.enqueue_dma source(%dma_start3A_41 : memref<16x16xf32, #tpu.memory_space<vmem>>) target(%dma_start3A_38 : memref<16x16xf32, #tpu.memory_space<vmem_shared>>) target_semaphore(%run_scoped3A : memref<!tpu.dma_semaphore, #tpu.memory_space<semaphore_mem>>)
        %dma_wait3A = arith.constant 0 : i32
        %dma_wait3A_42 = arith.constant 0 : i32
        %dma_wait3A_43 = tpu.memref_slice %arg6[%dma_wait3A, %dma_wait3A_42] : memref<624x16xf32, #tpu.memory_space<vmem>> -> memref<16x16xf32, #tpu.memory_space<vmem>>
        %dma_wait3A_44 = arith.constant 9984 : i32
        %dma_wait3A_45 = arith.constant 0 : i32
        %dma_wait3A_46 = tpu.memref_slice %arg7[%dma_wait3A_44, %dma_wait3A_45] : memref<10000x16xf32, #tpu.memory_space<vmem_shared>> -> memref<16x16xf32, #tpu.memory_space<vmem_shared>>
        %dma_wait3A_47 = arith.constant 9984 : i32
        %dma_wait3A_48 = arith.constant 0 : i32
        %dma_wait3A_49 = tpu.memref_slice %arg7[%dma_wait3A_47, %dma_wait3A_48] : memref<10000x16xf32, #tpu.memory_space<vmem_shared>> -> memref<16x16xf32, #tpu.memory_space<vmem_shared>>
        %dma_wait3A_50 = arith.constant 0 : i32
        %dma_wait3A_51 = arith.constant 0 : i32
        %dma_wait3A_52 = tpu.memref_slice %arg6[%dma_wait3A_50, %dma_wait3A_51] : memref<624x16xf32, #tpu.memory_space<vmem>> -> memref<16x16xf32, #tpu.memory_space<vmem>>
        tpu.wait_dma2 semaphore(%run_scoped3A : memref<!tpu.dma_semaphore, #tpu.memory_space<semaphore_mem>>) src(%dma_wait3A_52 : memref<16x16xf32, #tpu.memory_space<vmem>>) dst(%dma_wait3A_49 : memref<16x16xf32, #tpu.memory_space<vmem_shared>>)
        tpu.yield
      }) : () -> ()
    } else {
    }
    %barrier3A = arith.constant 0 : index
    tpu.barrier barrier_id(%barrier3A)
    %mul3A_12 = arith.constant 16 : i32
    %mul3A_13 = arith.muli %arg0, %mul3A_12 : i32
    %add3A = arith.addi %mul3A_13, %arg1 : i32
    %mul3A_14 = arith.constant 80 : i32
    %mul3A_15 = arith.muli %add3A, %mul3A_14 : i32
    "tpu.region"() ({
      %run_scoped3A = tpu.sem_alloc : memref<!tpu.dma_semaphore, #tpu.memory_space<semaphore_mem>>
      %dma_start3A = arith.constant 0 : i32
      %dma_start3A_31 = tpu.memref_slice %arg2[%mul3A_15, %dma_start3A] : memref<2560x125xi32, #tpu.memory_space<hbm>> -> memref<80x125xi32, #tpu.memory_space<hbm>>
      %dma_start3A_32 = arith.constant 0 : i32
      %dma_start3A_33 = tpu.memref_slice %arg2[%mul3A_15, %dma_start3A_32] : memref<2560x125xi32, #tpu.memory_space<hbm>> -> memref<80x125xi32, #tpu.memory_space<hbm>>
      tpu.enqueue_dma source(%dma_start3A_33 : memref<80x125xi32, #tpu.memory_space<hbm>>) target(%arg4 : memref<80x125xi32, #tpu.memory_space<vmem>>) target_semaphore(%run_scoped3A : memref<!tpu.dma_semaphore, #tpu.memory_space<semaphore_mem>>)
      %dma_wait3A = arith.constant 0 : i32
      %dma_wait3A_34 = tpu.memref_slice %arg2[%mul3A_15, %dma_wait3A] : memref<2560x125xi32, #tpu.memory_space<hbm>> -> memref<80x125xi32, #tpu.memory_space<hbm>>
      %dma_wait3A_35 = arith.constant 0 : i32
      %dma_wait3A_36 = tpu.memref_slice %arg2[%mul3A_15, %dma_wait3A_35] : memref<2560x125xi32, #tpu.memory_space<hbm>> -> memref<80x125xi32, #tpu.memory_space<hbm>>
      tpu.wait_dma2 semaphore(%run_scoped3A : memref<!tpu.dma_semaphore, #tpu.memory_space<semaphore_mem>>) src(%dma_wait3A_36 : memref<80x125xi32, #tpu.memory_space<hbm>>) dst(%arg4 : memref<80x125xi32, #tpu.memory_space<vmem>>)
      tpu.yield
    }) : () -> ()
    %scan3A_16 = arith.constant 0 : i32
    %scan3A_17 = arith.constant 20 : i32
    %scan3A_18 = arith.addi %scan3A_16, %scan3A_17 : i32
    %scan3A_19 = arith.constant 1 : i32
    scf.for %scan3A_31 = %scan3A_16 to %scan3A_18 step %scan3A_19  : i32 {
      %mul3A_32 = arith.constant 1 : i32
      %mul3A_33 = arith.muli %scan3A_31, %mul3A_32 : i32
      %add3A_34 = arith.constant 0 : i32
      %add3A_35 = arith.addi %add3A_34, %mul3A_33 : i32
      %mul3A_36 = arith.constant 4 : i32
      %mul3A_37 = arith.muli %add3A_35, %mul3A_36 : i32
      %add3A_38 = arith.constant 0 : i32
      %add3A_39 = arith.addi %mul3A_37, %add3A_38 : i32
      %dma_start3A = arith.constant 0 : i32
      %dma_start3A_40 = tpu.memref_slice %arg4[%add3A_39, %dma_start3A] : memref<80x125xi32, #tpu.memory_space<vmem>> -> memref<1x125xi32, #tpu.memory_space<vmem>>
      %dma_start3A_41 = tpu.memref_squeeze %dma_start3A_40 : memref<1x125xi32, #tpu.memory_space<vmem>> -> memref<125xi32, #tpu.memory_space<vmem>>
      %dma_start3A_42 = arith.constant 0 : i32
      %dma_start3A_43 = arith.constant 0 : i32
      %dma_start3A_44 = tpu.memref_slice %arg7[%dma_start3A_42, %dma_start3A_43] : memref<10000x16xf32, #tpu.memory_space<vmem_shared>> -> memref<10000x16xf32, #tpu.memory_space<vmem_shared>>
      tpu.enqueue_indirect_dma source(%arg5 : memref<125x16xf32, #tpu.memory_space<vmem>>) target(%dma_start3A_44 : memref<10000x16xf32, #tpu.memory_space<vmem_shared>>) offsets(%dma_start3A_41 : memref<125xi32, #tpu.memory_space<vmem>>) semaphore(%arg8 : memref<!tpu.dma_semaphore, #tpu.memory_space<semaphore_mem>>) {add = true}
      %mul3A_45 = arith.constant 4 : i32
      %mul3A_46 = arith.muli %add3A_35, %mul3A_45 : i32
      %add3A_47 = arith.constant 1 : i32
      %add3A_48 = arith.addi %mul3A_46, %add3A_47 : i32
      %dma_start3A_49 = arith.constant 0 : i32
      %dma_start3A_50 = tpu.memref_slice %arg4[%add3A_48, %dma_start3A_49] : memref<80x125xi32, #tpu.memory_space<vmem>> -> memref<1x125xi32, #tpu.memory_space<vmem>>
      %dma_start3A_51 = tpu.memref_squeeze %dma_start3A_50 : memref<1x125xi32, #tpu.memory_space<vmem>> -> memref<125xi32, #tpu.memory_space<vmem>>
      %dma_start3A_52 = arith.constant 0 : i32
      %dma_start3A_53 = arith.constant 0 : i32
      %dma_start3A_54 = tpu.memref_slice %arg7[%dma_start3A_52, %dma_start3A_53] : memref<10000x16xf32, #tpu.memory_space<vmem_shared>> -> memref<10000x16xf32, #tpu.memory_space<vmem_shared>>
      tpu.enqueue_indirect_dma source(%arg5 : memref<125x16xf32, #tpu.memory_space<vmem>>) target(%dma_start3A_54 : memref<10000x16xf32, #tpu.memory_space<vmem_shared>>) offsets(%dma_start3A_51 : memref<125xi32, #tpu.memory_space<vmem>>) semaphore(%arg8 : memref<!tpu.dma_semaphore, #tpu.memory_space<semaphore_mem>>) {add = true}
      %mul3A_55 = arith.constant 4 : i32
      %mul3A_56 = arith.muli %add3A_35, %mul3A_55 : i32
      %add3A_57 = arith.constant 2 : i32
      %add3A_58 = arith.addi %mul3A_56, %add3A_57 : i32
      %dma_start3A_59 = arith.constant 0 : i32
      %dma_start3A_60 = tpu.memref_slice %arg4[%add3A_58, %dma_start3A_59] : memref<80x125xi32, #tpu.memory_space<vmem>> -> memref<1x125xi32, #tpu.memory_space<vmem>>
      %dma_start3A_61 = tpu.memref_squeeze %dma_start3A_60 : memref<1x125xi32, #tpu.memory_space<vmem>> -> memref<125xi32, #tpu.memory_space<vmem>>
      %dma_start3A_62 = arith.constant 0 : i32
      %dma_start3A_63 = arith.constant 0 : i32
      %dma_start3A_64 = tpu.memref_slice %arg7[%dma_start3A_62, %dma_start3A_63] : memref<10000x16xf32, #tpu.memory_space<vmem_shared>> -> memref<10000x16xf32, #tpu.memory_space<vmem_shared>>
      tpu.enqueue_indirect_dma source(%arg5 : memref<125x16xf32, #tpu.memory_space<vmem>>) target(%dma_start3A_64 : memref<10000x16xf32, #tpu.memory_space<vmem_shared>>) offsets(%dma_start3A_61 : memref<125xi32, #tpu.memory_space<vmem>>) semaphore(%arg8 : memref<!tpu.dma_semaphore, #tpu.memory_space<semaphore_mem>>) {add = true}
      %mul3A_65 = arith.constant 4 : i32
      %mul3A_66 = arith.muli %add3A_35, %mul3A_65 : i32
      %add3A_67 = arith.constant 3 : i32
      %add3A_68 = arith.addi %mul3A_66, %add3A_67 : i32
      %dma_start3A_69 = arith.constant 0 : i32
      %dma_start3A_70 = tpu.memref_slice %arg4[%add3A_68, %dma_start3A_69] : memref<80x125xi32, #tpu.memory_space<vmem>> -> memref<1x125xi32, #tpu.memory_space<vmem>>
      %dma_start3A_71 = tpu.memref_squeeze %dma_start3A_70 : memref<1x125xi32, #tpu.memory_space<vmem>> -> memref<125xi32, #tpu.memory_space<vmem>>
      %dma_start3A_72 = arith.constant 0 : i32
      %dma_start3A_73 = arith.constant 0 : i32
      %dma_start3A_74 = tpu.memref_slice %arg7[%dma_start3A_72, %dma_start3A_73] : memref<10000x16xf32, #tpu.memory_space<vmem_shared>> -> memref<10000x16xf32, #tpu.memory_space<vmem_shared>>
      tpu.enqueue_indirect_dma source(%arg5 : memref<125x16xf32, #tpu.memory_space<vmem>>) target(%dma_start3A_74 : memref<10000x16xf32, #tpu.memory_space<vmem_shared>>) offsets(%dma_start3A_71 : memref<125xi32, #tpu.memory_space<vmem>>) semaphore(%arg8 : memref<!tpu.dma_semaphore, #tpu.memory_space<semaphore_mem>>) {add = true}
      %dma_wait3A = arith.constant 0 : i32
      %dma_wait3A_75 = tpu.memref_slice %arg4[%add3A_39, %dma_wait3A] : memref<80x125xi32, #tpu.memory_space<vmem>> -> memref<1x125xi32, #tpu.memory_space<vmem>>
      %dma_wait3A_76 = tpu.memref_squeeze %dma_wait3A_75 : memref<1x125xi32, #tpu.memory_space<vmem>> -> memref<125xi32, #tpu.memory_space<vmem>>
      %dma_wait3A_77 = arith.constant 0 : i32
      %dma_wait3A_78 = arith.constant 0 : i32
      %dma_wait3A_79 = tpu.memref_slice %arg7[%dma_wait3A_77, %dma_wait3A_78] : memref<10000x16xf32, #tpu.memory_space<vmem_shared>> -> memref<10000x16xf32, #tpu.memory_space<vmem_shared>>
      tpu.wait_indirect_dma semaphore(%arg8 : memref<!tpu.dma_semaphore, #tpu.memory_space<semaphore_mem>>) src(%arg5 : memref<125x16xf32, #tpu.memory_space<vmem>>) dst(%dma_wait3A_79 : memref<10000x16xf32, #tpu.memory_space<vmem_shared>>)
      %dma_wait3A_80 = arith.constant 0 : i32
      %dma_wait3A_81 = tpu.memref_slice %arg4[%add3A_48, %dma_wait3A_80] : memref<80x125xi32, #tpu.memory_space<vmem>> -> memref<1x125xi32, #tpu.memory_space<vmem>>
      %dma_wait3A_82 = tpu.memref_squeeze %dma_wait3A_81 : memref<1x125xi32, #tpu.memory_space<vmem>> -> memref<125xi32, #tpu.memory_space<vmem>>
      %dma_wait3A_83 = arith.constant 0 : i32
      %dma_wait3A_84 = arith.constant 0 : i32
      %dma_wait3A_85 = tpu.memref_slice %arg7[%dma_wait3A_83, %dma_wait3A_84] : memref<10000x16xf32, #tpu.memory_space<vmem_shared>> -> memref<10000x16xf32, #tpu.memory_space<vmem_shared>>
      tpu.wait_indirect_dma semaphore(%arg8 : memref<!tpu.dma_semaphore, #tpu.memory_space<semaphore_mem>>) src(%arg5 : memref<125x16xf32, #tpu.memory_space<vmem>>) dst(%dma_wait3A_85 : memref<10000x16xf32, #tpu.memory_space<vmem_shared>>)
      %dma_wait3A_86 = arith.constant 0 : i32
      %dma_wait3A_87 = tpu.memref_slice %arg4[%add3A_58, %dma_wait3A_86] : memref<80x125xi32, #tpu.memory_space<vmem>> -> memref<1x125xi32, #tpu.memory_space<vmem>>
      %dma_wait3A_88 = tpu.memref_squeeze %dma_wait3A_87 : memref<1x125xi32, #tpu.memory_space<vmem>> -> memref<125xi32, #tpu.memory_space<vmem>>
      %dma_wait3A_89 = arith.constant 0 : i32
      %dma_wait3A_90 = arith.constant 0 : i32
      %dma_wait3A_91 = tpu.memref_slice %arg7[%dma_wait3A_89, %dma_wait3A_90] : memref<10000x16xf32, #tpu.memory_space<vmem_shared>> -> memref<10000x16xf32, #tpu.memory_space<vmem_shared>>
      tpu.wait_indirect_dma semaphore(%arg8 : memref<!tpu.dma_semaphore, #tpu.memory_space<semaphore_mem>>) src(%arg5 : memref<125x16xf32, #tpu.memory_space<vmem>>) dst(%dma_wait3A_91 : memref<10000x16xf32, #tpu.memory_space<vmem_shared>>)
      %dma_wait3A_92 = arith.constant 0 : i32
      %dma_wait3A_93 = tpu.memref_slice %arg4[%add3A_68, %dma_wait3A_92] : memref<80x125xi32, #tpu.memory_space<vmem>> -> memref<1x125xi32, #tpu.memory_space<vmem>>
      %dma_wait3A_94 = tpu.memref_squeeze %dma_wait3A_93 : memref<1x125xi32, #tpu.memory_space<vmem>> -> memref<125xi32, #tpu.memory_space<vmem>>
      %dma_wait3A_95 = arith.constant 0 : i32
      %dma_wait3A_96 = arith.constant 0 : i32
      %dma_wait3A_97 = tpu.memref_slice %arg7[%dma_wait3A_95, %dma_wait3A_96] : memref<10000x16xf32, #tpu.memory_space<vmem_shared>> -> memref<10000x16xf32, #tpu.memory_space<vmem_shared>>
      tpu.wait_indirect_dma semaphore(%arg8 : memref<!tpu.dma_semaphore, #tpu.memory_space<semaphore_mem>>) src(%arg5 : memref<125x16xf32, #tpu.memory_space<vmem>>) dst(%dma_wait3A_97 : memref<10000x16xf32, #tpu.memory_space<vmem_shared>>)
    }
    %scan3A_20 = arith.constant 20 : i32
    %barrier3A_21 = arith.constant 0 : index
    tpu.barrier barrier_id(%barrier3A_21)
    %mul3A_22 = arith.constant 624 : i32
    %mul3A_23 = arith.muli %arg1, %mul3A_22 : i32
    %mul3A_24 = arith.constant 624 : i32
    %mul3A_25 = arith.muli %arg1, %mul3A_24 : i32
    "tpu.region"() ({
      %run_scoped3A = tpu.sem_alloc : memref<!tpu.dma_semaphore, #tpu.memory_space<semaphore_mem>>
      %dma_start3A = arith.constant 0 : i32
      %dma_start3A_31 = tpu.memref_slice %arg3[%arg0, %mul3A_25, %dma_start3A] : memref<2x10000x16xf32, #tpu.memory_space<hbm>> -> memref<1x624x16xf32, #tpu.memory_space<hbm>>
      %dma_start3A_32 = tpu.memref_squeeze %dma_start3A_31 : memref<1x624x16xf32, #tpu.memory_space<hbm>> -> memref<624x16xf32, #tpu.memory_space<hbm>>
      %dma_start3A_33 = arith.constant 0 : i32
      %dma_start3A_34 = tpu.memref_slice %arg7[%mul3A_23, %dma_start3A_33] : memref<10000x16xf32, #tpu.memory_space<vmem_shared>> -> memref<624x16xf32, #tpu.memory_space<vmem_shared>>
      tpu.enqueue_dma source(%dma_start3A_34 : memref<624x16xf32, #tpu.memory_space<vmem_shared>>) target(%dma_start3A_32 : memref<624x16xf32, #tpu.memory_space<hbm>>) target_semaphore(%run_scoped3A : memref<!tpu.dma_semaphore, #tpu.memory_space<semaphore_mem>>)
      %dma_wait3A = arith.constant 0 : i32
      %dma_wait3A_35 = tpu.memref_slice %arg3[%arg0, %mul3A_25, %dma_wait3A] : memref<2x10000x16xf32, #tpu.memory_space<hbm>> -> memref<1x624x16xf32, #tpu.memory_space<hbm>>
      %dma_wait3A_36 = tpu.memref_squeeze %dma_wait3A_35 : memref<1x624x16xf32, #tpu.memory_space<hbm>> -> memref<624x16xf32, #tpu.memory_space<hbm>>
      %dma_wait3A_37 = arith.constant 0 : i32
      %dma_wait3A_38 = tpu.memref_slice %arg7[%mul3A_23, %dma_wait3A_37] : memref<10000x16xf32, #tpu.memory_space<vmem_shared>> -> memref<624x16xf32, #tpu.memory_space<vmem_shared>>
      tpu.wait_dma2 semaphore(%run_scoped3A : memref<!tpu.dma_semaphore, #tpu.memory_space<semaphore_mem>>) src(%dma_wait3A_38 : memref<624x16xf32, #tpu.memory_space<vmem_shared>>) dst(%dma_wait3A_36 : memref<624x16xf32, #tpu.memory_space<hbm>>)
      tpu.yield
    }) : () -> ()
    %eq3A_26 = arith.constant 15 : i32
    %eq3A_27 = arith.cmpi eq, %arg1, %eq3A_26 : i32
    %convert_element_type3A_28 = arith.extui %eq3A_27 : i1 to i32
    %cond3A_29 = arith.constant 0 : i32
    %cond3A_30 = arith.cmpi ne, %convert_element_type3A_28, %cond3A_29 : i32
    scf.if %cond3A_30 {
      "tpu.region"() ({
        %run_scoped3A = tpu.sem_alloc : memref<!tpu.dma_semaphore, #tpu.memory_space<semaphore_mem>>
        %dma_start3A = arith.constant 9984 : i32
        %dma_start3A_31 = arith.constant 0 : i32
        %dma_start3A_32 = tpu.memref_slice %arg3[%arg0, %dma_start3A, %dma_start3A_31] : memref<2x10000x16xf32, #tpu.memory_space<hbm>> -> memref<1x16x16xf32, #tpu.memory_space<hbm>>
        %dma_start3A_33 = tpu.memref_squeeze %dma_start3A_32 : memref<1x16x16xf32, #tpu.memory_space<hbm>> -> memref<16x16xf32, #tpu.memory_space<hbm>>
        %dma_start3A_34 = arith.constant 9984 : i32
        %dma_start3A_35 = arith.constant 0 : i32
        %dma_start3A_36 = tpu.memref_slice %arg7[%dma_start3A_34, %dma_start3A_35] : memref<10000x16xf32, #tpu.memory_space<vmem_shared>> -> memref<16x16xf32, #tpu.memory_space<vmem_shared>>
        tpu.enqueue_dma source(%dma_start3A_36 : memref<16x16xf32, #tpu.memory_space<vmem_shared>>) target(%dma_start3A_33 : memref<16x16xf32, #tpu.memory_space<hbm>>) target_semaphore(%run_scoped3A : memref<!tpu.dma_semaphore, #tpu.memory_space<semaphore_mem>>)
        %dma_wait3A = arith.constant 9984 : i32
        %dma_wait3A_37 = arith.constant 0 : i32
        %dma_wait3A_38 = tpu.memref_slice %arg3[%arg0, %dma_wait3A, %dma_wait3A_37] : memref<2x10000x16xf32, #tpu.memory_space<hbm>> -> memref<1x16x16xf32, #tpu.memory_space<hbm>>
        %dma_wait3A_39 = tpu.memref_squeeze %dma_wait3A_38 : memref<1x16x16xf32, #tpu.memory_space<hbm>> -> memref<16x16xf32, #tpu.memory_space<hbm>>
        %dma_wait3A_40 = arith.constant 9984 : i32
        %dma_wait3A_41 = arith.constant 0 : i32
        %dma_wait3A_42 = tpu.memref_slice %arg7[%dma_wait3A_40, %dma_wait3A_41] : memref<10000x16xf32, #tpu.memory_space<vmem_shared>> -> memref<16x16xf32, #tpu.memory_space<vmem_shared>>
        tpu.wait_dma2 semaphore(%run_scoped3A : memref<!tpu.dma_semaphore, #tpu.memory_space<semaphore_mem>>) src(%dma_wait3A_42 : memref<16x16xf32, #tpu.memory_space<vmem_shared>>) dst(%dma_wait3A_39 : memref<16x16xf32, #tpu.memory_space<hbm>>)
        tpu.yield
      }) : () -> ()
    } else {
    }
    return
  }
}

module attributes {stable_mosaic.version = 14 : i64} {
  func.func @_mm1_body(%arg0: i32, %arg1: memref<2x2000x16xf32, #tpu.memory_space<vmem>>, %arg2: memref<2000x128xf32, #tpu.memory_space<vmem>>, %arg3: memref<128x128xf32, #tpu.memory_space<vmem>>, %arg4: memref<2x2000x64xf32, #tpu.memory_space<vmem>>) attributes {dimension_semantics = [#tpu.dimension_semantics<arbitrary>], iteration_bounds = array<i64: 5>, scalar_prefetch = 0 : i64, scratch_operands = 0 : i64, tpu.core_type = #tpu.core_type<tc>, window_params = [{transform_indices = @transform_0, window_bounds = array<i64: 2, 2000, 16>}, {transform_indices = @transform_1, window_bounds = array<i64: 2000, 128>}, {pipeline_mode = #tpu.pipeline_mode<synchronous>, transform_indices = @transform_2, window_bounds = array<i64: 128, 128>}, {transform_indices = @transform_3, window_bounds = array<i64: 2, 2000, 64>}]} {
    %get3A = arith.constant 0 : index
    %get3A_0 = arith.constant 0 : index
    %get3A_1 = arith.constant 0 : index
    %get3A_2 = vector.load %arg1[%get3A, %get3A_0, %get3A_1] : memref<2x2000x16xf32, #tpu.memory_space<vmem>>, vector<1x2000x1xf32>
    %get3A_3 = vector.shape_cast %get3A_2 : vector<1x2000x1xf32> to vector<2000x1xf32>
    %get3A_4 = arith.constant 1 : index
    %get3A_5 = arith.constant 0 : index
    %get3A_6 = arith.constant 0 : index
    %get3A_7 = vector.load %arg1[%get3A_4, %get3A_5, %get3A_6] : memref<2x2000x16xf32, #tpu.memory_space<vmem>>, vector<1x2000x1xf32>
    %get3A_8 = vector.shape_cast %get3A_7 : vector<1x2000x1xf32> to vector<2000x1xf32>
    %add3A = arith.addf %get3A_3, %get3A_8 : vector<2000x1xf32>
    %add3A_9 = arith.constant 1.000000e+00 : f32
    %add3A_10 = vector.broadcast %add3A_9 : f32 to vector<2000x1xf32>
    %add3A_11 = arith.addf %add3A, %add3A_10 : vector<2000x1xf32>
    %rsqrt3A = math.rsqrt %add3A_11 : vector<2000x1xf32>
    %get3A_12 = arith.constant 0 : index
    %get3A_13 = arith.constant 0 : index
    %get3A_14 = vector.load %arg2[%get3A_12, %get3A_13] : memref<2000x128xf32, #tpu.memory_space<vmem>>, vector<2000x128xf32>
    %get3A_15 = arith.constant 0 : index
    %get3A_16 = arith.constant 0 : index
    %get3A_17 = vector.load %arg3[%get3A_15, %get3A_16] : memref<128x128xf32, #tpu.memory_space<vmem>>, vector<128x128xf32>
    %dot_general3A = arith.constant dense<0.000000e+00> : vector<2000x128xf32>
    %dot_general3A_18 = tpu.matmul %get3A_14, %get3A_17, %dot_general3A {dimension_numbers = #tpu.dot_dimension_numbers<[1], [0], [0], [1], [0, 0, 1, 1], [], []>, transpose_lhs_hint = false} : vector<2000x128xf32>, vector<128x128xf32>, vector<2000x128xf32> -> vector<2000x128xf32>
    %mul3A = vector.broadcast %rsqrt3A : vector<2000x1xf32> to vector<2000x128xf32>
    %mul3A_19 = arith.mulf %dot_general3A_18, %mul3A : vector<2000x128xf32>
    %slice3A = vector.extract_strided_slice %mul3A_19 {offsets = [0, 0], sizes = [2000, 64], strides = [1, 1]} : vector<2000x128xf32> to vector<2000x64xf32>
    %swap3A = arith.constant 0 : index
    %swap3A_20 = arith.constant 0 : index
    %swap3A_21 = arith.constant 0 : index
    %swap3A_22 = vector.load %arg4[%swap3A, %swap3A_20, %swap3A_21] : memref<2x2000x64xf32, #tpu.memory_space<vmem>>, vector<1x2000x64xf32>
    %swap3A_23 = vector.shape_cast %swap3A_22 : vector<1x2000x64xf32> to vector<2000x64xf32>
    %swap3A_24 = vector.shape_cast %slice3A : vector<2000x64xf32> to vector<1x2000x64xf32>
    tpu.vector_store %arg4[%swap3A, %swap3A_20, %swap3A_21], %swap3A_24 {strides = array<i32>} : memref<2x2000x64xf32, #tpu.memory_space<vmem>>, vector<1x2000x64xf32>,
    %slice3A_25 = vector.extract_strided_slice %mul3A_19 {offsets = [0, 64], sizes = [2000, 64], strides = [1, 1]} : vector<2000x128xf32> to vector<2000x64xf32>
    %swap3A_26 = arith.constant 1 : index
    %swap3A_27 = arith.constant 0 : index
    %swap3A_28 = arith.constant 0 : index
    %swap3A_29 = vector.load %arg4[%swap3A_26, %swap3A_27, %swap3A_28] : memref<2x2000x64xf32, #tpu.memory_space<vmem>>, vector<1x2000x64xf32>
    %swap3A_30 = vector.shape_cast %swap3A_29 : vector<1x2000x64xf32> to vector<2000x64xf32>
    %swap3A_31 = vector.shape_cast %slice3A_25 : vector<2000x64xf32> to vector<1x2000x64xf32>
    tpu.vector_store %arg4[%swap3A_26, %swap3A_27, %swap3A_28], %swap3A_31 {strides = array<i32>} : memref<2x2000x64xf32, #tpu.memory_space<vmem>>, vector<1x2000x64xf32>,
    return
  }
  func.func @transform_0(%arg0: i32) -> (i32, i32, i32) {
    %c0_i32 = arith.constant 0 : i32
    %c0_i32_0 = arith.constant 0 : i32
    %c0_i32_1 = arith.constant 0 : i32
    return %c0_i32, %arg0, %c0_i32_0 : i32, i32, i32
  }
  func.func @transform_1(%arg0: i32) -> (i32, i32) {
    %c0_i32 = arith.constant 0 : i32
    %c0_i32_0 = arith.constant 0 : i32
    return %arg0, %c0_i32 : i32, i32
  }
  func.func @transform_2(%arg0: i32) -> (i32, i32) {
    %c0_i32 = arith.constant 0 : i32
    %c0_i32_0 = arith.constant 0 : i32
    %c0_i32_1 = arith.constant 0 : i32
    return %c0_i32, %c0_i32_0 : i32, i32
  }
  func.func @transform_3(%arg0: i32) -> (i32, i32, i32) {
    %c0_i32 = arith.constant 0 : i32
    %c0_i32_0 = arith.constant 0 : i32
    %c0_i32_1 = arith.constant 0 : i32
    return %c0_i32, %arg0, %c0_i32_0 : i32, i32, i32
  }
}

module attributes {stable_mosaic.version = 14 : i64} {
  func.func @_mm2_body(%arg0: i32, %arg1: memref<2x2000x16xf32, #tpu.memory_space<vmem>>, %arg2: memref<2x2000x64xf32, #tpu.memory_space<vmem>>, %arg3: memref<2x2000x64xf32, #tpu.memory_space<vmem>>, %arg4: memref<1x128xf32, #tpu.memory_space<vmem>>, %arg5: memref<128x128xf32, #tpu.memory_space<vmem>>, %arg6: memref<2x2000x64xf32, #tpu.memory_space<vmem>>) attributes {dimension_semantics = [#tpu.dimension_semantics<arbitrary>], iteration_bounds = array<i64: 5>, scalar_prefetch = 0 : i64, scratch_operands = 0 : i64, tpu.core_type = #tpu.core_type<tc>, window_params = [{transform_indices = @transform_0, window_bounds = array<i64: 2, 2000, 16>}, {transform_indices = @transform_1, window_bounds = array<i64: 2, 2000, 64>}, {transform_indices = @transform_2, window_bounds = array<i64: 2, 2000, 64>}, {pipeline_mode = #tpu.pipeline_mode<synchronous>, transform_indices = @transform_3, window_bounds = array<i64: 1, 128>}, {pipeline_mode = #tpu.pipeline_mode<synchronous>, transform_indices = @transform_4, window_bounds = array<i64: 128, 128>}, {transform_indices = @transform_5, window_bounds = array<i64: 2, 2000, 64>}]} {
    %get3A = arith.constant 0 : index
    %get3A_0 = arith.constant 0 : index
    %get3A_1 = arith.constant 0 : index
    %get3A_2 = vector.load %arg1[%get3A, %get3A_0, %get3A_1] : memref<2x2000x16xf32, #tpu.memory_space<vmem>>, vector<1x2000x1xf32>
    %get3A_3 = vector.shape_cast %get3A_2 : vector<1x2000x1xf32> to vector<2000x1xf32>
    %get3A_4 = arith.constant 1 : index
    %get3A_5 = arith.constant 0 : index
    %get3A_6 = arith.constant 0 : index
    %get3A_7 = vector.load %arg1[%get3A_4, %get3A_5, %get3A_6] : memref<2x2000x16xf32, #tpu.memory_space<vmem>>, vector<1x2000x1xf32>
    %get3A_8 = vector.shape_cast %get3A_7 : vector<1x2000x1xf32> to vector<2000x1xf32>
    %add3A = arith.addf %get3A_3, %get3A_8 : vector<2000x1xf32>
    %add3A_9 = arith.constant 1.000000e+00 : f32
    %add3A_10 = vector.broadcast %add3A_9 : f32 to vector<2000x1xf32>
    %add3A_11 = arith.addf %add3A, %add3A_10 : vector<2000x1xf32>
    %rsqrt3A = math.rsqrt %add3A_11 : vector<2000x1xf32>
    %get3A_12 = arith.constant 0 : index
    %get3A_13 = arith.constant 0 : index
    %get3A_14 = arith.constant 0 : index
    %get3A_15 = vector.load %arg2[%get3A_12, %get3A_13, %get3A_14] : memref<2x2000x64xf32, #tpu.memory_space<vmem>>, vector<1x2000x64xf32>
    %get3A_16 = vector.shape_cast %get3A_15 : vector<1x2000x64xf32> to vector<2000x64xf32>
    %get3A_17 = arith.constant 1 : index
    %get3A_18 = arith.constant 0 : index
    %get3A_19 = arith.constant 0 : index
    %get3A_20 = vector.load %arg2[%get3A_17, %get3A_18, %get3A_19] : memref<2x2000x64xf32, #tpu.memory_space<vmem>>, vector<1x2000x64xf32>
    %get3A_21 = vector.shape_cast %get3A_20 : vector<1x2000x64xf32> to vector<2000x64xf32>
    %concatenate3A = tpu.concatenate %get3A_16, %get3A_21 in 1 : vector<2000x64xf32>, vector<2000x64xf32> -> vector<2000x128xf32>
    %get3A_22 = arith.constant 0 : index
    %get3A_23 = arith.constant 0 : index
    %get3A_24 = arith.constant 0 : index
    %get3A_25 = vector.load %arg3[%get3A_22, %get3A_23, %get3A_24] : memref<2x2000x64xf32, #tpu.memory_space<vmem>>, vector<1x2000x64xf32>
    %get3A_26 = vector.shape_cast %get3A_25 : vector<1x2000x64xf32> to vector<2000x64xf32>
    %get3A_27 = arith.constant 1 : index
    %get3A_28 = arith.constant 0 : index
    %get3A_29 = arith.constant 0 : index
    %get3A_30 = vector.load %arg3[%get3A_27, %get3A_28, %get3A_29] : memref<2x2000x64xf32, #tpu.memory_space<vmem>>, vector<1x2000x64xf32>
    %get3A_31 = vector.shape_cast %get3A_30 : vector<1x2000x64xf32> to vector<2000x64xf32>
    %concatenate3A_32 = tpu.concatenate %get3A_26, %get3A_31 in 1 : vector<2000x64xf32>, vector<2000x64xf32> -> vector<2000x128xf32>
    %add3A_33 = arith.addf %concatenate3A, %concatenate3A_32 : vector<2000x128xf32>
    %mul3A = vector.broadcast %rsqrt3A : vector<2000x1xf32> to vector<2000x128xf32>
    %mul3A_34 = arith.mulf %add3A_33, %mul3A : vector<2000x128xf32>
    %get3A_35 = arith.constant 0 : index
    %get3A_36 = arith.constant 0 : index
    %get3A_37 = vector.load %arg4[%get3A_35, %get3A_36] : memref<1x128xf32, #tpu.memory_space<vmem>>, vector<1x128xf32>
    %add3A_38 = vector.broadcast %get3A_37 : vector<1x128xf32> to vector<2000x128xf32>
    %add3A_39 = arith.addf %mul3A_34, %add3A_38 : vector<2000x128xf32>
    %mul3A_40 = arith.constant 0.00999999977 : f32
    %mul3A_41 = vector.broadcast %mul3A_40 : f32 to vector<2000x128xf32>
    %mul3A_42 = arith.mulf %mul3A_41, %add3A_39 : vector<2000x128xf32>
    %max3A = arith.maximumf %add3A_39, %mul3A_42 : vector<2000x128xf32>
    %get3A_43 = arith.constant 0 : index
    %get3A_44 = arith.constant 0 : index
    %get3A_45 = vector.load %arg5[%get3A_43, %get3A_44] : memref<128x128xf32, #tpu.memory_space<vmem>>, vector<128x128xf32>
    %dot_general3A = arith.constant dense<0.000000e+00> : vector<2000x128xf32>
    %dot_general3A_46 = tpu.matmul %max3A, %get3A_45, %dot_general3A {dimension_numbers = #tpu.dot_dimension_numbers<[1], [0], [0], [1], [0, 0, 1, 1], [], []>, transpose_lhs_hint = false} : vector<2000x128xf32>, vector<128x128xf32>, vector<2000x128xf32> -> vector<2000x128xf32>
    %mul3A_47 = vector.broadcast %rsqrt3A : vector<2000x1xf32> to vector<2000x128xf32>
    %mul3A_48 = arith.mulf %dot_general3A_46, %mul3A_47 : vector<2000x128xf32>
    %slice3A = vector.extract_strided_slice %mul3A_48 {offsets = [0, 0], sizes = [2000, 64], strides = [1, 1]} : vector<2000x128xf32> to vector<2000x64xf32>
    %swap3A = arith.constant 0 : index
    %swap3A_49 = arith.constant 0 : index
    %swap3A_50 = arith.constant 0 : index
    %swap3A_51 = vector.load %arg6[%swap3A, %swap3A_49, %swap3A_50] : memref<2x2000x64xf32, #tpu.memory_space<vmem>>, vector<1x2000x64xf32>
    %swap3A_52 = vector.shape_cast %swap3A_51 : vector<1x2000x64xf32> to vector<2000x64xf32>
    %swap3A_53 = vector.shape_cast %slice3A : vector<2000x64xf32> to vector<1x2000x64xf32>
    tpu.vector_store %arg6[%swap3A, %swap3A_49, %swap3A_50], %swap3A_53 {strides = array<i32>} : memref<2x2000x64xf32, #tpu.memory_space<vmem>>, vector<1x2000x64xf32>,
    %slice3A_54 = vector.extract_strided_slice %mul3A_48 {offsets = [0, 64], sizes = [2000, 64], strides = [1, 1]} : vector<2000x128xf32> to vector<2000x64xf32>
    %swap3A_55 = arith.constant 1 : index
    %swap3A_56 = arith.constant 0 : index
    %swap3A_57 = arith.constant 0 : index
    %swap3A_58 = vector.load %arg6[%swap3A_55, %swap3A_56, %swap3A_57] : memref<2x2000x64xf32, #tpu.memory_space<vmem>>, vector<1x2000x64xf32>
    %swap3A_59 = vector.shape_cast %swap3A_58 : vector<1x2000x64xf32> to vector<2000x64xf32>
    %swap3A_60 = vector.shape_cast %slice3A_54 : vector<2000x64xf32> to vector<1x2000x64xf32>
    tpu.vector_store %arg6[%swap3A_55, %swap3A_56, %swap3A_57], %swap3A_60 {strides = array<i32>} : memref<2x2000x64xf32, #tpu.memory_space<vmem>>, vector<1x2000x64xf32>,
    return
  }
  func.func @transform_0(%arg0: i32) -> (i32, i32, i32) {
    %c0_i32 = arith.constant 0 : i32
    %c0_i32_0 = arith.constant 0 : i32
    %c0_i32_1 = arith.constant 0 : i32
    return %c0_i32, %arg0, %c0_i32_0 : i32, i32, i32
  }
  func.func @transform_1(%arg0: i32) -> (i32, i32, i32) {
    %c0_i32 = arith.constant 0 : i32
    %c0_i32_0 = arith.constant 0 : i32
    %c0_i32_1 = arith.constant 0 : i32
    return %c0_i32, %arg0, %c0_i32_0 : i32, i32, i32
  }
  func.func @transform_2(%arg0: i32) -> (i32, i32, i32) {
    %c0_i32 = arith.constant 0 : i32
    %c0_i32_0 = arith.constant 0 : i32
    %c0_i32_1 = arith.constant 0 : i32
    return %c0_i32, %arg0, %c0_i32_0 : i32, i32, i32
  }
  func.func @transform_3(%arg0: i32) -> (i32, i32) {
    %c0_i32 = arith.constant 0 : i32
    %c0_i32_0 = arith.constant 0 : i32
    %c0_i32_1 = arith.constant 0 : i32
    return %c0_i32, %c0_i32_0 : i32, i32
  }
  func.func @transform_4(%arg0: i32) -> (i32, i32) {
    %c0_i32 = arith.constant 0 : i32
    %c0_i32_0 = arith.constant 0 : i32
    %c0_i32_1 = arith.constant 0 : i32
    return %c0_i32, %c0_i32_0 : i32, i32
  }
  func.func @transform_5(%arg0: i32) -> (i32, i32, i32) {
    %c0_i32 = arith.constant 0 : i32
    %c0_i32_0 = arith.constant 0 : i32
    %c0_i32_1 = arith.constant 0 : i32
    return %c0_i32, %arg0, %c0_i32_0 : i32, i32, i32
  }
}

module attributes {stable_mosaic.version = 14 : i64} {
  func.func @_fin_body(%arg0: i32, %arg1: memref<2x2000x16xf32, #tpu.memory_space<vmem>>, %arg2: memref<2x2000x64xf32, #tpu.memory_space<vmem>>, %arg3: memref<2x2000x64xf32, #tpu.memory_space<vmem>>, %arg4: memref<1x128xf32, #tpu.memory_space<vmem>>, %arg5: memref<2000x128xf32, #tpu.memory_space<vmem>>) attributes {dimension_semantics = [#tpu.dimension_semantics<arbitrary>], iteration_bounds = array<i64: 5>, scalar_prefetch = 0 : i64, scratch_operands = 0 : i64, tpu.core_type = #tpu.core_type<tc>, window_params = [{transform_indices = @transform_0, window_bounds = array<i64: 2, 2000, 16>}, {transform_indices = @transform_1, window_bounds = array<i64: 2, 2000, 64>}, {transform_indices = @transform_2, window_bounds = array<i64: 2, 2000, 64>}, {pipeline_mode = #tpu.pipeline_mode<synchronous>, transform_indices = @transform_3, window_bounds = array<i64: 1, 128>}, {transform_indices = @transform_4, window_bounds = array<i64: 2000, 128>}]} {
    %get3A = arith.constant 0 : index
    %get3A_0 = arith.constant 0 : index
    %get3A_1 = arith.constant 0 : index
    %get3A_2 = vector.load %arg1[%get3A, %get3A_0, %get3A_1] : memref<2x2000x16xf32, #tpu.memory_space<vmem>>, vector<1x2000x1xf32>
    %get3A_3 = vector.shape_cast %get3A_2 : vector<1x2000x1xf32> to vector<2000x1xf32>
    %get3A_4 = arith.constant 1 : index
    %get3A_5 = arith.constant 0 : index
    %get3A_6 = arith.constant 0 : index
    %get3A_7 = vector.load %arg1[%get3A_4, %get3A_5, %get3A_6] : memref<2x2000x16xf32, #tpu.memory_space<vmem>>, vector<1x2000x1xf32>
    %get3A_8 = vector.shape_cast %get3A_7 : vector<1x2000x1xf32> to vector<2000x1xf32>
    %add3A = arith.addf %get3A_3, %get3A_8 : vector<2000x1xf32>
    %add3A_9 = arith.constant 1.000000e+00 : f32
    %add3A_10 = vector.broadcast %add3A_9 : f32 to vector<2000x1xf32>
    %add3A_11 = arith.addf %add3A, %add3A_10 : vector<2000x1xf32>
    %rsqrt3A = math.rsqrt %add3A_11 : vector<2000x1xf32>
    %get3A_12 = arith.constant 0 : index
    %get3A_13 = arith.constant 0 : index
    %get3A_14 = arith.constant 0 : index
    %get3A_15 = vector.load %arg2[%get3A_12, %get3A_13, %get3A_14] : memref<2x2000x64xf32, #tpu.memory_space<vmem>>, vector<1x2000x64xf32>
    %get3A_16 = vector.shape_cast %get3A_15 : vector<1x2000x64xf32> to vector<2000x64xf32>
    %get3A_17 = arith.constant 1 : index
    %get3A_18 = arith.constant 0 : index
    %get3A_19 = arith.constant 0 : index
    %get3A_20 = vector.load %arg2[%get3A_17, %get3A_18, %get3A_19] : memref<2x2000x64xf32, #tpu.memory_space<vmem>>, vector<1x2000x64xf32>
    %get3A_21 = vector.shape_cast %get3A_20 : vector<1x2000x64xf32> to vector<2000x64xf32>
    %concatenate3A = tpu.concatenate %get3A_16, %get3A_21 in 1 : vector<2000x64xf32>, vector<2000x64xf32> -> vector<2000x128xf32>
    %get3A_22 = arith.constant 0 : index
    %get3A_23 = arith.constant 0 : index
    %get3A_24 = arith.constant 0 : index
    %get3A_25 = vector.load %arg3[%get3A_22, %get3A_23, %get3A_24] : memref<2x2000x64xf32, #tpu.memory_space<vmem>>, vector<1x2000x64xf32>
    %get3A_26 = vector.shape_cast %get3A_25 : vector<1x2000x64xf32> to vector<2000x64xf32>
    %get3A_27 = arith.constant 1 : index
    %get3A_28 = arith.constant 0 : index
    %get3A_29 = arith.constant 0 : index
    %get3A_30 = vector.load %arg3[%get3A_27, %get3A_28, %get3A_29] : memref<2x2000x64xf32, #tpu.memory_space<vmem>>, vector<1x2000x64xf32>
    %get3A_31 = vector.shape_cast %get3A_30 : vector<1x2000x64xf32> to vector<2000x64xf32>
    %concatenate3A_32 = tpu.concatenate %get3A_26, %get3A_31 in 1 : vector<2000x64xf32>, vector<2000x64xf32> -> vector<2000x128xf32>
    %add3A_33 = arith.addf %concatenate3A, %concatenate3A_32 : vector<2000x128xf32>
    %mul3A = vector.broadcast %rsqrt3A : vector<2000x1xf32> to vector<2000x128xf32>
    %mul3A_34 = arith.mulf %add3A_33, %mul3A : vector<2000x128xf32>
    %get3A_35 = arith.constant 0 : index
    %get3A_36 = arith.constant 0 : index
    %get3A_37 = vector.load %arg4[%get3A_35, %get3A_36] : memref<1x128xf32, #tpu.memory_space<vmem>>, vector<1x128xf32>
    %add3A_38 = vector.broadcast %get3A_37 : vector<1x128xf32> to vector<2000x128xf32>
    %add3A_39 = arith.addf %mul3A_34, %add3A_38 : vector<2000x128xf32>
    %swap3A = arith.constant 0 : index
    %swap3A_40 = arith.constant 0 : index
    %swap3A_41 = vector.load %arg5[%swap3A, %swap3A_40] : memref<2000x128xf32, #tpu.memory_space<vmem>>, vector<2000x128xf32>
    tpu.vector_store %arg5[%swap3A, %swap3A_40], %add3A_39 {strides = array<i32>} : memref<2000x128xf32, #tpu.memory_space<vmem>>, vector<2000x128xf32>,
    return
  }
  func.func @transform_0(%arg0: i32) -> (i32, i32, i32) {
    %c0_i32 = arith.constant 0 : i32
    %c0_i32_0 = arith.constant 0 : i32
    %c0_i32_1 = arith.constant 0 : i32
    return %c0_i32, %arg0, %c0_i32_0 : i32, i32, i32
  }
  func.func @transform_1(%arg0: i32) -> (i32, i32, i32) {
    %c0_i32 = arith.constant 0 : i32
    %c0_i32_0 = arith.constant 0 : i32
    %c0_i32_1 = arith.constant 0 : i32
    return %c0_i32, %arg0, %c0_i32_0 : i32, i32, i32
  }
  func.func @transform_2(%arg0: i32) -> (i32, i32, i32) {
    %c0_i32 = arith.constant 0 : i32
    %c0_i32_0 = arith.constant 0 : i32
    %c0_i32_1 = arith.constant 0 : i32
    return %c0_i32, %arg0, %c0_i32_0 : i32, i32, i32
  }
  func.func @transform_3(%arg0: i32) -> (i32, i32) {
    %c0_i32 = arith.constant 0 : i32
    %c0_i32_0 = arith.constant 0 : i32
    %c0_i32_1 = arith.constant 0 : i32
    return %c0_i32, %c0_i32_0 : i32, i32
  }
  func.func @transform_4(%arg0: i32) -> (i32, i32) {
    %c0_i32 = arith.constant 0 : i32
    %c0_i32_0 = arith.constant 0 : i32
    return %arg0, %c0_i32 : i32, i32
  }
}

</mosaic_0001>

<sc_bundles>
// kernel: kernel.11.cloned.1.call-start
scs
__scs_entry_jumppad:
0x0: {  	(pc) =	sbr.rel $0x88, $3  }
0x1: {  	(tag) =	ssettag $0x0;
	lr =	simm.s32 $0x1  }
0x2: {  	[smem:$0x3F9B] =	sst lr;
	_ =	strace $0xD0000000  }
0x3: {  	_ = 	snop  }
0x4: {  	_ = 	snop  }
0x5: {  	_ = 	snop  }
0x6: {  	_ = 	snop  }
0x7: {  	_ = 	snop  }
__scs_overlays_trampoline_lowered:
0x8: {  	[smem:$0x3FAA] =	sst s0  }
0x9: {  	[smem:$0x3FAB] =	sst s1  }
0xa: {  	[smem:$0x3FAC] =	sst s2  }
0xb: {  	[smem:$0x3FAD] =	sst s3  }
0xc: {  	[smem:$0x3FAE] =	sst s4  }
0xd: {  	[smem:$0x3FAF] =	sst s5  }
0xe: {  	[smem:$0x3FB0] =	sst s6  }
0xf: {  	[smem:$0x3FB1] =	sst s7  }
0x10: {  	[smem:$0x3FB2] =	sst s8  }
0x11: {  	[smem:$0x3FB3] =	sst s9;
	s0 =	simm.s32 @!p0 $0x0  }
0x12: {  	s1 =	sld [smem:$0x3F99];
	s0 =	simm.s32 @p0 $0x1  }
0x13: {  	[smem:$0x3FB4] =	sst s0;
	s0 =	simm.s32 @!p1 $0x0  }
0x14: {  	s2 =	sld [smem:$0x3F98];
	s0 =	simm.s32 @p1 $0x1  }
0x15: {  	[smem:$0x3FB5] =	sst s0;
	s0 =	simm.s32 @!p2 $0x0  }
0x16: {  	s3 =	sld [smem:$0x3FDB];
	s0 =	simm.s32 @p2 $0x1  }
0x17: {  	s4 =	simm.s32 $0x1BF5;
	[smem:$0x3FB7] =	sst s0  }
0x18: {  	s0 =	sld [smem:$0x3F9A];
	_ =	swait.ge [sflag:s4], $0x0  }
0x19: {  	s7 =	sld [smem:$0x3F9B]  }
0x1a: {  	s8 =	sadd.s32 $0xFFFFE003, lr  }
0x1b: {  	s9 =	sadd.s32 $0xFFFFFEF7, lr;
	s5 =	simm.s32 $0xFFFFFFFF;
	p2 =	slt.u32 s8, $0xFFFFF086  }
0x1c: {  	p1 =	slt.u32 s9, $0xF7A;
	s5 =	simm.s32 @!p2 $0x0  }
0x1d: {  	s5 =	simm.s32 @p1 $0x1;
	p0 =	seq.s32 s7, s2  }
0x1e: {  	s7 =	smul.u32 @!p0 $0xF7A, s2;
	p2 =	seq.s32 @!p0 s5, $0x0  }
0x1f: {  	s9 =	smul.u32 $0xF7A, s1;
	s8 =	simm.s32 @!p0 $0x1BF5;
	p2 =	por !p2, p0  }
0x20: {  	[sflag:s8] =	ssyncset.s32 @!p0 $0xFFFFF086;
	s6 =	sadd.s32 @!p0 s3, s7;
	s7 =	simm.s32 @!p0 $0x108  }
0x21: {  	s3 =	sadd.s32 s3, s9;
	s6 =	sadd.s32 @!p0 $0x88, s6;
	s7 =	simm.s32 @p2 $0x1082  }
0x22: {  	[simem:s7], [sflag:s8] =	dma.local @!p0 [hbm:s6], $0xF7A  }
0x23: {  	s9 =	sor.u32 $0xD0000000, s2;
	s6 =	simm.s32 $0x108;
	_ =	swait.ge @!p0 [sflag:s8], $0x0  }
0x24: {  	s3 =	sadd.s32 $0x88, s3;
	s6 =	simm.s32 @!p1 $0x1082;
	[sflag:s4] =	ssyncset.s32 $0xFFFFF086  }
0x25: {  	[simem:s6], [sflag:s4] =	dma.local [hbm:s3], $0xF7A  }
0x26: {  	[smem:$0x3F9B] =	sst s1;
	(tag) =	ssettag s2;
	_ =	strace s9  }
0x27: {  	s1 =	sld [smem:$0x3FAB]  }
0x28: {  	s2 =	sld [smem:$0x3FAC]  }
0x29: {  	s4 =	sld [smem:$0x3FAE]  }
0x2a: {  	p0 =	seq.s32 s5, $0x0;
	s5 =	sld [smem:$0x3FAF]  }
0x2b: {  	s6 =	sld [smem:$0x3FB0]  }
0x2c: {  	s7 =	sld [smem:$0x3FB1]  }
0x2d: {  	s3 =	simm.s32 $0x108;
	s8 =	sld [smem:$0x3FB2]  }
0x2e: {  	s3 =	simm.s32 @!p0 $0x1082;
	s9 =	sld [smem:$0x3FB3]  }
0x2f: {  	lr =	sadd.s32 s0, s3;
	s0 =	sld [smem:$0x3FAA]  }
0x30: {  	s3 =	sld [smem:$0x3FAD]  }
0x31: {  	[smem:$0x3FB6] =	sst s10  }
0x32: {  	s10 =	sld [smem:$0x3FB4];
	_ =	sdelay $0x3  }
0x33: {  	p0 =	seq.s32 s10, $0x1;
	s10 =	sld [smem:$0x3FB6];
	_ =	sdelay $0x3  }
0x34: {  	[smem:$0x3FB6] =	sst s10  }
0x35: {  	s10 =	sld [smem:$0x3FB5];
	_ =	sdelay $0x3  }
0x36: {  	p1 =	seq.s32 s10, $0x1;
	s10 =	sld [smem:$0x3FB6];
	_ =	sdelay $0x3  }
0x37: {  	[smem:$0x3FB6] =	sst s10  }
0x38: {  	s10 =	sld [smem:$0x3FB7]  }
0x39: {  	_ = 	snop;
	(pc) =	sbr.ind lr, $3  }
0x3a: {  	_ = 	snop  }
0x3b: {  	_ = 	snop  }
0x3c: {  	p2 =	seq.s32 s10, $0x1;
	s10 =	sld [smem:$0x3FB6]  }
0x3d: {  	_ =	shalt  }
0x3e: {  	_ =	shalt  }
0x3f: {  	_ =	shalt  }
0x40: {  	_ =	shalt  }
0x41: {  	_ =	shalt  }
0x42: {  	_ =	shalt  }
0x43: {  	_ =	shalt  }
0x44: {  	_ =	shalt  }
0x45: {  	_ =	shalt  }
0x46: {  	_ =	shalt  }
0x47: {  	_ =	shalt  }
0x48: {  	_ =	shalt  }
0x49: {  	_ =	shalt  }
0x4a: {  	_ =	shalt  }
0x4b: {  	_ =	shalt  }
0x4c: {  	_ =	shalt  }
0x4d: {  	_ =	shalt  }
0x4e: {  	_ =	shalt  }
0x4f: {  	_ =	shalt  }
0x50: {  	_ =	shalt  }
0x51: {  	_ =	shalt  }
0x52: {  	_ =	shalt  }
0x53: {  	_ =	shalt  }
0x54: {  	_ =	shalt  }
0x55: {  	_ =	shalt  }
0x56: {  	_ =	shalt  }
0x57: {  	_ =	shalt  }
0x58: {  	_ =	shalt  }
0x59: {  	_ =	shalt  }
0x5a: {  	_ =	shalt  }
0x5b: {  	_ =	shalt  }
0x5c: {  	_ =	shalt  }
0x5d: {  	_ =	shalt  }
0x5e: {  	_ =	shalt  }
0x5f: {  	_ =	shalt  }
0x60: {  	_ =	shalt  }
0x61: {  	_ =	shalt  }
0x62: {  	_ =	shalt  }
0x63: {  	_ =	shalt  }
0x64: {  	_ =	shalt  }
0x65: {  	_ =	shalt  }
0x66: {  	_ =	shalt  }
0x67: {  	_ =	shalt  }
0x68: {  	_ =	shalt  }
0x69: {  	_ =	shalt  }
0x6a: {  	_ =	shalt  }
0x6b: {  	_ =	shalt  }
0x6c: {  	_ =	shalt  }
0x6d: {  	_ =	shalt  }
0x6e: {  	_ =	shalt  }
0x6f: {  	_ =	shalt  }
0x70: {  	_ =	shalt  }
0x71: {  	_ =	shalt  }
0x72: {  	_ =	shalt  }
0x73: {  	_ =	shalt  }
0x74: {  	_ =	shalt  }
0x75: {  	_ =	shalt  }
0x76: {  	_ =	shalt  }
0x77: {  	_ =	shalt  }
0x78: {  	_ =	shalt  }
0x79: {  	_ =	shalt  }
0x7a: {  	_ =	shalt  }
0x7b: {  	_ =	shalt  }
0x7c: {  	_ =	shalt  }
0x7d: {  	_ =	shalt  }
0x7e: {  	_ =	shalt  }
0x7f: {  	_ =	shalt  }
0x80: {  	_ =	shalt  }
0x81: {  	_ =	shalt  }
0x82: {  	_ =	shalt  }
0x83: {  	_ =	shalt  }
0x84: {  	_ =	shalt  }
0x85: {  	_ =	shalt  }
0x86: {  	_ =	shalt  }
0x87: {  	_ =	shalt  }
.Lfunc_end0:
.L_simem_size_0:
called_computation.1_lowered:
.L_overlay_start_0:
0x88: {  	s2 =	sld [smem:$0x3FD9]  }
0x89: {  	s3 =	sld [smem:$0x3FFE];
	_ =	sdelay $0x1  }
0x8a: {  	s1 =	srdreg.scid  }
0x8b: {  	s0 =	sand.u32 $0x1, s1  }
0x8c: {  	s17 =	sshll.u32 s0, $0xA;
	s2 =	sadd.s32 s3, s2  }
0x8d: {  	s2 =	sadd.s32 s2, s17  }
0x8e: {  	[smem:$0x3FC2] =	sst s2  }
0x8f: {  	_ = 	snop  }
0x90: {  	s2 =	sld [smem:$0x3FD0];
	(tm) =	ssettm $0x1  }
0x91: {  	s18 =	sld [smem:$0x3FFB];
	_ =	sdelay $0x3  }
0x92: {  	_ =	strace s18  }
0x93: {  	s3 =	sld [smem:$0x3FFC];
	_ =	sdelay $0x3  }
0x94: {  	_ =	strace s3  }
0x95: {  	s3 =	sld [smem:$0x3FFD];
	_ =	sdelay $0x3  }
0x96: {  	_ =	strace s3  }
0x97: {  	_ =	strace $0x8FFFFFFF  }
0x98: {  	s19 =	sld [smem:$0x3FDB];
	_ =	sdelay $0x1  }
0x99: {  	s4 =	simm.s32 $_scs_section_size  }
0x9a: {  	s5 =	simm.s32 $_size__tile_overlayer_lowered;
	s6 =	simm.s32 $_tile_overlayer_lowered  }
0x9b: {  	s22 =	simm.s32 $0x1BFF;
	s21 =	sshll.u32 s6, $0x1;
	s3 =	sadd.s32 s4, s19  }
0x9c: {  	s7 =	simm.s32 $0x0;
	s20 =	sshll.u32 s5, $0x1;
	s5 =	sadd.s32 s21, s3  }
0x9d: {  	[timem:s7], [sflag:s22] =	dma.local [hbm:s5], s20  }
0x9e: {  	_ =	swait.ge [sflag:s22], s20  }
0x9f: {  	s4 =	ssub.s32 $0x0, s20;
	[sflag:s22] =	ssyncset.done $0x0  }
0xa0: {  	[sflag:s22] =	ssyncadd.s32 s4;
	_ =	sdelay $0x1  }
0xa1: {  	s23 =	simm.s32 $0x1B8B  }
0xa2: {  	_ =	swait.ge [sflag:s23], $0x1  }
0xa3: {  	[sflag:s23] =	ssyncset.done $0x0  }
0xa4: {  	s25 =	simm.s32 $0x1B8E;
	s24 =	sld [smem:$0x3FFE];
	[sflag:s23] =	ssyncadd.s32 $0xFFFFFFFF  }
0xa5: {  	s26 =	simm.s32 $execute0_lowered;
	[smem:$0x3FD2] =	sst s25  }
0xa6: {  	s5 =	sshll.u32 s26, $0x1;
	_ =	strace $0x80000049;
	[dreg:$0x1] =	wrdreg $0xFFFFFFFF  }
0xa7: {  	s28 =	simm.s32 $_size_execute0_lowered;
	s3 =	sadd.s32 s3, s5;
	[dreg:$0x0] =	wrdreg $0x0  }
0xa8: {  	s5 =	sshll.u32 s28, $0x1;
	[dreg:$0x2] =	wrdreg s3  }
0xa9: {  	[dreg:$0x3] =	wrdreg s5  }
0xaa: {  	[dreg:$0x4] =	wrdreg $0xC0  }
0xab: {  	_ =	task [dreg:s7], $0x5FFFF  }
0xac: {  	[dreg:$0x1] =	wrdreg $0xFFFFFFFF  }
0xad: {  	[dreg:$0x0] =	wrdreg $0x60  }
0xae: {  	[dreg:$0x2] =	wrdreg s2  }
0xaf: {  	[dreg:$0x3] =	wrdreg s24  }
0xb0: {  	[dreg:$0x4] =	wrdreg $0x14A000  }
0xb1: {  	[dreg:$0x5] =	wrdreg $0x9  }
0xb2: {  	_ =	task.clear_ibuf [dreg:s7], $0x6FFFF;
	_ =	strace $0x90000049  }
0xb3: {  	s29 =	simm.s32 $0x9;
	_ =	strace $0x8000004B  }
0xb4: {  	_ =	swait.ge [sflag:s29], $0x1  }
0xb5: {  	[sflag:s29] =	ssyncadd.s32 $0xFFFFFFFF  }
0xb6: {  	_ =	strace $0x9000004B  }
0xb7: {  	_ =	sfence  }
0xb8: {  	s30 =	sld [smem:$0x0];
	_ =	sdelay $0x2  }
0xb9: {  	s31 =	sshll.u32 s1, $0xD;
	s1 =	sshrl.u32 s1, $0x2  }
0xba: {  	s3 =	sand.u32 $0x4000, s31;
	s1 =	sadd.s32 s1, s30  }
0xbb: {  	s0 =	sor.u32 s3, s0;
	s1 =	sshll.u32 s1, $0x11  }
0xbc: {  	s0 =	sor.u32 s1, s0  }
0xbd: {  	s0 =	sadd.s32 $0x8F2B, s0  }
0xbe: {  	[sflag:s0] =	ssyncadd.remote.s32 $0x1  }
0xbf: {  	_ =	sfence.sel $0xFFFF  }
0xc0: {  	[dreg:$0x0] =	wrdreg $0xFFFFFFFF;
	(pc) =	sbr.abs _section_cstart, $3  }
0xc1: {  	[dreg:$0x1] =	wrdreg $0xFFFFFFFF  }
0xc2: {  	_ =	task.clear_ibuf [dreg:s7], $0x2FFFF;
	_ =	strace $0x9FFFFFFF  }
0xc3: {  	(tm) =	ssettm $0x7FFFFFFF  }
tec
execute0_lowered:
.L_overlay_start_1:
0x0: {  	(tag) =	ssettag $0x1  }
0x1: {  	s0 =	rddreg [dreg:$0x0]  }
0x2: {  	s2 =	rddreg [dreg:$0x1]  }
0x3: {  	s1 =	rddreg [dreg:$0x2];
	s3 =	simm.s32 $0x0  }
0x4: {  	s4 =	srdreg.scid;
	s19 =	stileid.u32;
	s28 =	simm.s32 $0xEC40  }
0x5: {  	s29 =	simm.s32 $0x10B80;
	s30 =	simm.s32 $0x12AC0;
	s18 =	smul.u32 $0x27000, s19  }
0x6: {  	s31 =	simm.s32 $0x1;
	[smem:$0x7FF] =	sst s3;
	s14 =	smul.u32 $0x9C00, s19  }
0x7: {  	s5 =	sand.u32 $0x1, s4;
	s6 =	sadd.s32 $0xC400, s2;
	s12 =	smul.u32 $0xA00, s19  }
0x8: {  	s7 =	sadd.s32 $0x2400, s2;
	s2 =	sadd.s32 $0xB2800, s2;
	s15 =	smul.u32 $0x5000, s19  }
0x9: {  	s10 =	sadd.s32 $0x9C000, s1;
	p0 =	sne.s32 s19, $0xF;
	s19 =	simm.s32 $0x5000  }
0xa: {  	_ =	strace $0x8000004A;
	s8 =	ssub.s32 $0x2, s5;
	s13 =	smul.u32 $0x13880, s5  }
0xb: {  	s5 =	smul.u32 $0x9C400, s5;
	s9 =	sshrl.u32 s8, $0x1;
	s4 =	sshrl.u32 s18, $0x2  }
0xc: {  	s11 =	sadd.s32 s6, s12;
	s12 =	sadd.s32 s7, s12;
	s24 =	sshrl.u32 s15, $0x3  }
0xd: {  	s18 =	ssub.s32 s8, s9;
	s20 =	sadd.s32 s4, s1;
	s4 =	sadd.s32 s14, s1  }
0xe: {  	s13 =	sadd.s32 s0, s13;
	s0 =	sadd.s32 $0x500, s24;
	s25 =	sadd.s32 s14, s5  }
0xf: {  	s5 =	sshrl.u32 s5, $0x3;
	s24 =	simm.s32 $0x8E80;
	s21 =	sadd.s32 $0x1A00, s20  }
0x10: {  	s22 =	sadd.s32 $0x3400, s20;
	s23 =	sadd.s32 $0x4E00, s20;
	s8 =	sadd.s32 $0x6800, s20  }
0x11: {  	s9 =	sadd.s32 $0x8200, s20;
	s14 =	sadd.s32 s6, s0;
	s26 =	sshrl.u32 s25, $0x3  }
0x12: {  	s5 =	sadd.s32 s2, s5;
	s15 =	sadd.s32 s7, s0;
	[dreg:$0x4] =	wrdreg s21  }
0x13: {  	s18 =	smax.u32 s18, $0x1;
	s20 =	simm.s32 $0x3;
	[dreg:$0x5] =	wrdreg s22  }
0x14: {  	s25 =	simm.s32 $0xADC0;
	s0 =	simm.s32 $0x2;
	[dreg:$0x6] =	wrdreg s23  }
0x15: {  	s16 =	sadd.s32 s2, s26;
	s17 =	sadd.s32 $0x13800, s5;
	s21 =	simm.s32 $0x2800  }
0x16: {  	v0 =	vimm.f32 $0.0e+00;
	s22 =	simm.s32 $0x7D;
	s23 =	simm.s32 $0x6F40;
	s26 =	simm.s32 $0xCD00  }
.LBB2_1:
0x17: {  	s5 =	simm.s32 $0x100;
	s2 =	simm.s32 $0x0  }
.LBB2_2:
0x18: {  	p1 =	sne.s32 s5, $0x6700;
	[tilespmem:s2+$0x5030] =	vst v0;
	s6 =	smov.u32 s5;
	s5 =	sadd.s32 $0x100, s5  }
.Ltmp0:
0x19: {  	[tilespmem:s2+$0x5020] =	vst v0;
	(pc) =	sbr.rel @p1 .LBB2_2-.Ltmp0, $3  }
0x1a: {  	[tilespmem:s2+$0x5000] =	vst v0  }
0x1b: {  	[tilespmem:s2+$0x5010] =	vst v0;
	_ =	sdelay $0x1  }
0x1c: {  	s2 =	sshra.s32 s6, $0x2  }
0x1d: {  	[tilespmem:s2+$0x5030] =	vst v0  }
0x1e: {  	[tilespmem:s2+$0x5020] =	vst v0  }
0x1f: {  	[tilespmem:s2+$0x5000] =	vst v0  }
0x20: {  	[tilespmem:s2+$0x5010] =	vst v0  }
0x21: {  	[spmem:s4] =	stream.linear.scatter [tilespmem:s19], [sflag:$0x3], $0x1A00, $0x38;
	[tilespmem:$0x1E640] =	vst v63  }
0x22: {  	_ =	swait.ge [sflag:s20], $0x1A00  }
0x23: {  	[sflag:s20] =	ssyncset.done $0x0  }
0x24: {  	s6 =	rddreg [dreg:$0x4];
	[sflag:s20] =	ssyncadd.s32 $0xFFFFE600  }
0x25: {  	[spmem:s6] =	stream.linear.scatter [tilespmem:s19], [sflag:$0x3], $0x1A00, $0x38;
	[tilespmem:$0x1E640] =	vst v63  }
0x26: {  	_ =	swait.ge [sflag:s20], $0x1A00  }
0x27: {  	[sflag:s20] =	ssyncset.done $0x0  }
0x28: {  	s7 =	rddreg [dreg:$0x5];
	[sflag:s20] =	ssyncadd.s32 $0xFFFFE600  }
0x29: {  	[spmem:s7] =	stream.linear.scatter [tilespmem:s19], [sflag:$0x3], $0x1A00, $0x38;
	[tilespmem:$0x1E640] =	vst v63  }
0x2a: {  	_ =	swait.ge [sflag:s20], $0x1A00  }
0x2b: {  	[sflag:s20] =	ssyncset.done $0x0  }
0x2c: {  	s5 =	rddreg [dreg:$0x6];
	[sflag:s20] =	ssyncadd.s32 $0xFFFFE600  }
0x2d: {  	[spmem:s5] =	stream.linear.scatter [tilespmem:s19], [sflag:$0x3], $0x1A00, $0x38;
	[tilespmem:$0x1E640] =	vst v63  }
0x2e: {  	_ =	swait.ge [sflag:s20], $0x1A00  }
0x2f: {  	[sflag:s20] =	ssyncset.done $0x0  }
0x30: {  	[sflag:s20] =	ssyncadd.s32 $0xFFFFE600  }
0x31: {  	[spmem:s8] =	stream.linear.scatter [tilespmem:s19], [sflag:$0x3], $0x1A00, $0x38;
	[tilespmem:$0x1E640] =	vst v63  }
0x32: {  	_ =	swait.ge [sflag:s20], $0x1A00  }
0x33: {  	[sflag:s20] =	ssyncset.done $0x0  }
0x34: {  	[sflag:s20] =	ssyncadd.s32 $0xFFFFE600  }
0x35: {  	[spmem:s9] =	stream.linear.scatter [tilespmem:s19], [sflag:$0x3], $0x1A00, $0x38;
	[tilespmem:$0x1E640] =	vst v63  }
0x36: {  	_ =	swait.ge [sflag:s20], $0x1A00  }
0x37: {  	[sflag:s20] =	ssyncset.done $0x0  }
0x38: {  	s2 =	simm.s32 @!p0 $0x5000;
	[sflag:s20] =	ssyncadd.s32 $0xFFFFE600  }
0x39: {  	[spmem:s10] =	stream.linear.scatter @!p0 [tilespmem:s2], [sflag:$0x3], $0x400, $0x38;
	[tilespmem:$0x1E640] =	vst v63  }
0x3a: {  	s2 =	simm.s32 @!p0 $0x3  }
0x3b: {  	_ =	swait.ge @!p0 [sflag:s2], $0x400  }
0x3c: {  	[sflag:s2] =	ssyncset.done @!p0 $0x0  }
0x3d: {  	[sflag:s2] =	ssyncadd.s32 @!p0 $0xFFFFFC00  }
0x3e: {  	s6 =	simm.s32 $0x0;
	[bflag:$0x0] =	sbarrier.arrive $0xFFFF  }
0x3f: {  	[tilespmem:s6], [sflag:$0x3] =	stream.linear.gather [hbm4b:s11+s6], $0x2800, $0x38;
	[tilespmem:$0x1E640] =	vst v63  }
0x40: {  	_ =	swait.ge [sflag:s20], $0x2800  }
0x41: {  	[sflag:s20] =	ssyncset.done $0x0  }
0x42: {  	[sflag:s20] =	ssyncadd.s32 $0xFFFFD800  }
0x43: {  	[tilespmem:s21], [sflag:$0x3] =	stream.linear.gather [hbm4b:s12+s6], $0x2800, $0x38;
	[tilespmem:$0x1E640] =	vst v63  }
0x44: {  	_ =	swait.ge [sflag:s20], $0x2800  }
0x45: {  	[sflag:s20] =	ssyncset.done $0x0  }
0x46: {  	s7 =	simm.s32 $0x0;
	[sflag:s20] =	ssyncadd.s32 $0xFFFFD800  }
0x47: {  	[tilespmem:s19], [sflag:$0x1] =	stream.indirect.gather [hbm4b:s13+s22], $0x40, s7, s22, $0xb8;
	[tilespmem:$0x1E640] =	vst v63  }
0x48: {  	s5 =	simm.s32 $0x80  }
0x49: {  	[tilespmem:s23], [sflag:$0x1] =	stream.indirect.gather [hbm4b:s13+s22], $0x40, s5, s22, $0xb8;
	[tilespmem:$0x1E640] =	vst v63  }
0x4a: {  	s6 =	simm.s32 $0x100  }
0x4b: {  	[tilespmem:s24], [sflag:$0x1] =	stream.indirect.gather [hbm4b:s13+s22], $0x40, s6, s22, $0xb8;
	[tilespmem:$0x1E640] =	vst v63  }
0x4c: {  	s7 =	simm.s32 $0x180  }
0x4d: {  	[tilespmem:s25], [sflag:$0x1] =	stream.indirect.gather [hbm4b:s13+s22], $0x40, s7, s22, $0xb8;
	[tilespmem:$0x1E640] =	vst v63  }
0x4e: {  	s5 =	simm.s32 $0x200  }
0x4f: {  	[tilespmem:s26], [sflag:$0x1] =	stream.indirect.gather [hbm4b:s13+s22], $0x40, s5, s22, $0xb8;
	[tilespmem:$0x1E640] =	vst v63  }
0x50: {  	s6 =	simm.s32 $0x280  }
0x51: {  	[tilespmem:s28], [sflag:$0x1] =	stream.indirect.gather [hbm4b:s13+s22], $0x40, s6, s22, $0xb8;
	[tilespmem:$0x1E640] =	vst v63  }
0x52: {  	s7 =	simm.s32 $0x300  }
0x53: {  	[tilespmem:s29], [sflag:$0x1] =	stream.indirect.gather [hbm4b:s13+s22], $0x40, s7, s22, $0xb8;
	[tilespmem:$0x1E640] =	vst v63  }
0x54: {  	s5 =	simm.s32 $0x380  }
0x55: {  	[tilespmem:s30], [sflag:$0x1] =	stream.indirect.gather [hbm4b:s13+s22], $0x40, s5, s22, $0xb8;
	[tilespmem:$0x1E640] =	vst v63  }
0x56: {  	_ =	swait.ge [sflag:s31], $0x1F40  }
0x57: {  	[sflag:s31] =	ssyncset.done $0x0  }
0x58: {  	s6 =	simm.s32 $0x2800;
	[sflag:s31] =	ssyncadd.s32 $0xFFFFE0C0  }
0x59: {  	[spmem:s1] =	stream.indirect.scatter.add.f32 [tilespmem:s19], [sflag:$0x2], $0x40, s6, s22, $0xb8;
	[tilespmem:$0x1E640] =	vst v63  }
0x5a: {  	_ =	swait.ge [sflag:s31], $0x1F40  }
0x5b: {  	[sflag:s31] =	ssyncset.done $0x0  }
0x5c: {  	s7 =	simm.s32 $0x2880;
	[sflag:s31] =	ssyncadd.s32 $0xFFFFE0C0  }
0x5d: {  	[spmem:s1] =	stream.indirect.scatter.add.f32 [tilespmem:s23], [sflag:$0x2], $0x40, s7, s22, $0xb8;
	[tilespmem:$0x1E640] =	vst v63  }
0x5e: {  	_ =	swait.ge [sflag:s31], $0x1F40  }
0x5f: {  	[sflag:s31] =	ssyncset.done $0x0  }
0x60: {  	s5 =	simm.s32 $0x2900;
	[sflag:s31] =	ssyncadd.s32 $0xFFFFE0C0  }
0x61: {  	[spmem:s1] =	stream.indirect.scatter.add.f32 [tilespmem:s24], [sflag:$0x2], $0x40, s5, s22, $0xb8;
	[tilespmem:$0x1E640] =	vst v63  }
0x62: {  	_ =	swait.ge [sflag:s31], $0x1F40  }
0x63: {  	[sflag:s31] =	ssyncset.done $0x0  }
0x64: {  	s6 =	simm.s32 $0x2980;
	[sflag:s31] =	ssyncadd.s32 $0xFFFFE0C0  }
0x65: {  	[spmem:s1] =	stream.indirect.scatter.add.f32 [tilespmem:s25], [sflag:$0x2], $0x40, s6, s22, $0xb8;
	[tilespmem:$0x1E640] =	vst v63  }
0x66: {  	_ =	swait.ge [sflag:s31], $0x1F40  }
0x67: {  	[sflag:s31] =	ssyncset.done $0x0  }
0x68: {  	s7 =	simm.s32 $0x2A00;
	[sflag:s31] =	ssyncadd.s32 $0xFFFFE0C0  }
0x69: {  	[spmem:s1] =	stream.indirect.scatter.add.f32 [tilespmem:s26], [sflag:$0x2], $0x40, s7, s22, $0xb8;
	[tilespmem:$0x1E640] =	vst v63  }
0x6a: {  	_ =	swait.ge [sflag:s31], $0x1F40  }
0x6b: {  	[sflag:s31] =	ssyncset.done $0x0  }
0x6c: {  	s5 =	simm.s32 $0x2A80;
	[sflag:s31] =	ssyncadd.s32 $0xFFFFE0C0  }
0x6d: {  	[spmem:s1] =	stream.indirect.scatter.add.f32 [tilespmem:s28], [sflag:$0x2], $0x40, s5, s22, $0xb8;
	[tilespmem:$0x1E640] =	vst v63  }
0x6e: {  	_ =	swait.ge [sflag:s31], $0x1F40  }
0x6f: {  	[sflag:s31] =	ssyncset.done $0x0  }
0x70: {  	s6 =	simm.s32 $0x2B00;
	[sflag:s31] =	ssyncadd.s32 $0xFFFFE0C0  }
0x71: {  	[spmem:s1] =	stream.indirect.scatter.add.f32 [tilespmem:s29], [sflag:$0x2], $0x40, s6, s22, $0xb8;
	[tilespmem:$0x1E640] =	vst v63  }
0x72: {  	_ =	swait.ge [sflag:s31], $0x1F40  }
0x73: {  	[sflag:s31] =	ssyncset.done $0x0  }
0x74: {  	s7 =	simm.s32 $0x2B80;
	[sflag:s31] =	ssyncadd.s32 $0xFFFFE0C0  }
0x75: {  	[spmem:s1] =	stream.indirect.scatter.add.f32 [tilespmem:s30], [sflag:$0x2], $0x40, s7, s22, $0xb8;
	[tilespmem:$0x1E640] =	vst v63  }
0x76: {  	_ =	swait.ge [sflag:s0], $0x1F40  }
0x77: {  	[sflag:s0] =	ssyncset.done $0x0  }
0x78: {  	[sflag:s0] =	ssyncadd.s32 $0xFFFFE0C0  }
0x79: {  	_ =	swait.ge [sflag:s0], $0x1F40  }
0x7a: {  	[sflag:s0] =	ssyncset.done $0x0  }
0x7b: {  	[sflag:s0] =	ssyncadd.s32 $0xFFFFE0C0  }
0x7c: {  	_ =	swait.ge [sflag:s0], $0x1F40  }
0x7d: {  	[sflag:s0] =	ssyncset.done $0x0  }
0x7e: {  	[sflag:s0] =	ssyncadd.s32 $0xFFFFE0C0  }
0x7f: {  	_ =	swait.ge [sflag:s0], $0x1F40  }
0x80: {  	[sflag:s0] =	ssyncset.done $0x0  }
0x81: {  	[sflag:s0] =	ssyncadd.s32 $0xFFFFE0C0  }
0x82: {  	_ =	swait.ge [sflag:s0], $0x1F40  }
0x83: {  	[sflag:s0] =	ssyncset.done $0x0  }
0x84: {  	[sflag:s0] =	ssyncadd.s32 $0xFFFFE0C0  }
0x85: {  	_ =	swait.ge [sflag:s0], $0x1F40  }
0x86: {  	[sflag:s0] =	ssyncset.done $0x0  }
0x87: {  	[sflag:s0] =	ssyncadd.s32 $0xFFFFE0C0  }
0x88: {  	_ =	swait.ge [sflag:s0], $0x1F40  }
0x89: {  	[sflag:s0] =	ssyncset.done $0x0  }
0x8a: {  	[sflag:s0] =	ssyncadd.s32 $0xFFFFE0C0  }
0x8b: {  	_ =	swait.ge [sflag:s0], $0x1F40  }
0x8c: {  	s2 =	simm.s32 $0x1000;
	s5 =	simm.s32 $0x2000;
	[sflag:s0] =	ssyncset.done $0x0  }
.LBB2_4:
0x8d: {  	s6 =	sshra.s32 s2, $0x2  }
0x8e: {  	[sflag:s0] =	ssyncadd.s32 $0xFFFFE0C0;
	s2 =	smov.u32 s5;
	s7 =	sadd.s32 $0x1000, s5  }
0x8f: {  	[tilespmem:s19], [sflag:$0x1] =	stream.indirect.gather [hbm4b:s13+s22], $0x40, s6, s22, $0xb8;
	[tilespmem:$0x1E640] =	vst v63  }
0x90: {  	p1 =	sne.s32 s5, $0x9000;
	s5 =	sadd.s32 $0x80, s6  }
0x91: {  	[tilespmem:s23], [sflag:$0x1] =	stream.indirect.gather [hbm4b:s13+s22], $0x40, s5, s22, $0xb8;
	[tilespmem:$0x1E640] =	vst v63  }
0x92: {  	s5 =	sadd.s32 $0x100, s6  }
0x93: {  	[tilespmem:s24], [sflag:$0x1] =	stream.indirect.gather [hbm4b:s13+s22], $0x40, s5, s22, $0xb8;
	[tilespmem:$0x1E640] =	vst v63  }
0x94: {  	s5 =	sadd.s32 $0x180, s6  }
0x95: {  	[tilespmem:s25], [sflag:$0x1] =	stream.indirect.gather [hbm4b:s13+s22], $0x40, s5, s22, $0xb8;
	[tilespmem:$0x1E640] =	vst v63  }
0x96: {  	s5 =	sadd.s32 $0x200, s6  }
0x97: {  	[tilespmem:s26], [sflag:$0x1] =	stream.indirect.gather [hbm4b:s13+s22], $0x40, s5, s22, $0xb8;
	[tilespmem:$0x1E640] =	vst v63  }
0x98: {  	s5 =	sadd.s32 $0x280, s6  }
0x99: {  	[tilespmem:s28], [sflag:$0x1] =	stream.indirect.gather [hbm4b:s13+s22], $0x40, s5, s22, $0xb8;
	[tilespmem:$0x1E640] =	vst v63  }
0x9a: {  	s5 =	sadd.s32 $0x300, s6  }
0x9b: {  	[tilespmem:s29], [sflag:$0x1] =	stream.indirect.gather [hbm4b:s13+s22], $0x40, s5, s22, $0xb8;
	[tilespmem:$0x1E640] =	vst v63  }
0x9c: {  	s5 =	sadd.s32 $0x380, s6  }
0x9d: {  	[tilespmem:s30], [sflag:$0x1] =	stream.indirect.gather [hbm4b:s13+s22], $0x40, s5, s22, $0xb8;
	[tilespmem:$0x1E640] =	vst v63  }
0x9e: {  	_ =	swait.ge [sflag:s31], $0x1F40  }
0x9f: {  	[sflag:s31] =	ssyncset.done $0x0  }
0xa0: {  	s5 =	sadd.s32 $0x2800, s6;
	[sflag:s31] =	ssyncadd.s32 $0xFFFFE0C0  }
0xa1: {  	[spmem:s1] =	stream.indirect.scatter.add.f32 [tilespmem:s19], [sflag:$0x2], $0x40, s5, s22, $0xb8;
	[tilespmem:$0x1E640] =	vst v63  }
0xa2: {  	_ =	swait.ge [sflag:s31], $0x1F40  }
0xa3: {  	[sflag:s31] =	ssyncset.done $0x0  }
0xa4: {  	s5 =	sadd.s32 $0x2880, s6;
	[sflag:s31] =	ssyncadd.s32 $0xFFFFE0C0  }
0xa5: {  	[spmem:s1] =	stream.indirect.scatter.add.f32 [tilespmem:s23], [sflag:$0x2], $0x40, s5, s22, $0xb8;
	[tilespmem:$0x1E640] =	vst v63  }
0xa6: {  	_ =	swait.ge [sflag:s31], $0x1F40  }
0xa7: {  	[sflag:s31] =	ssyncset.done $0x0  }
0xa8: {  	s5 =	sadd.s32 $0x2900, s6;
	[sflag:s31] =	ssyncadd.s32 $0xFFFFE0C0  }
0xa9: {  	[spmem:s1] =	stream.indirect.scatter.add.f32 [tilespmem:s24], [sflag:$0x2], $0x40, s5, s22, $0xb8;
	[tilespmem:$0x1E640] =	vst v63  }
0xaa: {  	_ =	swait.ge [sflag:s31], $0x1F40  }
0xab: {  	[sflag:s31] =	ssyncset.done $0x0  }
0xac: {  	s5 =	sadd.s32 $0x2980, s6;
	[sflag:s31] =	ssyncadd.s32 $0xFFFFE0C0  }
0xad: {  	[spmem:s1] =	stream.indirect.scatter.add.f32 [tilespmem:s25], [sflag:$0x2], $0x40, s5, s22, $0xb8;
	[tilespmem:$0x1E640] =	vst v63  }
0xae: {  	_ =	swait.ge [sflag:s31], $0x1F40  }
0xaf: {  	[sflag:s31] =	ssyncset.done $0x0  }
0xb0: {  	s5 =	sadd.s32 $0x2A00, s6;
	[sflag:s31] =	ssyncadd.s32 $0xFFFFE0C0  }
0xb1: {  	[spmem:s1] =	stream.indirect.scatter.add.f32 [tilespmem:s26], [sflag:$0x2], $0x40, s5, s22, $0xb8;
	[tilespmem:$0x1E640] =	vst v63  }
0xb2: {  	_ =	swait.ge [sflag:s31], $0x1F40  }
0xb3: {  	[sflag:s31] =	ssyncset.done $0x0  }
0xb4: {  	s5 =	sadd.s32 $0x2A80, s6;
	[sflag:s31] =	ssyncadd.s32 $0xFFFFE0C0  }
0xb5: {  	[spmem:s1] =	stream.indirect.scatter.add.f32 [tilespmem:s28], [sflag:$0x2], $0x40, s5, s22, $0xb8;
	[tilespmem:$0x1E640] =	vst v63  }
0xb6: {  	_ =	swait.ge [sflag:s31], $0x1F40  }
0xb7: {  	[sflag:s31] =	ssyncset.done $0x0  }
0xb8: {  	s5 =	sadd.s32 $0x2B00, s6;
	[sflag:s31] =	ssyncadd.s32 $0xFFFFE0C0  }
0xb9: {  	[spmem:s1] =	stream.indirect.scatter.add.f32 [tilespmem:s29], [sflag:$0x2], $0x40, s5, s22, $0xb8;
	[tilespmem:$0x1E640] =	vst v63  }
0xba: {  	_ =	swait.ge [sflag:s31], $0x1F40  }
0xbb: {  	[sflag:s31] =	ssyncset.done $0x0  }
0xbc: {  	s5 =	sadd.s32 $0x2B80, s6;
	[sflag:s31] =	ssyncadd.s32 $0xFFFFE0C0  }
0xbd: {  	[spmem:s1] =	stream.indirect.scatter.add.f32 [tilespmem:s30], [sflag:$0x2], $0x40, s5, s22, $0xb8;
	[tilespmem:$0x1E640] =	vst v63  }
0xbe: {  	_ =	swait.ge [sflag:s0], $0x1F40  }
0xbf: {  	[sflag:s0] =	ssyncset.done $0x0  }
0xc0: {  	[sflag:s0] =	ssyncadd.s32 $0xFFFFE0C0  }
0xc1: {  	_ =	swait.ge [sflag:s0], $0x1F40  }
0xc2: {  	[sflag:s0] =	ssyncset.done $0x0  }
0xc3: {  	[sflag:s0] =	ssyncadd.s32 $0xFFFFE0C0  }
0xc4: {  	_ =	swait.ge [sflag:s0], $0x1F40  }
0xc5: {  	[sflag:s0] =	ssyncset.done $0x0  }
0xc6: {  	[sflag:s0] =	ssyncadd.s32 $0xFFFFE0C0  }
0xc7: {  	_ =	swait.ge [sflag:s0], $0x1F40  }
0xc8: {  	[sflag:s0] =	ssyncset.done $0x0  }
0xc9: {  	[sflag:s0] =	ssyncadd.s32 $0xFFFFE0C0  }
0xca: {  	_ =	swait.ge [sflag:s0], $0x1F40  }
0xcb: {  	[sflag:s0] =	ssyncset.done $0x0  }
0xcc: {  	[sflag:s0] =	ssyncadd.s32 $0xFFFFE0C0  }
0xcd: {  	_ =	swait.ge [sflag:s0], $0x1F40  }
0xce: {  	[sflag:s0] =	ssyncset.done $0x0  }
0xcf: {  	[sflag:s0] =	ssyncadd.s32 $0xFFFFE0C0  }
.Ltmp1:
0xd0: {  	_ =	swait.ge [sflag:s0], $0x1F40;
	(pc) =	sbr.rel @p1 .LBB2_4-.Ltmp1, $4  }
0xd1: {  	[sflag:s0] =	ssyncset.done $0x0  }
0xd2: {  	[sflag:s0] =	ssyncadd.s32 $0xFFFFE0C0  }
0xd3: {  	_ =	swait.ge [sflag:s0], $0x1F40  }
0xd4: {  	s5 =	smov.u32 s7;
	[sflag:s0] =	ssyncset.done $0x0  }
0xd5: {  	s2 =	sshra.s32 s2, $0x2;
	[sflag:s0] =	ssyncadd.s32 $0xFFFFE0C0  }
0xd6: {  	[tilespmem:s19], [sflag:$0x1] =	stream.indirect.gather [hbm4b:s13+s22], $0x40, s2, s22, $0xb8;
	[tilespmem:$0x1E640] =	vst v63  }
0xd7: {  	s5 =	sadd.s32 $0x80, s2  }
0xd8: {  	[tilespmem:s23], [sflag:$0x1] =	stream.indirect.gather [hbm4b:s13+s22], $0x40, s5, s22, $0xb8;
	[tilespmem:$0x1E640] =	vst v63  }
0xd9: {  	s7 =	sadd.s32 $0x100, s2  }
0xda: {  	[tilespmem:s24], [sflag:$0x1] =	stream.indirect.gather [hbm4b:s13+s22], $0x40, s7, s22, $0xb8;
	[tilespmem:$0x1E640] =	vst v63  }
0xdb: {  	s6 =	sadd.s32 $0x180, s2  }
0xdc: {  	[tilespmem:s25], [sflag:$0x1] =	stream.indirect.gather [hbm4b:s13+s22], $0x40, s6, s22, $0xb8;
	[tilespmem:$0x1E640] =	vst v63  }
0xdd: {  	s7 =	sadd.s32 $0x200, s2  }
0xde: {  	[tilespmem:s26], [sflag:$0x1] =	stream.indirect.gather [hbm4b:s13+s22], $0x40, s7, s22, $0xb8;
	[tilespmem:$0x1E640] =	vst v63  }
0xdf: {  	s6 =	sadd.s32 $0x280, s2  }
0xe0: {  	[tilespmem:s28], [sflag:$0x1] =	stream.indirect.gather [hbm4b:s13+s22], $0x40, s6, s22, $0xb8;
	[tilespmem:$0x1E640] =	vst v63  }
0xe1: {  	s7 =	sadd.s32 $0x300, s2  }
0xe2: {  	[tilespmem:s29], [sflag:$0x1] =	stream.indirect.gather [hbm4b:s13+s22], $0x40, s7, s22, $0xb8;
	[tilespmem:$0x1E640] =	vst v63  }
0xe3: {  	s6 =	sadd.s32 $0x380, s2  }
0xe4: {  	[tilespmem:s30], [sflag:$0x1] =	stream.indirect.gather [hbm4b:s13+s22], $0x40, s6, s22, $0xb8;
	[tilespmem:$0x1E640] =	vst v63  }
0xe5: {  	_ =	swait.ge [sflag:s31], $0x1F40  }
0xe6: {  	[sflag:s31] =	ssyncset.done $0x0  }
0xe7: {  	s7 =	sadd.s32 $0x2800, s2;
	[sflag:s31] =	ssyncadd.s32 $0xFFFFE0C0  }
0xe8: {  	[spmem:s1] =	stream.indirect.scatter.add.f32 [tilespmem:s19], [sflag:$0x2], $0x40, s7, s22, $0xb8;
	[tilespmem:$0x1E640] =	vst v63  }
0xe9: {  	_ =	swait.ge [sflag:s31], $0x1F40  }
0xea: {  	[sflag:s31] =	ssyncset.done $0x0  }
0xeb: {  	s6 =	sadd.s32 $0x2880, s2;
	[sflag:s31] =	ssyncadd.s32 $0xFFFFE0C0  }
0xec: {  	[spmem:s1] =	stream.indirect.scatter.add.f32 [tilespmem:s23], [sflag:$0x2], $0x40, s6, s22, $0xb8;
	[tilespmem:$0x1E640] =	vst v63  }
0xed: {  	_ =	swait.ge [sflag:s31], $0x1F40  }
0xee: {  	[sflag:s31] =	ssyncset.done $0x0  }
0xef: {  	s7 =	sadd.s32 $0x2900, s2;
	[sflag:s31] =	ssyncadd.s32 $0xFFFFE0C0  }
0xf0: {  	[spmem:s1] =	stream.indirect.scatter.add.f32 [tilespmem:s24], [sflag:$0x2], $0x40, s7, s22, $0xb8;
	[tilespmem:$0x1E640] =	vst v63  }
0xf1: {  	_ =	swait.ge [sflag:s31], $0x1F40  }
0xf2: {  	[sflag:s31] =	ssyncset.done $0x0  }
0xf3: {  	s6 =	sadd.s32 $0x2980, s2;
	[sflag:s31] =	ssyncadd.s32 $0xFFFFE0C0  }
0xf4: {  	[spmem:s1] =	stream.indirect.scatter.add.f32 [tilespmem:s25], [sflag:$0x2], $0x40, s6, s22, $0xb8;
	[tilespmem:$0x1E640] =	vst v63  }
0xf5: {  	_ =	swait.ge [sflag:s31], $0x1F40  }
0xf6: {  	[sflag:s31] =	ssyncset.done $0x0  }
0xf7: {  	s7 =	sadd.s32 $0x2A00, s2;
	[sflag:s31] =	ssyncadd.s32 $0xFFFFE0C0  }
0xf8: {  	[spmem:s1] =	stream.indirect.scatter.add.f32 [tilespmem:s26], [sflag:$0x2], $0x40, s7, s22, $0xb8;
	[tilespmem:$0x1E640] =	vst v63  }
0xf9: {  	_ =	swait.ge [sflag:s31], $0x1F40  }
0xfa: {  	[sflag:s31] =	ssyncset.done $0x0  }
0xfb: {  	s6 =	sadd.s32 $0x2A80, s2;
	[sflag:s31] =	ssyncadd.s32 $0xFFFFE0C0  }
0xfc: {  	[spmem:s1] =	stream.indirect.scatter.add.f32 [tilespmem:s28], [sflag:$0x2], $0x40, s6, s22, $0xb8;
	[tilespmem:$0x1E640] =	vst v63  }
0xfd: {  	_ =	swait.ge [sflag:s31], $0x1F40  }
0xfe: {  	[sflag:s31] =	ssyncset.done $0x0  }
0xff: {  	s7 =	sadd.s32 $0x2B00, s2;
	[sflag:s31] =	ssyncadd.s32 $0xFFFFE0C0  }
0x100: {  	[spmem:s1] =	stream.indirect.scatter.add.f32 [tilespmem:s29], [sflag:$0x2], $0x40, s7, s22, $0xb8;
	[tilespmem:$0x1E640] =	vst v63  }
0x101: {  	_ =	swait.ge [sflag:s31], $0x1F40  }
0x102: {  	[sflag:s31] =	ssyncset.done $0x0  }
0x103: {  	s2 =	sadd.s32 $0x2B80, s2;
	[sflag:s31] =	ssyncadd.s32 $0xFFFFE0C0  }
0x104: {  	[spmem:s1] =	stream.indirect.scatter.add.f32 [tilespmem:s30], [sflag:$0x2], $0x40, s2, s22, $0xb8;
	[tilespmem:$0x1E640] =	vst v63  }
0x105: {  	_ =	swait.ge [sflag:s0], $0x1F40  }
0x106: {  	[sflag:s0] =	ssyncset.done $0x0  }
0x107: {  	[sflag:s0] =	ssyncadd.s32 $0xFFFFE0C0  }
0x108: {  	_ =	swait.ge [sflag:s0], $0x1F40  }
0x109: {  	[sflag:s0] =	ssyncset.done $0x0  }
0x10a: {  	[sflag:s0] =	ssyncadd.s32 $0xFFFFE0C0  }
0x10b: {  	_ =	swait.ge [sflag:s0], $0x1F40  }
0x10c: {  	[sflag:s0] =	ssyncset.done $0x0  }
0x10d: {  	[sflag:s0] =	ssyncadd.s32 $0xFFFFE0C0  }
0x10e: {  	_ =	swait.ge [sflag:s0], $0x1F40  }
0x10f: {  	[sflag:s0] =	ssyncset.done $0x0  }
0x110: {  	[sflag:s0] =	ssyncadd.s32 $0xFFFFE0C0  }
0x111: {  	_ =	swait.ge [sflag:s0], $0x1F40  }
0x112: {  	[sflag:s0] =	ssyncset.done $0x0  }
0x113: {  	[sflag:s0] =	ssyncadd.s32 $0xFFFFE0C0  }
0x114: {  	_ =	swait.ge [sflag:s0], $0x1F40  }
0x115: {  	[sflag:s0] =	ssyncset.done $0x0  }
0x116: {  	[sflag:s0] =	ssyncadd.s32 $0xFFFFE0C0  }
0x117: {  	_ =	swait.ge [sflag:s0], $0x1F40  }
0x118: {  	[sflag:s0] =	ssyncset.done $0x0  }
0x119: {  	[sflag:s0] =	ssyncadd.s32 $0xFFFFE0C0  }
0x11a: {  	_ =	swait.ge [sflag:s0], $0x1F40  }
0x11b: {  	[sflag:s0] =	ssyncset.done $0x0  }
0x11c: {  	s6 =	simm.s32 $0x0;
	[sflag:s0] =	ssyncadd.s32 $0xFFFFE0C0  }
0x11d: {  	[tilespmem:s6], [sflag:$0x3] =	stream.linear.gather [hbm4b:s14+s6], $0x2800, $0x38;
	[tilespmem:$0x1E640] =	vst v63  }
0x11e: {  	_ =	swait.ge [sflag:s20], $0x2800  }
0x11f: {  	[sflag:s20] =	ssyncset.done $0x0  }
0x120: {  	[sflag:s20] =	ssyncadd.s32 $0xFFFFD800  }
0x121: {  	[tilespmem:s21], [sflag:$0x3] =	stream.linear.gather [hbm4b:s15+s6], $0x2800, $0x38;
	[tilespmem:$0x1E640] =	vst v63  }
0x122: {  	_ =	swait.ge [sflag:s20], $0x2800  }
0x123: {  	[sflag:s20] =	ssyncset.done $0x0  }
0x124: {  	s7 =	simm.s32 $0x0;
	[sflag:s20] =	ssyncadd.s32 $0xFFFFD800  }
0x125: {  	[tilespmem:s19], [sflag:$0x1] =	stream.indirect.gather [hbm4b:s13+s22], $0x40, s7, s22, $0xb8;
	[tilespmem:$0x1E640] =	vst v63  }
0x126: {  	s5 =	simm.s32 $0x80  }
0x127: {  	[tilespmem:s23], [sflag:$0x1] =	stream.indirect.gather [hbm4b:s13+s22], $0x40, s5, s22, $0xb8;
	[tilespmem:$0x1E640] =	vst v63  }
0x128: {  	s6 =	simm.s32 $0x100  }
0x129: {  	[tilespmem:s24], [sflag:$0x1] =	stream.indirect.gather [hbm4b:s13+s22], $0x40, s6, s22, $0xb8;
	[tilespmem:$0x1E640] =	vst v63  }
0x12a: {  	s7 =	simm.s32 $0x180  }
0x12b: {  	[tilespmem:s25], [sflag:$0x1] =	stream.indirect.gather [hbm4b:s13+s22], $0x40, s7, s22, $0xb8;
	[tilespmem:$0x1E640] =	vst v63  }
0x12c: {  	s5 =	simm.s32 $0x200  }
0x12d: {  	[tilespmem:s26], [sflag:$0x1] =	stream.indirect.gather [hbm4b:s13+s22], $0x40, s5, s22, $0xb8;
	[tilespmem:$0x1E640] =	vst v63  }
0x12e: {  	s6 =	simm.s32 $0x280  }
0x12f: {  	[tilespmem:s28], [sflag:$0x1] =	stream.indirect.gather [hbm4b:s13+s22], $0x40, s6, s22, $0xb8;
	[tilespmem:$0x1E640] =	vst v63  }
0x130: {  	s7 =	simm.s32 $0x300  }
0x131: {  	[tilespmem:s29], [sflag:$0x1] =	stream.indirect.gather [hbm4b:s13+s22], $0x40, s7, s22, $0xb8;
	[tilespmem:$0x1E640] =	vst v63  }
0x132: {  	s5 =	simm.s32 $0x380  }
0x133: {  	[tilespmem:s30], [sflag:$0x1] =	stream.indirect.gather [hbm4b:s13+s22], $0x40, s5, s22, $0xb8;
	[tilespmem:$0x1E640] =	vst v63  }
0x134: {  	_ =	swait.ge [sflag:s31], $0x1F40  }
0x135: {  	[sflag:s31] =	ssyncset.done $0x0  }
0x136: {  	s6 =	simm.s32 $0x2800;
	[sflag:s31] =	ssyncadd.s32 $0xFFFFE0C0  }
0x137: {  	[spmem:s1] =	stream.indirect.scatter.add.f32 [tilespmem:s19], [sflag:$0x2], $0x40, s6, s22, $0xb8;
	[tilespmem:$0x1E640] =	vst v63  }
0x138: {  	_ =	swait.ge [sflag:s31], $0x1F40  }
0x139: {  	[sflag:s31] =	ssyncset.done $0x0  }
0x13a: {  	s7 =	simm.s32 $0x2880;
	[sflag:s31] =	ssyncadd.s32 $0xFFFFE0C0  }
0x13b: {  	[spmem:s1] =	stream.indirect.scatter.add.f32 [tilespmem:s23], [sflag:$0x2], $0x40, s7, s22, $0xb8;
	[tilespmem:$0x1E640] =	vst v63  }
0x13c: {  	_ =	swait.ge [sflag:s31], $0x1F40  }
0x13d: {  	[sflag:s31] =	ssyncset.done $0x0  }
0x13e: {  	s5 =	simm.s32 $0x2900;
	[sflag:s31] =	ssyncadd.s32 $0xFFFFE0C0  }
0x13f: {  	[spmem:s1] =	stream.indirect.scatter.add.f32 [tilespmem:s24], [sflag:$0x2], $0x40, s5, s22, $0xb8;
	[tilespmem:$0x1E640] =	vst v63  }
0x140: {  	_ =	swait.ge [sflag:s31], $0x1F40  }
0x141: {  	[sflag:s31] =	ssyncset.done $0x0  }
0x142: {  	s6 =	simm.s32 $0x2980;
	[sflag:s31] =	ssyncadd.s32 $0xFFFFE0C0  }
0x143: {  	[spmem:s1] =	stream.indirect.scatter.add.f32 [tilespmem:s25], [sflag:$0x2], $0x40, s6, s22, $0xb8;
	[tilespmem:$0x1E640] =	vst v63  }
0x144: {  	_ =	swait.ge [sflag:s31], $0x1F40  }
0x145: {  	[sflag:s31] =	ssyncset.done $0x0  }
0x146: {  	s7 =	simm.s32 $0x2A00;
	[sflag:s31] =	ssyncadd.s32 $0xFFFFE0C0  }
0x147: {  	[spmem:s1] =	stream.indirect.scatter.add.f32 [tilespmem:s26], [sflag:$0x2], $0x40, s7, s22, $0xb8;
	[tilespmem:$0x1E640] =	vst v63  }
0x148: {  	_ =	swait.ge [sflag:s31], $0x1F40  }
0x149: {  	[sflag:s31] =	ssyncset.done $0x0  }
0x14a: {  	s5 =	simm.s32 $0x2A80;
	[sflag:s31] =	ssyncadd.s32 $0xFFFFE0C0  }
0x14b: {  	[spmem:s1] =	stream.indirect.scatter.add.f32 [tilespmem:s28], [sflag:$0x2], $0x40, s5, s22, $0xb8;
	[tilespmem:$0x1E640] =	vst v63  }
0x14c: {  	_ =	swait.ge [sflag:s31], $0x1F40  }
0x14d: {  	[sflag:s31] =	ssyncset.done $0x0  }
0x14e: {  	s6 =	simm.s32 $0x2B00;
	[sflag:s31] =	ssyncadd.s32 $0xFFFFE0C0  }
0x14f: {  	[spmem:s1] =	stream.indirect.scatter.add.f32 [tilespmem:s29], [sflag:$0x2], $0x40, s6, s22, $0xb8;
	[tilespmem:$0x1E640] =	vst v63  }
0x150: {  	_ =	swait.ge [sflag:s31], $0x1F40  }
0x151: {  	[sflag:s31] =	ssyncset.done $0x0  }
0x152: {  	s7 =	simm.s32 $0x2B80;
	[sflag:s31] =	ssyncadd.s32 $0xFFFFE0C0  }
0x153: {  	[spmem:s1] =	stream.indirect.scatter.add.f32 [tilespmem:s30], [sflag:$0x2], $0x40, s7, s22, $0xb8;
	[tilespmem:$0x1E640] =	vst v63  }
0x154: {  	_ =	swait.ge [sflag:s0], $0x1F40  }
0x155: {  	[sflag:s0] =	ssyncset.done $0x0  }
0x156: {  	[sflag:s0] =	ssyncadd.s32 $0xFFFFE0C0  }
0x157: {  	_ =	swait.ge [sflag:s0], $0x1F40  }
0x158: {  	[sflag:s0] =	ssyncset.done $0x0  }
0x159: {  	[sflag:s0] =	ssyncadd.s32 $0xFFFFE0C0  }
0x15a: {  	_ =	swait.ge [sflag:s0], $0x1F40  }
0x15b: {  	[sflag:s0] =	ssyncset.done $0x0  }
0x15c: {  	[sflag:s0] =	ssyncadd.s32 $0xFFFFE0C0  }
0x15d: {  	_ =	swait.ge [sflag:s0], $0x1F40  }
0x15e: {  	[sflag:s0] =	ssyncset.done $0x0  }
0x15f: {  	[sflag:s0] =	ssyncadd.s32 $0xFFFFE0C0  }
0x160: {  	_ =	swait.ge [sflag:s0], $0x1F40  }
0x161: {  	[sflag:s0] =	ssyncset.done $0x0  }
0x162: {  	[sflag:s0] =	ssyncadd.s32 $0xFFFFE0C0  }
0x163: {  	_ =	swait.ge [sflag:s0], $0x1F40  }
0x164: {  	[sflag:s0] =	ssyncset.done $0x0  }
0x165: {  	[sflag:s0] =	ssyncadd.s32 $0xFFFFE0C0  }
0x166: {  	_ =	swait.ge [sflag:s0], $0x1F40  }
0x167: {  	[sflag:s0] =	ssyncset.done $0x0  }
0x168: {  	[sflag:s0] =	ssyncadd.s32 $0xFFFFE0C0  }
0x169: {  	_ =	swait.ge [sflag:s0], $0x1F40  }
0x16a: {  	s2 =	simm.s32 $0x1000;
	s7 =	simm.s32 $0x2000;
	[sflag:s0] =	ssyncset.done $0x0  }
.LBB2_6:
0x16b: {  	s6 =	sshra.s32 s2, $0x2  }
0x16c: {  	[sflag:s0] =	ssyncadd.s32 $0xFFFFE0C0;
	s2 =	smov.u32 s7;
	s5 =	sadd.s32 $0x1000, s7  }
0x16d: {  	[tilespmem:s19], [sflag:$0x1] =	stream.indirect.gather [hbm4b:s13+s22], $0x40, s6, s22, $0xb8;
	[tilespmem:$0x1E640] =	vst v63  }
0x16e: {  	p1 =	sne.s32 s7, $0x9000;
	s7 =	sadd.s32 $0x80, s6  }
0x16f: {  	[tilespmem:s23], [sflag:$0x1] =	stream.indirect.gather [hbm4b:s13+s22], $0x40, s7, s22, $0xb8;
	[tilespmem:$0x1E640] =	vst v63  }
0x170: {  	s7 =	sadd.s32 $0x100, s6  }
0x171: {  	[tilespmem:s24], [sflag:$0x1] =	stream.indirect.gather [hbm4b:s13+s22], $0x40, s7, s22, $0xb8;
	[tilespmem:$0x1E640] =	vst v63  }
0x172: {  	s7 =	sadd.s32 $0x180, s6  }
0x173: {  	[tilespmem:s25], [sflag:$0x1] =	stream.indirect.gather [hbm4b:s13+s22], $0x40, s7, s22, $0xb8;
	[tilespmem:$0x1E640] =	vst v63  }
0x174: {  	s7 =	sadd.s32 $0x200, s6  }
0x175: {  	[tilespmem:s26], [sflag:$0x1] =	stream.indirect.gather [hbm4b:s13+s22], $0x40, s7, s22, $0xb8;
	[tilespmem:$0x1E640] =	vst v63  }
0x176: {  	s7 =	sadd.s32 $0x280, s6  }
0x177: {  	[tilespmem:s28], [sflag:$0x1] =	stream.indirect.gather [hbm4b:s13+s22], $0x40, s7, s22, $0xb8;
	[tilespmem:$0x1E640] =	vst v63  }
0x178: {  	s7 =	sadd.s32 $0x300, s6  }
0x179: {  	[tilespmem:s29], [sflag:$0x1] =	stream.indirect.gather [hbm4b:s13+s22], $0x40, s7, s22, $0xb8;
	[tilespmem:$0x1E640] =	vst v63  }
0x17a: {  	s7 =	sadd.s32 $0x380, s6  }
0x17b: {  	[tilespmem:s30], [sflag:$0x1] =	stream.indirect.gather [hbm4b:s13+s22], $0x40, s7, s22, $0xb8;
	[tilespmem:$0x1E640] =	vst v63  }
0x17c: {  	_ =	swait.ge [sflag:s31], $0x1F40  }
0x17d: {  	[sflag:s31] =	ssyncset.done $0x0  }
0x17e: {  	s7 =	sadd.s32 $0x2800, s6;
	[sflag:s31] =	ssyncadd.s32 $0xFFFFE0C0  }
0x17f: {  	[spmem:s1] =	stream.indirect.scatter.add.f32 [tilespmem:s19], [sflag:$0x2], $0x40, s7, s22, $0xb8;
	[tilespmem:$0x1E640] =	vst v63  }
0x180: {  	_ =	swait.ge [sflag:s31], $0x1F40  }
0x181: {  	[sflag:s31] =	ssyncset.done $0x0  }
0x182: {  	s7 =	sadd.s32 $0x2880, s6;
	[sflag:s31] =	ssyncadd.s32 $0xFFFFE0C0  }
0x183: {  	[spmem:s1] =	stream.indirect.scatter.add.f32 [tilespmem:s23], [sflag:$0x2], $0x40, s7, s22, $0xb8;
	[tilespmem:$0x1E640] =	vst v63  }
0x184: {  	_ =	swait.ge [sflag:s31], $0x1F40  }
0x185: {  	[sflag:s31] =	ssyncset.done $0x0  }
0x186: {  	s7 =	sadd.s32 $0x2900, s6;
	[sflag:s31] =	ssyncadd.s32 $0xFFFFE0C0  }
0x187: {  	[spmem:s1] =	stream.indirect.scatter.add.f32 [tilespmem:s24], [sflag:$0x2], $0x40, s7, s22, $0xb8;
	[tilespmem:$0x1E640] =	vst v63  }
0x188: {  	_ =	swait.ge [sflag:s31], $0x1F40  }
0x189: {  	[sflag:s31] =	ssyncset.done $0x0  }
0x18a: {  	s7 =	sadd.s32 $0x2980, s6;
	[sflag:s31] =	ssyncadd.s32 $0xFFFFE0C0  }
0x18b: {  	[spmem:s1] =	stream.indirect.scatter.add.f32 [tilespmem:s25], [sflag:$0x2], $0x40, s7, s22, $0xb8;
	[tilespmem:$0x1E640] =	vst v63  }
0x18c: {  	_ =	swait.ge [sflag:s31], $0x1F40  }
0x18d: {  	[sflag:s31] =	ssyncset.done $0x0  }
0x18e: {  	s7 =	sadd.s32 $0x2A00, s6;
	[sflag:s31] =	ssyncadd.s32 $0xFFFFE0C0  }
0x18f: {  	[spmem:s1] =	stream.indirect.scatter.add.f32 [tilespmem:s26], [sflag:$0x2], $0x40, s7, s22, $0xb8;
	[tilespmem:$0x1E640] =	vst v63  }
0x190: {  	_ =	swait.ge [sflag:s31], $0x1F40  }
0x191: {  	[sflag:s31] =	ssyncset.done $0x0  }
0x192: {  	s7 =	sadd.s32 $0x2A80, s6;
	[sflag:s31] =	ssyncadd.s32 $0xFFFFE0C0  }
0x193: {  	[spmem:s1] =	stream.indirect.scatter.add.f32 [tilespmem:s28], [sflag:$0x2], $0x40, s7, s22, $0xb8;
	[tilespmem:$0x1E640] =	vst v63  }
0x194: {  	_ =	swait.ge [sflag:s31], $0x1F40  }
0x195: {  	[sflag:s31] =	ssyncset.done $0x0  }
0x196: {  	s7 =	sadd.s32 $0x2B00, s6;
	[sflag:s31] =	ssyncadd.s32 $0xFFFFE0C0  }
0x197: {  	[spmem:s1] =	stream.indirect.scatter.add.f32 [tilespmem:s29], [sflag:$0x2], $0x40, s7, s22, $0xb8;
	[tilespmem:$0x1E640] =	vst v63  }
0x198: {  	_ =	swait.ge [sflag:s31], $0x1F40  }
0x199: {  	[sflag:s31] =	ssyncset.done $0x0  }
0x19a: {  	s6 =	sadd.s32 $0x2B80, s6;
	[sflag:s31] =	ssyncadd.s32 $0xFFFFE0C0  }
0x19b: {  	[spmem:s1] =	stream.indirect.scatter.add.f32 [tilespmem:s30], [sflag:$0x2], $0x40, s6, s22, $0xb8;
	[tilespmem:$0x1E640] =	vst v63  }
0x19c: {  	_ =	swait.ge [sflag:s0], $0x1F40  }
0x19d: {  	[sflag:s0] =	ssyncset.done $0x0  }
0x19e: {  	[sflag:s0] =	ssyncadd.s32 $0xFFFFE0C0  }
0x19f: {  	_ =	swait.ge [sflag:s0], $0x1F40  }
0x1a0: {  	[sflag:s0] =	ssyncset.done $0x0  }
0x1a1: {  	[sflag:s0] =	ssyncadd.s32 $0xFFFFE0C0  }
0x1a2: {  	_ =	swait.ge [sflag:s0], $0x1F40  }
0x1a3: {  	[sflag:s0] =	ssyncset.done $0x0  }
0x1a4: {  	[sflag:s0] =	ssyncadd.s32 $0xFFFFE0C0  }
0x1a5: {  	_ =	swait.ge [sflag:s0], $0x1F40  }
0x1a6: {  	[sflag:s0] =	ssyncset.done $0x0  }
0x1a7: {  	[sflag:s0] =	ssyncadd.s32 $0xFFFFE0C0  }
0x1a8: {  	_ =	swait.ge [sflag:s0], $0x1F40  }
0x1a9: {  	[sflag:s0] =	ssyncset.done $0x0  }
0x1aa: {  	[sflag:s0] =	ssyncadd.s32 $0xFFFFE0C0  }
0x1ab: {  	_ =	swait.ge [sflag:s0], $0x1F40  }
0x1ac: {  	[sflag:s0] =	ssyncset.done $0x0  }
0x1ad: {  	[sflag:s0] =	ssyncadd.s32 $0xFFFFE0C0  }
.Ltmp2:
0x1ae: {  	_ =	swait.ge [sflag:s0], $0x1F40;
	(pc) =	sbr.rel @p1 .LBB2_6-.Ltmp2, $4  }
0x1af: {  	[sflag:s0] =	ssyncset.done $0x0  }
0x1b0: {  	[sflag:s0] =	ssyncadd.s32 $0xFFFFE0C0  }
0x1b1: {  	_ =	swait.ge [sflag:s0], $0x1F40  }
0x1b2: {  	s7 =	smov.u32 s5;
	[sflag:s0] =	ssyncset.done $0x0  }
0x1b3: {  	s2 =	sshra.s32 s2, $0x2;
	[sflag:s0] =	ssyncadd.s32 $0xFFFFE0C0  }
0x1b4: {  	[tilespmem:s19], [sflag:$0x1] =	stream.indirect.gather [hbm4b:s13+s22], $0x40, s2, s22, $0xb8;
	[tilespmem:$0x1E640] =	vst v63  }
0x1b5: {  	s5 =	sadd.s32 $0x80, s2  }
0x1b6: {  	[tilespmem:s23], [sflag:$0x1] =	stream.indirect.gather [hbm4b:s13+s22], $0x40, s5, s22, $0xb8;
	[tilespmem:$0x1E640] =	vst v63  }
0x1b7: {  	s7 =	sadd.s32 $0x100, s2  }
0x1b8: {  	[tilespmem:s24], [sflag:$0x1] =	stream.indirect.gather [hbm4b:s13+s22], $0x40, s7, s22, $0xb8;
	[tilespmem:$0x1E640] =	vst v63  }
0x1b9: {  	s6 =	sadd.s32 $0x180, s2  }
0x1ba: {  	[tilespmem:s25], [sflag:$0x1] =	stream.indirect.gather [hbm4b:s13+s22], $0x40, s6, s22, $0xb8;
	[tilespmem:$0x1E640] =	vst v63  }
0x1bb: {  	s7 =	sadd.s32 $0x200, s2  }
0x1bc: {  	[tilespmem:s26], [sflag:$0x1] =	stream.indirect.gather [hbm4b:s13+s22], $0x40, s7, s22, $0xb8;
	[tilespmem:$0x1E640] =	vst v63  }
0x1bd: {  	s6 =	sadd.s32 $0x280, s2  }
0x1be: {  	[tilespmem:s28], [sflag:$0x1] =	stream.indirect.gather [hbm4b:s13+s22], $0x40, s6, s22, $0xb8;
	[tilespmem:$0x1E640] =	vst v63  }
0x1bf: {  	s7 =	sadd.s32 $0x300, s2  }
0x1c0: {  	[tilespmem:s29], [sflag:$0x1] =	stream.indirect.gather [hbm4b:s13+s22], $0x40, s7, s22, $0xb8;
	[tilespmem:$0x1E640] =	vst v63  }
0x1c1: {  	s6 =	sadd.s32 $0x380, s2  }
0x1c2: {  	[tilespmem:s30], [sflag:$0x1] =	stream.indirect.gather [hbm4b:s13+s22], $0x40, s6, s22, $0xb8;
	[tilespmem:$0x1E640] =	vst v63  }
0x1c3: {  	_ =	swait.ge [sflag:s31], $0x1F40  }
0x1c4: {  	[sflag:s31] =	ssyncset.done $0x0  }
0x1c5: {  	s7 =	sadd.s32 $0x2800, s2;
	[sflag:s31] =	ssyncadd.s32 $0xFFFFE0C0  }
0x1c6: {  	[spmem:s1] =	stream.indirect.scatter.add.f32 [tilespmem:s19], [sflag:$0x2], $0x40, s7, s22, $0xb8;
	[tilespmem:$0x1E640] =	vst v63  }
0x1c7: {  	_ =	swait.ge [sflag:s31], $0x1F40  }
0x1c8: {  	[sflag:s31] =	ssyncset.done $0x0  }
0x1c9: {  	s6 =	sadd.s32 $0x2880, s2;
	[sflag:s31] =	ssyncadd.s32 $0xFFFFE0C0  }
0x1ca: {  	[spmem:s1] =	stream.indirect.scatter.add.f32 [tilespmem:s23], [sflag:$0x2], $0x40, s6, s22, $0xb8;
	[tilespmem:$0x1E640] =	vst v63  }
0x1cb: {  	_ =	swait.ge [sflag:s31], $0x1F40  }
0x1cc: {  	[sflag:s31] =	ssyncset.done $0x0  }
0x1cd: {  	s7 =	sadd.s32 $0x2900, s2;
	[sflag:s31] =	ssyncadd.s32 $0xFFFFE0C0  }
0x1ce: {  	[spmem:s1] =	stream.indirect.scatter.add.f32 [tilespmem:s24], [sflag:$0x2], $0x40, s7, s22, $0xb8;
	[tilespmem:$0x1E640] =	vst v63  }
0x1cf: {  	_ =	swait.ge [sflag:s31], $0x1F40  }
0x1d0: {  	[sflag:s31] =	ssyncset.done $0x0  }
0x1d1: {  	s6 =	sadd.s32 $0x2980, s2;
	[sflag:s31] =	ssyncadd.s32 $0xFFFFE0C0  }
0x1d2: {  	[spmem:s1] =	stream.indirect.scatter.add.f32 [tilespmem:s25], [sflag:$0x2], $0x40, s6, s22, $0xb8;
	[tilespmem:$0x1E640] =	vst v63  }
0x1d3: {  	_ =	swait.ge [sflag:s31], $0x1F40  }
0x1d4: {  	[sflag:s31] =	ssyncset.done $0x0  }
0x1d5: {  	s7 =	sadd.s32 $0x2A00, s2;
	[sflag:s31] =	ssyncadd.s32 $0xFFFFE0C0  }
0x1d6: {  	[spmem:s1] =	stream.indirect.scatter.add.f32 [tilespmem:s26], [sflag:$0x2], $0x40, s7, s22, $0xb8;
	[tilespmem:$0x1E640] =	vst v63  }
0x1d7: {  	_ =	swait.ge [sflag:s31], $0x1F40  }
0x1d8: {  	[sflag:s31] =	ssyncset.done $0x0  }
0x1d9: {  	s6 =	sadd.s32 $0x2A80, s2;
	[sflag:s31] =	ssyncadd.s32 $0xFFFFE0C0  }
0x1da: {  	[spmem:s1] =	stream.indirect.scatter.add.f32 [tilespmem:s28], [sflag:$0x2], $0x40, s6, s22, $0xb8;
	[tilespmem:$0x1E640] =	vst v63  }
0x1db: {  	_ =	swait.ge [sflag:s31], $0x1F40  }
0x1dc: {  	[sflag:s31] =	ssyncset.done $0x0  }
0x1dd: {  	s7 =	sadd.s32 $0x2B00, s2;
	[sflag:s31] =	ssyncadd.s32 $0xFFFFE0C0  }
0x1de: {  	[spmem:s1] =	stream.indirect.scatter.add.f32 [tilespmem:s29], [sflag:$0x2], $0x40, s7, s22, $0xb8;
	[tilespmem:$0x1E640] =	vst v63  }
0x1df: {  	_ =	swait.ge [sflag:s31], $0x1F40  }
0x1e0: {  	[sflag:s31] =	ssyncset.done $0x0  }
0x1e1: {  	s2 =	sadd.s32 $0x2B80, s2;
	[sflag:s31] =	ssyncadd.s32 $0xFFFFE0C0  }
0x1e2: {  	[spmem:s1] =	stream.indirect.scatter.add.f32 [tilespmem:s30], [sflag:$0x2], $0x40, s2, s22, $0xb8;
	[tilespmem:$0x1E640] =	vst v63  }
0x1e3: {  	_ =	swait.ge [sflag:s0], $0x1F40  }
0x1e4: {  	[sflag:s0] =	ssyncset.done $0x0  }
0x1e5: {  	[sflag:s0] =	ssyncadd.s32 $0xFFFFE0C0  }
0x1e6: {  	_ =	swait.ge [sflag:s0], $0x1F40  }
0x1e7: {  	[sflag:s0] =	ssyncset.done $0x0  }
0x1e8: {  	[sflag:s0] =	ssyncadd.s32 $0xFFFFE0C0  }
0x1e9: {  	_ =	swait.ge [sflag:s0], $0x1F40  }
0x1ea: {  	[sflag:s0] =	ssyncset.done $0x0  }
0x1eb: {  	[sflag:s0] =	ssyncadd.s32 $0xFFFFE0C0  }
0x1ec: {  	_ =	swait.ge [sflag:s0], $0x1F40  }
0x1ed: {  	[sflag:s0] =	ssyncset.done $0x0  }
0x1ee: {  	[sflag:s0] =	ssyncadd.s32 $0xFFFFE0C0  }
0x1ef: {  	_ =	swait.ge [sflag:s0], $0x1F40  }
0x1f0: {  	[sflag:s0] =	ssyncset.done $0x0  }
0x1f1: {  	[sflag:s0] =	ssyncadd.s32 $0xFFFFE0C0  }
0x1f2: {  	_ =	swait.ge [sflag:s0], $0x1F40  }
0x1f3: {  	[sflag:s0] =	ssyncset.done $0x0  }
0x1f4: {  	[sflag:s0] =	ssyncadd.s32 $0xFFFFE0C0  }
0x1f5: {  	_ =	swait.ge [sflag:s0], $0x1F40  }
0x1f6: {  	[sflag:s0] =	ssyncset.done $0x0  }
0x1f7: {  	[sflag:s0] =	ssyncadd.s32 $0xFFFFE0C0  }
0x1f8: {  	_ =	swait.ge [sflag:s0], $0x1F40  }
0x1f9: {  	s6 =	stileid.u32;
	[sflag:s0] =	ssyncset.done $0x0  }
0x1fa: {  	s2 =	sshll.u32 s6, $0x6;
	[sflag:s0] =	ssyncadd.s32 $0xFFFFE0C0  }
0x1fb: {  	s7 =	sshrl.u32 s4, $0x3;
	s2 =	sor.u32 $0x1C03, s2;
	[bflag:$0x0] =	sbarrier.arrive $0xFFFF  }
0x1fc: {  	[hbm:s16], [sflag:s2] =	dma.local [spmem:s7], $0x1380  }
0x1fd: {  	_ =	swait.ge [sflag:s20], $0x1380  }
0x1fe: {  	s3 =	sadd.s32 $0x1, s3;
	[sflag:s20] =	ssyncset.done $0x0  }
0x1ff: {  	p1 =	sne.s32 s3, s18;
	s5 =	sshrl.u32 @!p0 s10, $0x3;
	[sflag:s20] =	ssyncadd.s32 $0xFFFFEC80  }
0x200: {  	[hbm:s17], [sflag:s2] =	dma.local @!p0 [spmem:s5], $0x80  }
.Ltmp3:
0x201: {  	_ = 	snop;
	(pc) =	sbr.rel @p1 .LBB2_1-.Ltmp3, $4  }
0x202: {  	s2 =	simm.s32 @!p0 $0x3  }
0x203: {  	_ =	swait.ge @!p0 [sflag:s2], $0x80  }
0x204: {  	[sflag:s2] =	ssyncset.done @!p0 $0x0  }
0x205: {  	[sflag:s2] =	ssyncadd.s32 @!p0 $0xFFFFFF80  }
0x206: {  	_ =	sfence.sel $0x180000  }
0x207: {  	[bflag:$0x0] =	sbarrier.arrive $0xFFFF  }
0x208: {  	_ =	strace $0x9000004A  }
0x209: {  	s0 =	stileid.u32;
	[bflag:$0x2] =	sbarrier.arrive $0xFFFF  }
0x20a: {  	p0 =	sne.s32 s0, $0x0;
	s0 =	rddreg [dreg:$0x3]  }
0x20b: {  	s0 =	sadd.s32 @!p0 $0x100000, s0  }
0x20c: {  	[sflag:s0] =	ssyncadd.tile.s32 @!p0 $0x1;
	_ =	shalt  }
.Lfunc_end2:
_tile_overlayer_lowered:
.L_overlay_start_2:
0x20d: {  	(tag) =	ssettag $0x2  }
0x20e: {  	s0 =	rddreg [dreg:$0x0];
	s2 =	stileid.u32  }
0x20f: {  	s1 =	rddreg [dreg:$0x1];
	p0 =	sne.s32 s2, $0x0  }
0x210: {  	s3 =	rddreg [dreg:$0x2];
	[bflag:$0x3] =	sbarrier.arrive $0xFFFF;
	s2 =	simm.s32 @!p0 $0x1C03  }
0x211: {  	[timem:s3], [sflag:s2] =	dma.local @!p0 [hbm:s0], s1  }
0x212: {  	s0 =	simm.s32 @!p0 $0x3  }
0x213: {  	_ =	swait.ge @!p0 [sflag:s0], s1  }
0x214: {  	s1 =	ssub.s32 @!p0 $0x0, s1;
	[sflag:s0] =	ssyncset.done @!p0 $0x0  }
0x215: {  	[sflag:s0] =	ssyncadd.s32 @!p0 s1  }
0x216: {  	[bflag:$0x3] =	sbarrier.arrive $0xFFFF  }
0x217: {  	_ =	shalt  }

// kernel: kernel.14.cloned.1.call-start
scs
__scs_entry_jumppad:
0x0: {  	(pc) =	sbr.rel $0x88, $3  }
0x1: {  	(tag) =	ssettag $0x0;
	lr =	simm.s32 $0x1  }
0x2: {  	[smem:$0x3F9B] =	sst lr;
	_ =	strace $0xD0000000  }
0x3: {  	_ = 	snop  }
0x4: {  	_ = 	snop  }
0x5: {  	_ = 	snop  }
0x6: {  	_ = 	snop  }
0x7: {  	_ = 	snop  }
__scs_overlays_trampoline_lowered:
0x8: {  	[smem:$0x3FAA] =	sst s0  }
0x9: {  	[smem:$0x3FAB] =	sst s1  }
0xa: {  	[smem:$0x3FAC] =	sst s2  }
0xb: {  	[smem:$0x3FAD] =	sst s3  }
0xc: {  	[smem:$0x3FAE] =	sst s4  }
0xd: {  	[smem:$0x3FAF] =	sst s5  }
0xe: {  	[smem:$0x3FB0] =	sst s6  }
0xf: {  	[smem:$0x3FB1] =	sst s7  }
0x10: {  	[smem:$0x3FB2] =	sst s8  }
0x11: {  	[smem:$0x3FB3] =	sst s9;
	s0 =	simm.s32 @!p0 $0x0  }
0x12: {  	s1 =	sld [smem:$0x3F99];
	s0 =	simm.s32 @p0 $0x1  }
0x13: {  	[smem:$0x3FB4] =	sst s0;
	s0 =	simm.s32 @!p1 $0x0  }
0x14: {  	s2 =	sld [smem:$0x3F98];
	s0 =	simm.s32 @p1 $0x1  }
0x15: {  	[smem:$0x3FB5] =	sst s0;
	s0 =	simm.s32 @!p2 $0x0  }
0x16: {  	s3 =	sld [smem:$0x3FDB];
	s0 =	simm.s32 @p2 $0x1  }
0x17: {  	s4 =	simm.s32 $0x1BF5;
	[smem:$0x3FB7] =	sst s0  }
0x18: {  	s0 =	sld [smem:$0x3F9A];
	_ =	swait.ge [sflag:s4], $0x0  }
0x19: {  	s7 =	sld [smem:$0x3F9B]  }
0x1a: {  	s8 =	sadd.s32 $0xFFFFE003, lr  }
0x1b: {  	s9 =	sadd.s32 $0xFFFFFEF7, lr;
	s5 =	simm.s32 $0xFFFFFFFF;
	p2 =	slt.u32 s8, $0xFFFFF086  }
0x1c: {  	p1 =	slt.u32 s9, $0xF7A;
	s5 =	simm.s32 @!p2 $0x0  }
0x1d: {  	s5 =	simm.s32 @p1 $0x1;
	p0 =	seq.s32 s7, s2  }
0x1e: {  	s7 =	smul.u32 @!p0 $0xF7A, s2;
	p2 =	seq.s32 @!p0 s5, $0x0  }
0x1f: {  	s9 =	smul.u32 $0xF7A, s1;
	s8 =	simm.s32 @!p0 $0x1BF5;
	p2 =	por !p2, p0  }
0x20: {  	[sflag:s8] =	ssyncset.s32 @!p0 $0xFFFFF086;
	s6 =	sadd.s32 @!p0 s3, s7;
	s7 =	simm.s32 @!p0 $0x108  }
0x21: {  	s3 =	sadd.s32 s3, s9;
	s6 =	sadd.s32 @!p0 $0x88, s6;
	s7 =	simm.s32 @p2 $0x1082  }
0x22: {  	[simem:s7], [sflag:s8] =	dma.local @!p0 [hbm:s6], $0xF7A  }
0x23: {  	s9 =	sor.u32 $0xD0000000, s2;
	s6 =	simm.s32 $0x108;
	_ =	swait.ge @!p0 [sflag:s8], $0x0  }
0x24: {  	s3 =	sadd.s32 $0x88, s3;
	s6 =	simm.s32 @!p1 $0x1082;
	[sflag:s4] =	ssyncset.s32 $0xFFFFF086  }
0x25: {  	[simem:s6], [sflag:s4] =	dma.local [hbm:s3], $0xF7A  }
0x26: {  	[smem:$0x3F9B] =	sst s1;
	(tag) =	ssettag s2;
	_ =	strace s9  }
0x27: {  	s1 =	sld [smem:$0x3FAB]  }
0x28: {  	s2 =	sld [smem:$0x3FAC]  }
0x29: {  	s4 =	sld [smem:$0x3FAE]  }
0x2a: {  	p0 =	seq.s32 s5, $0x0;
	s5 =	sld [smem:$0x3FAF]  }
0x2b: {  	s6 =	sld [smem:$0x3FB0]  }
0x2c: {  	s7 =	sld [smem:$0x3FB1]  }
0x2d: {  	s3 =	simm.s32 $0x108;
	s8 =	sld [smem:$0x3FB2]  }
0x2e: {  	s3 =	simm.s32 @!p0 $0x1082;
	s9 =	sld [smem:$0x3FB3]  }
0x2f: {  	lr =	sadd.s32 s0, s3;
	s0 =	sld [smem:$0x3FAA]  }
0x30: {  	s3 =	sld [smem:$0x3FAD]  }
0x31: {  	[smem:$0x3FB6] =	sst s10  }
0x32: {  	s10 =	sld [smem:$0x3FB4];
	_ =	sdelay $0x3  }
0x33: {  	p0 =	seq.s32 s10, $0x1;
	s10 =	sld [smem:$0x3FB6];
	_ =	sdelay $0x3  }
0x34: {  	[smem:$0x3FB6] =	sst s10  }
0x35: {  	s10 =	sld [smem:$0x3FB5];
	_ =	sdelay $0x3  }
0x36: {  	p1 =	seq.s32 s10, $0x1;
	s10 =	sld [smem:$0x3FB6];
	_ =	sdelay $0x3  }
0x37: {  	[smem:$0x3FB6] =	sst s10  }
0x38: {  	s10 =	sld [smem:$0x3FB7]  }
0x39: {  	_ = 	snop;
	(pc) =	sbr.ind lr, $3  }
0x3a: {  	_ = 	snop  }
0x3b: {  	_ = 	snop  }
0x3c: {  	p2 =	seq.s32 s10, $0x1;
	s10 =	sld [smem:$0x3FB6]  }
0x3d: {  	_ =	shalt  }
0x3e: {  	_ =	shalt  }
0x3f: {  	_ =	shalt  }
0x40: {  	_ =	shalt  }
0x41: {  	_ =	shalt  }
0x42: {  	_ =	shalt  }
0x43: {  	_ =	shalt  }
0x44: {  	_ =	shalt  }
0x45: {  	_ =	shalt  }
0x46: {  	_ =	shalt  }
0x47: {  	_ =	shalt  }
0x48: {  	_ =	shalt  }
0x49: {  	_ =	shalt  }
0x4a: {  	_ =	shalt  }
0x4b: {  	_ =	shalt  }
0x4c: {  	_ =	shalt  }
0x4d: {  	_ =	shalt  }
0x4e: {  	_ =	shalt  }
0x4f: {  	_ =	shalt  }
0x50: {  	_ =	shalt  }
0x51: {  	_ =	shalt  }
0x52: {  	_ =	shalt  }
0x53: {  	_ =	shalt  }
0x54: {  	_ =	shalt  }
0x55: {  	_ =	shalt  }
0x56: {  	_ =	shalt  }
0x57: {  	_ =	shalt  }
0x58: {  	_ =	shalt  }
0x59: {  	_ =	shalt  }
0x5a: {  	_ =	shalt  }
0x5b: {  	_ =	shalt  }
0x5c: {  	_ =	shalt  }
0x5d: {  	_ =	shalt  }
0x5e: {  	_ =	shalt  }
0x5f: {  	_ =	shalt  }
0x60: {  	_ =	shalt  }
0x61: {  	_ =	shalt  }
0x62: {  	_ =	shalt  }
0x63: {  	_ =	shalt  }
0x64: {  	_ =	shalt  }
0x65: {  	_ =	shalt  }
0x66: {  	_ =	shalt  }
0x67: {  	_ =	shalt  }
0x68: {  	_ =	shalt  }
0x69: {  	_ =	shalt  }
0x6a: {  	_ =	shalt  }
0x6b: {  	_ =	shalt  }
0x6c: {  	_ =	shalt  }
0x6d: {  	_ =	shalt  }
0x6e: {  	_ =	shalt  }
0x6f: {  	_ =	shalt  }
0x70: {  	_ =	shalt  }
0x71: {  	_ =	shalt  }
0x72: {  	_ =	shalt  }
0x73: {  	_ =	shalt  }
0x74: {  	_ =	shalt  }
0x75: {  	_ =	shalt  }
0x76: {  	_ =	shalt  }
0x77: {  	_ =	shalt  }
0x78: {  	_ =	shalt  }
0x79: {  	_ =	shalt  }
0x7a: {  	_ =	shalt  }
0x7b: {  	_ =	shalt  }
0x7c: {  	_ =	shalt  }
0x7d: {  	_ =	shalt  }
0x7e: {  	_ =	shalt  }
0x7f: {  	_ =	shalt  }
0x80: {  	_ =	shalt  }
0x81: {  	_ =	shalt  }
0x82: {  	_ =	shalt  }
0x83: {  	_ =	shalt  }
0x84: {  	_ =	shalt  }
0x85: {  	_ =	shalt  }
0x86: {  	_ =	shalt  }
0x87: {  	_ =	shalt  }
.Lfunc_end0:
.L_simem_size_0:
called_computation.2_lowered:
.L_overlay_start_0:
0x88: {  	s2 =	sld [smem:$0x3FD9]  }
0x89: {  	s3 =	sld [smem:$0x3FFE];
	_ =	sdelay $0x1  }
0x8a: {  	s1 =	srdreg.scid  }
0x8b: {  	s0 =	sand.u32 $0x1, s1  }
0x8c: {  	s17 =	sshll.u32 s0, $0xA;
	s2 =	sadd.s32 s3, s2  }
0x8d: {  	s2 =	sadd.s32 s2, s17  }
0x8e: {  	[smem:$0x3FC2] =	sst s2  }
0x8f: {  	_ = 	snop  }
0x90: {  	s2 =	sld [smem:$0x3FD0];
	(tm) =	ssettm $0x1  }
0x91: {  	s18 =	sld [smem:$0x3FFB];
	_ =	sdelay $0x3  }
0x92: {  	_ =	strace s18  }
0x93: {  	s3 =	sld [smem:$0x3FFC];
	_ =	sdelay $0x3  }
0x94: {  	_ =	strace s3  }
0x95: {  	s3 =	sld [smem:$0x3FFD];
	_ =	sdelay $0x3  }
0x96: {  	_ =	strace s3  }
0x97: {  	_ =	strace $0x8FFFFFFF  }
0x98: {  	s19 =	sld [smem:$0x3FDB];
	_ =	sdelay $0x1  }
0x99: {  	s4 =	simm.s32 $_scs_section_size  }
0x9a: {  	s5 =	simm.s32 $_size__tile_overlayer_lowered;
	s6 =	simm.s32 $_tile_overlayer_lowered  }
0x9b: {  	s22 =	simm.s32 $0x1BFF;
	s21 =	sshll.u32 s6, $0x1;
	s3 =	sadd.s32 s4, s19  }
0x9c: {  	s7 =	simm.s32 $0x0;
	s20 =	sshll.u32 s5, $0x1;
	s5 =	sadd.s32 s21, s3  }
0x9d: {  	[timem:s7], [sflag:s22] =	dma.local [hbm:s5], s20  }
0x9e: {  	_ =	swait.ge [sflag:s22], s20  }
0x9f: {  	s4 =	ssub.s32 $0x0, s20;
	[sflag:s22] =	ssyncset.done $0x0  }
0xa0: {  	[sflag:s22] =	ssyncadd.s32 s4;
	_ =	sdelay $0x1  }
0xa1: {  	s23 =	simm.s32 $0x1B8B  }
0xa2: {  	_ =	swait.ge [sflag:s23], $0x1  }
0xa3: {  	[sflag:s23] =	ssyncset.done $0x0  }
0xa4: {  	s25 =	simm.s32 $0x1B8E;
	s24 =	sld [smem:$0x3FFE];
	[sflag:s23] =	ssyncadd.s32 $0xFFFFFFFF  }
0xa5: {  	s26 =	simm.s32 $execute0_lowered;
	[smem:$0x3FD2] =	sst s25  }
0xa6: {  	s5 =	sshll.u32 s26, $0x1;
	_ =	strace $0x8000004C;
	[dreg:$0x1] =	wrdreg $0xFFFFFFFF  }
0xa7: {  	s28 =	simm.s32 $_size_execute0_lowered;
	s3 =	sadd.s32 s3, s5;
	[dreg:$0x0] =	wrdreg $0x0  }
0xa8: {  	s5 =	sshll.u32 s28, $0x1;
	[dreg:$0x2] =	wrdreg s3  }
0xa9: {  	[dreg:$0x3] =	wrdreg s5  }
0xaa: {  	[dreg:$0x4] =	wrdreg $0xC0  }
0xab: {  	_ =	task [dreg:s7], $0x5FFFF  }
0xac: {  	[dreg:$0x1] =	wrdreg $0xFFFFFFFF  }
0xad: {  	[dreg:$0x0] =	wrdreg $0x60  }
0xae: {  	[dreg:$0x2] =	wrdreg s2  }
0xaf: {  	[dreg:$0x3] =	wrdreg s24  }
0xb0: {  	[dreg:$0x4] =	wrdreg $0x14A000  }
0xb1: {  	[dreg:$0x5] =	wrdreg $0x9  }
0xb2: {  	_ =	task.clear_ibuf [dreg:s7], $0x6FFFF;
	_ =	strace $0x9000004C  }
0xb3: {  	s29 =	simm.s32 $0x9;
	_ =	strace $0x8000004E  }
0xb4: {  	_ =	swait.ge [sflag:s29], $0x1  }
0xb5: {  	[sflag:s29] =	ssyncadd.s32 $0xFFFFFFFF  }
0xb6: {  	_ =	strace $0x9000004E  }
0xb7: {  	_ =	sfence  }
0xb8: {  	s30 =	sld [smem:$0x0];
	_ =	sdelay $0x2  }
0xb9: {  	s31 =	sshll.u32 s1, $0xD;
	s1 =	sshrl.u32 s1, $0x2  }
0xba: {  	s3 =	sand.u32 $0x4000, s31;
	s1 =	sadd.s32 s1, s30  }
0xbb: {  	s0 =	sor.u32 s3, s0;
	s1 =	sshll.u32 s1, $0x11  }
0xbc: {  	s0 =	sor.u32 s1, s0  }
0xbd: {  	s0 =	sadd.s32 $0x8F2B, s0  }
0xbe: {  	[sflag:s0] =	ssyncadd.remote.s32 $0x1  }
0xbf: {  	_ =	sfence.sel $0xFFFF  }
0xc0: {  	[dreg:$0x0] =	wrdreg $0xFFFFFFFF;
	(pc) =	sbr.abs _section_cstart, $3  }
0xc1: {  	[dreg:$0x1] =	wrdreg $0xFFFFFFFF  }
0xc2: {  	_ =	task.clear_ibuf [dreg:s7], $0x2FFFF;
	_ =	strace $0x9FFFFFFF  }
0xc3: {  	(tm) =	ssettm $0x7FFFFFFF  }
tec
execute0_lowered:
.L_overlay_start_1:
0x0: {  	(tag) =	ssettag $0x1  }
0x1: {  	s0 =	rddreg [dreg:$0x0]  }
0x2: {  	s2 =	rddreg [dreg:$0x1]  }
0x3: {  	s1 =	rddreg [dreg:$0x2];
	s3 =	simm.s32 $0x0  }
0x4: {  	s4 =	srdreg.scid;
	s19 =	stileid.u32;
	s28 =	simm.s32 $0xEC40  }
0x5: {  	s29 =	simm.s32 $0x10B80;
	s30 =	simm.s32 $0x12AC0;
	s18 =	smul.u32 $0x27000, s19  }
0x6: {  	s31 =	simm.s32 $0x1;
	[smem:$0x7FF] =	sst s3;
	s14 =	smul.u32 $0x9C00, s19  }
0x7: {  	s5 =	sand.u32 $0x1, s4;
	s6 =	sadd.s32 $0xC400, s2;
	s12 =	smul.u32 $0xA00, s19  }
0x8: {  	s7 =	sadd.s32 $0x2400, s2;
	s2 =	sadd.s32 $0x64600, s2;
	s15 =	smul.u32 $0x5000, s19  }
0x9: {  	s10 =	sadd.s32 $0x9C000, s1;
	p0 =	sne.s32 s19, $0xF;
	s19 =	simm.s32 $0x5000  }
0xa: {  	_ =	strace $0x8000004D;
	s8 =	ssub.s32 $0x2, s5;
	s13 =	smul.u32 $0x13880, s5  }
0xb: {  	s5 =	smul.u32 $0x9C400, s5;
	s9 =	sshrl.u32 s8, $0x1;
	s4 =	sshrl.u32 s18, $0x2  }
0xc: {  	s11 =	sadd.s32 s6, s12;
	s12 =	sadd.s32 s7, s12;
	s24 =	sshrl.u32 s15, $0x3  }
0xd: {  	s18 =	ssub.s32 s8, s9;
	s20 =	sadd.s32 s4, s1;
	s4 =	sadd.s32 s14, s1  }
0xe: {  	s13 =	sadd.s32 s0, s13;
	s0 =	sadd.s32 $0x500, s24;
	s25 =	sadd.s32 s14, s5  }
0xf: {  	s5 =	sshrl.u32 s5, $0x3;
	s24 =	simm.s32 $0x8E80;
	s21 =	sadd.s32 $0x1A00, s20  }
0x10: {  	s22 =	sadd.s32 $0x3400, s20;
	s23 =	sadd.s32 $0x4E00, s20;
	s8 =	sadd.s32 $0x6800, s20  }
0x11: {  	s9 =	sadd.s32 $0x8200, s20;
	s14 =	sadd.s32 s6, s0;
	s26 =	sshrl.u32 s25, $0x3  }
0x12: {  	s5 =	sadd.s32 s2, s5;
	s15 =	sadd.s32 s7, s0;
	[dreg:$0x4] =	wrdreg s21  }
0x13: {  	s18 =	smax.u32 s18, $0x1;
	s20 =	simm.s32 $0x3;
	[dreg:$0x5] =	wrdreg s22  }
0x14: {  	s25 =	simm.s32 $0xADC0;
	s0 =	simm.s32 $0x2;
	[dreg:$0x6] =	wrdreg s23  }
0x15: {  	s16 =	sadd.s32 s2, s26;
	s17 =	sadd.s32 $0x13800, s5;
	s21 =	simm.s32 $0x2800  }
0x16: {  	v0 =	vimm.f32 $0.0e+00;
	s22 =	simm.s32 $0x7D;
	s23 =	simm.s32 $0x6F40;
	s26 =	simm.s32 $0xCD00  }
.LBB2_1:
0x17: {  	s5 =	simm.s32 $0x100;
	s2 =	simm.s32 $0x0  }
.LBB2_2:
0x18: {  	p1 =	sne.s32 s5, $0x6700;
	[tilespmem:s2+$0x5030] =	vst v0;
	s6 =	smov.u32 s5;
	s5 =	sadd.s32 $0x100, s5  }
.Ltmp0:
0x19: {  	[tilespmem:s2+$0x5020] =	vst v0;
	(pc) =	sbr.rel @p1 .LBB2_2-.Ltmp0, $3  }
0x1a: {  	[tilespmem:s2+$0x5000] =	vst v0  }
0x1b: {  	[tilespmem:s2+$0x5010] =	vst v0;
	_ =	sdelay $0x1  }
0x1c: {  	s2 =	sshra.s32 s6, $0x2  }
0x1d: {  	[tilespmem:s2+$0x5030] =	vst v0  }
0x1e: {  	[tilespmem:s2+$0x5020] =	vst v0  }
0x1f: {  	[tilespmem:s2+$0x5000] =	vst v0  }
0x20: {  	[tilespmem:s2+$0x5010] =	vst v0  }
0x21: {  	[spmem:s4] =	stream.linear.scatter [tilespmem:s19], [sflag:$0x3], $0x1A00, $0x38;
	[tilespmem:$0x1E640] =	vst v63  }
0x22: {  	_ =	swait.ge [sflag:s20], $0x1A00  }
0x23: {  	[sflag:s20] =	ssyncset.done $0x0  }
0x24: {  	s6 =	rddreg [dreg:$0x4];
	[sflag:s20] =	ssyncadd.s32 $0xFFFFE600  }
0x25: {  	[spmem:s6] =	stream.linear.scatter [tilespmem:s19], [sflag:$0x3], $0x1A00, $0x38;
	[tilespmem:$0x1E640] =	vst v63  }
0x26: {  	_ =	swait.ge [sflag:s20], $0x1A00  }
0x27: {  	[sflag:s20] =	ssyncset.done $0x0  }
0x28: {  	s7 =	rddreg [dreg:$0x5];
	[sflag:s20] =	ssyncadd.s32 $0xFFFFE600  }
0x29: {  	[spmem:s7] =	stream.linear.scatter [tilespmem:s19], [sflag:$0x3], $0x1A00, $0x38;
	[tilespmem:$0x1E640] =	vst v63  }
0x2a: {  	_ =	swait.ge [sflag:s20], $0x1A00  }
0x2b: {  	[sflag:s20] =	ssyncset.done $0x0  }
0x2c: {  	s5 =	rddreg [dreg:$0x6];
	[sflag:s20] =	ssyncadd.s32 $0xFFFFE600  }
0x2d: {  	[spmem:s5] =	stream.linear.scatter [tilespmem:s19], [sflag:$0x3], $0x1A00, $0x38;
	[tilespmem:$0x1E640] =	vst v63  }
0x2e: {  	_ =	swait.ge [sflag:s20], $0x1A00  }
0x2f: {  	[sflag:s20] =	ssyncset.done $0x0  }
0x30: {  	[sflag:s20] =	ssyncadd.s32 $0xFFFFE600  }
0x31: {  	[spmem:s8] =	stream.linear.scatter [tilespmem:s19], [sflag:$0x3], $0x1A00, $0x38;
	[tilespmem:$0x1E640] =	vst v63  }
0x32: {  	_ =	swait.ge [sflag:s20], $0x1A00  }
0x33: {  	[sflag:s20] =	ssyncset.done $0x0  }
0x34: {  	[sflag:s20] =	ssyncadd.s32 $0xFFFFE600  }
0x35: {  	[spmem:s9] =	stream.linear.scatter [tilespmem:s19], [sflag:$0x3], $0x1A00, $0x38;
	[tilespmem:$0x1E640] =	vst v63  }
0x36: {  	_ =	swait.ge [sflag:s20], $0x1A00  }
0x37: {  	[sflag:s20] =	ssyncset.done $0x0  }
0x38: {  	s2 =	simm.s32 @!p0 $0x5000;
	[sflag:s20] =	ssyncadd.s32 $0xFFFFE600  }
0x39: {  	[spmem:s10] =	stream.linear.scatter @!p0 [tilespmem:s2], [sflag:$0x3], $0x400, $0x38;
	[tilespmem:$0x1E640] =	vst v63  }
0x3a: {  	s2 =	simm.s32 @!p0 $0x3  }
0x3b: {  	_ =	swait.ge @!p0 [sflag:s2], $0x400  }
0x3c: {  	[sflag:s2] =	ssyncset.done @!p0 $0x0  }
0x3d: {  	[sflag:s2] =	ssyncadd.s32 @!p0 $0xFFFFFC00  }
0x3e: {  	s6 =	simm.s32 $0x0;
	[bflag:$0x0] =	sbarrier.arrive $0xFFFF  }
0x3f: {  	[tilespmem:s6], [sflag:$0x3] =	stream.linear.gather [hbm4b:s11+s6], $0x2800, $0x38;
	[tilespmem:$0x1E640] =	vst v63  }
0x40: {  	_ =	swait.ge [sflag:s20], $0x2800  }
0x41: {  	[sflag:s20] =	ssyncset.done $0x0  }
0x42: {  	[sflag:s20] =	ssyncadd.s32 $0xFFFFD800  }
0x43: {  	[tilespmem:s21], [sflag:$0x3] =	stream.linear.gather [hbm4b:s12+s6], $0x2800, $0x38;
	[tilespmem:$0x1E640] =	vst v63  }
0x44: {  	_ =	swait.ge [sflag:s20], $0x2800  }
0x45: {  	[sflag:s20] =	ssyncset.done $0x0  }
0x46: {  	s7 =	simm.s32 $0x0;
	[sflag:s20] =	ssyncadd.s32 $0xFFFFD800  }
0x47: {  	[tilespmem:s19], [sflag:$0x1] =	stream.indirect.gather [hbm4b:s13+s22], $0x40, s7, s22, $0xb8;
	[tilespmem:$0x1E640] =	vst v63  }
0x48: {  	s5 =	simm.s32 $0x80  }
0x49: {  	[tilespmem:s23], [sflag:$0x1] =	stream.indirect.gather [hbm4b:s13+s22], $0x40, s5, s22, $0xb8;
	[tilespmem:$0x1E640] =	vst v63  }
0x4a: {  	s6 =	simm.s32 $0x100  }
0x4b: {  	[tilespmem:s24], [sflag:$0x1] =	stream.indirect.gather [hbm4b:s13+s22], $0x40, s6, s22, $0xb8;
	[tilespmem:$0x1E640] =	vst v63  }
0x4c: {  	s7 =	simm.s32 $0x180  }
0x4d: {  	[tilespmem:s25], [sflag:$0x1] =	stream.indirect.gather [hbm4b:s13+s22], $0x40, s7, s22, $0xb8;
	[tilespmem:$0x1E640] =	vst v63  }
0x4e: {  	s5 =	simm.s32 $0x200  }
0x4f: {  	[tilespmem:s26], [sflag:$0x1] =	stream.indirect.gather [hbm4b:s13+s22], $0x40, s5, s22, $0xb8;
	[tilespmem:$0x1E640] =	vst v63  }
0x50: {  	s6 =	simm.s32 $0x280  }
0x51: {  	[tilespmem:s28], [sflag:$0x1] =	stream.indirect.gather [hbm4b:s13+s22], $0x40, s6, s22, $0xb8;
	[tilespmem:$0x1E640] =	vst v63  }
0x52: {  	s7 =	simm.s32 $0x300  }
0x53: {  	[tilespmem:s29], [sflag:$0x1] =	stream.indirect.gather [hbm4b:s13+s22], $0x40, s7, s22, $0xb8;
	[tilespmem:$0x1E640] =	vst v63  }
0x54: {  	s5 =	simm.s32 $0x380  }
0x55: {  	[tilespmem:s30], [sflag:$0x1] =	stream.indirect.gather [hbm4b:s13+s22], $0x40, s5, s22, $0xb8;
	[tilespmem:$0x1E640] =	vst v63  }
0x56: {  	_ =	swait.ge [sflag:s31], $0x1F40  }
0x57: {  	[sflag:s31] =	ssyncset.done $0x0  }
0x58: {  	s6 =	simm.s32 $0x2800;
	[sflag:s31] =	ssyncadd.s32 $0xFFFFE0C0  }
0x59: {  	[spmem:s1] =	stream.indirect.scatter.add.f32 [tilespmem:s19], [sflag:$0x2], $0x40, s6, s22, $0xb8;
	[tilespmem:$0x1E640] =	vst v63  }
0x5a: {  	_ =	swait.ge [sflag:s31], $0x1F40  }
0x5b: {  	[sflag:s31] =	ssyncset.done $0x0  }
0x5c: {  	s7 =	simm.s32 $0x2880;
	[sflag:s31] =	ssyncadd.s32 $0xFFFFE0C0  }
0x5d: {  	[spmem:s1] =	stream.indirect.scatter.add.f32 [tilespmem:s23], [sflag:$0x2], $0x40, s7, s22, $0xb8;
	[tilespmem:$0x1E640] =	vst v63  }
0x5e: {  	_ =	swait.ge [sflag:s31], $0x1F40  }
0x5f: {  	[sflag:s31] =	ssyncset.done $0x0  }
0x60: {  	s5 =	simm.s32 $0x2900;
	[sflag:s31] =	ssyncadd.s32 $0xFFFFE0C0  }
0x61: {  	[spmem:s1] =	stream.indirect.scatter.add.f32 [tilespmem:s24], [sflag:$0x2], $0x40, s5, s22, $0xb8;
	[tilespmem:$0x1E640] =	vst v63  }
0x62: {  	_ =	swait.ge [sflag:s31], $0x1F40  }
0x63: {  	[sflag:s31] =	ssyncset.done $0x0  }
0x64: {  	s6 =	simm.s32 $0x2980;
	[sflag:s31] =	ssyncadd.s32 $0xFFFFE0C0  }
0x65: {  	[spmem:s1] =	stream.indirect.scatter.add.f32 [tilespmem:s25], [sflag:$0x2], $0x40, s6, s22, $0xb8;
	[tilespmem:$0x1E640] =	vst v63  }
0x66: {  	_ =	swait.ge [sflag:s31], $0x1F40  }
0x67: {  	[sflag:s31] =	ssyncset.done $0x0  }
0x68: {  	s7 =	simm.s32 $0x2A00;
	[sflag:s31] =	ssyncadd.s32 $0xFFFFE0C0  }
0x69: {  	[spmem:s1] =	stream.indirect.scatter.add.f32 [tilespmem:s26], [sflag:$0x2], $0x40, s7, s22, $0xb8;
	[tilespmem:$0x1E640] =	vst v63  }
0x6a: {  	_ =	swait.ge [sflag:s31], $0x1F40  }
0x6b: {  	[sflag:s31] =	ssyncset.done $0x0  }
0x6c: {  	s5 =	simm.s32 $0x2A80;
	[sflag:s31] =	ssyncadd.s32 $0xFFFFE0C0  }
0x6d: {  	[spmem:s1] =	stream.indirect.scatter.add.f32 [tilespmem:s28], [sflag:$0x2], $0x40, s5, s22, $0xb8;
	[tilespmem:$0x1E640] =	vst v63  }
0x6e: {  	_ =	swait.ge [sflag:s31], $0x1F40  }
0x6f: {  	[sflag:s31] =	ssyncset.done $0x0  }
0x70: {  	s6 =	simm.s32 $0x2B00;
	[sflag:s31] =	ssyncadd.s32 $0xFFFFE0C0  }
0x71: {  	[spmem:s1] =	stream.indirect.scatter.add.f32 [tilespmem:s29], [sflag:$0x2], $0x40, s6, s22, $0xb8;
	[tilespmem:$0x1E640] =	vst v63  }
0x72: {  	_ =	swait.ge [sflag:s31], $0x1F40  }
0x73: {  	[sflag:s31] =	ssyncset.done $0x0  }
0x74: {  	s7 =	simm.s32 $0x2B80;
	[sflag:s31] =	ssyncadd.s32 $0xFFFFE0C0  }
0x75: {  	[spmem:s1] =	stream.indirect.scatter.add.f32 [tilespmem:s30], [sflag:$0x2], $0x40, s7, s22, $0xb8;
	[tilespmem:$0x1E640] =	vst v63  }
0x76: {  	_ =	swait.ge [sflag:s0], $0x1F40  }
0x77: {  	[sflag:s0] =	ssyncset.done $0x0  }
0x78: {  	[sflag:s0] =	ssyncadd.s32 $0xFFFFE0C0  }
0x79: {  	_ =	swait.ge [sflag:s0], $0x1F40  }
0x7a: {  	[sflag:s0] =	ssyncset.done $0x0  }
0x7b: {  	[sflag:s0] =	ssyncadd.s32 $0xFFFFE0C0  }
0x7c: {  	_ =	swait.ge [sflag:s0], $0x1F40  }
0x7d: {  	[sflag:s0] =	ssyncset.done $0x0  }
0x7e: {  	[sflag:s0] =	ssyncadd.s32 $0xFFFFE0C0  }
0x7f: {  	_ =	swait.ge [sflag:s0], $0x1F40  }
0x80: {  	[sflag:s0] =	ssyncset.done $0x0  }
0x81: {  	[sflag:s0] =	ssyncadd.s32 $0xFFFFE0C0  }
0x82: {  	_ =	swait.ge [sflag:s0], $0x1F40  }
0x83: {  	[sflag:s0] =	ssyncset.done $0x0  }
0x84: {  	[sflag:s0] =	ssyncadd.s32 $0xFFFFE0C0  }
0x85: {  	_ =	swait.ge [sflag:s0], $0x1F40  }
0x86: {  	[sflag:s0] =	ssyncset.done $0x0  }
0x87: {  	[sflag:s0] =	ssyncadd.s32 $0xFFFFE0C0  }
0x88: {  	_ =	swait.ge [sflag:s0], $0x1F40  }
0x89: {  	[sflag:s0] =	ssyncset.done $0x0  }
0x8a: {  	[sflag:s0] =	ssyncadd.s32 $0xFFFFE0C0  }
0x8b: {  	_ =	swait.ge [sflag:s0], $0x1F40  }
0x8c: {  	s2 =	simm.s32 $0x1000;
	s5 =	simm.s32 $0x2000;
	[sflag:s0] =	ssyncset.done $0x0  }
.LBB2_4:
0x8d: {  	s6 =	sshra.s32 s2, $0x2  }
0x8e: {  	[sflag:s0] =	ssyncadd.s32 $0xFFFFE0C0;
	s2 =	smov.u32 s5;
	s7 =	sadd.s32 $0x1000, s5  }
0x8f: {  	[tilespmem:s19], [sflag:$0x1] =	stream.indirect.gather [hbm4b:s13+s22], $0x40, s6, s22, $0xb8;
	[tilespmem:$0x1E640] =	vst v63  }
0x90: {  	p1 =	sne.s32 s5, $0x9000;
	s5 =	sadd.s32 $0x80, s6  }
0x91: {  	[tilespmem:s23], [sflag:$0x1] =	stream.indirect.gather [hbm4b:s13+s22], $0x40, s5, s22, $0xb8;
	[tilespmem:$0x1E640] =	vst v63  }
0x92: {  	s5 =	sadd.s32 $0x100, s6  }
0x93: {  	[tilespmem:s24], [sflag:$0x1] =	stream.indirect.gather [hbm4b:s13+s22], $0x40, s5, s22, $0xb8;
	[tilespmem:$0x1E640] =	vst v63  }
0x94: {  	s5 =	sadd.s32 $0x180, s6  }
0x95: {  	[tilespmem:s25], [sflag:$0x1] =	stream.indirect.gather [hbm4b:s13+s22], $0x40, s5, s22, $0xb8;
	[tilespmem:$0x1E640] =	vst v63  }
0x96: {  	s5 =	sadd.s32 $0x200, s6  }
0x97: {  	[tilespmem:s26], [sflag:$0x1] =	stream.indirect.gather [hbm4b:s13+s22], $0x40, s5, s22, $0xb8;
	[tilespmem:$0x1E640] =	vst v63  }
0x98: {  	s5 =	sadd.s32 $0x280, s6  }
0x99: {  	[tilespmem:s28], [sflag:$0x1] =	stream.indirect.gather [hbm4b:s13+s22], $0x40, s5, s22, $0xb8;
	[tilespmem:$0x1E640] =	vst v63  }
0x9a: {  	s5 =	sadd.s32 $0x300, s6  }
0x9b: {  	[tilespmem:s29], [sflag:$0x1] =	stream.indirect.gather [hbm4b:s13+s22], $0x40, s5, s22, $0xb8;
	[tilespmem:$0x1E640] =	vst v63  }
0x9c: {  	s5 =	sadd.s32 $0x380, s6  }
0x9d: {  	[tilespmem:s30], [sflag:$0x1] =	stream.indirect.gather [hbm4b:s13+s22], $0x40, s5, s22, $0xb8;
	[tilespmem:$0x1E640] =	vst v63  }
0x9e: {  	_ =	swait.ge [sflag:s31], $0x1F40  }
0x9f: {  	[sflag:s31] =	ssyncset.done $0x0  }
0xa0: {  	s5 =	sadd.s32 $0x2800, s6;
	[sflag:s31] =	ssyncadd.s32 $0xFFFFE0C0  }
0xa1: {  	[spmem:s1] =	stream.indirect.scatter.add.f32 [tilespmem:s19], [sflag:$0x2], $0x40, s5, s22, $0xb8;
	[tilespmem:$0x1E640] =	vst v63  }
0xa2: {  	_ =	swait.ge [sflag:s31], $0x1F40  }
0xa3: {  	[sflag:s31] =	ssyncset.done $0x0  }
0xa4: {  	s5 =	sadd.s32 $0x2880, s6;
	[sflag:s31] =	ssyncadd.s32 $0xFFFFE0C0  }
0xa5: {  	[spmem:s1] =	stream.indirect.scatter.add.f32 [tilespmem:s23], [sflag:$0x2], $0x40, s5, s22, $0xb8;
	[tilespmem:$0x1E640] =	vst v63  }
0xa6: {  	_ =	swait.ge [sflag:s31], $0x1F40  }
0xa7: {  	[sflag:s31] =	ssyncset.done $0x0  }
0xa8: {  	s5 =	sadd.s32 $0x2900, s6;
	[sflag:s31] =	ssyncadd.s32 $0xFFFFE0C0  }
0xa9: {  	[spmem:s1] =	stream.indirect.scatter.add.f32 [tilespmem:s24], [sflag:$0x2], $0x40, s5, s22, $0xb8;
	[tilespmem:$0x1E640] =	vst v63  }
0xaa: {  	_ =	swait.ge [sflag:s31], $0x1F40  }
0xab: {  	[sflag:s31] =	ssyncset.done $0x0  }
0xac: {  	s5 =	sadd.s32 $0x2980, s6;
	[sflag:s31] =	ssyncadd.s32 $0xFFFFE0C0  }
0xad: {  	[spmem:s1] =	stream.indirect.scatter.add.f32 [tilespmem:s25], [sflag:$0x2], $0x40, s5, s22, $0xb8;
	[tilespmem:$0x1E640] =	vst v63  }
0xae: {  	_ =	swait.ge [sflag:s31], $0x1F40  }
0xaf: {  	[sflag:s31] =	ssyncset.done $0x0  }
0xb0: {  	s5 =	sadd.s32 $0x2A00, s6;
	[sflag:s31] =	ssyncadd.s32 $0xFFFFE0C0  }
0xb1: {  	[spmem:s1] =	stream.indirect.scatter.add.f32 [tilespmem:s26], [sflag:$0x2], $0x40, s5, s22, $0xb8;
	[tilespmem:$0x1E640] =	vst v63  }
0xb2: {  	_ =	swait.ge [sflag:s31], $0x1F40  }
0xb3: {  	[sflag:s31] =	ssyncset.done $0x0  }
0xb4: {  	s5 =	sadd.s32 $0x2A80, s6;
	[sflag:s31] =	ssyncadd.s32 $0xFFFFE0C0  }
0xb5: {  	[spmem:s1] =	stream.indirect.scatter.add.f32 [tilespmem:s28], [sflag:$0x2], $0x40, s5, s22, $0xb8;
	[tilespmem:$0x1E640] =	vst v63  }
0xb6: {  	_ =	swait.ge [sflag:s31], $0x1F40  }
0xb7: {  	[sflag:s31] =	ssyncset.done $0x0  }
0xb8: {  	s5 =	sadd.s32 $0x2B00, s6;
	[sflag:s31] =	ssyncadd.s32 $0xFFFFE0C0  }
0xb9: {  	[spmem:s1] =	stream.indirect.scatter.add.f32 [tilespmem:s29], [sflag:$0x2], $0x40, s5, s22, $0xb8;
	[tilespmem:$0x1E640] =	vst v63  }
0xba: {  	_ =	swait.ge [sflag:s31], $0x1F40  }
0xbb: {  	[sflag:s31] =	ssyncset.done $0x0  }
0xbc: {  	s5 =	sadd.s32 $0x2B80, s6;
	[sflag:s31] =	ssyncadd.s32 $0xFFFFE0C0  }
0xbd: {  	[spmem:s1] =	stream.indirect.scatter.add.f32 [tilespmem:s30], [sflag:$0x2], $0x40, s5, s22, $0xb8;
	[tilespmem:$0x1E640] =	vst v63  }
0xbe: {  	_ =	swait.ge [sflag:s0], $0x1F40  }
0xbf: {  	[sflag:s0] =	ssyncset.done $0x0  }
0xc0: {  	[sflag:s0] =	ssyncadd.s32 $0xFFFFE0C0  }
0xc1: {  	_ =	swait.ge [sflag:s0], $0x1F40  }
0xc2: {  	[sflag:s0] =	ssyncset.done $0x0  }
0xc3: {  	[sflag:s0] =	ssyncadd.s32 $0xFFFFE0C0  }
0xc4: {  	_ =	swait.ge [sflag:s0], $0x1F40  }
0xc5: {  	[sflag:s0] =	ssyncset.done $0x0  }
0xc6: {  	[sflag:s0] =	ssyncadd.s32 $0xFFFFE0C0  }
0xc7: {  	_ =	swait.ge [sflag:s0], $0x1F40  }
0xc8: {  	[sflag:s0] =	ssyncset.done $0x0  }
0xc9: {  	[sflag:s0] =	ssyncadd.s32 $0xFFFFE0C0  }
0xca: {  	_ =	swait.ge [sflag:s0], $0x1F40  }
0xcb: {  	[sflag:s0] =	ssyncset.done $0x0  }
0xcc: {  	[sflag:s0] =	ssyncadd.s32 $0xFFFFE0C0  }
0xcd: {  	_ =	swait.ge [sflag:s0], $0x1F40  }
0xce: {  	[sflag:s0] =	ssyncset.done $0x0  }
0xcf: {  	[sflag:s0] =	ssyncadd.s32 $0xFFFFE0C0  }
.Ltmp1:
0xd0: {  	_ =	swait.ge [sflag:s0], $0x1F40;
	(pc) =	sbr.rel @p1 .LBB2_4-.Ltmp1, $4  }
0xd1: {  	[sflag:s0] =	ssyncset.done $0x0  }
0xd2: {  	[sflag:s0] =	ssyncadd.s32 $0xFFFFE0C0  }
0xd3: {  	_ =	swait.ge [sflag:s0], $0x1F40  }
0xd4: {  	s5 =	smov.u32 s7;
	[sflag:s0] =	ssyncset.done $0x0  }
0xd5: {  	s2 =	sshra.s32 s2, $0x2;
	[sflag:s0] =	ssyncadd.s32 $0xFFFFE0C0  }
0xd6: {  	[tilespmem:s19], [sflag:$0x1] =	stream.indirect.gather [hbm4b:s13+s22], $0x40, s2, s22, $0xb8;
	[tilespmem:$0x1E640] =	vst v63  }
0xd7: {  	s5 =	sadd.s32 $0x80, s2  }
0xd8: {  	[tilespmem:s23], [sflag:$0x1] =	stream.indirect.gather [hbm4b:s13+s22], $0x40, s5, s22, $0xb8;
	[tilespmem:$0x1E640] =	vst v63  }
0xd9: {  	s7 =	sadd.s32 $0x100, s2  }
0xda: {  	[tilespmem:s24], [sflag:$0x1] =	stream.indirect.gather [hbm4b:s13+s22], $0x40, s7, s22, $0xb8;
	[tilespmem:$0x1E640] =	vst v63  }
0xdb: {  	s6 =	sadd.s32 $0x180, s2  }
0xdc: {  	[tilespmem:s25], [sflag:$0x1] =	stream.indirect.gather [hbm4b:s13+s22], $0x40, s6, s22, $0xb8;
	[tilespmem:$0x1E640] =	vst v63  }
0xdd: {  	s7 =	sadd.s32 $0x200, s2  }
0xde: {  	[tilespmem:s26], [sflag:$0x1] =	stream.indirect.gather [hbm4b:s13+s22], $0x40, s7, s22, $0xb8;
	[tilespmem:$0x1E640] =	vst v63  }
0xdf: {  	s6 =	sadd.s32 $0x280, s2  }
0xe0: {  	[tilespmem:s28], [sflag:$0x1] =	stream.indirect.gather [hbm4b:s13+s22], $0x40, s6, s22, $0xb8;
	[tilespmem:$0x1E640] =	vst v63  }
0xe1: {  	s7 =	sadd.s32 $0x300, s2  }
0xe2: {  	[tilespmem:s29], [sflag:$0x1] =	stream.indirect.gather [hbm4b:s13+s22], $0x40, s7, s22, $0xb8;
	[tilespmem:$0x1E640] =	vst v63  }
0xe3: {  	s6 =	sadd.s32 $0x380, s2  }
0xe4: {  	[tilespmem:s30], [sflag:$0x1] =	stream.indirect.gather [hbm4b:s13+s22], $0x40, s6, s22, $0xb8;
	[tilespmem:$0x1E640] =	vst v63  }
0xe5: {  	_ =	swait.ge [sflag:s31], $0x1F40  }
0xe6: {  	[sflag:s31] =	ssyncset.done $0x0  }
0xe7: {  	s7 =	sadd.s32 $0x2800, s2;
	[sflag:s31] =	ssyncadd.s32 $0xFFFFE0C0  }
0xe8: {  	[spmem:s1] =	stream.indirect.scatter.add.f32 [tilespmem:s19], [sflag:$0x2], $0x40, s7, s22, $0xb8;
	[tilespmem:$0x1E640] =	vst v63  }
0xe9: {  	_ =	swait.ge [sflag:s31], $0x1F40  }
0xea: {  	[sflag:s31] =	ssyncset.done $0x0  }
0xeb: {  	s6 =	sadd.s32 $0x2880, s2;
	[sflag:s31] =	ssyncadd.s32 $0xFFFFE0C0  }
0xec: {  	[spmem:s1] =	stream.indirect.scatter.add.f32 [tilespmem:s23], [sflag:$0x2], $0x40, s6, s22, $0xb8;
	[tilespmem:$0x1E640] =	vst v63  }
0xed: {  	_ =	swait.ge [sflag:s31], $0x1F40  }
0xee: {  	[sflag:s31] =	ssyncset.done $0x0  }
0xef: {  	s7 =	sadd.s32 $0x2900, s2;
	[sflag:s31] =	ssyncadd.s32 $0xFFFFE0C0  }
0xf0: {  	[spmem:s1] =	stream.indirect.scatter.add.f32 [tilespmem:s24], [sflag:$0x2], $0x40, s7, s22, $0xb8;
	[tilespmem:$0x1E640] =	vst v63  }
0xf1: {  	_ =	swait.ge [sflag:s31], $0x1F40  }
0xf2: {  	[sflag:s31] =	ssyncset.done $0x0  }
0xf3: {  	s6 =	sadd.s32 $0x2980, s2;
	[sflag:s31] =	ssyncadd.s32 $0xFFFFE0C0  }
0xf4: {  	[spmem:s1] =	stream.indirect.scatter.add.f32 [tilespmem:s25], [sflag:$0x2], $0x40, s6, s22, $0xb8;
	[tilespmem:$0x1E640] =	vst v63  }
0xf5: {  	_ =	swait.ge [sflag:s31], $0x1F40  }
0xf6: {  	[sflag:s31] =	ssyncset.done $0x0  }
0xf7: {  	s7 =	sadd.s32 $0x2A00, s2;
	[sflag:s31] =	ssyncadd.s32 $0xFFFFE0C0  }
0xf8: {  	[spmem:s1] =	stream.indirect.scatter.add.f32 [tilespmem:s26], [sflag:$0x2], $0x40, s7, s22, $0xb8;
	[tilespmem:$0x1E640] =	vst v63  }
0xf9: {  	_ =	swait.ge [sflag:s31], $0x1F40  }
0xfa: {  	[sflag:s31] =	ssyncset.done $0x0  }
0xfb: {  	s6 =	sadd.s32 $0x2A80, s2;
	[sflag:s31] =	ssyncadd.s32 $0xFFFFE0C0  }
0xfc: {  	[spmem:s1] =	stream.indirect.scatter.add.f32 [tilespmem:s28], [sflag:$0x2], $0x40, s6, s22, $0xb8;
	[tilespmem:$0x1E640] =	vst v63  }
0xfd: {  	_ =	swait.ge [sflag:s31], $0x1F40  }
0xfe: {  	[sflag:s31] =	ssyncset.done $0x0  }
0xff: {  	s7 =	sadd.s32 $0x2B00, s2;
	[sflag:s31] =	ssyncadd.s32 $0xFFFFE0C0  }
0x100: {  	[spmem:s1] =	stream.indirect.scatter.add.f32 [tilespmem:s29], [sflag:$0x2], $0x40, s7, s22, $0xb8;
	[tilespmem:$0x1E640] =	vst v63  }
0x101: {  	_ =	swait.ge [sflag:s31], $0x1F40  }
0x102: {  	[sflag:s31] =	ssyncset.done $0x0  }
0x103: {  	s2 =	sadd.s32 $0x2B80, s2;
	[sflag:s31] =	ssyncadd.s32 $0xFFFFE0C0  }
0x104: {  	[spmem:s1] =	stream.indirect.scatter.add.f32 [tilespmem:s30], [sflag:$0x2], $0x40, s2, s22, $0xb8;
	[tilespmem:$0x1E640] =	vst v63  }
0x105: {  	_ =	swait.ge [sflag:s0], $0x1F40  }
0x106: {  	[sflag:s0] =	ssyncset.done $0x0  }
0x107: {  	[sflag:s0] =	ssyncadd.s32 $0xFFFFE0C0  }
0x108: {  	_ =	swait.ge [sflag:s0], $0x1F40  }
0x109: {  	[sflag:s0] =	ssyncset.done $0x0  }
0x10a: {  	[sflag:s0] =	ssyncadd.s32 $0xFFFFE0C0  }
0x10b: {  	_ =	swait.ge [sflag:s0], $0x1F40  }
0x10c: {  	[sflag:s0] =	ssyncset.done $0x0  }
0x10d: {  	[sflag:s0] =	ssyncadd.s32 $0xFFFFE0C0  }
0x10e: {  	_ =	swait.ge [sflag:s0], $0x1F40  }
0x10f: {  	[sflag:s0] =	ssyncset.done $0x0  }
0x110: {  	[sflag:s0] =	ssyncadd.s32 $0xFFFFE0C0  }
0x111: {  	_ =	swait.ge [sflag:s0], $0x1F40  }
0x112: {  	[sflag:s0] =	ssyncset.done $0x0  }
0x113: {  	[sflag:s0] =	ssyncadd.s32 $0xFFFFE0C0  }
0x114: {  	_ =	swait.ge [sflag:s0], $0x1F40  }
0x115: {  	[sflag:s0] =	ssyncset.done $0x0  }
0x116: {  	[sflag:s0] =	ssyncadd.s32 $0xFFFFE0C0  }
0x117: {  	_ =	swait.ge [sflag:s0], $0x1F40  }
0x118: {  	[sflag:s0] =	ssyncset.done $0x0  }
0x119: {  	[sflag:s0] =	ssyncadd.s32 $0xFFFFE0C0  }
0x11a: {  	_ =	swait.ge [sflag:s0], $0x1F40  }
0x11b: {  	[sflag:s0] =	ssyncset.done $0x0  }
0x11c: {  	s6 =	simm.s32 $0x0;
	[sflag:s0] =	ssyncadd.s32 $0xFFFFE0C0  }
0x11d: {  	[tilespmem:s6], [sflag:$0x3] =	stream.linear.gather [hbm4b:s14+s6], $0x2800, $0x38;
	[tilespmem:$0x1E640] =	vst v63  }
0x11e: {  	_ =	swait.ge [sflag:s20], $0x2800  }
0x11f: {  	[sflag:s20] =	ssyncset.done $0x0  }
0x120: {  	[sflag:s20] =	ssyncadd.s32 $0xFFFFD800  }
0x121: {  	[tilespmem:s21], [sflag:$0x3] =	stream.linear.gather [hbm4b:s15+s6], $0x2800, $0x38;
	[tilespmem:$0x1E640] =	vst v63  }
0x122: {  	_ =	swait.ge [sflag:s20], $0x2800  }
0x123: {  	[sflag:s20] =	ssyncset.done $0x0  }
0x124: {  	s7 =	simm.s32 $0x0;
	[sflag:s20] =	ssyncadd.s32 $0xFFFFD800  }
0x125: {  	[tilespmem:s19], [sflag:$0x1] =	stream.indirect.gather [hbm4b:s13+s22], $0x40, s7, s22, $0xb8;
	[tilespmem:$0x1E640] =	vst v63  }
0x126: {  	s5 =	simm.s32 $0x80  }
0x127: {  	[tilespmem:s23], [sflag:$0x1] =	stream.indirect.gather [hbm4b:s13+s22], $0x40, s5, s22, $0xb8;
	[tilespmem:$0x1E640] =	vst v63  }
0x128: {  	s6 =	simm.s32 $0x100  }
0x129: {  	[tilespmem:s24], [sflag:$0x1] =	stream.indirect.gather [hbm4b:s13+s22], $0x40, s6, s22, $0xb8;
	[tilespmem:$0x1E640] =	vst v63  }
0x12a: {  	s7 =	simm.s32 $0x180  }
0x12b: {  	[tilespmem:s25], [sflag:$0x1] =	stream.indirect.gather [hbm4b:s13+s22], $0x40, s7, s22, $0xb8;
	[tilespmem:$0x1E640] =	vst v63  }
0x12c: {  	s5 =	simm.s32 $0x200  }
0x12d: {  	[tilespmem:s26], [sflag:$0x1] =	stream.indirect.gather [hbm4b:s13+s22], $0x40, s5, s22, $0xb8;
	[tilespmem:$0x1E640] =	vst v63  }
0x12e: {  	s6 =	simm.s32 $0x280  }
0x12f: {  	[tilespmem:s28], [sflag:$0x1] =	stream.indirect.gather [hbm4b:s13+s22], $0x40, s6, s22, $0xb8;
	[tilespmem:$0x1E640] =	vst v63  }
0x130: {  	s7 =	simm.s32 $0x300  }
0x131: {  	[tilespmem:s29], [sflag:$0x1] =	stream.indirect.gather [hbm4b:s13+s22], $0x40, s7, s22, $0xb8;
	[tilespmem:$0x1E640] =	vst v63  }
0x132: {  	s5 =	simm.s32 $0x380  }
0x133: {  	[tilespmem:s30], [sflag:$0x1] =	stream.indirect.gather [hbm4b:s13+s22], $0x40, s5, s22, $0xb8;
	[tilespmem:$0x1E640] =	vst v63  }
0x134: {  	_ =	swait.ge [sflag:s31], $0x1F40  }
0x135: {  	[sflag:s31] =	ssyncset.done $0x0  }
0x136: {  	s6 =	simm.s32 $0x2800;
	[sflag:s31] =	ssyncadd.s32 $0xFFFFE0C0  }
0x137: {  	[spmem:s1] =	stream.indirect.scatter.add.f32 [tilespmem:s19], [sflag:$0x2], $0x40, s6, s22, $0xb8;
	[tilespmem:$0x1E640] =	vst v63  }
0x138: {  	_ =	swait.ge [sflag:s31], $0x1F40  }
0x139: {  	[sflag:s31] =	ssyncset.done $0x0  }
0x13a: {  	s7 =	simm.s32 $0x2880;
	[sflag:s31] =	ssyncadd.s32 $0xFFFFE0C0  }
0x13b: {  	[spmem:s1] =	stream.indirect.scatter.add.f32 [tilespmem:s23], [sflag:$0x2], $0x40, s7, s22, $0xb8;
	[tilespmem:$0x1E640] =	vst v63  }
0x13c: {  	_ =	swait.ge [sflag:s31], $0x1F40  }
0x13d: {  	[sflag:s31] =	ssyncset.done $0x0  }
0x13e: {  	s5 =	simm.s32 $0x2900;
	[sflag:s31] =	ssyncadd.s32 $0xFFFFE0C0  }
0x13f: {  	[spmem:s1] =	stream.indirect.scatter.add.f32 [tilespmem:s24], [sflag:$0x2], $0x40, s5, s22, $0xb8;
	[tilespmem:$0x1E640] =	vst v63  }
0x140: {  	_ =	swait.ge [sflag:s31], $0x1F40  }
0x141: {  	[sflag:s31] =	ssyncset.done $0x0  }
0x142: {  	s6 =	simm.s32 $0x2980;
	[sflag:s31] =	ssyncadd.s32 $0xFFFFE0C0  }
0x143: {  	[spmem:s1] =	stream.indirect.scatter.add.f32 [tilespmem:s25], [sflag:$0x2], $0x40, s6, s22, $0xb8;
	[tilespmem:$0x1E640] =	vst v63  }
0x144: {  	_ =	swait.ge [sflag:s31], $0x1F40  }
0x145: {  	[sflag:s31] =	ssyncset.done $0x0  }
0x146: {  	s7 =	simm.s32 $0x2A00;
	[sflag:s31] =	ssyncadd.s32 $0xFFFFE0C0  }
0x147: {  	[spmem:s1] =	stream.indirect.scatter.add.f32 [tilespmem:s26], [sflag:$0x2], $0x40, s7, s22, $0xb8;
	[tilespmem:$0x1E640] =	vst v63  }
0x148: {  	_ =	swait.ge [sflag:s31], $0x1F40  }
0x149: {  	[sflag:s31] =	ssyncset.done $0x0  }
0x14a: {  	s5 =	simm.s32 $0x2A80;
	[sflag:s31] =	ssyncadd.s32 $0xFFFFE0C0  }
0x14b: {  	[spmem:s1] =	stream.indirect.scatter.add.f32 [tilespmem:s28], [sflag:$0x2], $0x40, s5, s22, $0xb8;
	[tilespmem:$0x1E640] =	vst v63  }
0x14c: {  	_ =	swait.ge [sflag:s31], $0x1F40  }
0x14d: {  	[sflag:s31] =	ssyncset.done $0x0  }
0x14e: {  	s6 =	simm.s32 $0x2B00;
	[sflag:s31] =	ssyncadd.s32 $0xFFFFE0C0  }
0x14f: {  	[spmem:s1] =	stream.indirect.scatter.add.f32 [tilespmem:s29], [sflag:$0x2], $0x40, s6, s22, $0xb8;
	[tilespmem:$0x1E640] =	vst v63  }
0x150: {  	_ =	swait.ge [sflag:s31], $0x1F40  }
0x151: {  	[sflag:s31] =	ssyncset.done $0x0  }
0x152: {  	s7 =	simm.s32 $0x2B80;
	[sflag:s31] =	ssyncadd.s32 $0xFFFFE0C0  }
0x153: {  	[spmem:s1] =	stream.indirect.scatter.add.f32 [tilespmem:s30], [sflag:$0x2], $0x40, s7, s22, $0xb8;
	[tilespmem:$0x1E640] =	vst v63  }
0x154: {  	_ =	swait.ge [sflag:s0], $0x1F40  }
0x155: {  	[sflag:s0] =	ssyncset.done $0x0  }
0x156: {  	[sflag:s0] =	ssyncadd.s32 $0xFFFFE0C0  }
0x157: {  	_ =	swait.ge [sflag:s0], $0x1F40  }
0x158: {  	[sflag:s0] =	ssyncset.done $0x0  }
0x159: {  	[sflag:s0] =	ssyncadd.s32 $0xFFFFE0C0  }
0x15a: {  	_ =	swait.ge [sflag:s0], $0x1F40  }
0x15b: {  	[sflag:s0] =	ssyncset.done $0x0  }
0x15c: {  	[sflag:s0] =	ssyncadd.s32 $0xFFFFE0C0  }
0x15d: {  	_ =	swait.ge [sflag:s0], $0x1F40  }
0x15e: {  	[sflag:s0] =	ssyncset.done $0x0  }
0x15f: {  	[sflag:s0] =	ssyncadd.s32 $0xFFFFE0C0  }
0x160: {  	_ =	swait.ge [sflag:s0], $0x1F40  }
0x161: {  	[sflag:s0] =	ssyncset.done $0x0  }
0x162: {  	[sflag:s0] =	ssyncadd.s32 $0xFFFFE0C0  }
0x163: {  	_ =	swait.ge [sflag:s0], $0x1F40  }
0x164: {  	[sflag:s0] =	ssyncset.done $0x0  }
0x165: {  	[sflag:s0] =	ssyncadd.s32 $0xFFFFE0C0  }
0x166: {  	_ =	swait.ge [sflag:s0], $0x1F40  }
0x167: {  	[sflag:s0] =	ssyncset.done $0x0  }
0x168: {  	[sflag:s0] =	ssyncadd.s32 $0xFFFFE0C0  }
0x169: {  	_ =	swait.ge [sflag:s0], $0x1F40  }
0x16a: {  	s2 =	simm.s32 $0x1000;
	s7 =	simm.s32 $0x2000;
	[sflag:s0] =	ssyncset.done $0x0  }
.LBB2_6:
0x16b: {  	s6 =	sshra.s32 s2, $0x2  }
0x16c: {  	[sflag:s0] =	ssyncadd.s32 $0xFFFFE0C0;
	s2 =	smov.u32 s7;
	s5 =	sadd.s32 $0x1000, s7  }
0x16d: {  	[tilespmem:s19], [sflag:$0x1] =	stream.indirect.gather [hbm4b:s13+s22], $0x40, s6, s22, $0xb8;
	[tilespmem:$0x1E640] =	vst v63  }
0x16e: {  	p1 =	sne.s32 s7, $0x9000;
	s7 =	sadd.s32 $0x80, s6  }
0x16f: {  	[tilespmem:s23], [sflag:$0x1] =	stream.indirect.gather [hbm4b:s13+s22], $0x40, s7, s22, $0xb8;
	[tilespmem:$0x1E640] =	vst v63  }
0x170: {  	s7 =	sadd.s32 $0x100, s6  }
0x171: {  	[tilespmem:s24], [sflag:$0x1] =	stream.indirect.gather [hbm4b:s13+s22], $0x40, s7, s22, $0xb8;
	[tilespmem:$0x1E640] =	vst v63  }
0x172: {  	s7 =	sadd.s32 $0x180, s6  }
0x173: {  	[tilespmem:s25], [sflag:$0x1] =	stream.indirect.gather [hbm4b:s13+s22], $0x40, s7, s22, $0xb8;
	[tilespmem:$0x1E640] =	vst v63  }
0x174: {  	s7 =	sadd.s32 $0x200, s6  }
0x175: {  	[tilespmem:s26], [sflag:$0x1] =	stream.indirect.gather [hbm4b:s13+s22], $0x40, s7, s22, $0xb8;
	[tilespmem:$0x1E640] =	vst v63  }
0x176: {  	s7 =	sadd.s32 $0x280, s6  }
0x177: {  	[tilespmem:s28], [sflag:$0x1] =	stream.indirect.gather [hbm4b:s13+s22], $0x40, s7, s22, $0xb8;
	[tilespmem:$0x1E640] =	vst v63  }
0x178: {  	s7 =	sadd.s32 $0x300, s6  }
0x179: {  	[tilespmem:s29], [sflag:$0x1] =	stream.indirect.gather [hbm4b:s13+s22], $0x40, s7, s22, $0xb8;
	[tilespmem:$0x1E640] =	vst v63  }
0x17a: {  	s7 =	sadd.s32 $0x380, s6  }
0x17b: {  	[tilespmem:s30], [sflag:$0x1] =	stream.indirect.gather [hbm4b:s13+s22], $0x40, s7, s22, $0xb8;
	[tilespmem:$0x1E640] =	vst v63  }
0x17c: {  	_ =	swait.ge [sflag:s31], $0x1F40  }
0x17d: {  	[sflag:s31] =	ssyncset.done $0x0  }
0x17e: {  	s7 =	sadd.s32 $0x2800, s6;
	[sflag:s31] =	ssyncadd.s32 $0xFFFFE0C0  }
0x17f: {  	[spmem:s1] =	stream.indirect.scatter.add.f32 [tilespmem:s19], [sflag:$0x2], $0x40, s7, s22, $0xb8;
	[tilespmem:$0x1E640] =	vst v63  }
0x180: {  	_ =	swait.ge [sflag:s31], $0x1F40  }
0x181: {  	[sflag:s31] =	ssyncset.done $0x0  }
0x182: {  	s7 =	sadd.s32 $0x2880, s6;
	[sflag:s31] =	ssyncadd.s32 $0xFFFFE0C0  }
0x183: {  	[spmem:s1] =	stream.indirect.scatter.add.f32 [tilespmem:s23], [sflag:$0x2], $0x40, s7, s22, $0xb8;
	[tilespmem:$0x1E640] =	vst v63  }
0x184: {  	_ =	swait.ge [sflag:s31], $0x1F40  }
0x185: {  	[sflag:s31] =	ssyncset.done $0x0  }
0x186: {  	s7 =	sadd.s32 $0x2900, s6;
	[sflag:s31] =	ssyncadd.s32 $0xFFFFE0C0  }
0x187: {  	[spmem:s1] =	stream.indirect.scatter.add.f32 [tilespmem:s24], [sflag:$0x2], $0x40, s7, s22, $0xb8;
	[tilespmem:$0x1E640] =	vst v63  }
0x188: {  	_ =	swait.ge [sflag:s31], $0x1F40  }
0x189: {  	[sflag:s31] =	ssyncset.done $0x0  }
0x18a: {  	s7 =	sadd.s32 $0x2980, s6;
	[sflag:s31] =	ssyncadd.s32 $0xFFFFE0C0  }
0x18b: {  	[spmem:s1] =	stream.indirect.scatter.add.f32 [tilespmem:s25], [sflag:$0x2], $0x40, s7, s22, $0xb8;
	[tilespmem:$0x1E640] =	vst v63  }
0x18c: {  	_ =	swait.ge [sflag:s31], $0x1F40  }
0x18d: {  	[sflag:s31] =	ssyncset.done $0x0  }
0x18e: {  	s7 =	sadd.s32 $0x2A00, s6;
	[sflag:s31] =	ssyncadd.s32 $0xFFFFE0C0  }
0x18f: {  	[spmem:s1] =	stream.indirect.scatter.add.f32 [tilespmem:s26], [sflag:$0x2], $0x40, s7, s22, $0xb8;
	[tilespmem:$0x1E640] =	vst v63  }
0x190: {  	_ =	swait.ge [sflag:s31], $0x1F40  }
0x191: {  	[sflag:s31] =	ssyncset.done $0x0  }
0x192: {  	s7 =	sadd.s32 $0x2A80, s6;
	[sflag:s31] =	ssyncadd.s32 $0xFFFFE0C0  }
0x193: {  	[spmem:s1] =	stream.indirect.scatter.add.f32 [tilespmem:s28], [sflag:$0x2], $0x40, s7, s22, $0xb8;
	[tilespmem:$0x1E640] =	vst v63  }
0x194: {  	_ =	swait.ge [sflag:s31], $0x1F40  }
0x195: {  	[sflag:s31] =	ssyncset.done $0x0  }
0x196: {  	s7 =	sadd.s32 $0x2B00, s6;
	[sflag:s31] =	ssyncadd.s32 $0xFFFFE0C0  }
0x197: {  	[spmem:s1] =	stream.indirect.scatter.add.f32 [tilespmem:s29], [sflag:$0x2], $0x40, s7, s22, $0xb8;
	[tilespmem:$0x1E640] =	vst v63  }
0x198: {  	_ =	swait.ge [sflag:s31], $0x1F40  }
0x199: {  	[sflag:s31] =	ssyncset.done $0x0  }
0x19a: {  	s6 =	sadd.s32 $0x2B80, s6;
	[sflag:s31] =	ssyncadd.s32 $0xFFFFE0C0  }
0x19b: {  	[spmem:s1] =	stream.indirect.scatter.add.f32 [tilespmem:s30], [sflag:$0x2], $0x40, s6, s22, $0xb8;
	[tilespmem:$0x1E640] =	vst v63  }
0x19c: {  	_ =	swait.ge [sflag:s0], $0x1F40  }
0x19d: {  	[sflag:s0] =	ssyncset.done $0x0  }
0x19e: {  	[sflag:s0] =	ssyncadd.s32 $0xFFFFE0C0  }
0x19f: {  	_ =	swait.ge [sflag:s0], $0x1F40  }
0x1a0: {  	[sflag:s0] =	ssyncset.done $0x0  }
0x1a1: {  	[sflag:s0] =	ssyncadd.s32 $0xFFFFE0C0  }
0x1a2: {  	_ =	swait.ge [sflag:s0], $0x1F40  }
0x1a3: {  	[sflag:s0] =	ssyncset.done $0x0  }
0x1a4: {  	[sflag:s0] =	ssyncadd.s32 $0xFFFFE0C0  }
0x1a5: {  	_ =	swait.ge [sflag:s0], $0x1F40  }
0x1a6: {  	[sflag:s0] =	ssyncset.done $0x0  }
0x1a7: {  	[sflag:s0] =	ssyncadd.s32 $0xFFFFE0C0  }
0x1a8: {  	_ =	swait.ge [sflag:s0], $0x1F40  }
0x1a9: {  	[sflag:s0] =	ssyncset.done $0x0  }
0x1aa: {  	[sflag:s0] =	ssyncadd.s32 $0xFFFFE0C0  }
0x1ab: {  	_ =	swait.ge [sflag:s0], $0x1F40  }
0x1ac: {  	[sflag:s0] =	ssyncset.done $0x0  }
0x1ad: {  	[sflag:s0] =	ssyncadd.s32 $0xFFFFE0C0  }
.Ltmp2:
0x1ae: {  	_ =	swait.ge [sflag:s0], $0x1F40;
	(pc) =	sbr.rel @p1 .LBB2_6-.Ltmp2, $4  }
0x1af: {  	[sflag:s0] =	ssyncset.done $0x0  }
0x1b0: {  	[sflag:s0] =	ssyncadd.s32 $0xFFFFE0C0  }
0x1b1: {  	_ =	swait.ge [sflag:s0], $0x1F40  }
0x1b2: {  	s7 =	smov.u32 s5;
	[sflag:s0] =	ssyncset.done $0x0  }
0x1b3: {  	s2 =	sshra.s32 s2, $0x2;
	[sflag:s0] =	ssyncadd.s32 $0xFFFFE0C0  }
0x1b4: {  	[tilespmem:s19], [sflag:$0x1] =	stream.indirect.gather [hbm4b:s13+s22], $0x40, s2, s22, $0xb8;
	[tilespmem:$0x1E640] =	vst v63  }
0x1b5: {  	s5 =	sadd.s32 $0x80, s2  }
0x1b6: {  	[tilespmem:s23], [sflag:$0x1] =	stream.indirect.gather [hbm4b:s13+s22], $0x40, s5, s22, $0xb8;
	[tilespmem:$0x1E640] =	vst v63  }
0x1b7: {  	s7 =	sadd.s32 $0x100, s2  }
0x1b8: {  	[tilespmem:s24], [sflag:$0x1] =	stream.indirect.gather [hbm4b:s13+s22], $0x40, s7, s22, $0xb8;
	[tilespmem:$0x1E640] =	vst v63  }
0x1b9: {  	s6 =	sadd.s32 $0x180, s2  }
0x1ba: {  	[tilespmem:s25], [sflag:$0x1] =	stream.indirect.gather [hbm4b:s13+s22], $0x40, s6, s22, $0xb8;
	[tilespmem:$0x1E640] =	vst v63  }
0x1bb: {  	s7 =	sadd.s32 $0x200, s2  }
0x1bc: {  	[tilespmem:s26], [sflag:$0x1] =	stream.indirect.gather [hbm4b:s13+s22], $0x40, s7, s22, $0xb8;
	[tilespmem:$0x1E640] =	vst v63  }
0x1bd: {  	s6 =	sadd.s32 $0x280, s2  }
0x1be: {  	[tilespmem:s28], [sflag:$0x1] =	stream.indirect.gather [hbm4b:s13+s22], $0x40, s6, s22, $0xb8;
	[tilespmem:$0x1E640] =	vst v63  }
0x1bf: {  	s7 =	sadd.s32 $0x300, s2  }
0x1c0: {  	[tilespmem:s29], [sflag:$0x1] =	stream.indirect.gather [hbm4b:s13+s22], $0x40, s7, s22, $0xb8;
	[tilespmem:$0x1E640] =	vst v63  }
0x1c1: {  	s6 =	sadd.s32 $0x380, s2  }
0x1c2: {  	[tilespmem:s30], [sflag:$0x1] =	stream.indirect.gather [hbm4b:s13+s22], $0x40, s6, s22, $0xb8;
	[tilespmem:$0x1E640] =	vst v63  }
0x1c3: {  	_ =	swait.ge [sflag:s31], $0x1F40  }
0x1c4: {  	[sflag:s31] =	ssyncset.done $0x0  }
0x1c5: {  	s7 =	sadd.s32 $0x2800, s2;
	[sflag:s31] =	ssyncadd.s32 $0xFFFFE0C0  }
0x1c6: {  	[spmem:s1] =	stream.indirect.scatter.add.f32 [tilespmem:s19], [sflag:$0x2], $0x40, s7, s22, $0xb8;
	[tilespmem:$0x1E640] =	vst v63  }
0x1c7: {  	_ =	swait.ge [sflag:s31], $0x1F40  }
0x1c8: {  	[sflag:s31] =	ssyncset.done $0x0  }
0x1c9: {  	s6 =	sadd.s32 $0x2880, s2;
	[sflag:s31] =	ssyncadd.s32 $0xFFFFE0C0  }
0x1ca: {  	[spmem:s1] =	stream.indirect.scatter.add.f32 [tilespmem:s23], [sflag:$0x2], $0x40, s6, s22, $0xb8;
	[tilespmem:$0x1E640] =	vst v63  }
0x1cb: {  	_ =	swait.ge [sflag:s31], $0x1F40  }
0x1cc: {  	[sflag:s31] =	ssyncset.done $0x0  }
0x1cd: {  	s7 =	sadd.s32 $0x2900, s2;
	[sflag:s31] =	ssyncadd.s32 $0xFFFFE0C0  }
0x1ce: {  	[spmem:s1] =	stream.indirect.scatter.add.f32 [tilespmem:s24], [sflag:$0x2], $0x40, s7, s22, $0xb8;
	[tilespmem:$0x1E640] =	vst v63  }
0x1cf: {  	_ =	swait.ge [sflag:s31], $0x1F40  }
0x1d0: {  	[sflag:s31] =	ssyncset.done $0x0  }
0x1d1: {  	s6 =	sadd.s32 $0x2980, s2;
	[sflag:s31] =	ssyncadd.s32 $0xFFFFE0C0  }
0x1d2: {  	[spmem:s1] =	stream.indirect.scatter.add.f32 [tilespmem:s25], [sflag:$0x2], $0x40, s6, s22, $0xb8;
	[tilespmem:$0x1E640] =	vst v63  }
0x1d3: {  	_ =	swait.ge [sflag:s31], $0x1F40  }
0x1d4: {  	[sflag:s31] =	ssyncset.done $0x0  }
0x1d5: {  	s7 =	sadd.s32 $0x2A00, s2;
	[sflag:s31] =	ssyncadd.s32 $0xFFFFE0C0  }
0x1d6: {  	[spmem:s1] =	stream.indirect.scatter.add.f32 [tilespmem:s26], [sflag:$0x2], $0x40, s7, s22, $0xb8;
	[tilespmem:$0x1E640] =	vst v63  }
0x1d7: {  	_ =	swait.ge [sflag:s31], $0x1F40  }
0x1d8: {  	[sflag:s31] =	ssyncset.done $0x0  }
0x1d9: {  	s6 =	sadd.s32 $0x2A80, s2;
	[sflag:s31] =	ssyncadd.s32 $0xFFFFE0C0  }
0x1da: {  	[spmem:s1] =	stream.indirect.scatter.add.f32 [tilespmem:s28], [sflag:$0x2], $0x40, s6, s22, $0xb8;
	[tilespmem:$0x1E640] =	vst v63  }
0x1db: {  	_ =	swait.ge [sflag:s31], $0x1F40  }
0x1dc: {  	[sflag:s31] =	ssyncset.done $0x0  }
0x1dd: {  	s7 =	sadd.s32 $0x2B00, s2;
	[sflag:s31] =	ssyncadd.s32 $0xFFFFE0C0  }
0x1de: {  	[spmem:s1] =	stream.indirect.scatter.add.f32 [tilespmem:s29], [sflag:$0x2], $0x40, s7, s22, $0xb8;
	[tilespmem:$0x1E640] =	vst v63  }
0x1df: {  	_ =	swait.ge [sflag:s31], $0x1F40  }
0x1e0: {  	[sflag:s31] =	ssyncset.done $0x0  }
0x1e1: {  	s2 =	sadd.s32 $0x2B80, s2;
	[sflag:s31] =	ssyncadd.s32 $0xFFFFE0C0  }
0x1e2: {  	[spmem:s1] =	stream.indirect.scatter.add.f32 [tilespmem:s30], [sflag:$0x2], $0x40, s2, s22, $0xb8;
	[tilespmem:$0x1E640] =	vst v63  }
0x1e3: {  	_ =	swait.ge [sflag:s0], $0x1F40  }
0x1e4: {  	[sflag:s0] =	ssyncset.done $0x0  }
0x1e5: {  	[sflag:s0] =	ssyncadd.s32 $0xFFFFE0C0  }
0x1e6: {  	_ =	swait.ge [sflag:s0], $0x1F40  }
0x1e7: {  	[sflag:s0] =	ssyncset.done $0x0  }
0x1e8: {  	[sflag:s0] =	ssyncadd.s32 $0xFFFFE0C0  }
0x1e9: {  	_ =	swait.ge [sflag:s0], $0x1F40  }
0x1ea: {  	[sflag:s0] =	ssyncset.done $0x0  }
0x1eb: {  	[sflag:s0] =	ssyncadd.s32 $0xFFFFE0C0  }
0x1ec: {  	_ =	swait.ge [sflag:s0], $0x1F40  }
0x1ed: {  	[sflag:s0] =	ssyncset.done $0x0  }
0x1ee: {  	[sflag:s0] =	ssyncadd.s32 $0xFFFFE0C0  }
0x1ef: {  	_ =	swait.ge [sflag:s0], $0x1F40  }
0x1f0: {  	[sflag:s0] =	ssyncset.done $0x0  }
0x1f1: {  	[sflag:s0] =	ssyncadd.s32 $0xFFFFE0C0  }
0x1f2: {  	_ =	swait.ge [sflag:s0], $0x1F40  }
0x1f3: {  	[sflag:s0] =	ssyncset.done $0x0  }
0x1f4: {  	[sflag:s0] =	ssyncadd.s32 $0xFFFFE0C0  }
0x1f5: {  	_ =	swait.ge [sflag:s0], $0x1F40  }
0x1f6: {  	[sflag:s0] =	ssyncset.done $0x0  }
0x1f7: {  	[sflag:s0] =	ssyncadd.s32 $0xFFFFE0C0  }
0x1f8: {  	_ =	swait.ge [sflag:s0], $0x1F40  }
0x1f9: {  	s6 =	stileid.u32;
	[sflag:s0] =	ssyncset.done $0x0  }
0x1fa: {  	s2 =	sshll.u32 s6, $0x6;
	[sflag:s0] =	ssyncadd.s32 $0xFFFFE0C0  }
0x1fb: {  	s7 =	sshrl.u32 s4, $0x3;
	s2 =	sor.u32 $0x1C03, s2;
	[bflag:$0x0] =	sbarrier.arrive $0xFFFF  }
0x1fc: {  	[hbm:s16], [sflag:s2] =	dma.local [spmem:s7], $0x1380  }
0x1fd: {  	_ =	swait.ge [sflag:s20], $0x1380  }
0x1fe: {  	s3 =	sadd.s32 $0x1, s3;
	[sflag:s20] =	ssyncset.done $0x0  }
0x1ff: {  	p1 =	sne.s32 s3, s18;
	s5 =	sshrl.u32 @!p0 s10, $0x3;
	[sflag:s20] =	ssyncadd.s32 $0xFFFFEC80  }
0x200: {  	[hbm:s17], [sflag:s2] =	dma.local @!p0 [spmem:s5], $0x80  }
.Ltmp3:
0x201: {  	_ = 	snop;
	(pc) =	sbr.rel @p1 .LBB2_1-.Ltmp3, $4  }
0x202: {  	s2 =	simm.s32 @!p0 $0x3  }
0x203: {  	_ =	swait.ge @!p0 [sflag:s2], $0x80  }
0x204: {  	[sflag:s2] =	ssyncset.done @!p0 $0x0  }
0x205: {  	[sflag:s2] =	ssyncadd.s32 @!p0 $0xFFFFFF80  }
0x206: {  	_ =	sfence.sel $0x180000  }
0x207: {  	[bflag:$0x0] =	sbarrier.arrive $0xFFFF  }
0x208: {  	_ =	strace $0x9000004D  }
0x209: {  	s0 =	stileid.u32;
	[bflag:$0x2] =	sbarrier.arrive $0xFFFF  }
0x20a: {  	p0 =	sne.s32 s0, $0x0;
	s0 =	rddreg [dreg:$0x3]  }
0x20b: {  	s0 =	sadd.s32 @!p0 $0x100000, s0  }
0x20c: {  	[sflag:s0] =	ssyncadd.tile.s32 @!p0 $0x1;
	_ =	shalt  }
.Lfunc_end2:
_tile_overlayer_lowered:
.L_overlay_start_2:
0x20d: {  	(tag) =	ssettag $0x2  }
0x20e: {  	s0 =	rddreg [dreg:$0x0];
	s2 =	stileid.u32  }
0x20f: {  	s1 =	rddreg [dreg:$0x1];
	p0 =	sne.s32 s2, $0x0  }
0x210: {  	s3 =	rddreg [dreg:$0x2];
	[bflag:$0x3] =	sbarrier.arrive $0xFFFF;
	s2 =	simm.s32 @!p0 $0x1C03  }
0x211: {  	[timem:s3], [sflag:s2] =	dma.local @!p0 [hbm:s0], s1  }
0x212: {  	s0 =	simm.s32 @!p0 $0x3  }
0x213: {  	_ =	swait.ge @!p0 [sflag:s0], s1  }
0x214: {  	s1 =	ssub.s32 @!p0 $0x0, s1;
	[sflag:s0] =	ssyncset.done @!p0 $0x0  }
0x215: {  	[sflag:s0] =	ssyncadd.s32 @!p0 s1  }
0x216: {  	[bflag:$0x3] =	sbarrier.arrive $0xFFFF  }
0x217: {  	_ =	shalt  }

// kernel: kernel.8.cloned.1.call-start
scs
__scs_entry_jumppad:
0x0: {  	(pc) =	sbr.rel $0x88, $3  }
0x1: {  	(tag) =	ssettag $0x0;
	lr =	simm.s32 $0x1  }
0x2: {  	[smem:$0x3F9B] =	sst lr;
	_ =	strace $0xD0000000  }
0x3: {  	_ = 	snop  }
0x4: {  	_ = 	snop  }
0x5: {  	_ = 	snop  }
0x6: {  	_ = 	snop  }
0x7: {  	_ = 	snop  }
__scs_overlays_trampoline_lowered:
0x8: {  	[smem:$0x3FAA] =	sst s0  }
0x9: {  	[smem:$0x3FAB] =	sst s1  }
0xa: {  	[smem:$0x3FAC] =	sst s2  }
0xb: {  	[smem:$0x3FAD] =	sst s3  }
0xc: {  	[smem:$0x3FAE] =	sst s4  }
0xd: {  	[smem:$0x3FAF] =	sst s5  }
0xe: {  	[smem:$0x3FB0] =	sst s6  }
0xf: {  	[smem:$0x3FB1] =	sst s7  }
0x10: {  	[smem:$0x3FB2] =	sst s8  }
0x11: {  	[smem:$0x3FB3] =	sst s9;
	s0 =	simm.s32 @!p0 $0x0  }
0x12: {  	s1 =	sld [smem:$0x3F99];
	s0 =	simm.s32 @p0 $0x1  }
0x13: {  	[smem:$0x3FB4] =	sst s0;
	s0 =	simm.s32 @!p1 $0x0  }
0x14: {  	s2 =	sld [smem:$0x3F98];
	s0 =	simm.s32 @p1 $0x1  }
0x15: {  	[smem:$0x3FB5] =	sst s0;
	s0 =	simm.s32 @!p2 $0x0  }
0x16: {  	s3 =	sld [smem:$0x3FDB];
	s0 =	simm.s32 @p2 $0x1  }
0x17: {  	s4 =	simm.s32 $0x1BF5;
	[smem:$0x3FB7] =	sst s0  }
0x18: {  	s0 =	sld [smem:$0x3F9A];
	_ =	swait.ge [sflag:s4], $0x0  }
0x19: {  	s7 =	sld [smem:$0x3F9B]  }
0x1a: {  	s8 =	sadd.s32 $0xFFFFE003, lr  }
0x1b: {  	s9 =	sadd.s32 $0xFFFFFEF7, lr;
	s5 =	simm.s32 $0xFFFFFFFF;
	p2 =	slt.u32 s8, $0xFFFFF086  }
0x1c: {  	p1 =	slt.u32 s9, $0xF7A;
	s5 =	simm.s32 @!p2 $0x0  }
0x1d: {  	s5 =	simm.s32 @p1 $0x1;
	p0 =	seq.s32 s7, s2  }
0x1e: {  	s7 =	smul.u32 @!p0 $0xF7A, s2;
	p2 =	seq.s32 @!p0 s5, $0x0  }
0x1f: {  	s9 =	smul.u32 $0xF7A, s1;
	s8 =	simm.s32 @!p0 $0x1BF5;
	p2 =	por !p2, p0  }
0x20: {  	[sflag:s8] =	ssyncset.s32 @!p0 $0xFFFFF086;
	s6 =	sadd.s32 @!p0 s3, s7;
	s7 =	simm.s32 @!p0 $0x108  }
0x21: {  	s3 =	sadd.s32 s3, s9;
	s6 =	sadd.s32 @!p0 $0x88, s6;
	s7 =	simm.s32 @p2 $0x1082  }
0x22: {  	[simem:s7], [sflag:s8] =	dma.local @!p0 [hbm:s6], $0xF7A  }
0x23: {  	s9 =	sor.u32 $0xD0000000, s2;
	s6 =	simm.s32 $0x108;
	_ =	swait.ge @!p0 [sflag:s8], $0x0  }
0x24: {  	s3 =	sadd.s32 $0x88, s3;
	s6 =	simm.s32 @!p1 $0x1082;
	[sflag:s4] =	ssyncset.s32 $0xFFFFF086  }
0x25: {  	[simem:s6], [sflag:s4] =	dma.local [hbm:s3], $0xF7A  }
0x26: {  	[smem:$0x3F9B] =	sst s1;
	(tag) =	ssettag s2;
	_ =	strace s9  }
0x27: {  	s1 =	sld [smem:$0x3FAB]  }
0x28: {  	s2 =	sld [smem:$0x3FAC]  }
0x29: {  	s4 =	sld [smem:$0x3FAE]  }
0x2a: {  	p0 =	seq.s32 s5, $0x0;
	s5 =	sld [smem:$0x3FAF]  }
0x2b: {  	s6 =	sld [smem:$0x3FB0]  }
0x2c: {  	s7 =	sld [smem:$0x3FB1]  }
0x2d: {  	s3 =	simm.s32 $0x108;
	s8 =	sld [smem:$0x3FB2]  }
0x2e: {  	s3 =	simm.s32 @!p0 $0x1082;
	s9 =	sld [smem:$0x3FB3]  }
0x2f: {  	lr =	sadd.s32 s0, s3;
	s0 =	sld [smem:$0x3FAA]  }
0x30: {  	s3 =	sld [smem:$0x3FAD]  }
0x31: {  	[smem:$0x3FB6] =	sst s10  }
0x32: {  	s10 =	sld [smem:$0x3FB4];
	_ =	sdelay $0x3  }
0x33: {  	p0 =	seq.s32 s10, $0x1;
	s10 =	sld [smem:$0x3FB6];
	_ =	sdelay $0x3  }
0x34: {  	[smem:$0x3FB6] =	sst s10  }
0x35: {  	s10 =	sld [smem:$0x3FB5];
	_ =	sdelay $0x3  }
0x36: {  	p1 =	seq.s32 s10, $0x1;
	s10 =	sld [smem:$0x3FB6];
	_ =	sdelay $0x3  }
0x37: {  	[smem:$0x3FB6] =	sst s10  }
0x38: {  	s10 =	sld [smem:$0x3FB7]  }
0x39: {  	_ = 	snop;
	(pc) =	sbr.ind lr, $3  }
0x3a: {  	_ = 	snop  }
0x3b: {  	_ = 	snop  }
0x3c: {  	p2 =	seq.s32 s10, $0x1;
	s10 =	sld [smem:$0x3FB6]  }
0x3d: {  	_ =	shalt  }
0x3e: {  	_ =	shalt  }
0x3f: {  	_ =	shalt  }
0x40: {  	_ =	shalt  }
0x41: {  	_ =	shalt  }
0x42: {  	_ =	shalt  }
0x43: {  	_ =	shalt  }
0x44: {  	_ =	shalt  }
0x45: {  	_ =	shalt  }
0x46: {  	_ =	shalt  }
0x47: {  	_ =	shalt  }
0x48: {  	_ =	shalt  }
0x49: {  	_ =	shalt  }
0x4a: {  	_ =	shalt  }
0x4b: {  	_ =	shalt  }
0x4c: {  	_ =	shalt  }
0x4d: {  	_ =	shalt  }
0x4e: {  	_ =	shalt  }
0x4f: {  	_ =	shalt  }
0x50: {  	_ =	shalt  }
0x51: {  	_ =	shalt  }
0x52: {  	_ =	shalt  }
0x53: {  	_ =	shalt  }
0x54: {  	_ =	shalt  }
0x55: {  	_ =	shalt  }
0x56: {  	_ =	shalt  }
0x57: {  	_ =	shalt  }
0x58: {  	_ =	shalt  }
0x59: {  	_ =	shalt  }
0x5a: {  	_ =	shalt  }
0x5b: {  	_ =	shalt  }
0x5c: {  	_ =	shalt  }
0x5d: {  	_ =	shalt  }
0x5e: {  	_ =	shalt  }
0x5f: {  	_ =	shalt  }
0x60: {  	_ =	shalt  }
0x61: {  	_ =	shalt  }
0x62: {  	_ =	shalt  }
0x63: {  	_ =	shalt  }
0x64: {  	_ =	shalt  }
0x65: {  	_ =	shalt  }
0x66: {  	_ =	shalt  }
0x67: {  	_ =	shalt  }
0x68: {  	_ =	shalt  }
0x69: {  	_ =	shalt  }
0x6a: {  	_ =	shalt  }
0x6b: {  	_ =	shalt  }
0x6c: {  	_ =	shalt  }
0x6d: {  	_ =	shalt  }
0x6e: {  	_ =	shalt  }
0x6f: {  	_ =	shalt  }
0x70: {  	_ =	shalt  }
0x71: {  	_ =	shalt  }
0x72: {  	_ =	shalt  }
0x73: {  	_ =	shalt  }
0x74: {  	_ =	shalt  }
0x75: {  	_ =	shalt  }
0x76: {  	_ =	shalt  }
0x77: {  	_ =	shalt  }
0x78: {  	_ =	shalt  }
0x79: {  	_ =	shalt  }
0x7a: {  	_ =	shalt  }
0x7b: {  	_ =	shalt  }
0x7c: {  	_ =	shalt  }
0x7d: {  	_ =	shalt  }
0x7e: {  	_ =	shalt  }
0x7f: {  	_ =	shalt  }
0x80: {  	_ =	shalt  }
0x81: {  	_ =	shalt  }
0x82: {  	_ =	shalt  }
0x83: {  	_ =	shalt  }
0x84: {  	_ =	shalt  }
0x85: {  	_ =	shalt  }
0x86: {  	_ =	shalt  }
0x87: {  	_ =	shalt  }
.Lfunc_end0:
.L_simem_size_0:
called_computation_lowered:
.L_overlay_start_0:
0x88: {  	s2 =	sld [smem:$0x3FD9]  }
0x89: {  	s3 =	sld [smem:$0x3FFE];
	_ =	sdelay $0x1  }
0x8a: {  	s1 =	srdreg.scid  }
0x8b: {  	s0 =	sand.u32 $0x1, s1  }
0x8c: {  	s17 =	sshll.u32 s0, $0xA;
	s2 =	sadd.s32 s3, s2  }
0x8d: {  	s2 =	sadd.s32 s2, s17  }
0x8e: {  	[smem:$0x3FC2] =	sst s2  }
0x8f: {  	_ = 	snop  }
0x90: {  	s2 =	sld [smem:$0x3FD0];
	(tm) =	ssettm $0x1  }
0x91: {  	s18 =	sld [smem:$0x3FFB];
	_ =	sdelay $0x3  }
0x92: {  	_ =	strace s18  }
0x93: {  	s3 =	sld [smem:$0x3FFC];
	_ =	sdelay $0x3  }
0x94: {  	_ =	strace s3  }
0x95: {  	s3 =	sld [smem:$0x3FFD];
	_ =	sdelay $0x3  }
0x96: {  	_ =	strace s3  }
0x97: {  	_ =	strace $0x8FFFFFFF  }
0x98: {  	s19 =	sld [smem:$0x3FDB];
	_ =	sdelay $0x1  }
0x99: {  	s4 =	simm.s32 $_scs_section_size  }
0x9a: {  	s5 =	simm.s32 $_size__tile_overlayer_lowered;
	s6 =	simm.s32 $_tile_overlayer_lowered  }
0x9b: {  	s22 =	simm.s32 $0x1BFF;
	s21 =	sshll.u32 s6, $0x1;
	s3 =	sadd.s32 s4, s19  }
0x9c: {  	s7 =	simm.s32 $0x0;
	s20 =	sshll.u32 s5, $0x1;
	s5 =	sadd.s32 s21, s3  }
0x9d: {  	[timem:s7], [sflag:s22] =	dma.local [hbm:s5], s20  }
0x9e: {  	_ =	swait.ge [sflag:s22], s20  }
0x9f: {  	s4 =	ssub.s32 $0x0, s20;
	[sflag:s22] =	ssyncset.done $0x0  }
0xa0: {  	[sflag:s22] =	ssyncadd.s32 s4;
	_ =	sdelay $0x1  }
0xa1: {  	s23 =	simm.s32 $0x1B8B  }
0xa2: {  	_ =	swait.ge [sflag:s23], $0x1  }
0xa3: {  	[sflag:s23] =	ssyncset.done $0x0  }
0xa4: {  	s25 =	simm.s32 $0x1B8E;
	s24 =	sld [smem:$0x3FFE];
	[sflag:s23] =	ssyncadd.s32 $0xFFFFFFFF  }
0xa5: {  	s26 =	simm.s32 $execute0_lowered;
	[smem:$0x3FD2] =	sst s25  }
0xa6: {  	s5 =	sshll.u32 s26, $0x1;
	_ =	strace $0x80000046;
	[dreg:$0x1] =	wrdreg $0xFFFFFFFF  }
0xa7: {  	s28 =	simm.s32 $_size_execute0_lowered;
	s3 =	sadd.s32 s3, s5;
	[dreg:$0x0] =	wrdreg $0x0  }
0xa8: {  	s5 =	sshll.u32 s28, $0x1;
	[dreg:$0x2] =	wrdreg s3  }
0xa9: {  	[dreg:$0x3] =	wrdreg s5  }
0xaa: {  	[dreg:$0x4] =	wrdreg $0xC0  }
0xab: {  	_ =	task [dreg:s7], $0x5FFFF  }
0xac: {  	[dreg:$0x1] =	wrdreg $0xFFFFFFFF  }
0xad: {  	[dreg:$0x0] =	wrdreg $0x60  }
0xae: {  	[dreg:$0x2] =	wrdreg s24  }
0xaf: {  	[dreg:$0x3] =	wrdreg s2  }
0xb0: {  	[dreg:$0x4] =	wrdreg $0x56D00  }
0xb1: {  	[dreg:$0x5] =	wrdreg $0x9  }
0xb2: {  	_ =	task.clear_ibuf [dreg:s7], $0x6FFFF;
	_ =	strace $0x90000046  }
0xb3: {  	s29 =	simm.s32 $0x9;
	_ =	strace $0x80000048  }
0xb4: {  	_ =	swait.ge [sflag:s29], $0x1  }
0xb5: {  	[sflag:s29] =	ssyncadd.s32 $0xFFFFFFFF  }
0xb6: {  	_ =	strace $0x90000048  }
0xb7: {  	_ =	sfence  }
0xb8: {  	s30 =	sld [smem:$0x0];
	_ =	sdelay $0x2  }
0xb9: {  	s31 =	sshll.u32 s1, $0xD;
	s1 =	sshrl.u32 s1, $0x2  }
0xba: {  	s3 =	sand.u32 $0x4000, s31;
	s1 =	sadd.s32 s1, s30  }
0xbb: {  	s0 =	sor.u32 s3, s0;
	s1 =	sshll.u32 s1, $0x11  }
0xbc: {  	s0 =	sor.u32 s1, s0  }
0xbd: {  	s0 =	sadd.s32 $0x8F2B, s0  }
0xbe: {  	[sflag:s0] =	ssyncadd.remote.s32 $0x1  }
0xbf: {  	_ =	sfence.sel $0xFFFF  }
0xc0: {  	[dreg:$0x0] =	wrdreg $0xFFFFFFFF;
	(pc) =	sbr.abs _section_cstart, $3  }
0xc1: {  	[dreg:$0x1] =	wrdreg $0xFFFFFFFF  }
0xc2: {  	_ =	task.clear_ibuf [dreg:s7], $0x2FFFF;
	_ =	strace $0x9FFFFFFF  }
0xc3: {  	(tm) =	ssettm $0x7FFFFFFF  }
tec
execute0_lowered:
.L_overlay_start_1:
0x0: {  	(tag) =	ssettag $0x1  }
0x1: {  	s4 =	rddreg [dreg:$0x0]  }
0x2: {  	s7 =	rddreg [dreg:$0x1]  }
0x3: {  	s0 =	srdreg.scid;
	s2 =	rddreg [dreg:$0x2]  }
0x4: {  	s11 =	simm.s32 $0x2;
	s12 =	simm.s32 $0x7D;
	s13 =	simm.s32 $0x2800  }
0x5: {  	s14 =	simm.s32 $0x1;
	s5 =	sand.u32 $0x1, s0;
	s0 =	stileid.u32  }
0x6: {  	s1 =	sshll.u32 s5, $0x4;
	s8 =	ssub.s32 $0x2, s5;
	s9 =	smul.u32 $0x2700, s0  }
0x7: {  	s5 =	smul.u32 $0x27100, s5;
	p0 =	sne.s32 s0, $0xF;
	s15 =	sshll.u32 s0, $0x6  }
0x8: {  	s3 =	sor.u32 s0, s1;
	s1 =	rddreg [dreg:$0x3];
	s10 =	sshrl.u32 s8, $0x1  }
0x9: {  	s15 =	sor.u32 $0x1C02, s15;
	s6 =	smul.u32 $0x500, s3;
	s3 =	simm.s32 $0x0  }
0xa: {  	s10 =	ssub.s32 s8, s10;
	s30 =	sadd.s32 s9, s5;
	s31 =	sshrl.u32 s5, $0x3  }
0xb: {  	s5 =	sadd.s32 $0x27000, s2;
	[smem:$0x7FF] =	sst s3;
	s8 =	sshrl.u32 s30, $0x3  }
0xc: {  	_ =	strace $0x80000047;
	s6 =	sadd.s32 s6, s4;
	s4 =	sadd.s32 s9, s2  }
0xd: {  	s9 =	sadd.s32 s7, s31;
	s7 =	sadd.s32 s7, s8;
	s6 =	sadd.s32 $0x2400, s6  }
0xe: {  	v0 =	vimm.f32 $0.0e+00;
	v1 =	vimm.f32 $1.000000000e+00;
	s8 =	sadd.s32 $0x4E00, s9;
	s9 =	smax.u32 s10, $0x1;
	s10 =	simm.s32 $0x2FD0  }
.LBB2_1:
0xf: {  	s16 =	simm.s32 $0x0  }
.LBB2_2:
0x10: {  	p1 =	sne.s32 s16, $0x9BC0  }
.Ltmp0:
0x11: {  	_ = 	snop;
	(pc) =	sbr.rel @p1 .LBB2_2-.Ltmp0, $3  }
0x12: {  	_ =	sdelay $0x1  }
0x13: {  	s17 =	sshra.s32 s16, $0x2  }
0x14: {  	s16 =	sadd.s32 $0x40, s16;
	[tilespmem:s17+$0x2FD0] =	vst v0  }
0x15: {  	s16 =	simm.s32 $0x40;
	s17 =	simm.s32 $0x0  }
.LBB2_4:
0x16: {  	p1 =	sne.s32 s16, $0x1F00;
	[tilespmem:s17+$0x2800] =	vst v1;
	s17 =	smov.u32 s16;
	s16 =	sadd.s32 $0x40, s16  }
.Ltmp1:
0x17: {  	(pc) =	sbr.rel @p1 .LBB2_4-.Ltmp1, $2  }
0x18: {  	_ =	sdelay $0x2  }
0x19: {  	s17 =	sshra.s32 s17, $0x2  }
0x1a: {  	[tilespmem:s17+$0x2800] =	vst v1  }
0x1b: {  	[spmem:s4] =	stream.linear.scatter [tilespmem:s10], [sflag:$0x2], $0x2700, $0x38;
	[tilespmem:$0x7DE0] =	vst v63  }
0x1c: {  	_ =	swait.ge [sflag:s11], $0x2700  }
0x1d: {  	[sflag:s11] =	ssyncset.done $0x0  }
0x1e: {  	s16 =	simm.s32 @!p0 $0x2FD0;
	[sflag:s11] =	ssyncadd.s32 $0xFFFFD900  }
0x1f: {  	[spmem:s5] =	stream.linear.scatter @!p0 [tilespmem:s16], [sflag:$0x2], $0x100, $0x38;
	[tilespmem:$0x7DE0] =	vst v63  }
0x20: {  	s16 =	simm.s32 @!p0 $0x2  }
0x21: {  	_ =	swait.ge @!p0 [sflag:s16], $0x100  }
0x22: {  	[sflag:s16] =	ssyncset.done @!p0 $0x0  }
0x23: {  	[sflag:s16] =	ssyncadd.s32 @!p0 $0xFFFFFF00  }
0x24: {  	s26 =	simm.s32 $0x0;
	[bflag:$0x0] =	sbarrier.arrive $0xFFFF  }
0x25: {  	[tilespmem:s26], [sflag:$0x2] =	stream.linear.gather [hbm4b:s6+s26], $0x2800, $0x38;
	[tilespmem:$0x7DE0] =	vst v63  }
0x26: {  	_ =	swait.ge [sflag:s11], $0x2800  }
0x27: {  	[sflag:s11] =	ssyncset.done $0x0  }
0x28: {  	s28 =	simm.s32 $0x0;
	[sflag:s11] =	ssyncadd.s32 $0xFFFFD800  }
0x29: {  	[spmem:s2] =	stream.indirect.scatter.add.f32 [tilespmem:s13], [sflag:$0x1], $0x10, s28, s12, $0xb8;
	[tilespmem:$0x7DE0] =	vst v63  }
0x2a: {  	s29 =	simm.s32 $0x80  }
0x2b: {  	[spmem:s2] =	stream.indirect.scatter.add.f32 [tilespmem:s13], [sflag:$0x1], $0x10, s29, s12, $0xb8;
	[tilespmem:$0x7DE0] =	vst v63  }
0x2c: {  	s30 =	simm.s32 $0x100  }
0x2d: {  	[spmem:s2] =	stream.indirect.scatter.add.f32 [tilespmem:s13], [sflag:$0x1], $0x10, s30, s12, $0xb8;
	[tilespmem:$0x7DE0] =	vst v63  }
0x2e: {  	s31 =	simm.s32 $0x180  }
0x2f: {  	[spmem:s2] =	stream.indirect.scatter.add.f32 [tilespmem:s13], [sflag:$0x1], $0x10, s31, s12, $0xb8;
	[tilespmem:$0x7DE0] =	vst v63  }
0x30: {  	_ =	swait.ge [sflag:s14], $0x7D0  }
0x31: {  	[sflag:s14] =	ssyncset.done $0x0  }
0x32: {  	[sflag:s14] =	ssyncadd.s32 $0xFFFFF830  }
0x33: {  	_ =	swait.ge [sflag:s14], $0x7D0  }
0x34: {  	[sflag:s14] =	ssyncset.done $0x0  }
0x35: {  	[sflag:s14] =	ssyncadd.s32 $0xFFFFF830  }
0x36: {  	_ =	swait.ge [sflag:s14], $0x7D0  }
0x37: {  	[sflag:s14] =	ssyncset.done $0x0  }
0x38: {  	[sflag:s14] =	ssyncadd.s32 $0xFFFFF830  }
0x39: {  	_ =	swait.ge [sflag:s14], $0x7D0  }
0x3a: {  	s17 =	simm.s32 $0x1000;
	s16 =	simm.s32 $0x800;
	[sflag:s14] =	ssyncset.done $0x0  }
.LBB2_6:
0x3b: {  	s18 =	sshra.s32 s16, $0x2  }
0x3c: {  	[sflag:s14] =	ssyncadd.s32 $0xFFFFF830;
	s16 =	smov.u32 s17;
	s19 =	sadd.s32 $0x800, s17  }
0x3d: {  	[spmem:s2] =	stream.indirect.scatter.add.f32 [tilespmem:s13], [sflag:$0x1], $0x10, s18, s12, $0xb8;
	[tilespmem:$0x7DE0] =	vst v63  }
0x3e: {  	p1 =	sne.s32 s17, $0x9800;
	s17 =	sadd.s32 $0x80, s18  }
0x3f: {  	[spmem:s2] =	stream.indirect.scatter.add.f32 [tilespmem:s13], [sflag:$0x1], $0x10, s17, s12, $0xb8;
	[tilespmem:$0x7DE0] =	vst v63  }
0x40: {  	s17 =	sadd.s32 $0x100, s18  }
0x41: {  	[spmem:s2] =	stream.indirect.scatter.add.f32 [tilespmem:s13], [sflag:$0x1], $0x10, s17, s12, $0xb8;
	[tilespmem:$0x7DE0] =	vst v63  }
0x42: {  	s17 =	sadd.s32 $0x180, s18  }
0x43: {  	[spmem:s2] =	stream.indirect.scatter.add.f32 [tilespmem:s13], [sflag:$0x1], $0x10, s17, s12, $0xb8;
	[tilespmem:$0x7DE0] =	vst v63  }
0x44: {  	_ =	swait.ge [sflag:s14], $0x7D0  }
0x45: {  	[sflag:s14] =	ssyncset.done $0x0  }
0x46: {  	[sflag:s14] =	ssyncadd.s32 $0xFFFFF830  }
0x47: {  	_ =	swait.ge [sflag:s14], $0x7D0  }
0x48: {  	[sflag:s14] =	ssyncset.done $0x0  }
0x49: {  	[sflag:s14] =	ssyncadd.s32 $0xFFFFF830  }
.Ltmp2:
0x4a: {  	_ =	swait.ge [sflag:s14], $0x7D0;
	(pc) =	sbr.rel @p1 .LBB2_6-.Ltmp2, $4  }
0x4b: {  	[sflag:s14] =	ssyncset.done $0x0  }
0x4c: {  	[sflag:s14] =	ssyncadd.s32 $0xFFFFF830  }
0x4d: {  	_ =	swait.ge [sflag:s14], $0x7D0  }
0x4e: {  	s17 =	smov.u32 s19;
	[sflag:s14] =	ssyncset.done $0x0  }
0x4f: {  	s16 =	sshra.s32 s16, $0x2;
	[sflag:s14] =	ssyncadd.s32 $0xFFFFF830  }
0x50: {  	[spmem:s2] =	stream.indirect.scatter.add.f32 [tilespmem:s13], [sflag:$0x1], $0x10, s16, s12, $0xb8;
	[tilespmem:$0x7DE0] =	vst v63  }
0x51: {  	s17 =	sadd.s32 $0x80, s16  }
0x52: {  	[spmem:s2] =	stream.indirect.scatter.add.f32 [tilespmem:s13], [sflag:$0x1], $0x10, s17, s12, $0xb8;
	[tilespmem:$0x7DE0] =	vst v63  }
0x53: {  	s30 =	sadd.s32 $0x100, s16  }
0x54: {  	[spmem:s2] =	stream.indirect.scatter.add.f32 [tilespmem:s13], [sflag:$0x1], $0x10, s30, s12, $0xb8;
	[tilespmem:$0x7DE0] =	vst v63  }
0x55: {  	s16 =	sadd.s32 $0x180, s16  }
0x56: {  	[spmem:s2] =	stream.indirect.scatter.add.f32 [tilespmem:s13], [sflag:$0x1], $0x10, s16, s12, $0xb8;
	[tilespmem:$0x7DE0] =	vst v63  }
0x57: {  	_ =	swait.ge [sflag:s14], $0x7D0  }
0x58: {  	[sflag:s14] =	ssyncset.done $0x0  }
0x59: {  	[sflag:s14] =	ssyncadd.s32 $0xFFFFF830  }
0x5a: {  	_ =	swait.ge [sflag:s14], $0x7D0  }
0x5b: {  	[sflag:s14] =	ssyncset.done $0x0  }
0x5c: {  	[sflag:s14] =	ssyncadd.s32 $0xFFFFF830  }
0x5d: {  	_ =	swait.ge [sflag:s14], $0x7D0  }
0x5e: {  	[sflag:s14] =	ssyncset.done $0x0  }
0x5f: {  	[sflag:s14] =	ssyncadd.s32 $0xFFFFF830  }
0x60: {  	_ =	swait.ge [sflag:s14], $0x7D0  }
0x61: {  	[sflag:s14] =	ssyncset.done $0x0  }
0x62: {  	[sflag:s14] =	ssyncadd.s32 $0xFFFFF830  }
0x63: {  	s31 =	sshrl.u32 s4, $0x3;
	[bflag:$0x0] =	sbarrier.arrive $0xFFFF  }
0x64: {  	[hbm:s7], [sflag:s15] =	dma.local [spmem:s31], $0x4E0  }
0x65: {  	_ =	swait.ge [sflag:s11], $0x4E0  }
0x66: {  	s3 =	sadd.s32 $0x1, s3;
	[sflag:s11] =	ssyncset.done $0x0  }
0x67: {  	p1 =	sne.s32 s3, s9;
	s16 =	sshrl.u32 @!p0 s5, $0x3;
	[sflag:s11] =	ssyncadd.s32 $0xFFFFFB20  }
0x68: {  	[hbm:s8], [sflag:s15] =	dma.local @!p0 [spmem:s16], $0x20  }
.Ltmp3:
0x69: {  	_ = 	snop;
	(pc) =	sbr.rel @p1 .LBB2_1-.Ltmp3, $4  }
0x6a: {  	s16 =	simm.s32 @!p0 $0x2  }
0x6b: {  	_ =	swait.ge @!p0 [sflag:s16], $0x20  }
0x6c: {  	[sflag:s16] =	ssyncset.done @!p0 $0x0  }
0x6d: {  	[sflag:s16] =	ssyncadd.s32 @!p0 $0xFFFFFFE0  }
0x6e: {  	_ =	sfence.sel $0x180000  }
0x6f: {  	[bflag:$0x0] =	sbarrier.arrive $0xFFFF  }
0x70: {  	p0 =	sne.s32 s0, $0x0;
	_ =	strace $0x90000047  }
0x71: {  	s0 =	sadd.s32 @!p0 $0x100000, s1;
	[bflag:$0x2] =	sbarrier.arrive $0xFFFF  }
0x72: {  	[sflag:s0] =	ssyncadd.tile.s32 @!p0 $0x1;
	_ =	shalt  }
.Lfunc_end2:
_tile_overlayer_lowered:
.L_overlay_start_2:
0x73: {  	(tag) =	ssettag $0x2  }
0x74: {  	s0 =	rddreg [dreg:$0x0];
	s2 =	stileid.u32  }
0x75: {  	s1 =	rddreg [dreg:$0x1];
	p0 =	sne.s32 s2, $0x0  }
0x76: {  	s3 =	rddreg [dreg:$0x2];
	[bflag:$0x3] =	sbarrier.arrive $0xFFFF;
	s2 =	simm.s32 @!p0 $0x1C02  }
0x77: {  	[timem:s3], [sflag:s2] =	dma.local @!p0 [hbm:s0], s1  }
0x78: {  	s0 =	simm.s32 @!p0 $0x2  }
0x79: {  	_ =	swait.ge @!p0 [sflag:s0], s1  }
0x7a: {  	s1 =	ssub.s32 @!p0 $0x0, s1;
	[sflag:s0] =	ssyncset.done @!p0 $0x0  }
0x7b: {  	[sflag:s0] =	ssyncadd.s32 @!p0 s1  }
0x7c: {  	[bflag:$0x3] =	sbarrier.arrive $0xFFFF  }
0x7d: {  	_ =	shalt  }

</sc_bundles>
